<compile_context>
chip_gen: v7x
topology: tpu7x:2x2x1
jax: 0.10.2.dev20260603
libtpu: 0.0.44.dev20260713+nightly
codegen_flags: <defaults>
</compile_context>

<pallas_src>
import functools

import jax
import jax.numpy as jnp
from jax import lax
from jax.experimental import pallas as pl
from jax.experimental.pallas import tpu as pltpu
from jax.experimental.pallas import tpu_sc as plsc

EMBED_DIM = 32
BATCH = 16384
_NUM_CORES = 2
_NUM_SUBCORES = 16
_NW = _NUM_CORES * _NUM_SUBCORES
_BPW = BATCH // _NW
_G = 16
_NG = _BPW // _G


@functools.partial(
    pl.kernel,
    mesh=plsc.VectorSubcoreMesh(core_axis_name="c", subcore_axis_name="s"),
    out_type=(
        jax.ShapeDtypeStruct((EMBED_DIM, BATCH), jnp.float32),
        jax.ShapeDtypeStruct((BATCH,), jnp.float32),
    ),
    scratch_types=[
        pltpu.VMEM((_BPW,), jnp.int32),
        pltpu.VMEM((_G, EMBED_DIM, 128), jnp.float32),
        pltpu.VMEM((EMBED_DIM, _BPW), jnp.float32),
        pltpu.VMEM((_BPW,), jnp.float32),
        pltpu.SemaphoreType.DMA,
    ] + [pltpu.SemaphoreType.DMA] * _G,
    compiler_params=pltpu.CompilerParams(needs_layout_passes=False),
)
def _sc_gather(idx_hbm, embt_hbm, bias_hbm, vect_out, bias_out,
               idx_v, ring, cols2, bias_v, sem_bias, *sem_rows):
    wid = lax.axis_index("s") * _NUM_CORES + lax.axis_index("c")
    base = wid * _BPW
    pltpu.sync_copy(idx_hbm.at[pl.ds(base, _BPW)], idx_v)

    cp_bias = pltpu.async_copy(bias_hbm.at[idx_v], bias_v, sem_bias)

    iota = lax.iota(jnp.int32, 16)

    def _fire(v16, j):
        start = pl.multiple_of(
            lax.shift_left(lax.shift_right_logical(v16[j], 7), 7), 128)
        pltpu.async_copy(embt_hbm.at[:, pl.ds(start, 128)],
                         ring.at[j], sem_rows[j])

    def _extract(v16, g, j, refire=None):
        lane = jnp.broadcast_to(v16[j] & 127, (16,))
        slot = jnp.broadcast_to(g * _G + j, (16,))
        vals = [plsc.load_gather(ring.at[j], [iota + h * 16, lane])
                for h in range(EMBED_DIM // 16)]
        if refire is not None:
            _fire(refire, j)
        for h in range(EMBED_DIM // 16):
            plsc.store_scatter(cols2, [iota + h * 16, slot], vals[h])

    v16_0 = idx_v[pl.ds(0, _G)]
    for j in range(_G):
        _fire(v16_0, j)

    def _steady(g, v_prev):
        v_next = idx_v[pl.ds(g * _G, _G)]
        for j in range(_G):
            pltpu.make_async_copy(embt_hbm.at[:, pl.ds(0, 128)],
                                  ring.at[j], sem_rows[j]).wait()
            _extract(v_prev, g - 1, j, refire=v_next)
        return v_next

    v_last = lax.fori_loop(1, _NG, _steady, v16_0)

    for j in range(_G):
        pltpu.make_async_copy(embt_hbm.at[:, pl.ds(0, 128)],
                              ring.at[j], sem_rows[j]).wait()
        _extract(v_last, _NG - 1, j)

    pltpu.sync_copy(cols2, vect_out.at[:, pl.ds(base, _BPW)])
    cp_bias.wait()
    pltpu.sync_copy(bias_v, bias_out.at[pl.ds(base, _BPW)])


def kernel(user_id, emb_users, bias_user):
    vec_t, user_bias = _sc_gather(user_id, emb_users.T,
                                  bias_user.reshape(-1))
    return (vec_t.T, user_bias)

# --- scband reference (transcript-rebuilt; emitter-appended) ---
"""Pipeline reference for scband-user-encoder-78829829750785 (READ-ONLY COPY).

The authoritative reference and input builder live on the scoring server;
editing this copy changes nothing except your own understanding.
"""

import jax, jax.numpy as jnp
import numpy as np

NUM_USERS = 1000000
EMBED_DIM = 32
BATCH = 16384

def setup_inputs(seed: int = 0) -> dict:
    key = jax.random.key(seed)
    k1, k2, k3 = jax.random.split(key, 3)
    user_id = jax.random.randint(k1, (BATCH,), 0, NUM_USERS, dtype=jnp.int64) if jax.config.jax_enable_x64 else jax.random.randint(k1, (BATCH,), 0, NUM_USERS, dtype=jnp.int32)
    emb_users = jax.random.normal(k2, (NUM_USERS, EMBED_DIM), dtype=jnp.float32) * 0.02
    bias_user = jax.random.normal(k3, (NUM_USERS, 1), dtype=jnp.float32) * 0.02
    return {"user_id": user_id, "emb_users": emb_users, "bias_user": bias_user}

def reference(user_id, emb_users, bias_user):
    user_vec = jnp.take(emb_users, user_id, axis=0)
    user_bias = jnp.take(bias_user, user_id, axis=0).reshape(-1)
    return (user_vec, user_bias)

if __name__ == "__main__":
    import jax
    _d = setup_inputs()
    print(jax.jit(kernel)(*tuple(_d.values())))

</pallas_src>

<mosaic_0001>
#map = affine_map<(d0, d1) -> (0)>
#map1 = affine_map<(d0, d1) -> (0, 0)>
module attributes {stable_mosaic.version = 14 : i64} {
  func.func @_sc_gather(%arg0: i32, %arg1: i32, %arg2: memref<16384xi32, #tpu.memory_space<hbm>>, %arg3: memref<32x1000000xf32, #tpu.memory_space<hbm>>, %arg4: memref<1000000xf32, #tpu.memory_space<hbm>>, %arg5: memref<32x16384xf32, #tpu.memory_space<hbm>>, %arg6: memref<16384xf32, #tpu.memory_space<hbm>>, %arg7: memref<512xi32, #tpu.memory_space<vmem>>, %arg8: memref<16x32x128xf32, #tpu.memory_space<vmem>>, %arg9: memref<32x512xf32, #tpu.memory_space<vmem>>, %arg10: memref<512xf32, #tpu.memory_space<vmem>>, %arg11: memref<!tpu.dma_semaphore, #tpu.memory_space<semaphore_mem>>, %arg12: memref<!tpu.dma_semaphore, #tpu.memory_space<semaphore_mem>>, %arg13: memref<!tpu.dma_semaphore, #tpu.memory_space<semaphore_mem>>, %arg14: memref<!tpu.dma_semaphore, #tpu.memory_space<semaphore_mem>>, %arg15: memref<!tpu.dma_semaphore, #tpu.memory_space<semaphore_mem>>, %arg16: memref<!tpu.dma_semaphore, #tpu.memory_space<semaphore_mem>>, %arg17: memref<!tpu.dma_semaphore, #tpu.memory_space<semaphore_mem>>, %arg18: memref<!tpu.dma_semaphore, #tpu.memory_space<semaphore_mem>>, %arg19: memref<!tpu.dma_semaphore, #tpu.memory_space<semaphore_mem>>, %arg20: memref<!tpu.dma_semaphore, #tpu.memory_space<semaphore_mem>>, %arg21: memref<!tpu.dma_semaphore, #tpu.memory_space<semaphore_mem>>, %arg22: memref<!tpu.dma_semaphore, #tpu.memory_space<semaphore_mem>>, %arg23: memref<!tpu.dma_semaphore, #tpu.memory_space<semaphore_mem>>, %arg24: memref<!tpu.dma_semaphore, #tpu.memory_space<semaphore_mem>>, %arg25: memref<!tpu.dma_semaphore, #tpu.memory_space<semaphore_mem>>, %arg26: memref<!tpu.dma_semaphore, #tpu.memory_space<semaphore_mem>>, %arg27: memref<!tpu.dma_semaphore, #tpu.memory_space<semaphore_mem>>) attributes {dimension_semantics = [#tpu.dimension_semantics<core_parallel>, #tpu.dimension_semantics<subcore_parallel>], iteration_bounds = array<i64: 2, 16>, scalar_prefetch = 0 : i64, scratch_operands = 21 : i64, tpu.core_type = #tpu.core_type<sc_vector_subcore>, window_params = [{transform_indices = #map}, {transform_indices = #map1}, {transform_indices = #map}, {transform_indices = #map1}, {transform_indices = #map}]} {
    %mul3A = arith.constant 2 : i32
    %mul3A_0 = arith.muli %arg1, %mul3A : i32
    %add3A = arith.addi %mul3A_0, %arg0 : i32
    %mul3A_1 = arith.constant 512 : i32
    %mul3A_2 = arith.muli %add3A, %mul3A_1 : i32
    "tpu.region"() ({
      %run_scoped3A = tpu.sem_alloc : memref<!tpu.dma_semaphore, #tpu.memory_space<semaphore_mem>>
      %dma_start3A_1059 = tpu.memref_slice %arg2[%mul3A_2] : memref<16384xi32, #tpu.memory_space<hbm>> -> memref<512xi32, #tpu.memory_space<hbm>>
      %dma_start3A_1060 = tpu.memref_slice %arg2[%mul3A_2] : memref<16384xi32, #tpu.memory_space<hbm>> -> memref<512xi32, #tpu.memory_space<hbm>>
      tpu.enqueue_dma source(%dma_start3A_1060 : memref<512xi32, #tpu.memory_space<hbm>>) target(%arg7 : memref<512xi32, #tpu.memory_space<vmem>>) target_semaphore(%run_scoped3A : memref<!tpu.dma_semaphore, #tpu.memory_space<semaphore_mem>>)
      %dma_wait3A_1061 = tpu.memref_slice %arg2[%mul3A_2] : memref<16384xi32, #tpu.memory_space<hbm>> -> memref<512xi32, #tpu.memory_space<hbm>>
      %dma_wait3A_1062 = tpu.memref_slice %arg2[%mul3A_2] : memref<16384xi32, #tpu.memory_space<hbm>> -> memref<512xi32, #tpu.memory_space<hbm>>
      tpu.wait_dma2 semaphore(%run_scoped3A : memref<!tpu.dma_semaphore, #tpu.memory_space<semaphore_mem>>) src(%dma_wait3A_1062 : memref<512xi32, #tpu.memory_space<hbm>>) dst(%arg7 : memref<512xi32, #tpu.memory_space<vmem>>)
      tpu.yield
    }) : () -> ()
    %dma_start3A = arith.constant 0 : i32
    %dma_start3A_3 = tpu.memref_slice %arg4[%dma_start3A] : memref<1000000xf32, #tpu.memory_space<hbm>> -> memref<1000000xf32, #tpu.memory_space<hbm>>
    tpu.enqueue_indirect_dma source(%dma_start3A_3 : memref<1000000xf32, #tpu.memory_space<hbm>>) target(%arg10 : memref<512xf32, #tpu.memory_space<vmem>>) offsets(%arg7 : memref<512xi32, #tpu.memory_space<vmem>>) semaphore(%arg11 : memref<!tpu.dma_semaphore, #tpu.memory_space<semaphore_mem>>)
    %iota3A = tpu.iota {dimensions = array<i32: 0>} : vector<16xi32>
    %get3A = arith.constant 0 : index
    %get3A_4 = tpu.vector_load %arg7[%get3A] {strides = array<i32>} : memref<512xi32, #tpu.memory_space<vmem>>, vector<16xi32>,
    %slice3A = vector.extract_strided_slice %get3A_4 {offsets = [0], sizes = [1], strides = [1]} : vector<16xi32> to vector<1xi32>
    %squeeze3A = vector.extract %slice3A[0] : i32 from vector<1xi32>
    %shift_right_logical3A = arith.constant 7 : i32
    %shift_right_logical3A_5 = arith.shrui %squeeze3A, %shift_right_logical3A : i32
    %shift_left3A = arith.constant 7 : i32
    %shift_left3A_6 = arith.shli %shift_right_logical3A_5, %shift_left3A : i32
    %multiple_of3A = tpu.assume_multiple %shift_left3A_6, 128 : i32
    %dma_start3A_7 = arith.constant 0 : i32
    %dma_start3A_8 = arith.constant 0 : i32
    %dma_start3A_9 = arith.constant 0 : i32
    %dma_start3A_10 = tpu.memref_slice %arg8[%dma_start3A_7, %dma_start3A_8, %dma_start3A_9] : memref<16x32x128xf32, #tpu.memory_space<vmem>> -> memref<1x32x128xf32, #tpu.memory_space<vmem>>
    %dma_start3A_11 = tpu.memref_squeeze %dma_start3A_10 : memref<1x32x128xf32, #tpu.memory_space<vmem>> -> memref<32x128xf32, #tpu.memory_space<vmem>>
    %dma_start3A_12 = arith.constant 0 : i32
    %dma_start3A_13 = tpu.memref_slice %arg3[%dma_start3A_12, %multiple_of3A] : memref<32x1000000xf32, #tpu.memory_space<hbm>> -> memref<32x128xf32, #tpu.memory_space<hbm>>
    %dma_start3A_14 = arith.constant 0 : i32
    %dma_start3A_15 = arith.constant 0 : i32
    %dma_start3A_16 = tpu.memref_slice %arg8[%dma_start3A_7, %dma_start3A_14, %dma_start3A_15] : memref<16x32x128xf32, #tpu.memory_space<vmem>> -> memref<1x32x128xf32, #tpu.memory_space<vmem>>
    %dma_start3A_17 = tpu.memref_squeeze %dma_start3A_16 : memref<1x32x128xf32, #tpu.memory_space<vmem>> -> memref<32x128xf32, #tpu.memory_space<vmem>>
    %dma_start3A_18 = arith.constant 0 : i32
    %dma_start3A_19 = tpu.memref_slice %arg3[%dma_start3A_18, %multiple_of3A] : memref<32x1000000xf32, #tpu.memory_space<hbm>> -> memref<32x128xf32, #tpu.memory_space<hbm>>
    tpu.enqueue_dma source(%dma_start3A_19 : memref<32x128xf32, #tpu.memory_space<hbm>>) target(%dma_start3A_17 : memref<32x128xf32, #tpu.memory_space<vmem>>) target_semaphore(%arg12 : memref<!tpu.dma_semaphore, #tpu.memory_space<semaphore_mem>>)
    %slice3A_20 = vector.extract_strided_slice %get3A_4 {offsets = [1], sizes = [1], strides = [1]} : vector<16xi32> to vector<1xi32>
    %squeeze3A_21 = vector.extract %slice3A_20[0] : i32 from vector<1xi32>
    %shift_right_logical3A_22 = arith.constant 7 : i32
    %shift_right_logical3A_23 = arith.shrui %squeeze3A_21, %shift_right_logical3A_22 : i32
    %shift_left3A_24 = arith.constant 7 : i32
    %shift_left3A_25 = arith.shli %shift_right_logical3A_23, %shift_left3A_24 : i32
    %multiple_of3A_26 = tpu.assume_multiple %shift_left3A_25, 128 : i32
    %dma_start3A_27 = arith.constant 1 : i32
    %dma_start3A_28 = arith.constant 0 : i32
    %dma_start3A_29 = arith.constant 0 : i32
    %dma_start3A_30 = tpu.memref_slice %arg8[%dma_start3A_27, %dma_start3A_28, %dma_start3A_29] : memref<16x32x128xf32, #tpu.memory_space<vmem>> -> memref<1x32x128xf32, #tpu.memory_space<vmem>>
    %dma_start3A_31 = tpu.memref_squeeze %dma_start3A_30 : memref<1x32x128xf32, #tpu.memory_space<vmem>> -> memref<32x128xf32, #tpu.memory_space<vmem>>
    %dma_start3A_32 = arith.constant 0 : i32
    %dma_start3A_33 = tpu.memref_slice %arg3[%dma_start3A_32, %multiple_of3A_26] : memref<32x1000000xf32, #tpu.memory_space<hbm>> -> memref<32x128xf32, #tpu.memory_space<hbm>>
    %dma_start3A_34 = arith.constant 0 : i32
    %dma_start3A_35 = arith.constant 0 : i32
    %dma_start3A_36 = tpu.memref_slice %arg8[%dma_start3A_27, %dma_start3A_34, %dma_start3A_35] : memref<16x32x128xf32, #tpu.memory_space<vmem>> -> memref<1x32x128xf32, #tpu.memory_space<vmem>>
    %dma_start3A_37 = tpu.memref_squeeze %dma_start3A_36 : memref<1x32x128xf32, #tpu.memory_space<vmem>> -> memref<32x128xf32, #tpu.memory_space<vmem>>
    %dma_start3A_38 = arith.constant 0 : i32
    %dma_start3A_39 = tpu.memref_slice %arg3[%dma_start3A_38, %multiple_of3A_26] : memref<32x1000000xf32, #tpu.memory_space<hbm>> -> memref<32x128xf32, #tpu.memory_space<hbm>>
    tpu.enqueue_dma source(%dma_start3A_39 : memref<32x128xf32, #tpu.memory_space<hbm>>) target(%dma_start3A_37 : memref<32x128xf32, #tpu.memory_space<vmem>>) target_semaphore(%arg13 : memref<!tpu.dma_semaphore, #tpu.memory_space<semaphore_mem>>)
    %slice3A_40 = vector.extract_strided_slice %get3A_4 {offsets = [2], sizes = [1], strides = [1]} : vector<16xi32> to vector<1xi32>
    %squeeze3A_41 = vector.extract %slice3A_40[0] : i32 from vector<1xi32>
    %shift_right_logical3A_42 = arith.constant 7 : i32
    %shift_right_logical3A_43 = arith.shrui %squeeze3A_41, %shift_right_logical3A_42 : i32
    %shift_left3A_44 = arith.constant 7 : i32
    %shift_left3A_45 = arith.shli %shift_right_logical3A_43, %shift_left3A_44 : i32
    %multiple_of3A_46 = tpu.assume_multiple %shift_left3A_45, 128 : i32
    %dma_start3A_47 = arith.constant 2 : i32
    %dma_start3A_48 = arith.constant 0 : i32
    %dma_start3A_49 = arith.constant 0 : i32
    %dma_start3A_50 = tpu.memref_slice %arg8[%dma_start3A_47, %dma_start3A_48, %dma_start3A_49] : memref<16x32x128xf32, #tpu.memory_space<vmem>> -> memref<1x32x128xf32, #tpu.memory_space<vmem>>
    %dma_start3A_51 = tpu.memref_squeeze %dma_start3A_50 : memref<1x32x128xf32, #tpu.memory_space<vmem>> -> memref<32x128xf32, #tpu.memory_space<vmem>>
    %dma_start3A_52 = arith.constant 0 : i32
    %dma_start3A_53 = tpu.memref_slice %arg3[%dma_start3A_52, %multiple_of3A_46] : memref<32x1000000xf32, #tpu.memory_space<hbm>> -> memref<32x128xf32, #tpu.memory_space<hbm>>
    %dma_start3A_54 = arith.constant 0 : i32
    %dma_start3A_55 = arith.constant 0 : i32
    %dma_start3A_56 = tpu.memref_slice %arg8[%dma_start3A_47, %dma_start3A_54, %dma_start3A_55] : memref<16x32x128xf32, #tpu.memory_space<vmem>> -> memref<1x32x128xf32, #tpu.memory_space<vmem>>
    %dma_start3A_57 = tpu.memref_squeeze %dma_start3A_56 : memref<1x32x128xf32, #tpu.memory_space<vmem>> -> memref<32x128xf32, #tpu.memory_space<vmem>>
    %dma_start3A_58 = arith.constant 0 : i32
    %dma_start3A_59 = tpu.memref_slice %arg3[%dma_start3A_58, %multiple_of3A_46] : memref<32x1000000xf32, #tpu.memory_space<hbm>> -> memref<32x128xf32, #tpu.memory_space<hbm>>
    tpu.enqueue_dma source(%dma_start3A_59 : memref<32x128xf32, #tpu.memory_space<hbm>>) target(%dma_start3A_57 : memref<32x128xf32, #tpu.memory_space<vmem>>) target_semaphore(%arg14 : memref<!tpu.dma_semaphore, #tpu.memory_space<semaphore_mem>>)
    %slice3A_60 = vector.extract_strided_slice %get3A_4 {offsets = [3], sizes = [1], strides = [1]} : vector<16xi32> to vector<1xi32>
    %squeeze3A_61 = vector.extract %slice3A_60[0] : i32 from vector<1xi32>
    %shift_right_logical3A_62 = arith.constant 7 : i32
    %shift_right_logical3A_63 = arith.shrui %squeeze3A_61, %shift_right_logical3A_62 : i32
    %shift_left3A_64 = arith.constant 7 : i32
    %shift_left3A_65 = arith.shli %shift_right_logical3A_63, %shift_left3A_64 : i32
    %multiple_of3A_66 = tpu.assume_multiple %shift_left3A_65, 128 : i32
    %dma_start3A_67 = arith.constant 3 : i32
    %dma_start3A_68 = arith.constant 0 : i32
    %dma_start3A_69 = arith.constant 0 : i32
    %dma_start3A_70 = tpu.memref_slice %arg8[%dma_start3A_67, %dma_start3A_68, %dma_start3A_69] : memref<16x32x128xf32, #tpu.memory_space<vmem>> -> memref<1x32x128xf32, #tpu.memory_space<vmem>>
    %dma_start3A_71 = tpu.memref_squeeze %dma_start3A_70 : memref<1x32x128xf32, #tpu.memory_space<vmem>> -> memref<32x128xf32, #tpu.memory_space<vmem>>
    %dma_start3A_72 = arith.constant 0 : i32
    %dma_start3A_73 = tpu.memref_slice %arg3[%dma_start3A_72, %multiple_of3A_66] : memref<32x1000000xf32, #tpu.memory_space<hbm>> -> memref<32x128xf32, #tpu.memory_space<hbm>>
    %dma_start3A_74 = arith.constant 0 : i32
    %dma_start3A_75 = arith.constant 0 : i32
    %dma_start3A_76 = tpu.memref_slice %arg8[%dma_start3A_67, %dma_start3A_74, %dma_start3A_75] : memref<16x32x128xf32, #tpu.memory_space<vmem>> -> memref<1x32x128xf32, #tpu.memory_space<vmem>>
    %dma_start3A_77 = tpu.memref_squeeze %dma_start3A_76 : memref<1x32x128xf32, #tpu.memory_space<vmem>> -> memref<32x128xf32, #tpu.memory_space<vmem>>
    %dma_start3A_78 = arith.constant 0 : i32
    %dma_start3A_79 = tpu.memref_slice %arg3[%dma_start3A_78, %multiple_of3A_66] : memref<32x1000000xf32, #tpu.memory_space<hbm>> -> memref<32x128xf32, #tpu.memory_space<hbm>>
    tpu.enqueue_dma source(%dma_start3A_79 : memref<32x128xf32, #tpu.memory_space<hbm>>) target(%dma_start3A_77 : memref<32x128xf32, #tpu.memory_space<vmem>>) target_semaphore(%arg15 : memref<!tpu.dma_semaphore, #tpu.memory_space<semaphore_mem>>)
    %slice3A_80 = vector.extract_strided_slice %get3A_4 {offsets = [4], sizes = [1], strides = [1]} : vector<16xi32> to vector<1xi32>
    %squeeze3A_81 = vector.extract %slice3A_80[0] : i32 from vector<1xi32>
    %shift_right_logical3A_82 = arith.constant 7 : i32
    %shift_right_logical3A_83 = arith.shrui %squeeze3A_81, %shift_right_logical3A_82 : i32
    %shift_left3A_84 = arith.constant 7 : i32
    %shift_left3A_85 = arith.shli %shift_right_logical3A_83, %shift_left3A_84 : i32
    %multiple_of3A_86 = tpu.assume_multiple %shift_left3A_85, 128 : i32
    %dma_start3A_87 = arith.constant 4 : i32
    %dma_start3A_88 = arith.constant 0 : i32
    %dma_start3A_89 = arith.constant 0 : i32
    %dma_start3A_90 = tpu.memref_slice %arg8[%dma_start3A_87, %dma_start3A_88, %dma_start3A_89] : memref<16x32x128xf32, #tpu.memory_space<vmem>> -> memref<1x32x128xf32, #tpu.memory_space<vmem>>
    %dma_start3A_91 = tpu.memref_squeeze %dma_start3A_90 : memref<1x32x128xf32, #tpu.memory_space<vmem>> -> memref<32x128xf32, #tpu.memory_space<vmem>>
    %dma_start3A_92 = arith.constant 0 : i32
    %dma_start3A_93 = tpu.memref_slice %arg3[%dma_start3A_92, %multiple_of3A_86] : memref<32x1000000xf32, #tpu.memory_space<hbm>> -> memref<32x128xf32, #tpu.memory_space<hbm>>
    %dma_start3A_94 = arith.constant 0 : i32
    %dma_start3A_95 = arith.constant 0 : i32
    %dma_start3A_96 = tpu.memref_slice %arg8[%dma_start3A_87, %dma_start3A_94, %dma_start3A_95] : memref<16x32x128xf32, #tpu.memory_space<vmem>> -> memref<1x32x128xf32, #tpu.memory_space<vmem>>
    %dma_start3A_97 = tpu.memref_squeeze %dma_start3A_96 : memref<1x32x128xf32, #tpu.memory_space<vmem>> -> memref<32x128xf32, #tpu.memory_space<vmem>>
    %dma_start3A_98 = arith.constant 0 : i32
    %dma_start3A_99 = tpu.memref_slice %arg3[%dma_start3A_98, %multiple_of3A_86] : memref<32x1000000xf32, #tpu.memory_space<hbm>> -> memref<32x128xf32, #tpu.memory_space<hbm>>
    tpu.enqueue_dma source(%dma_start3A_99 : memref<32x128xf32, #tpu.memory_space<hbm>>) target(%dma_start3A_97 : memref<32x128xf32, #tpu.memory_space<vmem>>) target_semaphore(%arg16 : memref<!tpu.dma_semaphore, #tpu.memory_space<semaphore_mem>>)
    %slice3A_100 = vector.extract_strided_slice %get3A_4 {offsets = [5], sizes = [1], strides = [1]} : vector<16xi32> to vector<1xi32>
    %squeeze3A_101 = vector.extract %slice3A_100[0] : i32 from vector<1xi32>
    %shift_right_logical3A_102 = arith.constant 7 : i32
    %shift_right_logical3A_103 = arith.shrui %squeeze3A_101, %shift_right_logical3A_102 : i32
    %shift_left3A_104 = arith.constant 7 : i32
    %shift_left3A_105 = arith.shli %shift_right_logical3A_103, %shift_left3A_104 : i32
    %multiple_of3A_106 = tpu.assume_multiple %shift_left3A_105, 128 : i32
    %dma_start3A_107 = arith.constant 5 : i32
    %dma_start3A_108 = arith.constant 0 : i32
    %dma_start3A_109 = arith.constant 0 : i32
    %dma_start3A_110 = tpu.memref_slice %arg8[%dma_start3A_107, %dma_start3A_108, %dma_start3A_109] : memref<16x32x128xf32, #tpu.memory_space<vmem>> -> memref<1x32x128xf32, #tpu.memory_space<vmem>>
    %dma_start3A_111 = tpu.memref_squeeze %dma_start3A_110 : memref<1x32x128xf32, #tpu.memory_space<vmem>> -> memref<32x128xf32, #tpu.memory_space<vmem>>
    %dma_start3A_112 = arith.constant 0 : i32
    %dma_start3A_113 = tpu.memref_slice %arg3[%dma_start3A_112, %multiple_of3A_106] : memref<32x1000000xf32, #tpu.memory_space<hbm>> -> memref<32x128xf32, #tpu.memory_space<hbm>>
    %dma_start3A_114 = arith.constant 0 : i32
    %dma_start3A_115 = arith.constant 0 : i32
    %dma_start3A_116 = tpu.memref_slice %arg8[%dma_start3A_107, %dma_start3A_114, %dma_start3A_115] : memref<16x32x128xf32, #tpu.memory_space<vmem>> -> memref<1x32x128xf32, #tpu.memory_space<vmem>>
    %dma_start3A_117 = tpu.memref_squeeze %dma_start3A_116 : memref<1x32x128xf32, #tpu.memory_space<vmem>> -> memref<32x128xf32, #tpu.memory_space<vmem>>
    %dma_start3A_118 = arith.constant 0 : i32
    %dma_start3A_119 = tpu.memref_slice %arg3[%dma_start3A_118, %multiple_of3A_106] : memref<32x1000000xf32, #tpu.memory_space<hbm>> -> memref<32x128xf32, #tpu.memory_space<hbm>>
    tpu.enqueue_dma source(%dma_start3A_119 : memref<32x128xf32, #tpu.memory_space<hbm>>) target(%dma_start3A_117 : memref<32x128xf32, #tpu.memory_space<vmem>>) target_semaphore(%arg17 : memref<!tpu.dma_semaphore, #tpu.memory_space<semaphore_mem>>)
    %slice3A_120 = vector.extract_strided_slice %get3A_4 {offsets = [6], sizes = [1], strides = [1]} : vector<16xi32> to vector<1xi32>
    %squeeze3A_121 = vector.extract %slice3A_120[0] : i32 from vector<1xi32>
    %shift_right_logical3A_122 = arith.constant 7 : i32
    %shift_right_logical3A_123 = arith.shrui %squeeze3A_121, %shift_right_logical3A_122 : i32
    %shift_left3A_124 = arith.constant 7 : i32
    %shift_left3A_125 = arith.shli %shift_right_logical3A_123, %shift_left3A_124 : i32
    %multiple_of3A_126 = tpu.assume_multiple %shift_left3A_125, 128 : i32
    %dma_start3A_127 = arith.constant 6 : i32
    %dma_start3A_128 = arith.constant 0 : i32
    %dma_start3A_129 = arith.constant 0 : i32
    %dma_start3A_130 = tpu.memref_slice %arg8[%dma_start3A_127, %dma_start3A_128, %dma_start3A_129] : memref<16x32x128xf32, #tpu.memory_space<vmem>> -> memref<1x32x128xf32, #tpu.memory_space<vmem>>
    %dma_start3A_131 = tpu.memref_squeeze %dma_start3A_130 : memref<1x32x128xf32, #tpu.memory_space<vmem>> -> memref<32x128xf32, #tpu.memory_space<vmem>>
    %dma_start3A_132 = arith.constant 0 : i32
    %dma_start3A_133 = tpu.memref_slice %arg3[%dma_start3A_132, %multiple_of3A_126] : memref<32x1000000xf32, #tpu.memory_space<hbm>> -> memref<32x128xf32, #tpu.memory_space<hbm>>
    %dma_start3A_134 = arith.constant 0 : i32
    %dma_start3A_135 = arith.constant 0 : i32
    %dma_start3A_136 = tpu.memref_slice %arg8[%dma_start3A_127, %dma_start3A_134, %dma_start3A_135] : memref<16x32x128xf32, #tpu.memory_space<vmem>> -> memref<1x32x128xf32, #tpu.memory_space<vmem>>
    %dma_start3A_137 = tpu.memref_squeeze %dma_start3A_136 : memref<1x32x128xf32, #tpu.memory_space<vmem>> -> memref<32x128xf32, #tpu.memory_space<vmem>>
    %dma_start3A_138 = arith.constant 0 : i32
    %dma_start3A_139 = tpu.memref_slice %arg3[%dma_start3A_138, %multiple_of3A_126] : memref<32x1000000xf32, #tpu.memory_space<hbm>> -> memref<32x128xf32, #tpu.memory_space<hbm>>
    tpu.enqueue_dma source(%dma_start3A_139 : memref<32x128xf32, #tpu.memory_space<hbm>>) target(%dma_start3A_137 : memref<32x128xf32, #tpu.memory_space<vmem>>) target_semaphore(%arg18 : memref<!tpu.dma_semaphore, #tpu.memory_space<semaphore_mem>>)
    %slice3A_140 = vector.extract_strided_slice %get3A_4 {offsets = [7], sizes = [1], strides = [1]} : vector<16xi32> to vector<1xi32>
    %squeeze3A_141 = vector.extract %slice3A_140[0] : i32 from vector<1xi32>
    %shift_right_logical3A_142 = arith.constant 7 : i32
    %shift_right_logical3A_143 = arith.shrui %squeeze3A_141, %shift_right_logical3A_142 : i32
    %shift_left3A_144 = arith.constant 7 : i32
    %shift_left3A_145 = arith.shli %shift_right_logical3A_143, %shift_left3A_144 : i32
    %multiple_of3A_146 = tpu.assume_multiple %shift_left3A_145, 128 : i32
    %dma_start3A_147 = arith.constant 7 : i32
    %dma_start3A_148 = arith.constant 0 : i32
    %dma_start3A_149 = arith.constant 0 : i32
    %dma_start3A_150 = tpu.memref_slice %arg8[%dma_start3A_147, %dma_start3A_148, %dma_start3A_149] : memref<16x32x128xf32, #tpu.memory_space<vmem>> -> memref<1x32x128xf32, #tpu.memory_space<vmem>>
    %dma_start3A_151 = tpu.memref_squeeze %dma_start3A_150 : memref<1x32x128xf32, #tpu.memory_space<vmem>> -> memref<32x128xf32, #tpu.memory_space<vmem>>
    %dma_start3A_152 = arith.constant 0 : i32
    %dma_start3A_153 = tpu.memref_slice %arg3[%dma_start3A_152, %multiple_of3A_146] : memref<32x1000000xf32, #tpu.memory_space<hbm>> -> memref<32x128xf32, #tpu.memory_space<hbm>>
    %dma_start3A_154 = arith.constant 0 : i32
    %dma_start3A_155 = arith.constant 0 : i32
    %dma_start3A_156 = tpu.memref_slice %arg8[%dma_start3A_147, %dma_start3A_154, %dma_start3A_155] : memref<16x32x128xf32, #tpu.memory_space<vmem>> -> memref<1x32x128xf32, #tpu.memory_space<vmem>>
    %dma_start3A_157 = tpu.memref_squeeze %dma_start3A_156 : memref<1x32x128xf32, #tpu.memory_space<vmem>> -> memref<32x128xf32, #tpu.memory_space<vmem>>
    %dma_start3A_158 = arith.constant 0 : i32
    %dma_start3A_159 = tpu.memref_slice %arg3[%dma_start3A_158, %multiple_of3A_146] : memref<32x1000000xf32, #tpu.memory_space<hbm>> -> memref<32x128xf32, #tpu.memory_space<hbm>>
    tpu.enqueue_dma source(%dma_start3A_159 : memref<32x128xf32, #tpu.memory_space<hbm>>) target(%dma_start3A_157 : memref<32x128xf32, #tpu.memory_space<vmem>>) target_semaphore(%arg19 : memref<!tpu.dma_semaphore, #tpu.memory_space<semaphore_mem>>)
    %slice3A_160 = vector.extract_strided_slice %get3A_4 {offsets = [8], sizes = [1], strides = [1]} : vector<16xi32> to vector<1xi32>
    %squeeze3A_161 = vector.extract %slice3A_160[0] : i32 from vector<1xi32>
    %shift_right_logical3A_162 = arith.constant 7 : i32
    %shift_right_logical3A_163 = arith.shrui %squeeze3A_161, %shift_right_logical3A_162 : i32
    %shift_left3A_164 = arith.constant 7 : i32
    %shift_left3A_165 = arith.shli %shift_right_logical3A_163, %shift_left3A_164 : i32
    %multiple_of3A_166 = tpu.assume_multiple %shift_left3A_165, 128 : i32
    %dma_start3A_167 = arith.constant 8 : i32
    %dma_start3A_168 = arith.constant 0 : i32
    %dma_start3A_169 = arith.constant 0 : i32
    %dma_start3A_170 = tpu.memref_slice %arg8[%dma_start3A_167, %dma_start3A_168, %dma_start3A_169] : memref<16x32x128xf32, #tpu.memory_space<vmem>> -> memref<1x32x128xf32, #tpu.memory_space<vmem>>
    %dma_start3A_171 = tpu.memref_squeeze %dma_start3A_170 : memref<1x32x128xf32, #tpu.memory_space<vmem>> -> memref<32x128xf32, #tpu.memory_space<vmem>>
    %dma_start3A_172 = arith.constant 0 : i32
    %dma_start3A_173 = tpu.memref_slice %arg3[%dma_start3A_172, %multiple_of3A_166] : memref<32x1000000xf32, #tpu.memory_space<hbm>> -> memref<32x128xf32, #tpu.memory_space<hbm>>
    %dma_start3A_174 = arith.constant 0 : i32
    %dma_start3A_175 = arith.constant 0 : i32
    %dma_start3A_176 = tpu.memref_slice %arg8[%dma_start3A_167, %dma_start3A_174, %dma_start3A_175] : memref<16x32x128xf32, #tpu.memory_space<vmem>> -> memref<1x32x128xf32, #tpu.memory_space<vmem>>
    %dma_start3A_177 = tpu.memref_squeeze %dma_start3A_176 : memref<1x32x128xf32, #tpu.memory_space<vmem>> -> memref<32x128xf32, #tpu.memory_space<vmem>>
    %dma_start3A_178 = arith.constant 0 : i32
    %dma_start3A_179 = tpu.memref_slice %arg3[%dma_start3A_178, %multiple_of3A_166] : memref<32x1000000xf32, #tpu.memory_space<hbm>> -> memref<32x128xf32, #tpu.memory_space<hbm>>
    tpu.enqueue_dma source(%dma_start3A_179 : memref<32x128xf32, #tpu.memory_space<hbm>>) target(%dma_start3A_177 : memref<32x128xf32, #tpu.memory_space<vmem>>) target_semaphore(%arg20 : memref<!tpu.dma_semaphore, #tpu.memory_space<semaphore_mem>>)
    %slice3A_180 = vector.extract_strided_slice %get3A_4 {offsets = [9], sizes = [1], strides = [1]} : vector<16xi32> to vector<1xi32>
    %squeeze3A_181 = vector.extract %slice3A_180[0] : i32 from vector<1xi32>
    %shift_right_logical3A_182 = arith.constant 7 : i32
    %shift_right_logical3A_183 = arith.shrui %squeeze3A_181, %shift_right_logical3A_182 : i32
    %shift_left3A_184 = arith.constant 7 : i32
    %shift_left3A_185 = arith.shli %shift_right_logical3A_183, %shift_left3A_184 : i32
    %multiple_of3A_186 = tpu.assume_multiple %shift_left3A_185, 128 : i32
    %dma_start3A_187 = arith.constant 9 : i32
    %dma_start3A_188 = arith.constant 0 : i32
    %dma_start3A_189 = arith.constant 0 : i32
    %dma_start3A_190 = tpu.memref_slice %arg8[%dma_start3A_187, %dma_start3A_188, %dma_start3A_189] : memref<16x32x128xf32, #tpu.memory_space<vmem>> -> memref<1x32x128xf32, #tpu.memory_space<vmem>>
    %dma_start3A_191 = tpu.memref_squeeze %dma_start3A_190 : memref<1x32x128xf32, #tpu.memory_space<vmem>> -> memref<32x128xf32, #tpu.memory_space<vmem>>
    %dma_start3A_192 = arith.constant 0 : i32
    %dma_start3A_193 = tpu.memref_slice %arg3[%dma_start3A_192, %multiple_of3A_186] : memref<32x1000000xf32, #tpu.memory_space<hbm>> -> memref<32x128xf32, #tpu.memory_space<hbm>>
    %dma_start3A_194 = arith.constant 0 : i32
    %dma_start3A_195 = arith.constant 0 : i32
    %dma_start3A_196 = tpu.memref_slice %arg8[%dma_start3A_187, %dma_start3A_194, %dma_start3A_195] : memref<16x32x128xf32, #tpu.memory_space<vmem>> -> memref<1x32x128xf32, #tpu.memory_space<vmem>>
    %dma_start3A_197 = tpu.memref_squeeze %dma_start3A_196 : memref<1x32x128xf32, #tpu.memory_space<vmem>> -> memref<32x128xf32, #tpu.memory_space<vmem>>
    %dma_start3A_198 = arith.constant 0 : i32
    %dma_start3A_199 = tpu.memref_slice %arg3[%dma_start3A_198, %multiple_of3A_186] : memref<32x1000000xf32, #tpu.memory_space<hbm>> -> memref<32x128xf32, #tpu.memory_space<hbm>>
    tpu.enqueue_dma source(%dma_start3A_199 : memref<32x128xf32, #tpu.memory_space<hbm>>) target(%dma_start3A_197 : memref<32x128xf32, #tpu.memory_space<vmem>>) target_semaphore(%arg21 : memref<!tpu.dma_semaphore, #tpu.memory_space<semaphore_mem>>)
    %slice3A_200 = vector.extract_strided_slice %get3A_4 {offsets = [10], sizes = [1], strides = [1]} : vector<16xi32> to vector<1xi32>
    %squeeze3A_201 = vector.extract %slice3A_200[0] : i32 from vector<1xi32>
    %shift_right_logical3A_202 = arith.constant 7 : i32
    %shift_right_logical3A_203 = arith.shrui %squeeze3A_201, %shift_right_logical3A_202 : i32
    %shift_left3A_204 = arith.constant 7 : i32
    %shift_left3A_205 = arith.shli %shift_right_logical3A_203, %shift_left3A_204 : i32
    %multiple_of3A_206 = tpu.assume_multiple %shift_left3A_205, 128 : i32
    %dma_start3A_207 = arith.constant 10 : i32
    %dma_start3A_208 = arith.constant 0 : i32
    %dma_start3A_209 = arith.constant 0 : i32
    %dma_start3A_210 = tpu.memref_slice %arg8[%dma_start3A_207, %dma_start3A_208, %dma_start3A_209] : memref<16x32x128xf32, #tpu.memory_space<vmem>> -> memref<1x32x128xf32, #tpu.memory_space<vmem>>
    %dma_start3A_211 = tpu.memref_squeeze %dma_start3A_210 : memref<1x32x128xf32, #tpu.memory_space<vmem>> -> memref<32x128xf32, #tpu.memory_space<vmem>>
    %dma_start3A_212 = arith.constant 0 : i32
    %dma_start3A_213 = tpu.memref_slice %arg3[%dma_start3A_212, %multiple_of3A_206] : memref<32x1000000xf32, #tpu.memory_space<hbm>> -> memref<32x128xf32, #tpu.memory_space<hbm>>
    %dma_start3A_214 = arith.constant 0 : i32
    %dma_start3A_215 = arith.constant 0 : i32
    %dma_start3A_216 = tpu.memref_slice %arg8[%dma_start3A_207, %dma_start3A_214, %dma_start3A_215] : memref<16x32x128xf32, #tpu.memory_space<vmem>> -> memref<1x32x128xf32, #tpu.memory_space<vmem>>
    %dma_start3A_217 = tpu.memref_squeeze %dma_start3A_216 : memref<1x32x128xf32, #tpu.memory_space<vmem>> -> memref<32x128xf32, #tpu.memory_space<vmem>>
    %dma_start3A_218 = arith.constant 0 : i32
    %dma_start3A_219 = tpu.memref_slice %arg3[%dma_start3A_218, %multiple_of3A_206] : memref<32x1000000xf32, #tpu.memory_space<hbm>> -> memref<32x128xf32, #tpu.memory_space<hbm>>
    tpu.enqueue_dma source(%dma_start3A_219 : memref<32x128xf32, #tpu.memory_space<hbm>>) target(%dma_start3A_217 : memref<32x128xf32, #tpu.memory_space<vmem>>) target_semaphore(%arg22 : memref<!tpu.dma_semaphore, #tpu.memory_space<semaphore_mem>>)
    %slice3A_220 = vector.extract_strided_slice %get3A_4 {offsets = [11], sizes = [1], strides = [1]} : vector<16xi32> to vector<1xi32>
    %squeeze3A_221 = vector.extract %slice3A_220[0] : i32 from vector<1xi32>
    %shift_right_logical3A_222 = arith.constant 7 : i32
    %shift_right_logical3A_223 = arith.shrui %squeeze3A_221, %shift_right_logical3A_222 : i32
    %shift_left3A_224 = arith.constant 7 : i32
    %shift_left3A_225 = arith.shli %shift_right_logical3A_223, %shift_left3A_224 : i32
    %multiple_of3A_226 = tpu.assume_multiple %shift_left3A_225, 128 : i32
    %dma_start3A_227 = arith.constant 11 : i32
    %dma_start3A_228 = arith.constant 0 : i32
    %dma_start3A_229 = arith.constant 0 : i32
    %dma_start3A_230 = tpu.memref_slice %arg8[%dma_start3A_227, %dma_start3A_228, %dma_start3A_229] : memref<16x32x128xf32, #tpu.memory_space<vmem>> -> memref<1x32x128xf32, #tpu.memory_space<vmem>>
    %dma_start3A_231 = tpu.memref_squeeze %dma_start3A_230 : memref<1x32x128xf32, #tpu.memory_space<vmem>> -> memref<32x128xf32, #tpu.memory_space<vmem>>
    %dma_start3A_232 = arith.constant 0 : i32
    %dma_start3A_233 = tpu.memref_slice %arg3[%dma_start3A_232, %multiple_of3A_226] : memref<32x1000000xf32, #tpu.memory_space<hbm>> -> memref<32x128xf32, #tpu.memory_space<hbm>>
    %dma_start3A_234 = arith.constant 0 : i32
    %dma_start3A_235 = arith.constant 0 : i32
    %dma_start3A_236 = tpu.memref_slice %arg8[%dma_start3A_227, %dma_start3A_234, %dma_start3A_235] : memref<16x32x128xf32, #tpu.memory_space<vmem>> -> memref<1x32x128xf32, #tpu.memory_space<vmem>>
    %dma_start3A_237 = tpu.memref_squeeze %dma_start3A_236 : memref<1x32x128xf32, #tpu.memory_space<vmem>> -> memref<32x128xf32, #tpu.memory_space<vmem>>
    %dma_start3A_238 = arith.constant 0 : i32
    %dma_start3A_239 = tpu.memref_slice %arg3[%dma_start3A_238, %multiple_of3A_226] : memref<32x1000000xf32, #tpu.memory_space<hbm>> -> memref<32x128xf32, #tpu.memory_space<hbm>>
    tpu.enqueue_dma source(%dma_start3A_239 : memref<32x128xf32, #tpu.memory_space<hbm>>) target(%dma_start3A_237 : memref<32x128xf32, #tpu.memory_space<vmem>>) target_semaphore(%arg23 : memref<!tpu.dma_semaphore, #tpu.memory_space<semaphore_mem>>)
    %slice3A_240 = vector.extract_strided_slice %get3A_4 {offsets = [12], sizes = [1], strides = [1]} : vector<16xi32> to vector<1xi32>
    %squeeze3A_241 = vector.extract %slice3A_240[0] : i32 from vector<1xi32>
    %shift_right_logical3A_242 = arith.constant 7 : i32
    %shift_right_logical3A_243 = arith.shrui %squeeze3A_241, %shift_right_logical3A_242 : i32
    %shift_left3A_244 = arith.constant 7 : i32
    %shift_left3A_245 = arith.shli %shift_right_logical3A_243, %shift_left3A_244 : i32
    %multiple_of3A_246 = tpu.assume_multiple %shift_left3A_245, 128 : i32
    %dma_start3A_247 = arith.constant 12 : i32
    %dma_start3A_248 = arith.constant 0 : i32
    %dma_start3A_249 = arith.constant 0 : i32
    %dma_start3A_250 = tpu.memref_slice %arg8[%dma_start3A_247, %dma_start3A_248, %dma_start3A_249] : memref<16x32x128xf32, #tpu.memory_space<vmem>> -> memref<1x32x128xf32, #tpu.memory_space<vmem>>
    %dma_start3A_251 = tpu.memref_squeeze %dma_start3A_250 : memref<1x32x128xf32, #tpu.memory_space<vmem>> -> memref<32x128xf32, #tpu.memory_space<vmem>>
    %dma_start3A_252 = arith.constant 0 : i32
    %dma_start3A_253 = tpu.memref_slice %arg3[%dma_start3A_252, %multiple_of3A_246] : memref<32x1000000xf32, #tpu.memory_space<hbm>> -> memref<32x128xf32, #tpu.memory_space<hbm>>
    %dma_start3A_254 = arith.constant 0 : i32
    %dma_start3A_255 = arith.constant 0 : i32
    %dma_start3A_256 = tpu.memref_slice %arg8[%dma_start3A_247, %dma_start3A_254, %dma_start3A_255] : memref<16x32x128xf32, #tpu.memory_space<vmem>> -> memref<1x32x128xf32, #tpu.memory_space<vmem>>
    %dma_start3A_257 = tpu.memref_squeeze %dma_start3A_256 : memref<1x32x128xf32, #tpu.memory_space<vmem>> -> memref<32x128xf32, #tpu.memory_space<vmem>>
    %dma_start3A_258 = arith.constant 0 : i32
    %dma_start3A_259 = tpu.memref_slice %arg3[%dma_start3A_258, %multiple_of3A_246] : memref<32x1000000xf32, #tpu.memory_space<hbm>> -> memref<32x128xf32, #tpu.memory_space<hbm>>
    tpu.enqueue_dma source(%dma_start3A_259 : memref<32x128xf32, #tpu.memory_space<hbm>>) target(%dma_start3A_257 : memref<32x128xf32, #tpu.memory_space<vmem>>) target_semaphore(%arg24 : memref<!tpu.dma_semaphore, #tpu.memory_space<semaphore_mem>>)
    %slice3A_260 = vector.extract_strided_slice %get3A_4 {offsets = [13], sizes = [1], strides = [1]} : vector<16xi32> to vector<1xi32>
    %squeeze3A_261 = vector.extract %slice3A_260[0] : i32 from vector<1xi32>
    %shift_right_logical3A_262 = arith.constant 7 : i32
    %shift_right_logical3A_263 = arith.shrui %squeeze3A_261, %shift_right_logical3A_262 : i32
    %shift_left3A_264 = arith.constant 7 : i32
    %shift_left3A_265 = arith.shli %shift_right_logical3A_263, %shift_left3A_264 : i32
    %multiple_of3A_266 = tpu.assume_multiple %shift_left3A_265, 128 : i32
    %dma_start3A_267 = arith.constant 13 : i32
    %dma_start3A_268 = arith.constant 0 : i32
    %dma_start3A_269 = arith.constant 0 : i32
    %dma_start3A_270 = tpu.memref_slice %arg8[%dma_start3A_267, %dma_start3A_268, %dma_start3A_269] : memref<16x32x128xf32, #tpu.memory_space<vmem>> -> memref<1x32x128xf32, #tpu.memory_space<vmem>>
    %dma_start3A_271 = tpu.memref_squeeze %dma_start3A_270 : memref<1x32x128xf32, #tpu.memory_space<vmem>> -> memref<32x128xf32, #tpu.memory_space<vmem>>
    %dma_start3A_272 = arith.constant 0 : i32
    %dma_start3A_273 = tpu.memref_slice %arg3[%dma_start3A_272, %multiple_of3A_266] : memref<32x1000000xf32, #tpu.memory_space<hbm>> -> memref<32x128xf32, #tpu.memory_space<hbm>>
    %dma_start3A_274 = arith.constant 0 : i32
    %dma_start3A_275 = arith.constant 0 : i32
    %dma_start3A_276 = tpu.memref_slice %arg8[%dma_start3A_267, %dma_start3A_274, %dma_start3A_275] : memref<16x32x128xf32, #tpu.memory_space<vmem>> -> memref<1x32x128xf32, #tpu.memory_space<vmem>>
    %dma_start3A_277 = tpu.memref_squeeze %dma_start3A_276 : memref<1x32x128xf32, #tpu.memory_space<vmem>> -> memref<32x128xf32, #tpu.memory_space<vmem>>
    %dma_start3A_278 = arith.constant 0 : i32
    %dma_start3A_279 = tpu.memref_slice %arg3[%dma_start3A_278, %multiple_of3A_266] : memref<32x1000000xf32, #tpu.memory_space<hbm>> -> memref<32x128xf32, #tpu.memory_space<hbm>>
    tpu.enqueue_dma source(%dma_start3A_279 : memref<32x128xf32, #tpu.memory_space<hbm>>) target(%dma_start3A_277 : memref<32x128xf32, #tpu.memory_space<vmem>>) target_semaphore(%arg25 : memref<!tpu.dma_semaphore, #tpu.memory_space<semaphore_mem>>)
    %slice3A_280 = vector.extract_strided_slice %get3A_4 {offsets = [14], sizes = [1], strides = [1]} : vector<16xi32> to vector<1xi32>
    %squeeze3A_281 = vector.extract %slice3A_280[0] : i32 from vector<1xi32>
    %shift_right_logical3A_282 = arith.constant 7 : i32
    %shift_right_logical3A_283 = arith.shrui %squeeze3A_281, %shift_right_logical3A_282 : i32
    %shift_left3A_284 = arith.constant 7 : i32
    %shift_left3A_285 = arith.shli %shift_right_logical3A_283, %shift_left3A_284 : i32
    %multiple_of3A_286 = tpu.assume_multiple %shift_left3A_285, 128 : i32
    %dma_start3A_287 = arith.constant 14 : i32
    %dma_start3A_288 = arith.constant 0 : i32
    %dma_start3A_289 = arith.constant 0 : i32
    %dma_start3A_290 = tpu.memref_slice %arg8[%dma_start3A_287, %dma_start3A_288, %dma_start3A_289] : memref<16x32x128xf32, #tpu.memory_space<vmem>> -> memref<1x32x128xf32, #tpu.memory_space<vmem>>
    %dma_start3A_291 = tpu.memref_squeeze %dma_start3A_290 : memref<1x32x128xf32, #tpu.memory_space<vmem>> -> memref<32x128xf32, #tpu.memory_space<vmem>>
    %dma_start3A_292 = arith.constant 0 : i32
    %dma_start3A_293 = tpu.memref_slice %arg3[%dma_start3A_292, %multiple_of3A_286] : memref<32x1000000xf32, #tpu.memory_space<hbm>> -> memref<32x128xf32, #tpu.memory_space<hbm>>
    %dma_start3A_294 = arith.constant 0 : i32
    %dma_start3A_295 = arith.constant 0 : i32
    %dma_start3A_296 = tpu.memref_slice %arg8[%dma_start3A_287, %dma_start3A_294, %dma_start3A_295] : memref<16x32x128xf32, #tpu.memory_space<vmem>> -> memref<1x32x128xf32, #tpu.memory_space<vmem>>
    %dma_start3A_297 = tpu.memref_squeeze %dma_start3A_296 : memref<1x32x128xf32, #tpu.memory_space<vmem>> -> memref<32x128xf32, #tpu.memory_space<vmem>>
    %dma_start3A_298 = arith.constant 0 : i32
    %dma_start3A_299 = tpu.memref_slice %arg3[%dma_start3A_298, %multiple_of3A_286] : memref<32x1000000xf32, #tpu.memory_space<hbm>> -> memref<32x128xf32, #tpu.memory_space<hbm>>
    tpu.enqueue_dma source(%dma_start3A_299 : memref<32x128xf32, #tpu.memory_space<hbm>>) target(%dma_start3A_297 : memref<32x128xf32, #tpu.memory_space<vmem>>) target_semaphore(%arg26 : memref<!tpu.dma_semaphore, #tpu.memory_space<semaphore_mem>>)
    %slice3A_300 = vector.extract_strided_slice %get3A_4 {offsets = [15], sizes = [1], strides = [1]} : vector<16xi32> to vector<1xi32>
    %squeeze3A_301 = vector.extract %slice3A_300[0] : i32 from vector<1xi32>
    %shift_right_logical3A_302 = arith.constant 7 : i32
    %shift_right_logical3A_303 = arith.shrui %squeeze3A_301, %shift_right_logical3A_302 : i32
    %shift_left3A_304 = arith.constant 7 : i32
    %shift_left3A_305 = arith.shli %shift_right_logical3A_303, %shift_left3A_304 : i32
    %multiple_of3A_306 = tpu.assume_multiple %shift_left3A_305, 128 : i32
    %dma_start3A_307 = arith.constant 15 : i32
    %dma_start3A_308 = arith.constant 0 : i32
    %dma_start3A_309 = arith.constant 0 : i32
    %dma_start3A_310 = tpu.memref_slice %arg8[%dma_start3A_307, %dma_start3A_308, %dma_start3A_309] : memref<16x32x128xf32, #tpu.memory_space<vmem>> -> memref<1x32x128xf32, #tpu.memory_space<vmem>>
    %dma_start3A_311 = tpu.memref_squeeze %dma_start3A_310 : memref<1x32x128xf32, #tpu.memory_space<vmem>> -> memref<32x128xf32, #tpu.memory_space<vmem>>
    %dma_start3A_312 = arith.constant 0 : i32
    %dma_start3A_313 = tpu.memref_slice %arg3[%dma_start3A_312, %multiple_of3A_306] : memref<32x1000000xf32, #tpu.memory_space<hbm>> -> memref<32x128xf32, #tpu.memory_space<hbm>>
    %dma_start3A_314 = arith.constant 0 : i32
    %dma_start3A_315 = arith.constant 0 : i32
    %dma_start3A_316 = tpu.memref_slice %arg8[%dma_start3A_307, %dma_start3A_314, %dma_start3A_315] : memref<16x32x128xf32, #tpu.memory_space<vmem>> -> memref<1x32x128xf32, #tpu.memory_space<vmem>>
    %dma_start3A_317 = tpu.memref_squeeze %dma_start3A_316 : memref<1x32x128xf32, #tpu.memory_space<vmem>> -> memref<32x128xf32, #tpu.memory_space<vmem>>
    %dma_start3A_318 = arith.constant 0 : i32
    %dma_start3A_319 = tpu.memref_slice %arg3[%dma_start3A_318, %multiple_of3A_306] : memref<32x1000000xf32, #tpu.memory_space<hbm>> -> memref<32x128xf32, #tpu.memory_space<hbm>>
    tpu.enqueue_dma source(%dma_start3A_319 : memref<32x128xf32, #tpu.memory_space<hbm>>) target(%dma_start3A_317 : memref<32x128xf32, #tpu.memory_space<vmem>>) target_semaphore(%arg27 : memref<!tpu.dma_semaphore, #tpu.memory_space<semaphore_mem>>)
    %scan3A = arith.constant 1 : i32
    %scan3A_320 = arith.constant 31 : i32
    %scan3A_321 = arith.addi %scan3A, %scan3A_320 : i32
    %scan3A_322 = arith.constant 1 : i32
    %scan3A_323 = scf.for %scan3A_1059 = %scan3A to %scan3A_321 step %scan3A_322 iter_args(%scan3A_1060 = %get3A_4) -> (vector<16xi32>)  : i32 {
      %mul3A_1061 = arith.constant 16 : i32
      %mul3A_1062 = arith.muli %scan3A_1059, %mul3A_1061 : i32
      %get3A_1063 = arith.index_cast %mul3A_1062 : i32 to index
      %get3A_1064 = tpu.vector_load %arg7[%get3A_1063] {strides = array<i32>} : memref<512xi32, #tpu.memory_space<vmem>>, vector<16xi32>,
      %dma_wait3A_1065 = arith.constant 0 : i32
      %dma_wait3A_1066 = arith.constant 0 : i32
      %dma_wait3A_1067 = arith.constant 0 : i32
      %dma_wait3A_1068 = tpu.memref_slice %arg8[%dma_wait3A_1065, %dma_wait3A_1066, %dma_wait3A_1067] : memref<16x32x128xf32, #tpu.memory_space<vmem>> -> memref<1x32x128xf32, #tpu.memory_space<vmem>>
      %dma_wait3A_1069 = tpu.memref_squeeze %dma_wait3A_1068 : memref<1x32x128xf32, #tpu.memory_space<vmem>> -> memref<32x128xf32, #tpu.memory_space<vmem>>
      %dma_wait3A_1070 = arith.constant 0 : i32
      %dma_wait3A_1071 = arith.constant 0 : i32
      %dma_wait3A_1072 = tpu.memref_slice %arg3[%dma_wait3A_1070, %dma_wait3A_1071] : memref<32x1000000xf32, #tpu.memory_space<hbm>> -> memref<32x128xf32, #tpu.memory_space<hbm>>
      %dma_wait3A_1073 = arith.constant 0 : i32
      %dma_wait3A_1074 = arith.constant 0 : i32
      %dma_wait3A_1075 = tpu.memref_slice %arg8[%dma_wait3A_1065, %dma_wait3A_1073, %dma_wait3A_1074] : memref<16x32x128xf32, #tpu.memory_space<vmem>> -> memref<1x32x128xf32, #tpu.memory_space<vmem>>
      %dma_wait3A_1076 = tpu.memref_squeeze %dma_wait3A_1075 : memref<1x32x128xf32, #tpu.memory_space<vmem>> -> memref<32x128xf32, #tpu.memory_space<vmem>>
      %dma_wait3A_1077 = arith.constant 0 : i32
      %dma_wait3A_1078 = arith.constant 0 : i32
      %dma_wait3A_1079 = tpu.memref_slice %arg3[%dma_wait3A_1077, %dma_wait3A_1078] : memref<32x1000000xf32, #tpu.memory_space<hbm>> -> memref<32x128xf32, #tpu.memory_space<hbm>>
      tpu.wait_dma2 semaphore(%arg12 : memref<!tpu.dma_semaphore, #tpu.memory_space<semaphore_mem>>) src(%dma_wait3A_1079 : memref<32x128xf32, #tpu.memory_space<hbm>>) dst(%dma_wait3A_1076 : memref<32x128xf32, #tpu.memory_space<vmem>>)
      %sub3A = arith.constant 1 : i32
      %sub3A_1080 = arith.subi %scan3A_1059, %sub3A : i32
      %slice3A_1081 = vector.extract_strided_slice %scan3A_1060 {offsets = [0], sizes = [1], strides = [1]} : vector<16xi32> to vector<1xi32>
      %squeeze3A_1082 = vector.extract %slice3A_1081[0] : i32 from vector<1xi32>
      %and3A_1083 = arith.constant 127 : i32
      %and3A_1084 = arith.andi %squeeze3A_1082, %and3A_1083 : i32
      %broadcast_in_dim3A_1085 = vector.broadcast %and3A_1084 : i32 to vector<16xi32>
      %mul3A_1086 = arith.constant 16 : i32
      %mul3A_1087 = arith.muli %sub3A_1080, %mul3A_1086 : i32
      %add3A_1088 = arith.constant 0 : i32
      %add3A_1089 = arith.addi %mul3A_1087, %add3A_1088 : i32
      %broadcast_in_dim3A_1090 = vector.broadcast %add3A_1089 : i32 to vector<16xi32>
      %add3A_1091 = arith.constant 0 : i32
      %add3A_1092 = vector.broadcast %add3A_1091 : i32 to vector<16xi32>
      %add3A_1093 = arith.addi %iota3A, %add3A_1092 : vector<16xi32>
      %gather3A_1094 = arith.constant 0 : i32
      %gather3A_1095 = arith.constant 0 : i32
      %gather3A_1096 = arith.constant 0 : i32
      %gather3A_1097 = tpu.memref_slice %arg8[%gather3A_1094, %gather3A_1095, %gather3A_1096] : memref<16x32x128xf32, #tpu.memory_space<vmem>> -> memref<1x32x128xf32, #tpu.memory_space<vmem>>
      %gather3A_1098 = tpu.memref_squeeze %gather3A_1097 : memref<1x32x128xf32, #tpu.memory_space<vmem>> -> memref<32x128xf32, #tpu.memory_space<vmem>>
      %gather3A_1099 = tpu.vector_load_idx %gather3A_1098[%add3A_1093, %broadcast_in_dim3A_1085] : memref<32x128xf32, #tpu.memory_space<vmem>>[vector<16xi32>, vector<16xi32>], vector<16xf32>,
      %add3A_1100 = arith.constant 16 : i32
      %add3A_1101 = vector.broadcast %add3A_1100 : i32 to vector<16xi32>
      %add3A_1102 = arith.addi %iota3A, %add3A_1101 : vector<16xi32>
      %gather3A_1103 = arith.constant 0 : i32
      %gather3A_1104 = arith.constant 0 : i32
      %gather3A_1105 = arith.constant 0 : i32
      %gather3A_1106 = tpu.memref_slice %arg8[%gather3A_1103, %gather3A_1104, %gather3A_1105] : memref<16x32x128xf32, #tpu.memory_space<vmem>> -> memref<1x32x128xf32, #tpu.memory_space<vmem>>
      %gather3A_1107 = tpu.memref_squeeze %gather3A_1106 : memref<1x32x128xf32, #tpu.memory_space<vmem>> -> memref<32x128xf32, #tpu.memory_space<vmem>>
      %gather3A_1108 = tpu.vector_load_idx %gather3A_1107[%add3A_1102, %broadcast_in_dim3A_1085] : memref<32x128xf32, #tpu.memory_space<vmem>>[vector<16xi32>, vector<16xi32>], vector<16xf32>,
      %slice3A_1109 = vector.extract_strided_slice %get3A_1064 {offsets = [0], sizes = [1], strides = [1]} : vector<16xi32> to vector<1xi32>
      %squeeze3A_1110 = vector.extract %slice3A_1109[0] : i32 from vector<1xi32>
      %shift_right_logical3A_1111 = arith.constant 7 : i32
      %shift_right_logical3A_1112 = arith.shrui %squeeze3A_1110, %shift_right_logical3A_1111 : i32
      %shift_left3A_1113 = arith.constant 7 : i32
      %shift_left3A_1114 = arith.shli %shift_right_logical3A_1112, %shift_left3A_1113 : i32
      %multiple_of3A_1115 = tpu.assume_multiple %shift_left3A_1114, 128 : i32
      %dma_start3A_1116 = arith.constant 0 : i32
      %dma_start3A_1117 = arith.constant 0 : i32
      %dma_start3A_1118 = arith.constant 0 : i32
      %dma_start3A_1119 = tpu.memref_slice %arg8[%dma_start3A_1116, %dma_start3A_1117, %dma_start3A_1118] : memref<16x32x128xf32, #tpu.memory_space<vmem>> -> memref<1x32x128xf32, #tpu.memory_space<vmem>>
      %dma_start3A_1120 = tpu.memref_squeeze %dma_start3A_1119 : memref<1x32x128xf32, #tpu.memory_space<vmem>> -> memref<32x128xf32, #tpu.memory_space<vmem>>
      %dma_start3A_1121 = arith.constant 0 : i32
      %dma_start3A_1122 = tpu.memref_slice %arg3[%dma_start3A_1121, %multiple_of3A_1115] : memref<32x1000000xf32, #tpu.memory_space<hbm>> -> memref<32x128xf32, #tpu.memory_space<hbm>>
      %dma_start3A_1123 = arith.constant 0 : i32
      %dma_start3A_1124 = arith.constant 0 : i32
      %dma_start3A_1125 = tpu.memref_slice %arg8[%dma_start3A_1116, %dma_start3A_1123, %dma_start3A_1124] : memref<16x32x128xf32, #tpu.memory_space<vmem>> -> memref<1x32x128xf32, #tpu.memory_space<vmem>>
      %dma_start3A_1126 = tpu.memref_squeeze %dma_start3A_1125 : memref<1x32x128xf32, #tpu.memory_space<vmem>> -> memref<32x128xf32, #tpu.memory_space<vmem>>
      %dma_start3A_1127 = arith.constant 0 : i32
      %dma_start3A_1128 = tpu.memref_slice %arg3[%dma_start3A_1127, %multiple_of3A_1115] : memref<32x1000000xf32, #tpu.memory_space<hbm>> -> memref<32x128xf32, #tpu.memory_space<hbm>>
      tpu.enqueue_dma source(%dma_start3A_1128 : memref<32x128xf32, #tpu.memory_space<hbm>>) target(%dma_start3A_1126 : memref<32x128xf32, #tpu.memory_space<vmem>>) target_semaphore(%arg12 : memref<!tpu.dma_semaphore, #tpu.memory_space<semaphore_mem>>)
      %add3A_1129 = arith.constant 0 : i32
      %add3A_1130 = vector.broadcast %add3A_1129 : i32 to vector<16xi32>
      %add3A_1131 = arith.addi %iota3A, %add3A_1130 : vector<16xi32>
      tpu.vector_store_idx %arg9[%add3A_1131, %broadcast_in_dim3A_1090], %gather3A_1099 : memref<32x512xf32, #tpu.memory_space<vmem>>[vector<16xi32>, vector<16xi32>], vector<16xf32>,
      %add3A_1132 = arith.constant 16 : i32
      %add3A_1133 = vector.broadcast %add3A_1132 : i32 to vector<16xi32>
      %add3A_1134 = arith.addi %iota3A, %add3A_1133 : vector<16xi32>
      tpu.vector_store_idx %arg9[%add3A_1134, %broadcast_in_dim3A_1090], %gather3A_1108 : memref<32x512xf32, #tpu.memory_space<vmem>>[vector<16xi32>, vector<16xi32>], vector<16xf32>,
      %dma_wait3A_1135 = arith.constant 1 : i32
      %dma_wait3A_1136 = arith.constant 0 : i32
      %dma_wait3A_1137 = arith.constant 0 : i32
      %dma_wait3A_1138 = tpu.memref_slice %arg8[%dma_wait3A_1135, %dma_wait3A_1136, %dma_wait3A_1137] : memref<16x32x128xf32, #tpu.memory_space<vmem>> -> memref<1x32x128xf32, #tpu.memory_space<vmem>>
      %dma_wait3A_1139 = tpu.memref_squeeze %dma_wait3A_1138 : memref<1x32x128xf32, #tpu.memory_space<vmem>> -> memref<32x128xf32, #tpu.memory_space<vmem>>
      %dma_wait3A_1140 = arith.constant 0 : i32
      %dma_wait3A_1141 = arith.constant 0 : i32
      %dma_wait3A_1142 = tpu.memref_slice %arg3[%dma_wait3A_1140, %dma_wait3A_1141] : memref<32x1000000xf32, #tpu.memory_space<hbm>> -> memref<32x128xf32, #tpu.memory_space<hbm>>
      %dma_wait3A_1143 = arith.constant 0 : i32
      %dma_wait3A_1144 = arith.constant 0 : i32
      %dma_wait3A_1145 = tpu.memref_slice %arg8[%dma_wait3A_1135, %dma_wait3A_1143, %dma_wait3A_1144] : memref<16x32x128xf32, #tpu.memory_space<vmem>> -> memref<1x32x128xf32, #tpu.memory_space<vmem>>
      %dma_wait3A_1146 = tpu.memref_squeeze %dma_wait3A_1145 : memref<1x32x128xf32, #tpu.memory_space<vmem>> -> memref<32x128xf32, #tpu.memory_space<vmem>>
      %dma_wait3A_1147 = arith.constant 0 : i32
      %dma_wait3A_1148 = arith.constant 0 : i32
      %dma_wait3A_1149 = tpu.memref_slice %arg3[%dma_wait3A_1147, %dma_wait3A_1148] : memref<32x1000000xf32, #tpu.memory_space<hbm>> -> memref<32x128xf32, #tpu.memory_space<hbm>>
      tpu.wait_dma2 semaphore(%arg13 : memref<!tpu.dma_semaphore, #tpu.memory_space<semaphore_mem>>) src(%dma_wait3A_1149 : memref<32x128xf32, #tpu.memory_space<hbm>>) dst(%dma_wait3A_1146 : memref<32x128xf32, #tpu.memory_space<vmem>>)
      %sub3A_1150 = arith.constant 1 : i32
      %sub3A_1151 = arith.subi %scan3A_1059, %sub3A_1150 : i32
      %slice3A_1152 = vector.extract_strided_slice %scan3A_1060 {offsets = [1], sizes = [1], strides = [1]} : vector<16xi32> to vector<1xi32>
      %squeeze3A_1153 = vector.extract %slice3A_1152[0] : i32 from vector<1xi32>
      %and3A_1154 = arith.constant 127 : i32
      %and3A_1155 = arith.andi %squeeze3A_1153, %and3A_1154 : i32
      %broadcast_in_dim3A_1156 = vector.broadcast %and3A_1155 : i32 to vector<16xi32>
      %mul3A_1157 = arith.constant 16 : i32
      %mul3A_1158 = arith.muli %sub3A_1151, %mul3A_1157 : i32
      %add3A_1159 = arith.constant 1 : i32
      %add3A_1160 = arith.addi %mul3A_1158, %add3A_1159 : i32
      %broadcast_in_dim3A_1161 = vector.broadcast %add3A_1160 : i32 to vector<16xi32>
      %add3A_1162 = arith.constant 0 : i32
      %add3A_1163 = vector.broadcast %add3A_1162 : i32 to vector<16xi32>
      %add3A_1164 = arith.addi %iota3A, %add3A_1163 : vector<16xi32>
      %gather3A_1165 = arith.constant 1 : i32
      %gather3A_1166 = arith.constant 0 : i32
      %gather3A_1167 = arith.constant 0 : i32
      %gather3A_1168 = tpu.memref_slice %arg8[%gather3A_1165, %gather3A_1166, %gather3A_1167] : memref<16x32x128xf32, #tpu.memory_space<vmem>> -> memref<1x32x128xf32, #tpu.memory_space<vmem>>
      %gather3A_1169 = tpu.memref_squeeze %gather3A_1168 : memref<1x32x128xf32, #tpu.memory_space<vmem>> -> memref<32x128xf32, #tpu.memory_space<vmem>>
      %gather3A_1170 = tpu.vector_load_idx %gather3A_1169[%add3A_1164, %broadcast_in_dim3A_1156] : memref<32x128xf32, #tpu.memory_space<vmem>>[vector<16xi32>, vector<16xi32>], vector<16xf32>,
      %add3A_1171 = arith.constant 16 : i32
      %add3A_1172 = vector.broadcast %add3A_1171 : i32 to vector<16xi32>
      %add3A_1173 = arith.addi %iota3A, %add3A_1172 : vector<16xi32>
      %gather3A_1174 = arith.constant 1 : i32
      %gather3A_1175 = arith.constant 0 : i32
      %gather3A_1176 = arith.constant 0 : i32
      %gather3A_1177 = tpu.memref_slice %arg8[%gather3A_1174, %gather3A_1175, %gather3A_1176] : memref<16x32x128xf32, #tpu.memory_space<vmem>> -> memref<1x32x128xf32, #tpu.memory_space<vmem>>
      %gather3A_1178 = tpu.memref_squeeze %gather3A_1177 : memref<1x32x128xf32, #tpu.memory_space<vmem>> -> memref<32x128xf32, #tpu.memory_space<vmem>>
      %gather3A_1179 = tpu.vector_load_idx %gather3A_1178[%add3A_1173, %broadcast_in_dim3A_1156] : memref<32x128xf32, #tpu.memory_space<vmem>>[vector<16xi32>, vector<16xi32>], vector<16xf32>,
      %slice3A_1180 = vector.extract_strided_slice %get3A_1064 {offsets = [1], sizes = [1], strides = [1]} : vector<16xi32> to vector<1xi32>
      %squeeze3A_1181 = vector.extract %slice3A_1180[0] : i32 from vector<1xi32>
      %shift_right_logical3A_1182 = arith.constant 7 : i32
      %shift_right_logical3A_1183 = arith.shrui %squeeze3A_1181, %shift_right_logical3A_1182 : i32
      %shift_left3A_1184 = arith.constant 7 : i32
      %shift_left3A_1185 = arith.shli %shift_right_logical3A_1183, %shift_left3A_1184 : i32
      %multiple_of3A_1186 = tpu.assume_multiple %shift_left3A_1185, 128 : i32
      %dma_start3A_1187 = arith.constant 1 : i32
      %dma_start3A_1188 = arith.constant 0 : i32
      %dma_start3A_1189 = arith.constant 0 : i32
      %dma_start3A_1190 = tpu.memref_slice %arg8[%dma_start3A_1187, %dma_start3A_1188, %dma_start3A_1189] : memref<16x32x128xf32, #tpu.memory_space<vmem>> -> memref<1x32x128xf32, #tpu.memory_space<vmem>>
      %dma_start3A_1191 = tpu.memref_squeeze %dma_start3A_1190 : memref<1x32x128xf32, #tpu.memory_space<vmem>> -> memref<32x128xf32, #tpu.memory_space<vmem>>
      %dma_start3A_1192 = arith.constant 0 : i32
      %dma_start3A_1193 = tpu.memref_slice %arg3[%dma_start3A_1192, %multiple_of3A_1186] : memref<32x1000000xf32, #tpu.memory_space<hbm>> -> memref<32x128xf32, #tpu.memory_space<hbm>>
      %dma_start3A_1194 = arith.constant 0 : i32
      %dma_start3A_1195 = arith.constant 0 : i32
      %dma_start3A_1196 = tpu.memref_slice %arg8[%dma_start3A_1187, %dma_start3A_1194, %dma_start3A_1195] : memref<16x32x128xf32, #tpu.memory_space<vmem>> -> memref<1x32x128xf32, #tpu.memory_space<vmem>>
      %dma_start3A_1197 = tpu.memref_squeeze %dma_start3A_1196 : memref<1x32x128xf32, #tpu.memory_space<vmem>> -> memref<32x128xf32, #tpu.memory_space<vmem>>
      %dma_start3A_1198 = arith.constant 0 : i32
      %dma_start3A_1199 = tpu.memref_slice %arg3[%dma_start3A_1198, %multiple_of3A_1186] : memref<32x1000000xf32, #tpu.memory_space<hbm>> -> memref<32x128xf32, #tpu.memory_space<hbm>>
      tpu.enqueue_dma source(%dma_start3A_1199 : memref<32x128xf32, #tpu.memory_space<hbm>>) target(%dma_start3A_1197 : memref<32x128xf32, #tpu.memory_space<vmem>>) target_semaphore(%arg13 : memref<!tpu.dma_semaphore, #tpu.memory_space<semaphore_mem>>)
      %add3A_1200 = arith.constant 0 : i32
      %add3A_1201 = vector.broadcast %add3A_1200 : i32 to vector<16xi32>
      %add3A_1202 = arith.addi %iota3A, %add3A_1201 : vector<16xi32>
      tpu.vector_store_idx %arg9[%add3A_1202, %broadcast_in_dim3A_1161], %gather3A_1170 : memref<32x512xf32, #tpu.memory_space<vmem>>[vector<16xi32>, vector<16xi32>], vector<16xf32>,
      %add3A_1203 = arith.constant 16 : i32
      %add3A_1204 = vector.broadcast %add3A_1203 : i32 to vector<16xi32>
      %add3A_1205 = arith.addi %iota3A, %add3A_1204 : vector<16xi32>
      tpu.vector_store_idx %arg9[%add3A_1205, %broadcast_in_dim3A_1161], %gather3A_1179 : memref<32x512xf32, #tpu.memory_space<vmem>>[vector<16xi32>, vector<16xi32>], vector<16xf32>,
      %dma_wait3A_1206 = arith.constant 2 : i32
      %dma_wait3A_1207 = arith.constant 0 : i32
      %dma_wait3A_1208 = arith.constant 0 : i32
      %dma_wait3A_1209 = tpu.memref_slice %arg8[%dma_wait3A_1206, %dma_wait3A_1207, %dma_wait3A_1208] : memref<16x32x128xf32, #tpu.memory_space<vmem>> -> memref<1x32x128xf32, #tpu.memory_space<vmem>>
      %dma_wait3A_1210 = tpu.memref_squeeze %dma_wait3A_1209 : memref<1x32x128xf32, #tpu.memory_space<vmem>> -> memref<32x128xf32, #tpu.memory_space<vmem>>
      %dma_wait3A_1211 = arith.constant 0 : i32
      %dma_wait3A_1212 = arith.constant 0 : i32
      %dma_wait3A_1213 = tpu.memref_slice %arg3[%dma_wait3A_1211, %dma_wait3A_1212] : memref<32x1000000xf32, #tpu.memory_space<hbm>> -> memref<32x128xf32, #tpu.memory_space<hbm>>
      %dma_wait3A_1214 = arith.constant 0 : i32
      %dma_wait3A_1215 = arith.constant 0 : i32
      %dma_wait3A_1216 = tpu.memref_slice %arg8[%dma_wait3A_1206, %dma_wait3A_1214, %dma_wait3A_1215] : memref<16x32x128xf32, #tpu.memory_space<vmem>> -> memref<1x32x128xf32, #tpu.memory_space<vmem>>
      %dma_wait3A_1217 = tpu.memref_squeeze %dma_wait3A_1216 : memref<1x32x128xf32, #tpu.memory_space<vmem>> -> memref<32x128xf32, #tpu.memory_space<vmem>>
      %dma_wait3A_1218 = arith.constant 0 : i32
      %dma_wait3A_1219 = arith.constant 0 : i32
      %dma_wait3A_1220 = tpu.memref_slice %arg3[%dma_wait3A_1218, %dma_wait3A_1219] : memref<32x1000000xf32, #tpu.memory_space<hbm>> -> memref<32x128xf32, #tpu.memory_space<hbm>>
      tpu.wait_dma2 semaphore(%arg14 : memref<!tpu.dma_semaphore, #tpu.memory_space<semaphore_mem>>) src(%dma_wait3A_1220 : memref<32x128xf32, #tpu.memory_space<hbm>>) dst(%dma_wait3A_1217 : memref<32x128xf32, #tpu.memory_space<vmem>>)
      %sub3A_1221 = arith.constant 1 : i32
      %sub3A_1222 = arith.subi %scan3A_1059, %sub3A_1221 : i32
      %slice3A_1223 = vector.extract_strided_slice %scan3A_1060 {offsets = [2], sizes = [1], strides = [1]} : vector<16xi32> to vector<1xi32>
      %squeeze3A_1224 = vector.extract %slice3A_1223[0] : i32 from vector<1xi32>
      %and3A_1225 = arith.constant 127 : i32
      %and3A_1226 = arith.andi %squeeze3A_1224, %and3A_1225 : i32
      %broadcast_in_dim3A_1227 = vector.broadcast %and3A_1226 : i32 to vector<16xi32>
      %mul3A_1228 = arith.constant 16 : i32
      %mul3A_1229 = arith.muli %sub3A_1222, %mul3A_1228 : i32
      %add3A_1230 = arith.constant 2 : i32
      %add3A_1231 = arith.addi %mul3A_1229, %add3A_1230 : i32
      %broadcast_in_dim3A_1232 = vector.broadcast %add3A_1231 : i32 to vector<16xi32>
      %add3A_1233 = arith.constant 0 : i32
      %add3A_1234 = vector.broadcast %add3A_1233 : i32 to vector<16xi32>
      %add3A_1235 = arith.addi %iota3A, %add3A_1234 : vector<16xi32>
      %gather3A_1236 = arith.constant 2 : i32
      %gather3A_1237 = arith.constant 0 : i32
      %gather3A_1238 = arith.constant 0 : i32
      %gather3A_1239 = tpu.memref_slice %arg8[%gather3A_1236, %gather3A_1237, %gather3A_1238] : memref<16x32x128xf32, #tpu.memory_space<vmem>> -> memref<1x32x128xf32, #tpu.memory_space<vmem>>
      %gather3A_1240 = tpu.memref_squeeze %gather3A_1239 : memref<1x32x128xf32, #tpu.memory_space<vmem>> -> memref<32x128xf32, #tpu.memory_space<vmem>>
      %gather3A_1241 = tpu.vector_load_idx %gather3A_1240[%add3A_1235, %broadcast_in_dim3A_1227] : memref<32x128xf32, #tpu.memory_space<vmem>>[vector<16xi32>, vector<16xi32>], vector<16xf32>,
      %add3A_1242 = arith.constant 16 : i32
      %add3A_1243 = vector.broadcast %add3A_1242 : i32 to vector<16xi32>
      %add3A_1244 = arith.addi %iota3A, %add3A_1243 : vector<16xi32>
      %gather3A_1245 = arith.constant 2 : i32
      %gather3A_1246 = arith.constant 0 : i32
      %gather3A_1247 = arith.constant 0 : i32
      %gather3A_1248 = tpu.memref_slice %arg8[%gather3A_1245, %gather3A_1246, %gather3A_1247] : memref<16x32x128xf32, #tpu.memory_space<vmem>> -> memref<1x32x128xf32, #tpu.memory_space<vmem>>
      %gather3A_1249 = tpu.memref_squeeze %gather3A_1248 : memref<1x32x128xf32, #tpu.memory_space<vmem>> -> memref<32x128xf32, #tpu.memory_space<vmem>>
      %gather3A_1250 = tpu.vector_load_idx %gather3A_1249[%add3A_1244, %broadcast_in_dim3A_1227] : memref<32x128xf32, #tpu.memory_space<vmem>>[vector<16xi32>, vector<16xi32>], vector<16xf32>,
      %slice3A_1251 = vector.extract_strided_slice %get3A_1064 {offsets = [2], sizes = [1], strides = [1]} : vector<16xi32> to vector<1xi32>
      %squeeze3A_1252 = vector.extract %slice3A_1251[0] : i32 from vector<1xi32>
      %shift_right_logical3A_1253 = arith.constant 7 : i32
      %shift_right_logical3A_1254 = arith.shrui %squeeze3A_1252, %shift_right_logical3A_1253 : i32
      %shift_left3A_1255 = arith.constant 7 : i32
      %shift_left3A_1256 = arith.shli %shift_right_logical3A_1254, %shift_left3A_1255 : i32
      %multiple_of3A_1257 = tpu.assume_multiple %shift_left3A_1256, 128 : i32
      %dma_start3A_1258 = arith.constant 2 : i32
      %dma_start3A_1259 = arith.constant 0 : i32
      %dma_start3A_1260 = arith.constant 0 : i32
      %dma_start3A_1261 = tpu.memref_slice %arg8[%dma_start3A_1258, %dma_start3A_1259, %dma_start3A_1260] : memref<16x32x128xf32, #tpu.memory_space<vmem>> -> memref<1x32x128xf32, #tpu.memory_space<vmem>>
      %dma_start3A_1262 = tpu.memref_squeeze %dma_start3A_1261 : memref<1x32x128xf32, #tpu.memory_space<vmem>> -> memref<32x128xf32, #tpu.memory_space<vmem>>
      %dma_start3A_1263 = arith.constant 0 : i32
      %dma_start3A_1264 = tpu.memref_slice %arg3[%dma_start3A_1263, %multiple_of3A_1257] : memref<32x1000000xf32, #tpu.memory_space<hbm>> -> memref<32x128xf32, #tpu.memory_space<hbm>>
      %dma_start3A_1265 = arith.constant 0 : i32
      %dma_start3A_1266 = arith.constant 0 : i32
      %dma_start3A_1267 = tpu.memref_slice %arg8[%dma_start3A_1258, %dma_start3A_1265, %dma_start3A_1266] : memref<16x32x128xf32, #tpu.memory_space<vmem>> -> memref<1x32x128xf32, #tpu.memory_space<vmem>>
      %dma_start3A_1268 = tpu.memref_squeeze %dma_start3A_1267 : memref<1x32x128xf32, #tpu.memory_space<vmem>> -> memref<32x128xf32, #tpu.memory_space<vmem>>
      %dma_start3A_1269 = arith.constant 0 : i32
      %dma_start3A_1270 = tpu.memref_slice %arg3[%dma_start3A_1269, %multiple_of3A_1257] : memref<32x1000000xf32, #tpu.memory_space<hbm>> -> memref<32x128xf32, #tpu.memory_space<hbm>>
      tpu.enqueue_dma source(%dma_start3A_1270 : memref<32x128xf32, #tpu.memory_space<hbm>>) target(%dma_start3A_1268 : memref<32x128xf32, #tpu.memory_space<vmem>>) target_semaphore(%arg14 : memref<!tpu.dma_semaphore, #tpu.memory_space<semaphore_mem>>)
      %add3A_1271 = arith.constant 0 : i32
      %add3A_1272 = vector.broadcast %add3A_1271 : i32 to vector<16xi32>
      %add3A_1273 = arith.addi %iota3A, %add3A_1272 : vector<16xi32>
      tpu.vector_store_idx %arg9[%add3A_1273, %broadcast_in_dim3A_1232], %gather3A_1241 : memref<32x512xf32, #tpu.memory_space<vmem>>[vector<16xi32>, vector<16xi32>], vector<16xf32>,
      %add3A_1274 = arith.constant 16 : i32
      %add3A_1275 = vector.broadcast %add3A_1274 : i32 to vector<16xi32>
      %add3A_1276 = arith.addi %iota3A, %add3A_1275 : vector<16xi32>
      tpu.vector_store_idx %arg9[%add3A_1276, %broadcast_in_dim3A_1232], %gather3A_1250 : memref<32x512xf32, #tpu.memory_space<vmem>>[vector<16xi32>, vector<16xi32>], vector<16xf32>,
      %dma_wait3A_1277 = arith.constant 3 : i32
      %dma_wait3A_1278 = arith.constant 0 : i32
      %dma_wait3A_1279 = arith.constant 0 : i32
      %dma_wait3A_1280 = tpu.memref_slice %arg8[%dma_wait3A_1277, %dma_wait3A_1278, %dma_wait3A_1279] : memref<16x32x128xf32, #tpu.memory_space<vmem>> -> memref<1x32x128xf32, #tpu.memory_space<vmem>>
      %dma_wait3A_1281 = tpu.memref_squeeze %dma_wait3A_1280 : memref<1x32x128xf32, #tpu.memory_space<vmem>> -> memref<32x128xf32, #tpu.memory_space<vmem>>
      %dma_wait3A_1282 = arith.constant 0 : i32
      %dma_wait3A_1283 = arith.constant 0 : i32
      %dma_wait3A_1284 = tpu.memref_slice %arg3[%dma_wait3A_1282, %dma_wait3A_1283] : memref<32x1000000xf32, #tpu.memory_space<hbm>> -> memref<32x128xf32, #tpu.memory_space<hbm>>
      %dma_wait3A_1285 = arith.constant 0 : i32
      %dma_wait3A_1286 = arith.constant 0 : i32
      %dma_wait3A_1287 = tpu.memref_slice %arg8[%dma_wait3A_1277, %dma_wait3A_1285, %dma_wait3A_1286] : memref<16x32x128xf32, #tpu.memory_space<vmem>> -> memref<1x32x128xf32, #tpu.memory_space<vmem>>
      %dma_wait3A_1288 = tpu.memref_squeeze %dma_wait3A_1287 : memref<1x32x128xf32, #tpu.memory_space<vmem>> -> memref<32x128xf32, #tpu.memory_space<vmem>>
      %dma_wait3A_1289 = arith.constant 0 : i32
      %dma_wait3A_1290 = arith.constant 0 : i32
      %dma_wait3A_1291 = tpu.memref_slice %arg3[%dma_wait3A_1289, %dma_wait3A_1290] : memref<32x1000000xf32, #tpu.memory_space<hbm>> -> memref<32x128xf32, #tpu.memory_space<hbm>>
      tpu.wait_dma2 semaphore(%arg15 : memref<!tpu.dma_semaphore, #tpu.memory_space<semaphore_mem>>) src(%dma_wait3A_1291 : memref<32x128xf32, #tpu.memory_space<hbm>>) dst(%dma_wait3A_1288 : memref<32x128xf32, #tpu.memory_space<vmem>>)
      %sub3A_1292 = arith.constant 1 : i32
      %sub3A_1293 = arith.subi %scan3A_1059, %sub3A_1292 : i32
      %slice3A_1294 = vector.extract_strided_slice %scan3A_1060 {offsets = [3], sizes = [1], strides = [1]} : vector<16xi32> to vector<1xi32>
      %squeeze3A_1295 = vector.extract %slice3A_1294[0] : i32 from vector<1xi32>
      %and3A_1296 = arith.constant 127 : i32
      %and3A_1297 = arith.andi %squeeze3A_1295, %and3A_1296 : i32
      %broadcast_in_dim3A_1298 = vector.broadcast %and3A_1297 : i32 to vector<16xi32>
      %mul3A_1299 = arith.constant 16 : i32
      %mul3A_1300 = arith.muli %sub3A_1293, %mul3A_1299 : i32
      %add3A_1301 = arith.constant 3 : i32
      %add3A_1302 = arith.addi %mul3A_1300, %add3A_1301 : i32
      %broadcast_in_dim3A_1303 = vector.broadcast %add3A_1302 : i32 to vector<16xi32>
      %add3A_1304 = arith.constant 0 : i32
      %add3A_1305 = vector.broadcast %add3A_1304 : i32 to vector<16xi32>
      %add3A_1306 = arith.addi %iota3A, %add3A_1305 : vector<16xi32>
      %gather3A_1307 = arith.constant 3 : i32
      %gather3A_1308 = arith.constant 0 : i32
      %gather3A_1309 = arith.constant 0 : i32
      %gather3A_1310 = tpu.memref_slice %arg8[%gather3A_1307, %gather3A_1308, %gather3A_1309] : memref<16x32x128xf32, #tpu.memory_space<vmem>> -> memref<1x32x128xf32, #tpu.memory_space<vmem>>
      %gather3A_1311 = tpu.memref_squeeze %gather3A_1310 : memref<1x32x128xf32, #tpu.memory_space<vmem>> -> memref<32x128xf32, #tpu.memory_space<vmem>>
      %gather3A_1312 = tpu.vector_load_idx %gather3A_1311[%add3A_1306, %broadcast_in_dim3A_1298] : memref<32x128xf32, #tpu.memory_space<vmem>>[vector<16xi32>, vector<16xi32>], vector<16xf32>,
      %add3A_1313 = arith.constant 16 : i32
      %add3A_1314 = vector.broadcast %add3A_1313 : i32 to vector<16xi32>
      %add3A_1315 = arith.addi %iota3A, %add3A_1314 : vector<16xi32>
      %gather3A_1316 = arith.constant 3 : i32
      %gather3A_1317 = arith.constant 0 : i32
      %gather3A_1318 = arith.constant 0 : i32
      %gather3A_1319 = tpu.memref_slice %arg8[%gather3A_1316, %gather3A_1317, %gather3A_1318] : memref<16x32x128xf32, #tpu.memory_space<vmem>> -> memref<1x32x128xf32, #tpu.memory_space<vmem>>
      %gather3A_1320 = tpu.memref_squeeze %gather3A_1319 : memref<1x32x128xf32, #tpu.memory_space<vmem>> -> memref<32x128xf32, #tpu.memory_space<vmem>>
      %gather3A_1321 = tpu.vector_load_idx %gather3A_1320[%add3A_1315, %broadcast_in_dim3A_1298] : memref<32x128xf32, #tpu.memory_space<vmem>>[vector<16xi32>, vector<16xi32>], vector<16xf32>,
      %slice3A_1322 = vector.extract_strided_slice %get3A_1064 {offsets = [3], sizes = [1], strides = [1]} : vector<16xi32> to vector<1xi32>
      %squeeze3A_1323 = vector.extract %slice3A_1322[0] : i32 from vector<1xi32>
      %shift_right_logical3A_1324 = arith.constant 7 : i32
      %shift_right_logical3A_1325 = arith.shrui %squeeze3A_1323, %shift_right_logical3A_1324 : i32
      %shift_left3A_1326 = arith.constant 7 : i32
      %shift_left3A_1327 = arith.shli %shift_right_logical3A_1325, %shift_left3A_1326 : i32
      %multiple_of3A_1328 = tpu.assume_multiple %shift_left3A_1327, 128 : i32
      %dma_start3A_1329 = arith.constant 3 : i32
      %dma_start3A_1330 = arith.constant 0 : i32
      %dma_start3A_1331 = arith.constant 0 : i32
      %dma_start3A_1332 = tpu.memref_slice %arg8[%dma_start3A_1329, %dma_start3A_1330, %dma_start3A_1331] : memref<16x32x128xf32, #tpu.memory_space<vmem>> -> memref<1x32x128xf32, #tpu.memory_space<vmem>>
      %dma_start3A_1333 = tpu.memref_squeeze %dma_start3A_1332 : memref<1x32x128xf32, #tpu.memory_space<vmem>> -> memref<32x128xf32, #tpu.memory_space<vmem>>
      %dma_start3A_1334 = arith.constant 0 : i32
      %dma_start3A_1335 = tpu.memref_slice %arg3[%dma_start3A_1334, %multiple_of3A_1328] : memref<32x1000000xf32, #tpu.memory_space<hbm>> -> memref<32x128xf32, #tpu.memory_space<hbm>>
      %dma_start3A_1336 = arith.constant 0 : i32
      %dma_start3A_1337 = arith.constant 0 : i32
      %dma_start3A_1338 = tpu.memref_slice %arg8[%dma_start3A_1329, %dma_start3A_1336, %dma_start3A_1337] : memref<16x32x128xf32, #tpu.memory_space<vmem>> -> memref<1x32x128xf32, #tpu.memory_space<vmem>>
      %dma_start3A_1339 = tpu.memref_squeeze %dma_start3A_1338 : memref<1x32x128xf32, #tpu.memory_space<vmem>> -> memref<32x128xf32, #tpu.memory_space<vmem>>
      %dma_start3A_1340 = arith.constant 0 : i32
      %dma_start3A_1341 = tpu.memref_slice %arg3[%dma_start3A_1340, %multiple_of3A_1328] : memref<32x1000000xf32, #tpu.memory_space<hbm>> -> memref<32x128xf32, #tpu.memory_space<hbm>>
      tpu.enqueue_dma source(%dma_start3A_1341 : memref<32x128xf32, #tpu.memory_space<hbm>>) target(%dma_start3A_1339 : memref<32x128xf32, #tpu.memory_space<vmem>>) target_semaphore(%arg15 : memref<!tpu.dma_semaphore, #tpu.memory_space<semaphore_mem>>)
      %add3A_1342 = arith.constant 0 : i32
      %add3A_1343 = vector.broadcast %add3A_1342 : i32 to vector<16xi32>
      %add3A_1344 = arith.addi %iota3A, %add3A_1343 : vector<16xi32>
      tpu.vector_store_idx %arg9[%add3A_1344, %broadcast_in_dim3A_1303], %gather3A_1312 : memref<32x512xf32, #tpu.memory_space<vmem>>[vector<16xi32>, vector<16xi32>], vector<16xf32>,
      %add3A_1345 = arith.constant 16 : i32
      %add3A_1346 = vector.broadcast %add3A_1345 : i32 to vector<16xi32>
      %add3A_1347 = arith.addi %iota3A, %add3A_1346 : vector<16xi32>
      tpu.vector_store_idx %arg9[%add3A_1347, %broadcast_in_dim3A_1303], %gather3A_1321 : memref<32x512xf32, #tpu.memory_space<vmem>>[vector<16xi32>, vector<16xi32>], vector<16xf32>,
      %dma_wait3A_1348 = arith.constant 4 : i32
      %dma_wait3A_1349 = arith.constant 0 : i32
      %dma_wait3A_1350 = arith.constant 0 : i32
      %dma_wait3A_1351 = tpu.memref_slice %arg8[%dma_wait3A_1348, %dma_wait3A_1349, %dma_wait3A_1350] : memref<16x32x128xf32, #tpu.memory_space<vmem>> -> memref<1x32x128xf32, #tpu.memory_space<vmem>>
      %dma_wait3A_1352 = tpu.memref_squeeze %dma_wait3A_1351 : memref<1x32x128xf32, #tpu.memory_space<vmem>> -> memref<32x128xf32, #tpu.memory_space<vmem>>
      %dma_wait3A_1353 = arith.constant 0 : i32
      %dma_wait3A_1354 = arith.constant 0 : i32
      %dma_wait3A_1355 = tpu.memref_slice %arg3[%dma_wait3A_1353, %dma_wait3A_1354] : memref<32x1000000xf32, #tpu.memory_space<hbm>> -> memref<32x128xf32, #tpu.memory_space<hbm>>
      %dma_wait3A_1356 = arith.constant 0 : i32
      %dma_wait3A_1357 = arith.constant 0 : i32
      %dma_wait3A_1358 = tpu.memref_slice %arg8[%dma_wait3A_1348, %dma_wait3A_1356, %dma_wait3A_1357] : memref<16x32x128xf32, #tpu.memory_space<vmem>> -> memref<1x32x128xf32, #tpu.memory_space<vmem>>
      %dma_wait3A_1359 = tpu.memref_squeeze %dma_wait3A_1358 : memref<1x32x128xf32, #tpu.memory_space<vmem>> -> memref<32x128xf32, #tpu.memory_space<vmem>>
      %dma_wait3A_1360 = arith.constant 0 : i32
      %dma_wait3A_1361 = arith.constant 0 : i32
      %dma_wait3A_1362 = tpu.memref_slice %arg3[%dma_wait3A_1360, %dma_wait3A_1361] : memref<32x1000000xf32, #tpu.memory_space<hbm>> -> memref<32x128xf32, #tpu.memory_space<hbm>>
      tpu.wait_dma2 semaphore(%arg16 : memref<!tpu.dma_semaphore, #tpu.memory_space<semaphore_mem>>) src(%dma_wait3A_1362 : memref<32x128xf32, #tpu.memory_space<hbm>>) dst(%dma_wait3A_1359 : memref<32x128xf32, #tpu.memory_space<vmem>>)
      %sub3A_1363 = arith.constant 1 : i32
      %sub3A_1364 = arith.subi %scan3A_1059, %sub3A_1363 : i32
      %slice3A_1365 = vector.extract_strided_slice %scan3A_1060 {offsets = [4], sizes = [1], strides = [1]} : vector<16xi32> to vector<1xi32>
      %squeeze3A_1366 = vector.extract %slice3A_1365[0] : i32 from vector<1xi32>
      %and3A_1367 = arith.constant 127 : i32
      %and3A_1368 = arith.andi %squeeze3A_1366, %and3A_1367 : i32
      %broadcast_in_dim3A_1369 = vector.broadcast %and3A_1368 : i32 to vector<16xi32>
      %mul3A_1370 = arith.constant 16 : i32
      %mul3A_1371 = arith.muli %sub3A_1364, %mul3A_1370 : i32
      %add3A_1372 = arith.constant 4 : i32
      %add3A_1373 = arith.addi %mul3A_1371, %add3A_1372 : i32
      %broadcast_in_dim3A_1374 = vector.broadcast %add3A_1373 : i32 to vector<16xi32>
      %add3A_1375 = arith.constant 0 : i32
      %add3A_1376 = vector.broadcast %add3A_1375 : i32 to vector<16xi32>
      %add3A_1377 = arith.addi %iota3A, %add3A_1376 : vector<16xi32>
      %gather3A_1378 = arith.constant 4 : i32
      %gather3A_1379 = arith.constant 0 : i32
      %gather3A_1380 = arith.constant 0 : i32
      %gather3A_1381 = tpu.memref_slice %arg8[%gather3A_1378, %gather3A_1379, %gather3A_1380] : memref<16x32x128xf32, #tpu.memory_space<vmem>> -> memref<1x32x128xf32, #tpu.memory_space<vmem>>
      %gather3A_1382 = tpu.memref_squeeze %gather3A_1381 : memref<1x32x128xf32, #tpu.memory_space<vmem>> -> memref<32x128xf32, #tpu.memory_space<vmem>>
      %gather3A_1383 = tpu.vector_load_idx %gather3A_1382[%add3A_1377, %broadcast_in_dim3A_1369] : memref<32x128xf32, #tpu.memory_space<vmem>>[vector<16xi32>, vector<16xi32>], vector<16xf32>,
      %add3A_1384 = arith.constant 16 : i32
      %add3A_1385 = vector.broadcast %add3A_1384 : i32 to vector<16xi32>
      %add3A_1386 = arith.addi %iota3A, %add3A_1385 : vector<16xi32>
      %gather3A_1387 = arith.constant 4 : i32
      %gather3A_1388 = arith.constant 0 : i32
      %gather3A_1389 = arith.constant 0 : i32
      %gather3A_1390 = tpu.memref_slice %arg8[%gather3A_1387, %gather3A_1388, %gather3A_1389] : memref<16x32x128xf32, #tpu.memory_space<vmem>> -> memref<1x32x128xf32, #tpu.memory_space<vmem>>
      %gather3A_1391 = tpu.memref_squeeze %gather3A_1390 : memref<1x32x128xf32, #tpu.memory_space<vmem>> -> memref<32x128xf32, #tpu.memory_space<vmem>>
      %gather3A_1392 = tpu.vector_load_idx %gather3A_1391[%add3A_1386, %broadcast_in_dim3A_1369] : memref<32x128xf32, #tpu.memory_space<vmem>>[vector<16xi32>, vector<16xi32>], vector<16xf32>,
      %slice3A_1393 = vector.extract_strided_slice %get3A_1064 {offsets = [4], sizes = [1], strides = [1]} : vector<16xi32> to vector<1xi32>
      %squeeze3A_1394 = vector.extract %slice3A_1393[0] : i32 from vector<1xi32>
      %shift_right_logical3A_1395 = arith.constant 7 : i32
      %shift_right_logical3A_1396 = arith.shrui %squeeze3A_1394, %shift_right_logical3A_1395 : i32
      %shift_left3A_1397 = arith.constant 7 : i32
      %shift_left3A_1398 = arith.shli %shift_right_logical3A_1396, %shift_left3A_1397 : i32
      %multiple_of3A_1399 = tpu.assume_multiple %shift_left3A_1398, 128 : i32
      %dma_start3A_1400 = arith.constant 4 : i32
      %dma_start3A_1401 = arith.constant 0 : i32
      %dma_start3A_1402 = arith.constant 0 : i32
      %dma_start3A_1403 = tpu.memref_slice %arg8[%dma_start3A_1400, %dma_start3A_1401, %dma_start3A_1402] : memref<16x32x128xf32, #tpu.memory_space<vmem>> -> memref<1x32x128xf32, #tpu.memory_space<vmem>>
      %dma_start3A_1404 = tpu.memref_squeeze %dma_start3A_1403 : memref<1x32x128xf32, #tpu.memory_space<vmem>> -> memref<32x128xf32, #tpu.memory_space<vmem>>
      %dma_start3A_1405 = arith.constant 0 : i32
      %dma_start3A_1406 = tpu.memref_slice %arg3[%dma_start3A_1405, %multiple_of3A_1399] : memref<32x1000000xf32, #tpu.memory_space<hbm>> -> memref<32x128xf32, #tpu.memory_space<hbm>>
      %dma_start3A_1407 = arith.constant 0 : i32
      %dma_start3A_1408 = arith.constant 0 : i32
      %dma_start3A_1409 = tpu.memref_slice %arg8[%dma_start3A_1400, %dma_start3A_1407, %dma_start3A_1408] : memref<16x32x128xf32, #tpu.memory_space<vmem>> -> memref<1x32x128xf32, #tpu.memory_space<vmem>>
      %dma_start3A_1410 = tpu.memref_squeeze %dma_start3A_1409 : memref<1x32x128xf32, #tpu.memory_space<vmem>> -> memref<32x128xf32, #tpu.memory_space<vmem>>
      %dma_start3A_1411 = arith.constant 0 : i32
      %dma_start3A_1412 = tpu.memref_slice %arg3[%dma_start3A_1411, %multiple_of3A_1399] : memref<32x1000000xf32, #tpu.memory_space<hbm>> -> memref<32x128xf32, #tpu.memory_space<hbm>>
      tpu.enqueue_dma source(%dma_start3A_1412 : memref<32x128xf32, #tpu.memory_space<hbm>>) target(%dma_start3A_1410 : memref<32x128xf32, #tpu.memory_space<vmem>>) target_semaphore(%arg16 : memref<!tpu.dma_semaphore, #tpu.memory_space<semaphore_mem>>)
      %add3A_1413 = arith.constant 0 : i32
      %add3A_1414 = vector.broadcast %add3A_1413 : i32 to vector<16xi32>
      %add3A_1415 = arith.addi %iota3A, %add3A_1414 : vector<16xi32>
      tpu.vector_store_idx %arg9[%add3A_1415, %broadcast_in_dim3A_1374], %gather3A_1383 : memref<32x512xf32, #tpu.memory_space<vmem>>[vector<16xi32>, vector<16xi32>], vector<16xf32>,
      %add3A_1416 = arith.constant 16 : i32
      %add3A_1417 = vector.broadcast %add3A_1416 : i32 to vector<16xi32>
      %add3A_1418 = arith.addi %iota3A, %add3A_1417 : vector<16xi32>
      tpu.vector_store_idx %arg9[%add3A_1418, %broadcast_in_dim3A_1374], %gather3A_1392 : memref<32x512xf32, #tpu.memory_space<vmem>>[vector<16xi32>, vector<16xi32>], vector<16xf32>,
      %dma_wait3A_1419 = arith.constant 5 : i32
      %dma_wait3A_1420 = arith.constant 0 : i32
      %dma_wait3A_1421 = arith.constant 0 : i32
      %dma_wait3A_1422 = tpu.memref_slice %arg8[%dma_wait3A_1419, %dma_wait3A_1420, %dma_wait3A_1421] : memref<16x32x128xf32, #tpu.memory_space<vmem>> -> memref<1x32x128xf32, #tpu.memory_space<vmem>>
      %dma_wait3A_1423 = tpu.memref_squeeze %dma_wait3A_1422 : memref<1x32x128xf32, #tpu.memory_space<vmem>> -> memref<32x128xf32, #tpu.memory_space<vmem>>
      %dma_wait3A_1424 = arith.constant 0 : i32
      %dma_wait3A_1425 = arith.constant 0 : i32
      %dma_wait3A_1426 = tpu.memref_slice %arg3[%dma_wait3A_1424, %dma_wait3A_1425] : memref<32x1000000xf32, #tpu.memory_space<hbm>> -> memref<32x128xf32, #tpu.memory_space<hbm>>
      %dma_wait3A_1427 = arith.constant 0 : i32
      %dma_wait3A_1428 = arith.constant 0 : i32
      %dma_wait3A_1429 = tpu.memref_slice %arg8[%dma_wait3A_1419, %dma_wait3A_1427, %dma_wait3A_1428] : memref<16x32x128xf32, #tpu.memory_space<vmem>> -> memref<1x32x128xf32, #tpu.memory_space<vmem>>
      %dma_wait3A_1430 = tpu.memref_squeeze %dma_wait3A_1429 : memref<1x32x128xf32, #tpu.memory_space<vmem>> -> memref<32x128xf32, #tpu.memory_space<vmem>>
      %dma_wait3A_1431 = arith.constant 0 : i32
      %dma_wait3A_1432 = arith.constant 0 : i32
      %dma_wait3A_1433 = tpu.memref_slice %arg3[%dma_wait3A_1431, %dma_wait3A_1432] : memref<32x1000000xf32, #tpu.memory_space<hbm>> -> memref<32x128xf32, #tpu.memory_space<hbm>>
      tpu.wait_dma2 semaphore(%arg17 : memref<!tpu.dma_semaphore, #tpu.memory_space<semaphore_mem>>) src(%dma_wait3A_1433 : memref<32x128xf32, #tpu.memory_space<hbm>>) dst(%dma_wait3A_1430 : memref<32x128xf32, #tpu.memory_space<vmem>>)
      %sub3A_1434 = arith.constant 1 : i32
      %sub3A_1435 = arith.subi %scan3A_1059, %sub3A_1434 : i32
      %slice3A_1436 = vector.extract_strided_slice %scan3A_1060 {offsets = [5], sizes = [1], strides = [1]} : vector<16xi32> to vector<1xi32>
      %squeeze3A_1437 = vector.extract %slice3A_1436[0] : i32 from vector<1xi32>
      %and3A_1438 = arith.constant 127 : i32
      %and3A_1439 = arith.andi %squeeze3A_1437, %and3A_1438 : i32
      %broadcast_in_dim3A_1440 = vector.broadcast %and3A_1439 : i32 to vector<16xi32>
      %mul3A_1441 = arith.constant 16 : i32
      %mul3A_1442 = arith.muli %sub3A_1435, %mul3A_1441 : i32
      %add3A_1443 = arith.constant 5 : i32
      %add3A_1444 = arith.addi %mul3A_1442, %add3A_1443 : i32
      %broadcast_in_dim3A_1445 = vector.broadcast %add3A_1444 : i32 to vector<16xi32>
      %add3A_1446 = arith.constant 0 : i32
      %add3A_1447 = vector.broadcast %add3A_1446 : i32 to vector<16xi32>
      %add3A_1448 = arith.addi %iota3A, %add3A_1447 : vector<16xi32>
      %gather3A_1449 = arith.constant 5 : i32
      %gather3A_1450 = arith.constant 0 : i32
      %gather3A_1451 = arith.constant 0 : i32
      %gather3A_1452 = tpu.memref_slice %arg8[%gather3A_1449, %gather3A_1450, %gather3A_1451] : memref<16x32x128xf32, #tpu.memory_space<vmem>> -> memref<1x32x128xf32, #tpu.memory_space<vmem>>
      %gather3A_1453 = tpu.memref_squeeze %gather3A_1452 : memref<1x32x128xf32, #tpu.memory_space<vmem>> -> memref<32x128xf32, #tpu.memory_space<vmem>>
      %gather3A_1454 = tpu.vector_load_idx %gather3A_1453[%add3A_1448, %broadcast_in_dim3A_1440] : memref<32x128xf32, #tpu.memory_space<vmem>>[vector<16xi32>, vector<16xi32>], vector<16xf32>,
      %add3A_1455 = arith.constant 16 : i32
      %add3A_1456 = vector.broadcast %add3A_1455 : i32 to vector<16xi32>
      %add3A_1457 = arith.addi %iota3A, %add3A_1456 : vector<16xi32>
      %gather3A_1458 = arith.constant 5 : i32
      %gather3A_1459 = arith.constant 0 : i32
      %gather3A_1460 = arith.constant 0 : i32
      %gather3A_1461 = tpu.memref_slice %arg8[%gather3A_1458, %gather3A_1459, %gather3A_1460] : memref<16x32x128xf32, #tpu.memory_space<vmem>> -> memref<1x32x128xf32, #tpu.memory_space<vmem>>
      %gather3A_1462 = tpu.memref_squeeze %gather3A_1461 : memref<1x32x128xf32, #tpu.memory_space<vmem>> -> memref<32x128xf32, #tpu.memory_space<vmem>>
      %gather3A_1463 = tpu.vector_load_idx %gather3A_1462[%add3A_1457, %broadcast_in_dim3A_1440] : memref<32x128xf32, #tpu.memory_space<vmem>>[vector<16xi32>, vector<16xi32>], vector<16xf32>,
      %slice3A_1464 = vector.extract_strided_slice %get3A_1064 {offsets = [5], sizes = [1], strides = [1]} : vector<16xi32> to vector<1xi32>
      %squeeze3A_1465 = vector.extract %slice3A_1464[0] : i32 from vector<1xi32>
      %shift_right_logical3A_1466 = arith.constant 7 : i32
      %shift_right_logical3A_1467 = arith.shrui %squeeze3A_1465, %shift_right_logical3A_1466 : i32
      %shift_left3A_1468 = arith.constant 7 : i32
      %shift_left3A_1469 = arith.shli %shift_right_logical3A_1467, %shift_left3A_1468 : i32
      %multiple_of3A_1470 = tpu.assume_multiple %shift_left3A_1469, 128 : i32
      %dma_start3A_1471 = arith.constant 5 : i32
      %dma_start3A_1472 = arith.constant 0 : i32
      %dma_start3A_1473 = arith.constant 0 : i32
      %dma_start3A_1474 = tpu.memref_slice %arg8[%dma_start3A_1471, %dma_start3A_1472, %dma_start3A_1473] : memref<16x32x128xf32, #tpu.memory_space<vmem>> -> memref<1x32x128xf32, #tpu.memory_space<vmem>>
      %dma_start3A_1475 = tpu.memref_squeeze %dma_start3A_1474 : memref<1x32x128xf32, #tpu.memory_space<vmem>> -> memref<32x128xf32, #tpu.memory_space<vmem>>
      %dma_start3A_1476 = arith.constant 0 : i32
      %dma_start3A_1477 = tpu.memref_slice %arg3[%dma_start3A_1476, %multiple_of3A_1470] : memref<32x1000000xf32, #tpu.memory_space<hbm>> -> memref<32x128xf32, #tpu.memory_space<hbm>>
      %dma_start3A_1478 = arith.constant 0 : i32
      %dma_start3A_1479 = arith.constant 0 : i32
      %dma_start3A_1480 = tpu.memref_slice %arg8[%dma_start3A_1471, %dma_start3A_1478, %dma_start3A_1479] : memref<16x32x128xf32, #tpu.memory_space<vmem>> -> memref<1x32x128xf32, #tpu.memory_space<vmem>>
      %dma_start3A_1481 = tpu.memref_squeeze %dma_start3A_1480 : memref<1x32x128xf32, #tpu.memory_space<vmem>> -> memref<32x128xf32, #tpu.memory_space<vmem>>
      %dma_start3A_1482 = arith.constant 0 : i32
      %dma_start3A_1483 = tpu.memref_slice %arg3[%dma_start3A_1482, %multiple_of3A_1470] : memref<32x1000000xf32, #tpu.memory_space<hbm>> -> memref<32x128xf32, #tpu.memory_space<hbm>>
      tpu.enqueue_dma source(%dma_start3A_1483 : memref<32x128xf32, #tpu.memory_space<hbm>>) target(%dma_start3A_1481 : memref<32x128xf32, #tpu.memory_space<vmem>>) target_semaphore(%arg17 : memref<!tpu.dma_semaphore, #tpu.memory_space<semaphore_mem>>)
      %add3A_1484 = arith.constant 0 : i32
      %add3A_1485 = vector.broadcast %add3A_1484 : i32 to vector<16xi32>
      %add3A_1486 = arith.addi %iota3A, %add3A_1485 : vector<16xi32>
      tpu.vector_store_idx %arg9[%add3A_1486, %broadcast_in_dim3A_1445], %gather3A_1454 : memref<32x512xf32, #tpu.memory_space<vmem>>[vector<16xi32>, vector<16xi32>], vector<16xf32>,
      %add3A_1487 = arith.constant 16 : i32
      %add3A_1488 = vector.broadcast %add3A_1487 : i32 to vector<16xi32>
      %add3A_1489 = arith.addi %iota3A, %add3A_1488 : vector<16xi32>
      tpu.vector_store_idx %arg9[%add3A_1489, %broadcast_in_dim3A_1445], %gather3A_1463 : memref<32x512xf32, #tpu.memory_space<vmem>>[vector<16xi32>, vector<16xi32>], vector<16xf32>,
      %dma_wait3A_1490 = arith.constant 6 : i32
      %dma_wait3A_1491 = arith.constant 0 : i32
      %dma_wait3A_1492 = arith.constant 0 : i32
      %dma_wait3A_1493 = tpu.memref_slice %arg8[%dma_wait3A_1490, %dma_wait3A_1491, %dma_wait3A_1492] : memref<16x32x128xf32, #tpu.memory_space<vmem>> -> memref<1x32x128xf32, #tpu.memory_space<vmem>>
      %dma_wait3A_1494 = tpu.memref_squeeze %dma_wait3A_1493 : memref<1x32x128xf32, #tpu.memory_space<vmem>> -> memref<32x128xf32, #tpu.memory_space<vmem>>
      %dma_wait3A_1495 = arith.constant 0 : i32
      %dma_wait3A_1496 = arith.constant 0 : i32
      %dma_wait3A_1497 = tpu.memref_slice %arg3[%dma_wait3A_1495, %dma_wait3A_1496] : memref<32x1000000xf32, #tpu.memory_space<hbm>> -> memref<32x128xf32, #tpu.memory_space<hbm>>
      %dma_wait3A_1498 = arith.constant 0 : i32
      %dma_wait3A_1499 = arith.constant 0 : i32
      %dma_wait3A_1500 = tpu.memref_slice %arg8[%dma_wait3A_1490, %dma_wait3A_1498, %dma_wait3A_1499] : memref<16x32x128xf32, #tpu.memory_space<vmem>> -> memref<1x32x128xf32, #tpu.memory_space<vmem>>
      %dma_wait3A_1501 = tpu.memref_squeeze %dma_wait3A_1500 : memref<1x32x128xf32, #tpu.memory_space<vmem>> -> memref<32x128xf32, #tpu.memory_space<vmem>>
      %dma_wait3A_1502 = arith.constant 0 : i32
      %dma_wait3A_1503 = arith.constant 0 : i32
      %dma_wait3A_1504 = tpu.memref_slice %arg3[%dma_wait3A_1502, %dma_wait3A_1503] : memref<32x1000000xf32, #tpu.memory_space<hbm>> -> memref<32x128xf32, #tpu.memory_space<hbm>>
      tpu.wait_dma2 semaphore(%arg18 : memref<!tpu.dma_semaphore, #tpu.memory_space<semaphore_mem>>) src(%dma_wait3A_1504 : memref<32x128xf32, #tpu.memory_space<hbm>>) dst(%dma_wait3A_1501 : memref<32x128xf32, #tpu.memory_space<vmem>>)
      %sub3A_1505 = arith.constant 1 : i32
      %sub3A_1506 = arith.subi %scan3A_1059, %sub3A_1505 : i32
      %slice3A_1507 = vector.extract_strided_slice %scan3A_1060 {offsets = [6], sizes = [1], strides = [1]} : vector<16xi32> to vector<1xi32>
      %squeeze3A_1508 = vector.extract %slice3A_1507[0] : i32 from vector<1xi32>
      %and3A_1509 = arith.constant 127 : i32
      %and3A_1510 = arith.andi %squeeze3A_1508, %and3A_1509 : i32
      %broadcast_in_dim3A_1511 = vector.broadcast %and3A_1510 : i32 to vector<16xi32>
      %mul3A_1512 = arith.constant 16 : i32
      %mul3A_1513 = arith.muli %sub3A_1506, %mul3A_1512 : i32
      %add3A_1514 = arith.constant 6 : i32
      %add3A_1515 = arith.addi %mul3A_1513, %add3A_1514 : i32
      %broadcast_in_dim3A_1516 = vector.broadcast %add3A_1515 : i32 to vector<16xi32>
      %add3A_1517 = arith.constant 0 : i32
      %add3A_1518 = vector.broadcast %add3A_1517 : i32 to vector<16xi32>
      %add3A_1519 = arith.addi %iota3A, %add3A_1518 : vector<16xi32>
      %gather3A_1520 = arith.constant 6 : i32
      %gather3A_1521 = arith.constant 0 : i32
      %gather3A_1522 = arith.constant 0 : i32
      %gather3A_1523 = tpu.memref_slice %arg8[%gather3A_1520, %gather3A_1521, %gather3A_1522] : memref<16x32x128xf32, #tpu.memory_space<vmem>> -> memref<1x32x128xf32, #tpu.memory_space<vmem>>
      %gather3A_1524 = tpu.memref_squeeze %gather3A_1523 : memref<1x32x128xf32, #tpu.memory_space<vmem>> -> memref<32x128xf32, #tpu.memory_space<vmem>>
      %gather3A_1525 = tpu.vector_load_idx %gather3A_1524[%add3A_1519, %broadcast_in_dim3A_1511] : memref<32x128xf32, #tpu.memory_space<vmem>>[vector<16xi32>, vector<16xi32>], vector<16xf32>,
      %add3A_1526 = arith.constant 16 : i32
      %add3A_1527 = vector.broadcast %add3A_1526 : i32 to vector<16xi32>
      %add3A_1528 = arith.addi %iota3A, %add3A_1527 : vector<16xi32>
      %gather3A_1529 = arith.constant 6 : i32
      %gather3A_1530 = arith.constant 0 : i32
      %gather3A_1531 = arith.constant 0 : i32
      %gather3A_1532 = tpu.memref_slice %arg8[%gather3A_1529, %gather3A_1530, %gather3A_1531] : memref<16x32x128xf32, #tpu.memory_space<vmem>> -> memref<1x32x128xf32, #tpu.memory_space<vmem>>
      %gather3A_1533 = tpu.memref_squeeze %gather3A_1532 : memref<1x32x128xf32, #tpu.memory_space<vmem>> -> memref<32x128xf32, #tpu.memory_space<vmem>>
      %gather3A_1534 = tpu.vector_load_idx %gather3A_1533[%add3A_1528, %broadcast_in_dim3A_1511] : memref<32x128xf32, #tpu.memory_space<vmem>>[vector<16xi32>, vector<16xi32>], vector<16xf32>,
      %slice3A_1535 = vector.extract_strided_slice %get3A_1064 {offsets = [6], sizes = [1], strides = [1]} : vector<16xi32> to vector<1xi32>
      %squeeze3A_1536 = vector.extract %slice3A_1535[0] : i32 from vector<1xi32>
      %shift_right_logical3A_1537 = arith.constant 7 : i32
      %shift_right_logical3A_1538 = arith.shrui %squeeze3A_1536, %shift_right_logical3A_1537 : i32
      %shift_left3A_1539 = arith.constant 7 : i32
      %shift_left3A_1540 = arith.shli %shift_right_logical3A_1538, %shift_left3A_1539 : i32
      %multiple_of3A_1541 = tpu.assume_multiple %shift_left3A_1540, 128 : i32
      %dma_start3A_1542 = arith.constant 6 : i32
      %dma_start3A_1543 = arith.constant 0 : i32
      %dma_start3A_1544 = arith.constant 0 : i32
      %dma_start3A_1545 = tpu.memref_slice %arg8[%dma_start3A_1542, %dma_start3A_1543, %dma_start3A_1544] : memref<16x32x128xf32, #tpu.memory_space<vmem>> -> memref<1x32x128xf32, #tpu.memory_space<vmem>>
      %dma_start3A_1546 = tpu.memref_squeeze %dma_start3A_1545 : memref<1x32x128xf32, #tpu.memory_space<vmem>> -> memref<32x128xf32, #tpu.memory_space<vmem>>
      %dma_start3A_1547 = arith.constant 0 : i32
      %dma_start3A_1548 = tpu.memref_slice %arg3[%dma_start3A_1547, %multiple_of3A_1541] : memref<32x1000000xf32, #tpu.memory_space<hbm>> -> memref<32x128xf32, #tpu.memory_space<hbm>>
      %dma_start3A_1549 = arith.constant 0 : i32
      %dma_start3A_1550 = arith.constant 0 : i32
      %dma_start3A_1551 = tpu.memref_slice %arg8[%dma_start3A_1542, %dma_start3A_1549, %dma_start3A_1550] : memref<16x32x128xf32, #tpu.memory_space<vmem>> -> memref<1x32x128xf32, #tpu.memory_space<vmem>>
      %dma_start3A_1552 = tpu.memref_squeeze %dma_start3A_1551 : memref<1x32x128xf32, #tpu.memory_space<vmem>> -> memref<32x128xf32, #tpu.memory_space<vmem>>
      %dma_start3A_1553 = arith.constant 0 : i32
      %dma_start3A_1554 = tpu.memref_slice %arg3[%dma_start3A_1553, %multiple_of3A_1541] : memref<32x1000000xf32, #tpu.memory_space<hbm>> -> memref<32x128xf32, #tpu.memory_space<hbm>>
      tpu.enqueue_dma source(%dma_start3A_1554 : memref<32x128xf32, #tpu.memory_space<hbm>>) target(%dma_start3A_1552 : memref<32x128xf32, #tpu.memory_space<vmem>>) target_semaphore(%arg18 : memref<!tpu.dma_semaphore, #tpu.memory_space<semaphore_mem>>)
      %add3A_1555 = arith.constant 0 : i32
      %add3A_1556 = vector.broadcast %add3A_1555 : i32 to vector<16xi32>
      %add3A_1557 = arith.addi %iota3A, %add3A_1556 : vector<16xi32>
      tpu.vector_store_idx %arg9[%add3A_1557, %broadcast_in_dim3A_1516], %gather3A_1525 : memref<32x512xf32, #tpu.memory_space<vmem>>[vector<16xi32>, vector<16xi32>], vector<16xf32>,
      %add3A_1558 = arith.constant 16 : i32
      %add3A_1559 = vector.broadcast %add3A_1558 : i32 to vector<16xi32>
      %add3A_1560 = arith.addi %iota3A, %add3A_1559 : vector<16xi32>
      tpu.vector_store_idx %arg9[%add3A_1560, %broadcast_in_dim3A_1516], %gather3A_1534 : memref<32x512xf32, #tpu.memory_space<vmem>>[vector<16xi32>, vector<16xi32>], vector<16xf32>,
      %dma_wait3A_1561 = arith.constant 7 : i32
      %dma_wait3A_1562 = arith.constant 0 : i32
      %dma_wait3A_1563 = arith.constant 0 : i32
      %dma_wait3A_1564 = tpu.memref_slice %arg8[%dma_wait3A_1561, %dma_wait3A_1562, %dma_wait3A_1563] : memref<16x32x128xf32, #tpu.memory_space<vmem>> -> memref<1x32x128xf32, #tpu.memory_space<vmem>>
      %dma_wait3A_1565 = tpu.memref_squeeze %dma_wait3A_1564 : memref<1x32x128xf32, #tpu.memory_space<vmem>> -> memref<32x128xf32, #tpu.memory_space<vmem>>
      %dma_wait3A_1566 = arith.constant 0 : i32
      %dma_wait3A_1567 = arith.constant 0 : i32
      %dma_wait3A_1568 = tpu.memref_slice %arg3[%dma_wait3A_1566, %dma_wait3A_1567] : memref<32x1000000xf32, #tpu.memory_space<hbm>> -> memref<32x128xf32, #tpu.memory_space<hbm>>
      %dma_wait3A_1569 = arith.constant 0 : i32
      %dma_wait3A_1570 = arith.constant 0 : i32
      %dma_wait3A_1571 = tpu.memref_slice %arg8[%dma_wait3A_1561, %dma_wait3A_1569, %dma_wait3A_1570] : memref<16x32x128xf32, #tpu.memory_space<vmem>> -> memref<1x32x128xf32, #tpu.memory_space<vmem>>
      %dma_wait3A_1572 = tpu.memref_squeeze %dma_wait3A_1571 : memref<1x32x128xf32, #tpu.memory_space<vmem>> -> memref<32x128xf32, #tpu.memory_space<vmem>>
      %dma_wait3A_1573 = arith.constant 0 : i32
      %dma_wait3A_1574 = arith.constant 0 : i32
      %dma_wait3A_1575 = tpu.memref_slice %arg3[%dma_wait3A_1573, %dma_wait3A_1574] : memref<32x1000000xf32, #tpu.memory_space<hbm>> -> memref<32x128xf32, #tpu.memory_space<hbm>>
      tpu.wait_dma2 semaphore(%arg19 : memref<!tpu.dma_semaphore, #tpu.memory_space<semaphore_mem>>) src(%dma_wait3A_1575 : memref<32x128xf32, #tpu.memory_space<hbm>>) dst(%dma_wait3A_1572 : memref<32x128xf32, #tpu.memory_space<vmem>>)
      %sub3A_1576 = arith.constant 1 : i32
      %sub3A_1577 = arith.subi %scan3A_1059, %sub3A_1576 : i32
      %slice3A_1578 = vector.extract_strided_slice %scan3A_1060 {offsets = [7], sizes = [1], strides = [1]} : vector<16xi32> to vector<1xi32>
      %squeeze3A_1579 = vector.extract %slice3A_1578[0] : i32 from vector<1xi32>
      %and3A_1580 = arith.constant 127 : i32
      %and3A_1581 = arith.andi %squeeze3A_1579, %and3A_1580 : i32
      %broadcast_in_dim3A_1582 = vector.broadcast %and3A_1581 : i32 to vector<16xi32>
      %mul3A_1583 = arith.constant 16 : i32
      %mul3A_1584 = arith.muli %sub3A_1577, %mul3A_1583 : i32
      %add3A_1585 = arith.constant 7 : i32
      %add3A_1586 = arith.addi %mul3A_1584, %add3A_1585 : i32
      %broadcast_in_dim3A_1587 = vector.broadcast %add3A_1586 : i32 to vector<16xi32>
      %add3A_1588 = arith.constant 0 : i32
      %add3A_1589 = vector.broadcast %add3A_1588 : i32 to vector<16xi32>
      %add3A_1590 = arith.addi %iota3A, %add3A_1589 : vector<16xi32>
      %gather3A_1591 = arith.constant 7 : i32
      %gather3A_1592 = arith.constant 0 : i32
      %gather3A_1593 = arith.constant 0 : i32
      %gather3A_1594 = tpu.memref_slice %arg8[%gather3A_1591, %gather3A_1592, %gather3A_1593] : memref<16x32x128xf32, #tpu.memory_space<vmem>> -> memref<1x32x128xf32, #tpu.memory_space<vmem>>
      %gather3A_1595 = tpu.memref_squeeze %gather3A_1594 : memref<1x32x128xf32, #tpu.memory_space<vmem>> -> memref<32x128xf32, #tpu.memory_space<vmem>>
      %gather3A_1596 = tpu.vector_load_idx %gather3A_1595[%add3A_1590, %broadcast_in_dim3A_1582] : memref<32x128xf32, #tpu.memory_space<vmem>>[vector<16xi32>, vector<16xi32>], vector<16xf32>,
      %add3A_1597 = arith.constant 16 : i32
      %add3A_1598 = vector.broadcast %add3A_1597 : i32 to vector<16xi32>
      %add3A_1599 = arith.addi %iota3A, %add3A_1598 : vector<16xi32>
      %gather3A_1600 = arith.constant 7 : i32
      %gather3A_1601 = arith.constant 0 : i32
      %gather3A_1602 = arith.constant 0 : i32
      %gather3A_1603 = tpu.memref_slice %arg8[%gather3A_1600, %gather3A_1601, %gather3A_1602] : memref<16x32x128xf32, #tpu.memory_space<vmem>> -> memref<1x32x128xf32, #tpu.memory_space<vmem>>
      %gather3A_1604 = tpu.memref_squeeze %gather3A_1603 : memref<1x32x128xf32, #tpu.memory_space<vmem>> -> memref<32x128xf32, #tpu.memory_space<vmem>>
      %gather3A_1605 = tpu.vector_load_idx %gather3A_1604[%add3A_1599, %broadcast_in_dim3A_1582] : memref<32x128xf32, #tpu.memory_space<vmem>>[vector<16xi32>, vector<16xi32>], vector<16xf32>,
      %slice3A_1606 = vector.extract_strided_slice %get3A_1064 {offsets = [7], sizes = [1], strides = [1]} : vector<16xi32> to vector<1xi32>
      %squeeze3A_1607 = vector.extract %slice3A_1606[0] : i32 from vector<1xi32>
      %shift_right_logical3A_1608 = arith.constant 7 : i32
      %shift_right_logical3A_1609 = arith.shrui %squeeze3A_1607, %shift_right_logical3A_1608 : i32
      %shift_left3A_1610 = arith.constant 7 : i32
      %shift_left3A_1611 = arith.shli %shift_right_logical3A_1609, %shift_left3A_1610 : i32
      %multiple_of3A_1612 = tpu.assume_multiple %shift_left3A_1611, 128 : i32
      %dma_start3A_1613 = arith.constant 7 : i32
      %dma_start3A_1614 = arith.constant 0 : i32
      %dma_start3A_1615 = arith.constant 0 : i32
      %dma_start3A_1616 = tpu.memref_slice %arg8[%dma_start3A_1613, %dma_start3A_1614, %dma_start3A_1615] : memref<16x32x128xf32, #tpu.memory_space<vmem>> -> memref<1x32x128xf32, #tpu.memory_space<vmem>>
      %dma_start3A_1617 = tpu.memref_squeeze %dma_start3A_1616 : memref<1x32x128xf32, #tpu.memory_space<vmem>> -> memref<32x128xf32, #tpu.memory_space<vmem>>
      %dma_start3A_1618 = arith.constant 0 : i32
      %dma_start3A_1619 = tpu.memref_slice %arg3[%dma_start3A_1618, %multiple_of3A_1612] : memref<32x1000000xf32, #tpu.memory_space<hbm>> -> memref<32x128xf32, #tpu.memory_space<hbm>>
      %dma_start3A_1620 = arith.constant 0 : i32
      %dma_start3A_1621 = arith.constant 0 : i32
      %dma_start3A_1622 = tpu.memref_slice %arg8[%dma_start3A_1613, %dma_start3A_1620, %dma_start3A_1621] : memref<16x32x128xf32, #tpu.memory_space<vmem>> -> memref<1x32x128xf32, #tpu.memory_space<vmem>>
      %dma_start3A_1623 = tpu.memref_squeeze %dma_start3A_1622 : memref<1x32x128xf32, #tpu.memory_space<vmem>> -> memref<32x128xf32, #tpu.memory_space<vmem>>
      %dma_start3A_1624 = arith.constant 0 : i32
      %dma_start3A_1625 = tpu.memref_slice %arg3[%dma_start3A_1624, %multiple_of3A_1612] : memref<32x1000000xf32, #tpu.memory_space<hbm>> -> memref<32x128xf32, #tpu.memory_space<hbm>>
      tpu.enqueue_dma source(%dma_start3A_1625 : memref<32x128xf32, #tpu.memory_space<hbm>>) target(%dma_start3A_1623 : memref<32x128xf32, #tpu.memory_space<vmem>>) target_semaphore(%arg19 : memref<!tpu.dma_semaphore, #tpu.memory_space<semaphore_mem>>)
      %add3A_1626 = arith.constant 0 : i32
      %add3A_1627 = vector.broadcast %add3A_1626 : i32 to vector<16xi32>
      %add3A_1628 = arith.addi %iota3A, %add3A_1627 : vector<16xi32>
      tpu.vector_store_idx %arg9[%add3A_1628, %broadcast_in_dim3A_1587], %gather3A_1596 : memref<32x512xf32, #tpu.memory_space<vmem>>[vector<16xi32>, vector<16xi32>], vector<16xf32>,
      %add3A_1629 = arith.constant 16 : i32
      %add3A_1630 = vector.broadcast %add3A_1629 : i32 to vector<16xi32>
      %add3A_1631 = arith.addi %iota3A, %add3A_1630 : vector<16xi32>
      tpu.vector_store_idx %arg9[%add3A_1631, %broadcast_in_dim3A_1587], %gather3A_1605 : memref<32x512xf32, #tpu.memory_space<vmem>>[vector<16xi32>, vector<16xi32>], vector<16xf32>,
      %dma_wait3A_1632 = arith.constant 8 : i32
      %dma_wait3A_1633 = arith.constant 0 : i32
      %dma_wait3A_1634 = arith.constant 0 : i32
      %dma_wait3A_1635 = tpu.memref_slice %arg8[%dma_wait3A_1632, %dma_wait3A_1633, %dma_wait3A_1634] : memref<16x32x128xf32, #tpu.memory_space<vmem>> -> memref<1x32x128xf32, #tpu.memory_space<vmem>>
      %dma_wait3A_1636 = tpu.memref_squeeze %dma_wait3A_1635 : memref<1x32x128xf32, #tpu.memory_space<vmem>> -> memref<32x128xf32, #tpu.memory_space<vmem>>
      %dma_wait3A_1637 = arith.constant 0 : i32
      %dma_wait3A_1638 = arith.constant 0 : i32
      %dma_wait3A_1639 = tpu.memref_slice %arg3[%dma_wait3A_1637, %dma_wait3A_1638] : memref<32x1000000xf32, #tpu.memory_space<hbm>> -> memref<32x128xf32, #tpu.memory_space<hbm>>
      %dma_wait3A_1640 = arith.constant 0 : i32
      %dma_wait3A_1641 = arith.constant 0 : i32
      %dma_wait3A_1642 = tpu.memref_slice %arg8[%dma_wait3A_1632, %dma_wait3A_1640, %dma_wait3A_1641] : memref<16x32x128xf32, #tpu.memory_space<vmem>> -> memref<1x32x128xf32, #tpu.memory_space<vmem>>
      %dma_wait3A_1643 = tpu.memref_squeeze %dma_wait3A_1642 : memref<1x32x128xf32, #tpu.memory_space<vmem>> -> memref<32x128xf32, #tpu.memory_space<vmem>>
      %dma_wait3A_1644 = arith.constant 0 : i32
      %dma_wait3A_1645 = arith.constant 0 : i32
      %dma_wait3A_1646 = tpu.memref_slice %arg3[%dma_wait3A_1644, %dma_wait3A_1645] : memref<32x1000000xf32, #tpu.memory_space<hbm>> -> memref<32x128xf32, #tpu.memory_space<hbm>>
      tpu.wait_dma2 semaphore(%arg20 : memref<!tpu.dma_semaphore, #tpu.memory_space<semaphore_mem>>) src(%dma_wait3A_1646 : memref<32x128xf32, #tpu.memory_space<hbm>>) dst(%dma_wait3A_1643 : memref<32x128xf32, #tpu.memory_space<vmem>>)
      %sub3A_1647 = arith.constant 1 : i32
      %sub3A_1648 = arith.subi %scan3A_1059, %sub3A_1647 : i32
      %slice3A_1649 = vector.extract_strided_slice %scan3A_1060 {offsets = [8], sizes = [1], strides = [1]} : vector<16xi32> to vector<1xi32>
      %squeeze3A_1650 = vector.extract %slice3A_1649[0] : i32 from vector<1xi32>
      %and3A_1651 = arith.constant 127 : i32
      %and3A_1652 = arith.andi %squeeze3A_1650, %and3A_1651 : i32
      %broadcast_in_dim3A_1653 = vector.broadcast %and3A_1652 : i32 to vector<16xi32>
      %mul3A_1654 = arith.constant 16 : i32
      %mul3A_1655 = arith.muli %sub3A_1648, %mul3A_1654 : i32
      %add3A_1656 = arith.constant 8 : i32
      %add3A_1657 = arith.addi %mul3A_1655, %add3A_1656 : i32
      %broadcast_in_dim3A_1658 = vector.broadcast %add3A_1657 : i32 to vector<16xi32>
      %add3A_1659 = arith.constant 0 : i32
      %add3A_1660 = vector.broadcast %add3A_1659 : i32 to vector<16xi32>
      %add3A_1661 = arith.addi %iota3A, %add3A_1660 : vector<16xi32>
      %gather3A_1662 = arith.constant 8 : i32
      %gather3A_1663 = arith.constant 0 : i32
      %gather3A_1664 = arith.constant 0 : i32
      %gather3A_1665 = tpu.memref_slice %arg8[%gather3A_1662, %gather3A_1663, %gather3A_1664] : memref<16x32x128xf32, #tpu.memory_space<vmem>> -> memref<1x32x128xf32, #tpu.memory_space<vmem>>
      %gather3A_1666 = tpu.memref_squeeze %gather3A_1665 : memref<1x32x128xf32, #tpu.memory_space<vmem>> -> memref<32x128xf32, #tpu.memory_space<vmem>>
      %gather3A_1667 = tpu.vector_load_idx %gather3A_1666[%add3A_1661, %broadcast_in_dim3A_1653] : memref<32x128xf32, #tpu.memory_space<vmem>>[vector<16xi32>, vector<16xi32>], vector<16xf32>,
      %add3A_1668 = arith.constant 16 : i32
      %add3A_1669 = vector.broadcast %add3A_1668 : i32 to vector<16xi32>
      %add3A_1670 = arith.addi %iota3A, %add3A_1669 : vector<16xi32>
      %gather3A_1671 = arith.constant 8 : i32
      %gather3A_1672 = arith.constant 0 : i32
      %gather3A_1673 = arith.constant 0 : i32
      %gather3A_1674 = tpu.memref_slice %arg8[%gather3A_1671, %gather3A_1672, %gather3A_1673] : memref<16x32x128xf32, #tpu.memory_space<vmem>> -> memref<1x32x128xf32, #tpu.memory_space<vmem>>
      %gather3A_1675 = tpu.memref_squeeze %gather3A_1674 : memref<1x32x128xf32, #tpu.memory_space<vmem>> -> memref<32x128xf32, #tpu.memory_space<vmem>>
      %gather3A_1676 = tpu.vector_load_idx %gather3A_1675[%add3A_1670, %broadcast_in_dim3A_1653] : memref<32x128xf32, #tpu.memory_space<vmem>>[vector<16xi32>, vector<16xi32>], vector<16xf32>,
      %slice3A_1677 = vector.extract_strided_slice %get3A_1064 {offsets = [8], sizes = [1], strides = [1]} : vector<16xi32> to vector<1xi32>
      %squeeze3A_1678 = vector.extract %slice3A_1677[0] : i32 from vector<1xi32>
      %shift_right_logical3A_1679 = arith.constant 7 : i32
      %shift_right_logical3A_1680 = arith.shrui %squeeze3A_1678, %shift_right_logical3A_1679 : i32
      %shift_left3A_1681 = arith.constant 7 : i32
      %shift_left3A_1682 = arith.shli %shift_right_logical3A_1680, %shift_left3A_1681 : i32
      %multiple_of3A_1683 = tpu.assume_multiple %shift_left3A_1682, 128 : i32
      %dma_start3A_1684 = arith.constant 8 : i32
      %dma_start3A_1685 = arith.constant 0 : i32
      %dma_start3A_1686 = arith.constant 0 : i32
      %dma_start3A_1687 = tpu.memref_slice %arg8[%dma_start3A_1684, %dma_start3A_1685, %dma_start3A_1686] : memref<16x32x128xf32, #tpu.memory_space<vmem>> -> memref<1x32x128xf32, #tpu.memory_space<vmem>>
      %dma_start3A_1688 = tpu.memref_squeeze %dma_start3A_1687 : memref<1x32x128xf32, #tpu.memory_space<vmem>> -> memref<32x128xf32, #tpu.memory_space<vmem>>
      %dma_start3A_1689 = arith.constant 0 : i32
      %dma_start3A_1690 = tpu.memref_slice %arg3[%dma_start3A_1689, %multiple_of3A_1683] : memref<32x1000000xf32, #tpu.memory_space<hbm>> -> memref<32x128xf32, #tpu.memory_space<hbm>>
      %dma_start3A_1691 = arith.constant 0 : i32
      %dma_start3A_1692 = arith.constant 0 : i32
      %dma_start3A_1693 = tpu.memref_slice %arg8[%dma_start3A_1684, %dma_start3A_1691, %dma_start3A_1692] : memref<16x32x128xf32, #tpu.memory_space<vmem>> -> memref<1x32x128xf32, #tpu.memory_space<vmem>>
      %dma_start3A_1694 = tpu.memref_squeeze %dma_start3A_1693 : memref<1x32x128xf32, #tpu.memory_space<vmem>> -> memref<32x128xf32, #tpu.memory_space<vmem>>
      %dma_start3A_1695 = arith.constant 0 : i32
      %dma_start3A_1696 = tpu.memref_slice %arg3[%dma_start3A_1695, %multiple_of3A_1683] : memref<32x1000000xf32, #tpu.memory_space<hbm>> -> memref<32x128xf32, #tpu.memory_space<hbm>>
      tpu.enqueue_dma source(%dma_start3A_1696 : memref<32x128xf32, #tpu.memory_space<hbm>>) target(%dma_start3A_1694 : memref<32x128xf32, #tpu.memory_space<vmem>>) target_semaphore(%arg20 : memref<!tpu.dma_semaphore, #tpu.memory_space<semaphore_mem>>)
      %add3A_1697 = arith.constant 0 : i32
      %add3A_1698 = vector.broadcast %add3A_1697 : i32 to vector<16xi32>
      %add3A_1699 = arith.addi %iota3A, %add3A_1698 : vector<16xi32>
      tpu.vector_store_idx %arg9[%add3A_1699, %broadcast_in_dim3A_1658], %gather3A_1667 : memref<32x512xf32, #tpu.memory_space<vmem>>[vector<16xi32>, vector<16xi32>], vector<16xf32>,
      %add3A_1700 = arith.constant 16 : i32
      %add3A_1701 = vector.broadcast %add3A_1700 : i32 to vector<16xi32>
      %add3A_1702 = arith.addi %iota3A, %add3A_1701 : vector<16xi32>
      tpu.vector_store_idx %arg9[%add3A_1702, %broadcast_in_dim3A_1658], %gather3A_1676 : memref<32x512xf32, #tpu.memory_space<vmem>>[vector<16xi32>, vector<16xi32>], vector<16xf32>,
      %dma_wait3A_1703 = arith.constant 9 : i32
      %dma_wait3A_1704 = arith.constant 0 : i32
      %dma_wait3A_1705 = arith.constant 0 : i32
      %dma_wait3A_1706 = tpu.memref_slice %arg8[%dma_wait3A_1703, %dma_wait3A_1704, %dma_wait3A_1705] : memref<16x32x128xf32, #tpu.memory_space<vmem>> -> memref<1x32x128xf32, #tpu.memory_space<vmem>>
      %dma_wait3A_1707 = tpu.memref_squeeze %dma_wait3A_1706 : memref<1x32x128xf32, #tpu.memory_space<vmem>> -> memref<32x128xf32, #tpu.memory_space<vmem>>
      %dma_wait3A_1708 = arith.constant 0 : i32
      %dma_wait3A_1709 = arith.constant 0 : i32
      %dma_wait3A_1710 = tpu.memref_slice %arg3[%dma_wait3A_1708, %dma_wait3A_1709] : memref<32x1000000xf32, #tpu.memory_space<hbm>> -> memref<32x128xf32, #tpu.memory_space<hbm>>
      %dma_wait3A_1711 = arith.constant 0 : i32
      %dma_wait3A_1712 = arith.constant 0 : i32
      %dma_wait3A_1713 = tpu.memref_slice %arg8[%dma_wait3A_1703, %dma_wait3A_1711, %dma_wait3A_1712] : memref<16x32x128xf32, #tpu.memory_space<vmem>> -> memref<1x32x128xf32, #tpu.memory_space<vmem>>
      %dma_wait3A_1714 = tpu.memref_squeeze %dma_wait3A_1713 : memref<1x32x128xf32, #tpu.memory_space<vmem>> -> memref<32x128xf32, #tpu.memory_space<vmem>>
      %dma_wait3A_1715 = arith.constant 0 : i32
      %dma_wait3A_1716 = arith.constant 0 : i32
      %dma_wait3A_1717 = tpu.memref_slice %arg3[%dma_wait3A_1715, %dma_wait3A_1716] : memref<32x1000000xf32, #tpu.memory_space<hbm>> -> memref<32x128xf32, #tpu.memory_space<hbm>>
      tpu.wait_dma2 semaphore(%arg21 : memref<!tpu.dma_semaphore, #tpu.memory_space<semaphore_mem>>) src(%dma_wait3A_1717 : memref<32x128xf32, #tpu.memory_space<hbm>>) dst(%dma_wait3A_1714 : memref<32x128xf32, #tpu.memory_space<vmem>>)
      %sub3A_1718 = arith.constant 1 : i32
      %sub3A_1719 = arith.subi %scan3A_1059, %sub3A_1718 : i32
      %slice3A_1720 = vector.extract_strided_slice %scan3A_1060 {offsets = [9], sizes = [1], strides = [1]} : vector<16xi32> to vector<1xi32>
      %squeeze3A_1721 = vector.extract %slice3A_1720[0] : i32 from vector<1xi32>
      %and3A_1722 = arith.constant 127 : i32
      %and3A_1723 = arith.andi %squeeze3A_1721, %and3A_1722 : i32
      %broadcast_in_dim3A_1724 = vector.broadcast %and3A_1723 : i32 to vector<16xi32>
      %mul3A_1725 = arith.constant 16 : i32
      %mul3A_1726 = arith.muli %sub3A_1719, %mul3A_1725 : i32
      %add3A_1727 = arith.constant 9 : i32
      %add3A_1728 = arith.addi %mul3A_1726, %add3A_1727 : i32
      %broadcast_in_dim3A_1729 = vector.broadcast %add3A_1728 : i32 to vector<16xi32>
      %add3A_1730 = arith.constant 0 : i32
      %add3A_1731 = vector.broadcast %add3A_1730 : i32 to vector<16xi32>
      %add3A_1732 = arith.addi %iota3A, %add3A_1731 : vector<16xi32>
      %gather3A_1733 = arith.constant 9 : i32
      %gather3A_1734 = arith.constant 0 : i32
      %gather3A_1735 = arith.constant 0 : i32
      %gather3A_1736 = tpu.memref_slice %arg8[%gather3A_1733, %gather3A_1734, %gather3A_1735] : memref<16x32x128xf32, #tpu.memory_space<vmem>> -> memref<1x32x128xf32, #tpu.memory_space<vmem>>
      %gather3A_1737 = tpu.memref_squeeze %gather3A_1736 : memref<1x32x128xf32, #tpu.memory_space<vmem>> -> memref<32x128xf32, #tpu.memory_space<vmem>>
      %gather3A_1738 = tpu.vector_load_idx %gather3A_1737[%add3A_1732, %broadcast_in_dim3A_1724] : memref<32x128xf32, #tpu.memory_space<vmem>>[vector<16xi32>, vector<16xi32>], vector<16xf32>,
      %add3A_1739 = arith.constant 16 : i32
      %add3A_1740 = vector.broadcast %add3A_1739 : i32 to vector<16xi32>
      %add3A_1741 = arith.addi %iota3A, %add3A_1740 : vector<16xi32>
      %gather3A_1742 = arith.constant 9 : i32
      %gather3A_1743 = arith.constant 0 : i32
      %gather3A_1744 = arith.constant 0 : i32
      %gather3A_1745 = tpu.memref_slice %arg8[%gather3A_1742, %gather3A_1743, %gather3A_1744] : memref<16x32x128xf32, #tpu.memory_space<vmem>> -> memref<1x32x128xf32, #tpu.memory_space<vmem>>
      %gather3A_1746 = tpu.memref_squeeze %gather3A_1745 : memref<1x32x128xf32, #tpu.memory_space<vmem>> -> memref<32x128xf32, #tpu.memory_space<vmem>>
      %gather3A_1747 = tpu.vector_load_idx %gather3A_1746[%add3A_1741, %broadcast_in_dim3A_1724] : memref<32x128xf32, #tpu.memory_space<vmem>>[vector<16xi32>, vector<16xi32>], vector<16xf32>,
      %slice3A_1748 = vector.extract_strided_slice %get3A_1064 {offsets = [9], sizes = [1], strides = [1]} : vector<16xi32> to vector<1xi32>
      %squeeze3A_1749 = vector.extract %slice3A_1748[0] : i32 from vector<1xi32>
      %shift_right_logical3A_1750 = arith.constant 7 : i32
      %shift_right_logical3A_1751 = arith.shrui %squeeze3A_1749, %shift_right_logical3A_1750 : i32
      %shift_left3A_1752 = arith.constant 7 : i32
      %shift_left3A_1753 = arith.shli %shift_right_logical3A_1751, %shift_left3A_1752 : i32
      %multiple_of3A_1754 = tpu.assume_multiple %shift_left3A_1753, 128 : i32
      %dma_start3A_1755 = arith.constant 9 : i32
      %dma_start3A_1756 = arith.constant 0 : i32
      %dma_start3A_1757 = arith.constant 0 : i32
      %dma_start3A_1758 = tpu.memref_slice %arg8[%dma_start3A_1755, %dma_start3A_1756, %dma_start3A_1757] : memref<16x32x128xf32, #tpu.memory_space<vmem>> -> memref<1x32x128xf32, #tpu.memory_space<vmem>>
      %dma_start3A_1759 = tpu.memref_squeeze %dma_start3A_1758 : memref<1x32x128xf32, #tpu.memory_space<vmem>> -> memref<32x128xf32, #tpu.memory_space<vmem>>
      %dma_start3A_1760 = arith.constant 0 : i32
      %dma_start3A_1761 = tpu.memref_slice %arg3[%dma_start3A_1760, %multiple_of3A_1754] : memref<32x1000000xf32, #tpu.memory_space<hbm>> -> memref<32x128xf32, #tpu.memory_space<hbm>>
      %dma_start3A_1762 = arith.constant 0 : i32
      %dma_start3A_1763 = arith.constant 0 : i32
      %dma_start3A_1764 = tpu.memref_slice %arg8[%dma_start3A_1755, %dma_start3A_1762, %dma_start3A_1763] : memref<16x32x128xf32, #tpu.memory_space<vmem>> -> memref<1x32x128xf32, #tpu.memory_space<vmem>>
      %dma_start3A_1765 = tpu.memref_squeeze %dma_start3A_1764 : memref<1x32x128xf32, #tpu.memory_space<vmem>> -> memref<32x128xf32, #tpu.memory_space<vmem>>
      %dma_start3A_1766 = arith.constant 0 : i32
      %dma_start3A_1767 = tpu.memref_slice %arg3[%dma_start3A_1766, %multiple_of3A_1754] : memref<32x1000000xf32, #tpu.memory_space<hbm>> -> memref<32x128xf32, #tpu.memory_space<hbm>>
      tpu.enqueue_dma source(%dma_start3A_1767 : memref<32x128xf32, #tpu.memory_space<hbm>>) target(%dma_start3A_1765 : memref<32x128xf32, #tpu.memory_space<vmem>>) target_semaphore(%arg21 : memref<!tpu.dma_semaphore, #tpu.memory_space<semaphore_mem>>)
      %add3A_1768 = arith.constant 0 : i32
      %add3A_1769 = vector.broadcast %add3A_1768 : i32 to vector<16xi32>
      %add3A_1770 = arith.addi %iota3A, %add3A_1769 : vector<16xi32>
      tpu.vector_store_idx %arg9[%add3A_1770, %broadcast_in_dim3A_1729], %gather3A_1738 : memref<32x512xf32, #tpu.memory_space<vmem>>[vector<16xi32>, vector<16xi32>], vector<16xf32>,
      %add3A_1771 = arith.constant 16 : i32
      %add3A_1772 = vector.broadcast %add3A_1771 : i32 to vector<16xi32>
      %add3A_1773 = arith.addi %iota3A, %add3A_1772 : vector<16xi32>
      tpu.vector_store_idx %arg9[%add3A_1773, %broadcast_in_dim3A_1729], %gather3A_1747 : memref<32x512xf32, #tpu.memory_space<vmem>>[vector<16xi32>, vector<16xi32>], vector<16xf32>,
      %dma_wait3A_1774 = arith.constant 10 : i32
      %dma_wait3A_1775 = arith.constant 0 : i32
      %dma_wait3A_1776 = arith.constant 0 : i32
      %dma_wait3A_1777 = tpu.memref_slice %arg8[%dma_wait3A_1774, %dma_wait3A_1775, %dma_wait3A_1776] : memref<16x32x128xf32, #tpu.memory_space<vmem>> -> memref<1x32x128xf32, #tpu.memory_space<vmem>>
      %dma_wait3A_1778 = tpu.memref_squeeze %dma_wait3A_1777 : memref<1x32x128xf32, #tpu.memory_space<vmem>> -> memref<32x128xf32, #tpu.memory_space<vmem>>
      %dma_wait3A_1779 = arith.constant 0 : i32
      %dma_wait3A_1780 = arith.constant 0 : i32
      %dma_wait3A_1781 = tpu.memref_slice %arg3[%dma_wait3A_1779, %dma_wait3A_1780] : memref<32x1000000xf32, #tpu.memory_space<hbm>> -> memref<32x128xf32, #tpu.memory_space<hbm>>
      %dma_wait3A_1782 = arith.constant 0 : i32
      %dma_wait3A_1783 = arith.constant 0 : i32
      %dma_wait3A_1784 = tpu.memref_slice %arg8[%dma_wait3A_1774, %dma_wait3A_1782, %dma_wait3A_1783] : memref<16x32x128xf32, #tpu.memory_space<vmem>> -> memref<1x32x128xf32, #tpu.memory_space<vmem>>
      %dma_wait3A_1785 = tpu.memref_squeeze %dma_wait3A_1784 : memref<1x32x128xf32, #tpu.memory_space<vmem>> -> memref<32x128xf32, #tpu.memory_space<vmem>>
      %dma_wait3A_1786 = arith.constant 0 : i32
      %dma_wait3A_1787 = arith.constant 0 : i32
      %dma_wait3A_1788 = tpu.memref_slice %arg3[%dma_wait3A_1786, %dma_wait3A_1787] : memref<32x1000000xf32, #tpu.memory_space<hbm>> -> memref<32x128xf32, #tpu.memory_space<hbm>>
      tpu.wait_dma2 semaphore(%arg22 : memref<!tpu.dma_semaphore, #tpu.memory_space<semaphore_mem>>) src(%dma_wait3A_1788 : memref<32x128xf32, #tpu.memory_space<hbm>>) dst(%dma_wait3A_1785 : memref<32x128xf32, #tpu.memory_space<vmem>>)
      %sub3A_1789 = arith.constant 1 : i32
      %sub3A_1790 = arith.subi %scan3A_1059, %sub3A_1789 : i32
      %slice3A_1791 = vector.extract_strided_slice %scan3A_1060 {offsets = [10], sizes = [1], strides = [1]} : vector<16xi32> to vector<1xi32>
      %squeeze3A_1792 = vector.extract %slice3A_1791[0] : i32 from vector<1xi32>
      %and3A_1793 = arith.constant 127 : i32
      %and3A_1794 = arith.andi %squeeze3A_1792, %and3A_1793 : i32
      %broadcast_in_dim3A_1795 = vector.broadcast %and3A_1794 : i32 to vector<16xi32>
      %mul3A_1796 = arith.constant 16 : i32
      %mul3A_1797 = arith.muli %sub3A_1790, %mul3A_1796 : i32
      %add3A_1798 = arith.constant 10 : i32
      %add3A_1799 = arith.addi %mul3A_1797, %add3A_1798 : i32
      %broadcast_in_dim3A_1800 = vector.broadcast %add3A_1799 : i32 to vector<16xi32>
      %add3A_1801 = arith.constant 0 : i32
      %add3A_1802 = vector.broadcast %add3A_1801 : i32 to vector<16xi32>
      %add3A_1803 = arith.addi %iota3A, %add3A_1802 : vector<16xi32>
      %gather3A_1804 = arith.constant 10 : i32
      %gather3A_1805 = arith.constant 0 : i32
      %gather3A_1806 = arith.constant 0 : i32
      %gather3A_1807 = tpu.memref_slice %arg8[%gather3A_1804, %gather3A_1805, %gather3A_1806] : memref<16x32x128xf32, #tpu.memory_space<vmem>> -> memref<1x32x128xf32, #tpu.memory_space<vmem>>
      %gather3A_1808 = tpu.memref_squeeze %gather3A_1807 : memref<1x32x128xf32, #tpu.memory_space<vmem>> -> memref<32x128xf32, #tpu.memory_space<vmem>>
      %gather3A_1809 = tpu.vector_load_idx %gather3A_1808[%add3A_1803, %broadcast_in_dim3A_1795] : memref<32x128xf32, #tpu.memory_space<vmem>>[vector<16xi32>, vector<16xi32>], vector<16xf32>,
      %add3A_1810 = arith.constant 16 : i32
      %add3A_1811 = vector.broadcast %add3A_1810 : i32 to vector<16xi32>
      %add3A_1812 = arith.addi %iota3A, %add3A_1811 : vector<16xi32>
      %gather3A_1813 = arith.constant 10 : i32
      %gather3A_1814 = arith.constant 0 : i32
      %gather3A_1815 = arith.constant 0 : i32
      %gather3A_1816 = tpu.memref_slice %arg8[%gather3A_1813, %gather3A_1814, %gather3A_1815] : memref<16x32x128xf32, #tpu.memory_space<vmem>> -> memref<1x32x128xf32, #tpu.memory_space<vmem>>
      %gather3A_1817 = tpu.memref_squeeze %gather3A_1816 : memref<1x32x128xf32, #tpu.memory_space<vmem>> -> memref<32x128xf32, #tpu.memory_space<vmem>>
      %gather3A_1818 = tpu.vector_load_idx %gather3A_1817[%add3A_1812, %broadcast_in_dim3A_1795] : memref<32x128xf32, #tpu.memory_space<vmem>>[vector<16xi32>, vector<16xi32>], vector<16xf32>,
      %slice3A_1819 = vector.extract_strided_slice %get3A_1064 {offsets = [10], sizes = [1], strides = [1]} : vector<16xi32> to vector<1xi32>
      %squeeze3A_1820 = vector.extract %slice3A_1819[0] : i32 from vector<1xi32>
      %shift_right_logical3A_1821 = arith.constant 7 : i32
      %shift_right_logical3A_1822 = arith.shrui %squeeze3A_1820, %shift_right_logical3A_1821 : i32
      %shift_left3A_1823 = arith.constant 7 : i32
      %shift_left3A_1824 = arith.shli %shift_right_logical3A_1822, %shift_left3A_1823 : i32
      %multiple_of3A_1825 = tpu.assume_multiple %shift_left3A_1824, 128 : i32
      %dma_start3A_1826 = arith.constant 10 : i32
      %dma_start3A_1827 = arith.constant 0 : i32
      %dma_start3A_1828 = arith.constant 0 : i32
      %dma_start3A_1829 = tpu.memref_slice %arg8[%dma_start3A_1826, %dma_start3A_1827, %dma_start3A_1828] : memref<16x32x128xf32, #tpu.memory_space<vmem>> -> memref<1x32x128xf32, #tpu.memory_space<vmem>>
      %dma_start3A_1830 = tpu.memref_squeeze %dma_start3A_1829 : memref<1x32x128xf32, #tpu.memory_space<vmem>> -> memref<32x128xf32, #tpu.memory_space<vmem>>
      %dma_start3A_1831 = arith.constant 0 : i32
      %dma_start3A_1832 = tpu.memref_slice %arg3[%dma_start3A_1831, %multiple_of3A_1825] : memref<32x1000000xf32, #tpu.memory_space<hbm>> -> memref<32x128xf32, #tpu.memory_space<hbm>>
      %dma_start3A_1833 = arith.constant 0 : i32
      %dma_start3A_1834 = arith.constant 0 : i32
      %dma_start3A_1835 = tpu.memref_slice %arg8[%dma_start3A_1826, %dma_start3A_1833, %dma_start3A_1834] : memref<16x32x128xf32, #tpu.memory_space<vmem>> -> memref<1x32x128xf32, #tpu.memory_space<vmem>>
      %dma_start3A_1836 = tpu.memref_squeeze %dma_start3A_1835 : memref<1x32x128xf32, #tpu.memory_space<vmem>> -> memref<32x128xf32, #tpu.memory_space<vmem>>
      %dma_start3A_1837 = arith.constant 0 : i32
      %dma_start3A_1838 = tpu.memref_slice %arg3[%dma_start3A_1837, %multiple_of3A_1825] : memref<32x1000000xf32, #tpu.memory_space<hbm>> -> memref<32x128xf32, #tpu.memory_space<hbm>>
      tpu.enqueue_dma source(%dma_start3A_1838 : memref<32x128xf32, #tpu.memory_space<hbm>>) target(%dma_start3A_1836 : memref<32x128xf32, #tpu.memory_space<vmem>>) target_semaphore(%arg22 : memref<!tpu.dma_semaphore, #tpu.memory_space<semaphore_mem>>)
      %add3A_1839 = arith.constant 0 : i32
      %add3A_1840 = vector.broadcast %add3A_1839 : i32 to vector<16xi32>
      %add3A_1841 = arith.addi %iota3A, %add3A_1840 : vector<16xi32>
      tpu.vector_store_idx %arg9[%add3A_1841, %broadcast_in_dim3A_1800], %gather3A_1809 : memref<32x512xf32, #tpu.memory_space<vmem>>[vector<16xi32>, vector<16xi32>], vector<16xf32>,
      %add3A_1842 = arith.constant 16 : i32
      %add3A_1843 = vector.broadcast %add3A_1842 : i32 to vector<16xi32>
      %add3A_1844 = arith.addi %iota3A, %add3A_1843 : vector<16xi32>
      tpu.vector_store_idx %arg9[%add3A_1844, %broadcast_in_dim3A_1800], %gather3A_1818 : memref<32x512xf32, #tpu.memory_space<vmem>>[vector<16xi32>, vector<16xi32>], vector<16xf32>,
      %dma_wait3A_1845 = arith.constant 11 : i32
      %dma_wait3A_1846 = arith.constant 0 : i32
      %dma_wait3A_1847 = arith.constant 0 : i32
      %dma_wait3A_1848 = tpu.memref_slice %arg8[%dma_wait3A_1845, %dma_wait3A_1846, %dma_wait3A_1847] : memref<16x32x128xf32, #tpu.memory_space<vmem>> -> memref<1x32x128xf32, #tpu.memory_space<vmem>>
      %dma_wait3A_1849 = tpu.memref_squeeze %dma_wait3A_1848 : memref<1x32x128xf32, #tpu.memory_space<vmem>> -> memref<32x128xf32, #tpu.memory_space<vmem>>
      %dma_wait3A_1850 = arith.constant 0 : i32
      %dma_wait3A_1851 = arith.constant 0 : i32
      %dma_wait3A_1852 = tpu.memref_slice %arg3[%dma_wait3A_1850, %dma_wait3A_1851] : memref<32x1000000xf32, #tpu.memory_space<hbm>> -> memref<32x128xf32, #tpu.memory_space<hbm>>
      %dma_wait3A_1853 = arith.constant 0 : i32
      %dma_wait3A_1854 = arith.constant 0 : i32
      %dma_wait3A_1855 = tpu.memref_slice %arg8[%dma_wait3A_1845, %dma_wait3A_1853, %dma_wait3A_1854] : memref<16x32x128xf32, #tpu.memory_space<vmem>> -> memref<1x32x128xf32, #tpu.memory_space<vmem>>
      %dma_wait3A_1856 = tpu.memref_squeeze %dma_wait3A_1855 : memref<1x32x128xf32, #tpu.memory_space<vmem>> -> memref<32x128xf32, #tpu.memory_space<vmem>>
      %dma_wait3A_1857 = arith.constant 0 : i32
      %dma_wait3A_1858 = arith.constant 0 : i32
      %dma_wait3A_1859 = tpu.memref_slice %arg3[%dma_wait3A_1857, %dma_wait3A_1858] : memref<32x1000000xf32, #tpu.memory_space<hbm>> -> memref<32x128xf32, #tpu.memory_space<hbm>>
      tpu.wait_dma2 semaphore(%arg23 : memref<!tpu.dma_semaphore, #tpu.memory_space<semaphore_mem>>) src(%dma_wait3A_1859 : memref<32x128xf32, #tpu.memory_space<hbm>>) dst(%dma_wait3A_1856 : memref<32x128xf32, #tpu.memory_space<vmem>>)
      %sub3A_1860 = arith.constant 1 : i32
      %sub3A_1861 = arith.subi %scan3A_1059, %sub3A_1860 : i32
      %slice3A_1862 = vector.extract_strided_slice %scan3A_1060 {offsets = [11], sizes = [1], strides = [1]} : vector<16xi32> to vector<1xi32>
      %squeeze3A_1863 = vector.extract %slice3A_1862[0] : i32 from vector<1xi32>
      %and3A_1864 = arith.constant 127 : i32
      %and3A_1865 = arith.andi %squeeze3A_1863, %and3A_1864 : i32
      %broadcast_in_dim3A_1866 = vector.broadcast %and3A_1865 : i32 to vector<16xi32>
      %mul3A_1867 = arith.constant 16 : i32
      %mul3A_1868 = arith.muli %sub3A_1861, %mul3A_1867 : i32
      %add3A_1869 = arith.constant 11 : i32
      %add3A_1870 = arith.addi %mul3A_1868, %add3A_1869 : i32
      %broadcast_in_dim3A_1871 = vector.broadcast %add3A_1870 : i32 to vector<16xi32>
      %add3A_1872 = arith.constant 0 : i32
      %add3A_1873 = vector.broadcast %add3A_1872 : i32 to vector<16xi32>
      %add3A_1874 = arith.addi %iota3A, %add3A_1873 : vector<16xi32>
      %gather3A_1875 = arith.constant 11 : i32
      %gather3A_1876 = arith.constant 0 : i32
      %gather3A_1877 = arith.constant 0 : i32
      %gather3A_1878 = tpu.memref_slice %arg8[%gather3A_1875, %gather3A_1876, %gather3A_1877] : memref<16x32x128xf32, #tpu.memory_space<vmem>> -> memref<1x32x128xf32, #tpu.memory_space<vmem>>
      %gather3A_1879 = tpu.memref_squeeze %gather3A_1878 : memref<1x32x128xf32, #tpu.memory_space<vmem>> -> memref<32x128xf32, #tpu.memory_space<vmem>>
      %gather3A_1880 = tpu.vector_load_idx %gather3A_1879[%add3A_1874, %broadcast_in_dim3A_1866] : memref<32x128xf32, #tpu.memory_space<vmem>>[vector<16xi32>, vector<16xi32>], vector<16xf32>,
      %add3A_1881 = arith.constant 16 : i32
      %add3A_1882 = vector.broadcast %add3A_1881 : i32 to vector<16xi32>
      %add3A_1883 = arith.addi %iota3A, %add3A_1882 : vector<16xi32>
      %gather3A_1884 = arith.constant 11 : i32
      %gather3A_1885 = arith.constant 0 : i32
      %gather3A_1886 = arith.constant 0 : i32
      %gather3A_1887 = tpu.memref_slice %arg8[%gather3A_1884, %gather3A_1885, %gather3A_1886] : memref<16x32x128xf32, #tpu.memory_space<vmem>> -> memref<1x32x128xf32, #tpu.memory_space<vmem>>
      %gather3A_1888 = tpu.memref_squeeze %gather3A_1887 : memref<1x32x128xf32, #tpu.memory_space<vmem>> -> memref<32x128xf32, #tpu.memory_space<vmem>>
      %gather3A_1889 = tpu.vector_load_idx %gather3A_1888[%add3A_1883, %broadcast_in_dim3A_1866] : memref<32x128xf32, #tpu.memory_space<vmem>>[vector<16xi32>, vector<16xi32>], vector<16xf32>,
      %slice3A_1890 = vector.extract_strided_slice %get3A_1064 {offsets = [11], sizes = [1], strides = [1]} : vector<16xi32> to vector<1xi32>
      %squeeze3A_1891 = vector.extract %slice3A_1890[0] : i32 from vector<1xi32>
      %shift_right_logical3A_1892 = arith.constant 7 : i32
      %shift_right_logical3A_1893 = arith.shrui %squeeze3A_1891, %shift_right_logical3A_1892 : i32
      %shift_left3A_1894 = arith.constant 7 : i32
      %shift_left3A_1895 = arith.shli %shift_right_logical3A_1893, %shift_left3A_1894 : i32
      %multiple_of3A_1896 = tpu.assume_multiple %shift_left3A_1895, 128 : i32
      %dma_start3A_1897 = arith.constant 11 : i32
      %dma_start3A_1898 = arith.constant 0 : i32
      %dma_start3A_1899 = arith.constant 0 : i32
      %dma_start3A_1900 = tpu.memref_slice %arg8[%dma_start3A_1897, %dma_start3A_1898, %dma_start3A_1899] : memref<16x32x128xf32, #tpu.memory_space<vmem>> -> memref<1x32x128xf32, #tpu.memory_space<vmem>>
      %dma_start3A_1901 = tpu.memref_squeeze %dma_start3A_1900 : memref<1x32x128xf32, #tpu.memory_space<vmem>> -> memref<32x128xf32, #tpu.memory_space<vmem>>
      %dma_start3A_1902 = arith.constant 0 : i32
      %dma_start3A_1903 = tpu.memref_slice %arg3[%dma_start3A_1902, %multiple_of3A_1896] : memref<32x1000000xf32, #tpu.memory_space<hbm>> -> memref<32x128xf32, #tpu.memory_space<hbm>>
      %dma_start3A_1904 = arith.constant 0 : i32
      %dma_start3A_1905 = arith.constant 0 : i32
      %dma_start3A_1906 = tpu.memref_slice %arg8[%dma_start3A_1897, %dma_start3A_1904, %dma_start3A_1905] : memref<16x32x128xf32, #tpu.memory_space<vmem>> -> memref<1x32x128xf32, #tpu.memory_space<vmem>>
      %dma_start3A_1907 = tpu.memref_squeeze %dma_start3A_1906 : memref<1x32x128xf32, #tpu.memory_space<vmem>> -> memref<32x128xf32, #tpu.memory_space<vmem>>
      %dma_start3A_1908 = arith.constant 0 : i32
      %dma_start3A_1909 = tpu.memref_slice %arg3[%dma_start3A_1908, %multiple_of3A_1896] : memref<32x1000000xf32, #tpu.memory_space<hbm>> -> memref<32x128xf32, #tpu.memory_space<hbm>>
      tpu.enqueue_dma source(%dma_start3A_1909 : memref<32x128xf32, #tpu.memory_space<hbm>>) target(%dma_start3A_1907 : memref<32x128xf32, #tpu.memory_space<vmem>>) target_semaphore(%arg23 : memref<!tpu.dma_semaphore, #tpu.memory_space<semaphore_mem>>)
      %add3A_1910 = arith.constant 0 : i32
      %add3A_1911 = vector.broadcast %add3A_1910 : i32 to vector<16xi32>
      %add3A_1912 = arith.addi %iota3A, %add3A_1911 : vector<16xi32>
      tpu.vector_store_idx %arg9[%add3A_1912, %broadcast_in_dim3A_1871], %gather3A_1880 : memref<32x512xf32, #tpu.memory_space<vmem>>[vector<16xi32>, vector<16xi32>], vector<16xf32>,
      %add3A_1913 = arith.constant 16 : i32
      %add3A_1914 = vector.broadcast %add3A_1913 : i32 to vector<16xi32>
      %add3A_1915 = arith.addi %iota3A, %add3A_1914 : vector<16xi32>
      tpu.vector_store_idx %arg9[%add3A_1915, %broadcast_in_dim3A_1871], %gather3A_1889 : memref<32x512xf32, #tpu.memory_space<vmem>>[vector<16xi32>, vector<16xi32>], vector<16xf32>,
      %dma_wait3A_1916 = arith.constant 12 : i32
      %dma_wait3A_1917 = arith.constant 0 : i32
      %dma_wait3A_1918 = arith.constant 0 : i32
      %dma_wait3A_1919 = tpu.memref_slice %arg8[%dma_wait3A_1916, %dma_wait3A_1917, %dma_wait3A_1918] : memref<16x32x128xf32, #tpu.memory_space<vmem>> -> memref<1x32x128xf32, #tpu.memory_space<vmem>>
      %dma_wait3A_1920 = tpu.memref_squeeze %dma_wait3A_1919 : memref<1x32x128xf32, #tpu.memory_space<vmem>> -> memref<32x128xf32, #tpu.memory_space<vmem>>
      %dma_wait3A_1921 = arith.constant 0 : i32
      %dma_wait3A_1922 = arith.constant 0 : i32
      %dma_wait3A_1923 = tpu.memref_slice %arg3[%dma_wait3A_1921, %dma_wait3A_1922] : memref<32x1000000xf32, #tpu.memory_space<hbm>> -> memref<32x128xf32, #tpu.memory_space<hbm>>
      %dma_wait3A_1924 = arith.constant 0 : i32
      %dma_wait3A_1925 = arith.constant 0 : i32
      %dma_wait3A_1926 = tpu.memref_slice %arg8[%dma_wait3A_1916, %dma_wait3A_1924, %dma_wait3A_1925] : memref<16x32x128xf32, #tpu.memory_space<vmem>> -> memref<1x32x128xf32, #tpu.memory_space<vmem>>
      %dma_wait3A_1927 = tpu.memref_squeeze %dma_wait3A_1926 : memref<1x32x128xf32, #tpu.memory_space<vmem>> -> memref<32x128xf32, #tpu.memory_space<vmem>>
      %dma_wait3A_1928 = arith.constant 0 : i32
      %dma_wait3A_1929 = arith.constant 0 : i32
      %dma_wait3A_1930 = tpu.memref_slice %arg3[%dma_wait3A_1928, %dma_wait3A_1929] : memref<32x1000000xf32, #tpu.memory_space<hbm>> -> memref<32x128xf32, #tpu.memory_space<hbm>>
      tpu.wait_dma2 semaphore(%arg24 : memref<!tpu.dma_semaphore, #tpu.memory_space<semaphore_mem>>) src(%dma_wait3A_1930 : memref<32x128xf32, #tpu.memory_space<hbm>>) dst(%dma_wait3A_1927 : memref<32x128xf32, #tpu.memory_space<vmem>>)
      %sub3A_1931 = arith.constant 1 : i32
      %sub3A_1932 = arith.subi %scan3A_1059, %sub3A_1931 : i32
      %slice3A_1933 = vector.extract_strided_slice %scan3A_1060 {offsets = [12], sizes = [1], strides = [1]} : vector<16xi32> to vector<1xi32>
      %squeeze3A_1934 = vector.extract %slice3A_1933[0] : i32 from vector<1xi32>
      %and3A_1935 = arith.constant 127 : i32
      %and3A_1936 = arith.andi %squeeze3A_1934, %and3A_1935 : i32
      %broadcast_in_dim3A_1937 = vector.broadcast %and3A_1936 : i32 to vector<16xi32>
      %mul3A_1938 = arith.constant 16 : i32
      %mul3A_1939 = arith.muli %sub3A_1932, %mul3A_1938 : i32
      %add3A_1940 = arith.constant 12 : i32
      %add3A_1941 = arith.addi %mul3A_1939, %add3A_1940 : i32
      %broadcast_in_dim3A_1942 = vector.broadcast %add3A_1941 : i32 to vector<16xi32>
      %add3A_1943 = arith.constant 0 : i32
      %add3A_1944 = vector.broadcast %add3A_1943 : i32 to vector<16xi32>
      %add3A_1945 = arith.addi %iota3A, %add3A_1944 : vector<16xi32>
      %gather3A_1946 = arith.constant 12 : i32
      %gather3A_1947 = arith.constant 0 : i32
      %gather3A_1948 = arith.constant 0 : i32
      %gather3A_1949 = tpu.memref_slice %arg8[%gather3A_1946, %gather3A_1947, %gather3A_1948] : memref<16x32x128xf32, #tpu.memory_space<vmem>> -> memref<1x32x128xf32, #tpu.memory_space<vmem>>
      %gather3A_1950 = tpu.memref_squeeze %gather3A_1949 : memref<1x32x128xf32, #tpu.memory_space<vmem>> -> memref<32x128xf32, #tpu.memory_space<vmem>>
      %gather3A_1951 = tpu.vector_load_idx %gather3A_1950[%add3A_1945, %broadcast_in_dim3A_1937] : memref<32x128xf32, #tpu.memory_space<vmem>>[vector<16xi32>, vector<16xi32>], vector<16xf32>,
      %add3A_1952 = arith.constant 16 : i32
      %add3A_1953 = vector.broadcast %add3A_1952 : i32 to vector<16xi32>
      %add3A_1954 = arith.addi %iota3A, %add3A_1953 : vector<16xi32>
      %gather3A_1955 = arith.constant 12 : i32
      %gather3A_1956 = arith.constant 0 : i32
      %gather3A_1957 = arith.constant 0 : i32
      %gather3A_1958 = tpu.memref_slice %arg8[%gather3A_1955, %gather3A_1956, %gather3A_1957] : memref<16x32x128xf32, #tpu.memory_space<vmem>> -> memref<1x32x128xf32, #tpu.memory_space<vmem>>
      %gather3A_1959 = tpu.memref_squeeze %gather3A_1958 : memref<1x32x128xf32, #tpu.memory_space<vmem>> -> memref<32x128xf32, #tpu.memory_space<vmem>>
      %gather3A_1960 = tpu.vector_load_idx %gather3A_1959[%add3A_1954, %broadcast_in_dim3A_1937] : memref<32x128xf32, #tpu.memory_space<vmem>>[vector<16xi32>, vector<16xi32>], vector<16xf32>,
      %slice3A_1961 = vector.extract_strided_slice %get3A_1064 {offsets = [12], sizes = [1], strides = [1]} : vector<16xi32> to vector<1xi32>
      %squeeze3A_1962 = vector.extract %slice3A_1961[0] : i32 from vector<1xi32>
      %shift_right_logical3A_1963 = arith.constant 7 : i32
      %shift_right_logical3A_1964 = arith.shrui %squeeze3A_1962, %shift_right_logical3A_1963 : i32
      %shift_left3A_1965 = arith.constant 7 : i32
      %shift_left3A_1966 = arith.shli %shift_right_logical3A_1964, %shift_left3A_1965 : i32
      %multiple_of3A_1967 = tpu.assume_multiple %shift_left3A_1966, 128 : i32
      %dma_start3A_1968 = arith.constant 12 : i32
      %dma_start3A_1969 = arith.constant 0 : i32
      %dma_start3A_1970 = arith.constant 0 : i32
      %dma_start3A_1971 = tpu.memref_slice %arg8[%dma_start3A_1968, %dma_start3A_1969, %dma_start3A_1970] : memref<16x32x128xf32, #tpu.memory_space<vmem>> -> memref<1x32x128xf32, #tpu.memory_space<vmem>>
      %dma_start3A_1972 = tpu.memref_squeeze %dma_start3A_1971 : memref<1x32x128xf32, #tpu.memory_space<vmem>> -> memref<32x128xf32, #tpu.memory_space<vmem>>
      %dma_start3A_1973 = arith.constant 0 : i32
      %dma_start3A_1974 = tpu.memref_slice %arg3[%dma_start3A_1973, %multiple_of3A_1967] : memref<32x1000000xf32, #tpu.memory_space<hbm>> -> memref<32x128xf32, #tpu.memory_space<hbm>>
      %dma_start3A_1975 = arith.constant 0 : i32
      %dma_start3A_1976 = arith.constant 0 : i32
      %dma_start3A_1977 = tpu.memref_slice %arg8[%dma_start3A_1968, %dma_start3A_1975, %dma_start3A_1976] : memref<16x32x128xf32, #tpu.memory_space<vmem>> -> memref<1x32x128xf32, #tpu.memory_space<vmem>>
      %dma_start3A_1978 = tpu.memref_squeeze %dma_start3A_1977 : memref<1x32x128xf32, #tpu.memory_space<vmem>> -> memref<32x128xf32, #tpu.memory_space<vmem>>
      %dma_start3A_1979 = arith.constant 0 : i32
      %dma_start3A_1980 = tpu.memref_slice %arg3[%dma_start3A_1979, %multiple_of3A_1967] : memref<32x1000000xf32, #tpu.memory_space<hbm>> -> memref<32x128xf32, #tpu.memory_space<hbm>>
      tpu.enqueue_dma source(%dma_start3A_1980 : memref<32x128xf32, #tpu.memory_space<hbm>>) target(%dma_start3A_1978 : memref<32x128xf32, #tpu.memory_space<vmem>>) target_semaphore(%arg24 : memref<!tpu.dma_semaphore, #tpu.memory_space<semaphore_mem>>)
      %add3A_1981 = arith.constant 0 : i32
      %add3A_1982 = vector.broadcast %add3A_1981 : i32 to vector<16xi32>
      %add3A_1983 = arith.addi %iota3A, %add3A_1982 : vector<16xi32>
      tpu.vector_store_idx %arg9[%add3A_1983, %broadcast_in_dim3A_1942], %gather3A_1951 : memref<32x512xf32, #tpu.memory_space<vmem>>[vector<16xi32>, vector<16xi32>], vector<16xf32>,
      %add3A_1984 = arith.constant 16 : i32
      %add3A_1985 = vector.broadcast %add3A_1984 : i32 to vector<16xi32>
      %add3A_1986 = arith.addi %iota3A, %add3A_1985 : vector<16xi32>
      tpu.vector_store_idx %arg9[%add3A_1986, %broadcast_in_dim3A_1942], %gather3A_1960 : memref<32x512xf32, #tpu.memory_space<vmem>>[vector<16xi32>, vector<16xi32>], vector<16xf32>,
      %dma_wait3A_1987 = arith.constant 13 : i32
      %dma_wait3A_1988 = arith.constant 0 : i32
      %dma_wait3A_1989 = arith.constant 0 : i32
      %dma_wait3A_1990 = tpu.memref_slice %arg8[%dma_wait3A_1987, %dma_wait3A_1988, %dma_wait3A_1989] : memref<16x32x128xf32, #tpu.memory_space<vmem>> -> memref<1x32x128xf32, #tpu.memory_space<vmem>>
      %dma_wait3A_1991 = tpu.memref_squeeze %dma_wait3A_1990 : memref<1x32x128xf32, #tpu.memory_space<vmem>> -> memref<32x128xf32, #tpu.memory_space<vmem>>
      %dma_wait3A_1992 = arith.constant 0 : i32
      %dma_wait3A_1993 = arith.constant 0 : i32
      %dma_wait3A_1994 = tpu.memref_slice %arg3[%dma_wait3A_1992, %dma_wait3A_1993] : memref<32x1000000xf32, #tpu.memory_space<hbm>> -> memref<32x128xf32, #tpu.memory_space<hbm>>
      %dma_wait3A_1995 = arith.constant 0 : i32
      %dma_wait3A_1996 = arith.constant 0 : i32
      %dma_wait3A_1997 = tpu.memref_slice %arg8[%dma_wait3A_1987, %dma_wait3A_1995, %dma_wait3A_1996] : memref<16x32x128xf32, #tpu.memory_space<vmem>> -> memref<1x32x128xf32, #tpu.memory_space<vmem>>
      %dma_wait3A_1998 = tpu.memref_squeeze %dma_wait3A_1997 : memref<1x32x128xf32, #tpu.memory_space<vmem>> -> memref<32x128xf32, #tpu.memory_space<vmem>>
      %dma_wait3A_1999 = arith.constant 0 : i32
      %dma_wait3A_2000 = arith.constant 0 : i32
      %dma_wait3A_2001 = tpu.memref_slice %arg3[%dma_wait3A_1999, %dma_wait3A_2000] : memref<32x1000000xf32, #tpu.memory_space<hbm>> -> memref<32x128xf32, #tpu.memory_space<hbm>>
      tpu.wait_dma2 semaphore(%arg25 : memref<!tpu.dma_semaphore, #tpu.memory_space<semaphore_mem>>) src(%dma_wait3A_2001 : memref<32x128xf32, #tpu.memory_space<hbm>>) dst(%dma_wait3A_1998 : memref<32x128xf32, #tpu.memory_space<vmem>>)
      %sub3A_2002 = arith.constant 1 : i32
      %sub3A_2003 = arith.subi %scan3A_1059, %sub3A_2002 : i32
      %slice3A_2004 = vector.extract_strided_slice %scan3A_1060 {offsets = [13], sizes = [1], strides = [1]} : vector<16xi32> to vector<1xi32>
      %squeeze3A_2005 = vector.extract %slice3A_2004[0] : i32 from vector<1xi32>
      %and3A_2006 = arith.constant 127 : i32
      %and3A_2007 = arith.andi %squeeze3A_2005, %and3A_2006 : i32
      %broadcast_in_dim3A_2008 = vector.broadcast %and3A_2007 : i32 to vector<16xi32>
      %mul3A_2009 = arith.constant 16 : i32
      %mul3A_2010 = arith.muli %sub3A_2003, %mul3A_2009 : i32
      %add3A_2011 = arith.constant 13 : i32
      %add3A_2012 = arith.addi %mul3A_2010, %add3A_2011 : i32
      %broadcast_in_dim3A_2013 = vector.broadcast %add3A_2012 : i32 to vector<16xi32>
      %add3A_2014 = arith.constant 0 : i32
      %add3A_2015 = vector.broadcast %add3A_2014 : i32 to vector<16xi32>
      %add3A_2016 = arith.addi %iota3A, %add3A_2015 : vector<16xi32>
      %gather3A_2017 = arith.constant 13 : i32
      %gather3A_2018 = arith.constant 0 : i32
      %gather3A_2019 = arith.constant 0 : i32
      %gather3A_2020 = tpu.memref_slice %arg8[%gather3A_2017, %gather3A_2018, %gather3A_2019] : memref<16x32x128xf32, #tpu.memory_space<vmem>> -> memref<1x32x128xf32, #tpu.memory_space<vmem>>
      %gather3A_2021 = tpu.memref_squeeze %gather3A_2020 : memref<1x32x128xf32, #tpu.memory_space<vmem>> -> memref<32x128xf32, #tpu.memory_space<vmem>>
      %gather3A_2022 = tpu.vector_load_idx %gather3A_2021[%add3A_2016, %broadcast_in_dim3A_2008] : memref<32x128xf32, #tpu.memory_space<vmem>>[vector<16xi32>, vector<16xi32>], vector<16xf32>,
      %add3A_2023 = arith.constant 16 : i32
      %add3A_2024 = vector.broadcast %add3A_2023 : i32 to vector<16xi32>
      %add3A_2025 = arith.addi %iota3A, %add3A_2024 : vector<16xi32>
      %gather3A_2026 = arith.constant 13 : i32
      %gather3A_2027 = arith.constant 0 : i32
      %gather3A_2028 = arith.constant 0 : i32
      %gather3A_2029 = tpu.memref_slice %arg8[%gather3A_2026, %gather3A_2027, %gather3A_2028] : memref<16x32x128xf32, #tpu.memory_space<vmem>> -> memref<1x32x128xf32, #tpu.memory_space<vmem>>
      %gather3A_2030 = tpu.memref_squeeze %gather3A_2029 : memref<1x32x128xf32, #tpu.memory_space<vmem>> -> memref<32x128xf32, #tpu.memory_space<vmem>>
      %gather3A_2031 = tpu.vector_load_idx %gather3A_2030[%add3A_2025, %broadcast_in_dim3A_2008] : memref<32x128xf32, #tpu.memory_space<vmem>>[vector<16xi32>, vector<16xi32>], vector<16xf32>,
      %slice3A_2032 = vector.extract_strided_slice %get3A_1064 {offsets = [13], sizes = [1], strides = [1]} : vector<16xi32> to vector<1xi32>
      %squeeze3A_2033 = vector.extract %slice3A_2032[0] : i32 from vector<1xi32>
      %shift_right_logical3A_2034 = arith.constant 7 : i32
      %shift_right_logical3A_2035 = arith.shrui %squeeze3A_2033, %shift_right_logical3A_2034 : i32
      %shift_left3A_2036 = arith.constant 7 : i32
      %shift_left3A_2037 = arith.shli %shift_right_logical3A_2035, %shift_left3A_2036 : i32
      %multiple_of3A_2038 = tpu.assume_multiple %shift_left3A_2037, 128 : i32
      %dma_start3A_2039 = arith.constant 13 : i32
      %dma_start3A_2040 = arith.constant 0 : i32
      %dma_start3A_2041 = arith.constant 0 : i32
      %dma_start3A_2042 = tpu.memref_slice %arg8[%dma_start3A_2039, %dma_start3A_2040, %dma_start3A_2041] : memref<16x32x128xf32, #tpu.memory_space<vmem>> -> memref<1x32x128xf32, #tpu.memory_space<vmem>>
      %dma_start3A_2043 = tpu.memref_squeeze %dma_start3A_2042 : memref<1x32x128xf32, #tpu.memory_space<vmem>> -> memref<32x128xf32, #tpu.memory_space<vmem>>
      %dma_start3A_2044 = arith.constant 0 : i32
      %dma_start3A_2045 = tpu.memref_slice %arg3[%dma_start3A_2044, %multiple_of3A_2038] : memref<32x1000000xf32, #tpu.memory_space<hbm>> -> memref<32x128xf32, #tpu.memory_space<hbm>>
      %dma_start3A_2046 = arith.constant 0 : i32
      %dma_start3A_2047 = arith.constant 0 : i32
      %dma_start3A_2048 = tpu.memref_slice %arg8[%dma_start3A_2039, %dma_start3A_2046, %dma_start3A_2047] : memref<16x32x128xf32, #tpu.memory_space<vmem>> -> memref<1x32x128xf32, #tpu.memory_space<vmem>>
      %dma_start3A_2049 = tpu.memref_squeeze %dma_start3A_2048 : memref<1x32x128xf32, #tpu.memory_space<vmem>> -> memref<32x128xf32, #tpu.memory_space<vmem>>
      %dma_start3A_2050 = arith.constant 0 : i32
      %dma_start3A_2051 = tpu.memref_slice %arg3[%dma_start3A_2050, %multiple_of3A_2038] : memref<32x1000000xf32, #tpu.memory_space<hbm>> -> memref<32x128xf32, #tpu.memory_space<hbm>>
      tpu.enqueue_dma source(%dma_start3A_2051 : memref<32x128xf32, #tpu.memory_space<hbm>>) target(%dma_start3A_2049 : memref<32x128xf32, #tpu.memory_space<vmem>>) target_semaphore(%arg25 : memref<!tpu.dma_semaphore, #tpu.memory_space<semaphore_mem>>)
      %add3A_2052 = arith.constant 0 : i32
      %add3A_2053 = vector.broadcast %add3A_2052 : i32 to vector<16xi32>
      %add3A_2054 = arith.addi %iota3A, %add3A_2053 : vector<16xi32>
      tpu.vector_store_idx %arg9[%add3A_2054, %broadcast_in_dim3A_2013], %gather3A_2022 : memref<32x512xf32, #tpu.memory_space<vmem>>[vector<16xi32>, vector<16xi32>], vector<16xf32>,
      %add3A_2055 = arith.constant 16 : i32
      %add3A_2056 = vector.broadcast %add3A_2055 : i32 to vector<16xi32>
      %add3A_2057 = arith.addi %iota3A, %add3A_2056 : vector<16xi32>
      tpu.vector_store_idx %arg9[%add3A_2057, %broadcast_in_dim3A_2013], %gather3A_2031 : memref<32x512xf32, #tpu.memory_space<vmem>>[vector<16xi32>, vector<16xi32>], vector<16xf32>,
      %dma_wait3A_2058 = arith.constant 14 : i32
      %dma_wait3A_2059 = arith.constant 0 : i32
      %dma_wait3A_2060 = arith.constant 0 : i32
      %dma_wait3A_2061 = tpu.memref_slice %arg8[%dma_wait3A_2058, %dma_wait3A_2059, %dma_wait3A_2060] : memref<16x32x128xf32, #tpu.memory_space<vmem>> -> memref<1x32x128xf32, #tpu.memory_space<vmem>>
      %dma_wait3A_2062 = tpu.memref_squeeze %dma_wait3A_2061 : memref<1x32x128xf32, #tpu.memory_space<vmem>> -> memref<32x128xf32, #tpu.memory_space<vmem>>
      %dma_wait3A_2063 = arith.constant 0 : i32
      %dma_wait3A_2064 = arith.constant 0 : i32
      %dma_wait3A_2065 = tpu.memref_slice %arg3[%dma_wait3A_2063, %dma_wait3A_2064] : memref<32x1000000xf32, #tpu.memory_space<hbm>> -> memref<32x128xf32, #tpu.memory_space<hbm>>
      %dma_wait3A_2066 = arith.constant 0 : i32
      %dma_wait3A_2067 = arith.constant 0 : i32
      %dma_wait3A_2068 = tpu.memref_slice %arg8[%dma_wait3A_2058, %dma_wait3A_2066, %dma_wait3A_2067] : memref<16x32x128xf32, #tpu.memory_space<vmem>> -> memref<1x32x128xf32, #tpu.memory_space<vmem>>
      %dma_wait3A_2069 = tpu.memref_squeeze %dma_wait3A_2068 : memref<1x32x128xf32, #tpu.memory_space<vmem>> -> memref<32x128xf32, #tpu.memory_space<vmem>>
      %dma_wait3A_2070 = arith.constant 0 : i32
      %dma_wait3A_2071 = arith.constant 0 : i32
      %dma_wait3A_2072 = tpu.memref_slice %arg3[%dma_wait3A_2070, %dma_wait3A_2071] : memref<32x1000000xf32, #tpu.memory_space<hbm>> -> memref<32x128xf32, #tpu.memory_space<hbm>>
      tpu.wait_dma2 semaphore(%arg26 : memref<!tpu.dma_semaphore, #tpu.memory_space<semaphore_mem>>) src(%dma_wait3A_2072 : memref<32x128xf32, #tpu.memory_space<hbm>>) dst(%dma_wait3A_2069 : memref<32x128xf32, #tpu.memory_space<vmem>>)
      %sub3A_2073 = arith.constant 1 : i32
      %sub3A_2074 = arith.subi %scan3A_1059, %sub3A_2073 : i32
      %slice3A_2075 = vector.extract_strided_slice %scan3A_1060 {offsets = [14], sizes = [1], strides = [1]} : vector<16xi32> to vector<1xi32>
      %squeeze3A_2076 = vector.extract %slice3A_2075[0] : i32 from vector<1xi32>
      %and3A_2077 = arith.constant 127 : i32
      %and3A_2078 = arith.andi %squeeze3A_2076, %and3A_2077 : i32
      %broadcast_in_dim3A_2079 = vector.broadcast %and3A_2078 : i32 to vector<16xi32>
      %mul3A_2080 = arith.constant 16 : i32
      %mul3A_2081 = arith.muli %sub3A_2074, %mul3A_2080 : i32
      %add3A_2082 = arith.constant 14 : i32
      %add3A_2083 = arith.addi %mul3A_2081, %add3A_2082 : i32
      %broadcast_in_dim3A_2084 = vector.broadcast %add3A_2083 : i32 to vector<16xi32>
      %add3A_2085 = arith.constant 0 : i32
      %add3A_2086 = vector.broadcast %add3A_2085 : i32 to vector<16xi32>
      %add3A_2087 = arith.addi %iota3A, %add3A_2086 : vector<16xi32>
      %gather3A_2088 = arith.constant 14 : i32
      %gather3A_2089 = arith.constant 0 : i32
      %gather3A_2090 = arith.constant 0 : i32
      %gather3A_2091 = tpu.memref_slice %arg8[%gather3A_2088, %gather3A_2089, %gather3A_2090] : memref<16x32x128xf32, #tpu.memory_space<vmem>> -> memref<1x32x128xf32, #tpu.memory_space<vmem>>
      %gather3A_2092 = tpu.memref_squeeze %gather3A_2091 : memref<1x32x128xf32, #tpu.memory_space<vmem>> -> memref<32x128xf32, #tpu.memory_space<vmem>>
      %gather3A_2093 = tpu.vector_load_idx %gather3A_2092[%add3A_2087, %broadcast_in_dim3A_2079] : memref<32x128xf32, #tpu.memory_space<vmem>>[vector<16xi32>, vector<16xi32>], vector<16xf32>,
      %add3A_2094 = arith.constant 16 : i32
      %add3A_2095 = vector.broadcast %add3A_2094 : i32 to vector<16xi32>
      %add3A_2096 = arith.addi %iota3A, %add3A_2095 : vector<16xi32>
      %gather3A_2097 = arith.constant 14 : i32
      %gather3A_2098 = arith.constant 0 : i32
      %gather3A_2099 = arith.constant 0 : i32
      %gather3A_2100 = tpu.memref_slice %arg8[%gather3A_2097, %gather3A_2098, %gather3A_2099] : memref<16x32x128xf32, #tpu.memory_space<vmem>> -> memref<1x32x128xf32, #tpu.memory_space<vmem>>
      %gather3A_2101 = tpu.memref_squeeze %gather3A_2100 : memref<1x32x128xf32, #tpu.memory_space<vmem>> -> memref<32x128xf32, #tpu.memory_space<vmem>>
      %gather3A_2102 = tpu.vector_load_idx %gather3A_2101[%add3A_2096, %broadcast_in_dim3A_2079] : memref<32x128xf32, #tpu.memory_space<vmem>>[vector<16xi32>, vector<16xi32>], vector<16xf32>,
      %slice3A_2103 = vector.extract_strided_slice %get3A_1064 {offsets = [14], sizes = [1], strides = [1]} : vector<16xi32> to vector<1xi32>
      %squeeze3A_2104 = vector.extract %slice3A_2103[0] : i32 from vector<1xi32>
      %shift_right_logical3A_2105 = arith.constant 7 : i32
      %shift_right_logical3A_2106 = arith.shrui %squeeze3A_2104, %shift_right_logical3A_2105 : i32
      %shift_left3A_2107 = arith.constant 7 : i32
      %shift_left3A_2108 = arith.shli %shift_right_logical3A_2106, %shift_left3A_2107 : i32
      %multiple_of3A_2109 = tpu.assume_multiple %shift_left3A_2108, 128 : i32
      %dma_start3A_2110 = arith.constant 14 : i32
      %dma_start3A_2111 = arith.constant 0 : i32
      %dma_start3A_2112 = arith.constant 0 : i32
      %dma_start3A_2113 = tpu.memref_slice %arg8[%dma_start3A_2110, %dma_start3A_2111, %dma_start3A_2112] : memref<16x32x128xf32, #tpu.memory_space<vmem>> -> memref<1x32x128xf32, #tpu.memory_space<vmem>>
      %dma_start3A_2114 = tpu.memref_squeeze %dma_start3A_2113 : memref<1x32x128xf32, #tpu.memory_space<vmem>> -> memref<32x128xf32, #tpu.memory_space<vmem>>
      %dma_start3A_2115 = arith.constant 0 : i32
      %dma_start3A_2116 = tpu.memref_slice %arg3[%dma_start3A_2115, %multiple_of3A_2109] : memref<32x1000000xf32, #tpu.memory_space<hbm>> -> memref<32x128xf32, #tpu.memory_space<hbm>>
      %dma_start3A_2117 = arith.constant 0 : i32
      %dma_start3A_2118 = arith.constant 0 : i32
      %dma_start3A_2119 = tpu.memref_slice %arg8[%dma_start3A_2110, %dma_start3A_2117, %dma_start3A_2118] : memref<16x32x128xf32, #tpu.memory_space<vmem>> -> memref<1x32x128xf32, #tpu.memory_space<vmem>>
      %dma_start3A_2120 = tpu.memref_squeeze %dma_start3A_2119 : memref<1x32x128xf32, #tpu.memory_space<vmem>> -> memref<32x128xf32, #tpu.memory_space<vmem>>
      %dma_start3A_2121 = arith.constant 0 : i32
      %dma_start3A_2122 = tpu.memref_slice %arg3[%dma_start3A_2121, %multiple_of3A_2109] : memref<32x1000000xf32, #tpu.memory_space<hbm>> -> memref<32x128xf32, #tpu.memory_space<hbm>>
      tpu.enqueue_dma source(%dma_start3A_2122 : memref<32x128xf32, #tpu.memory_space<hbm>>) target(%dma_start3A_2120 : memref<32x128xf32, #tpu.memory_space<vmem>>) target_semaphore(%arg26 : memref<!tpu.dma_semaphore, #tpu.memory_space<semaphore_mem>>)
      %add3A_2123 = arith.constant 0 : i32
      %add3A_2124 = vector.broadcast %add3A_2123 : i32 to vector<16xi32>
      %add3A_2125 = arith.addi %iota3A, %add3A_2124 : vector<16xi32>
      tpu.vector_store_idx %arg9[%add3A_2125, %broadcast_in_dim3A_2084], %gather3A_2093 : memref<32x512xf32, #tpu.memory_space<vmem>>[vector<16xi32>, vector<16xi32>], vector<16xf32>,
      %add3A_2126 = arith.constant 16 : i32
      %add3A_2127 = vector.broadcast %add3A_2126 : i32 to vector<16xi32>
      %add3A_2128 = arith.addi %iota3A, %add3A_2127 : vector<16xi32>
      tpu.vector_store_idx %arg9[%add3A_2128, %broadcast_in_dim3A_2084], %gather3A_2102 : memref<32x512xf32, #tpu.memory_space<vmem>>[vector<16xi32>, vector<16xi32>], vector<16xf32>,
      %dma_wait3A_2129 = arith.constant 15 : i32
      %dma_wait3A_2130 = arith.constant 0 : i32
      %dma_wait3A_2131 = arith.constant 0 : i32
      %dma_wait3A_2132 = tpu.memref_slice %arg8[%dma_wait3A_2129, %dma_wait3A_2130, %dma_wait3A_2131] : memref<16x32x128xf32, #tpu.memory_space<vmem>> -> memref<1x32x128xf32, #tpu.memory_space<vmem>>
      %dma_wait3A_2133 = tpu.memref_squeeze %dma_wait3A_2132 : memref<1x32x128xf32, #tpu.memory_space<vmem>> -> memref<32x128xf32, #tpu.memory_space<vmem>>
      %dma_wait3A_2134 = arith.constant 0 : i32
      %dma_wait3A_2135 = arith.constant 0 : i32
      %dma_wait3A_2136 = tpu.memref_slice %arg3[%dma_wait3A_2134, %dma_wait3A_2135] : memref<32x1000000xf32, #tpu.memory_space<hbm>> -> memref<32x128xf32, #tpu.memory_space<hbm>>
      %dma_wait3A_2137 = arith.constant 0 : i32
      %dma_wait3A_2138 = arith.constant 0 : i32
      %dma_wait3A_2139 = tpu.memref_slice %arg8[%dma_wait3A_2129, %dma_wait3A_2137, %dma_wait3A_2138] : memref<16x32x128xf32, #tpu.memory_space<vmem>> -> memref<1x32x128xf32, #tpu.memory_space<vmem>>
      %dma_wait3A_2140 = tpu.memref_squeeze %dma_wait3A_2139 : memref<1x32x128xf32, #tpu.memory_space<vmem>> -> memref<32x128xf32, #tpu.memory_space<vmem>>
      %dma_wait3A_2141 = arith.constant 0 : i32
      %dma_wait3A_2142 = arith.constant 0 : i32
      %dma_wait3A_2143 = tpu.memref_slice %arg3[%dma_wait3A_2141, %dma_wait3A_2142] : memref<32x1000000xf32, #tpu.memory_space<hbm>> -> memref<32x128xf32, #tpu.memory_space<hbm>>
      tpu.wait_dma2 semaphore(%arg27 : memref<!tpu.dma_semaphore, #tpu.memory_space<semaphore_mem>>) src(%dma_wait3A_2143 : memref<32x128xf32, #tpu.memory_space<hbm>>) dst(%dma_wait3A_2140 : memref<32x128xf32, #tpu.memory_space<vmem>>)
      %sub3A_2144 = arith.constant 1 : i32
      %sub3A_2145 = arith.subi %scan3A_1059, %sub3A_2144 : i32
      %slice3A_2146 = vector.extract_strided_slice %scan3A_1060 {offsets = [15], sizes = [1], strides = [1]} : vector<16xi32> to vector<1xi32>
      %squeeze3A_2147 = vector.extract %slice3A_2146[0] : i32 from vector<1xi32>
      %and3A_2148 = arith.constant 127 : i32
      %and3A_2149 = arith.andi %squeeze3A_2147, %and3A_2148 : i32
      %broadcast_in_dim3A_2150 = vector.broadcast %and3A_2149 : i32 to vector<16xi32>
      %mul3A_2151 = arith.constant 16 : i32
      %mul3A_2152 = arith.muli %sub3A_2145, %mul3A_2151 : i32
      %add3A_2153 = arith.constant 15 : i32
      %add3A_2154 = arith.addi %mul3A_2152, %add3A_2153 : i32
      %broadcast_in_dim3A_2155 = vector.broadcast %add3A_2154 : i32 to vector<16xi32>
      %add3A_2156 = arith.constant 0 : i32
      %add3A_2157 = vector.broadcast %add3A_2156 : i32 to vector<16xi32>
      %add3A_2158 = arith.addi %iota3A, %add3A_2157 : vector<16xi32>
      %gather3A_2159 = arith.constant 15 : i32
      %gather3A_2160 = arith.constant 0 : i32
      %gather3A_2161 = arith.constant 0 : i32
      %gather3A_2162 = tpu.memref_slice %arg8[%gather3A_2159, %gather3A_2160, %gather3A_2161] : memref<16x32x128xf32, #tpu.memory_space<vmem>> -> memref<1x32x128xf32, #tpu.memory_space<vmem>>
      %gather3A_2163 = tpu.memref_squeeze %gather3A_2162 : memref<1x32x128xf32, #tpu.memory_space<vmem>> -> memref<32x128xf32, #tpu.memory_space<vmem>>
      %gather3A_2164 = tpu.vector_load_idx %gather3A_2163[%add3A_2158, %broadcast_in_dim3A_2150] : memref<32x128xf32, #tpu.memory_space<vmem>>[vector<16xi32>, vector<16xi32>], vector<16xf32>,
      %add3A_2165 = arith.constant 16 : i32
      %add3A_2166 = vector.broadcast %add3A_2165 : i32 to vector<16xi32>
      %add3A_2167 = arith.addi %iota3A, %add3A_2166 : vector<16xi32>
      %gather3A_2168 = arith.constant 15 : i32
      %gather3A_2169 = arith.constant 0 : i32
      %gather3A_2170 = arith.constant 0 : i32
      %gather3A_2171 = tpu.memref_slice %arg8[%gather3A_2168, %gather3A_2169, %gather3A_2170] : memref<16x32x128xf32, #tpu.memory_space<vmem>> -> memref<1x32x128xf32, #tpu.memory_space<vmem>>
      %gather3A_2172 = tpu.memref_squeeze %gather3A_2171 : memref<1x32x128xf32, #tpu.memory_space<vmem>> -> memref<32x128xf32, #tpu.memory_space<vmem>>
      %gather3A_2173 = tpu.vector_load_idx %gather3A_2172[%add3A_2167, %broadcast_in_dim3A_2150] : memref<32x128xf32, #tpu.memory_space<vmem>>[vector<16xi32>, vector<16xi32>], vector<16xf32>,
      %slice3A_2174 = vector.extract_strided_slice %get3A_1064 {offsets = [15], sizes = [1], strides = [1]} : vector<16xi32> to vector<1xi32>
      %squeeze3A_2175 = vector.extract %slice3A_2174[0] : i32 from vector<1xi32>
      %shift_right_logical3A_2176 = arith.constant 7 : i32
      %shift_right_logical3A_2177 = arith.shrui %squeeze3A_2175, %shift_right_logical3A_2176 : i32
      %shift_left3A_2178 = arith.constant 7 : i32
      %shift_left3A_2179 = arith.shli %shift_right_logical3A_2177, %shift_left3A_2178 : i32
      %multiple_of3A_2180 = tpu.assume_multiple %shift_left3A_2179, 128 : i32
      %dma_start3A_2181 = arith.constant 15 : i32
      %dma_start3A_2182 = arith.constant 0 : i32
      %dma_start3A_2183 = arith.constant 0 : i32
      %dma_start3A_2184 = tpu.memref_slice %arg8[%dma_start3A_2181, %dma_start3A_2182, %dma_start3A_2183] : memref<16x32x128xf32, #tpu.memory_space<vmem>> -> memref<1x32x128xf32, #tpu.memory_space<vmem>>
      %dma_start3A_2185 = tpu.memref_squeeze %dma_start3A_2184 : memref<1x32x128xf32, #tpu.memory_space<vmem>> -> memref<32x128xf32, #tpu.memory_space<vmem>>
      %dma_start3A_2186 = arith.constant 0 : i32
      %dma_start3A_2187 = tpu.memref_slice %arg3[%dma_start3A_2186, %multiple_of3A_2180] : memref<32x1000000xf32, #tpu.memory_space<hbm>> -> memref<32x128xf32, #tpu.memory_space<hbm>>
      %dma_start3A_2188 = arith.constant 0 : i32
      %dma_start3A_2189 = arith.constant 0 : i32
      %dma_start3A_2190 = tpu.memref_slice %arg8[%dma_start3A_2181, %dma_start3A_2188, %dma_start3A_2189] : memref<16x32x128xf32, #tpu.memory_space<vmem>> -> memref<1x32x128xf32, #tpu.memory_space<vmem>>
      %dma_start3A_2191 = tpu.memref_squeeze %dma_start3A_2190 : memref<1x32x128xf32, #tpu.memory_space<vmem>> -> memref<32x128xf32, #tpu.memory_space<vmem>>
      %dma_start3A_2192 = arith.constant 0 : i32
      %dma_start3A_2193 = tpu.memref_slice %arg3[%dma_start3A_2192, %multiple_of3A_2180] : memref<32x1000000xf32, #tpu.memory_space<hbm>> -> memref<32x128xf32, #tpu.memory_space<hbm>>
      tpu.enqueue_dma source(%dma_start3A_2193 : memref<32x128xf32, #tpu.memory_space<hbm>>) target(%dma_start3A_2191 : memref<32x128xf32, #tpu.memory_space<vmem>>) target_semaphore(%arg27 : memref<!tpu.dma_semaphore, #tpu.memory_space<semaphore_mem>>)
      %add3A_2194 = arith.constant 0 : i32
      %add3A_2195 = vector.broadcast %add3A_2194 : i32 to vector<16xi32>
      %add3A_2196 = arith.addi %iota3A, %add3A_2195 : vector<16xi32>
      tpu.vector_store_idx %arg9[%add3A_2196, %broadcast_in_dim3A_2155], %gather3A_2164 : memref<32x512xf32, #tpu.memory_space<vmem>>[vector<16xi32>, vector<16xi32>], vector<16xf32>,
      %add3A_2197 = arith.constant 16 : i32
      %add3A_2198 = vector.broadcast %add3A_2197 : i32 to vector<16xi32>
      %add3A_2199 = arith.addi %iota3A, %add3A_2198 : vector<16xi32>
      tpu.vector_store_idx %arg9[%add3A_2199, %broadcast_in_dim3A_2155], %gather3A_2173 : memref<32x512xf32, #tpu.memory_space<vmem>>[vector<16xi32>, vector<16xi32>], vector<16xf32>,
      scf.yield %get3A_1064 : vector<16xi32>
    }
    %scan3A_324 = arith.constant 31 : i32
    %dma_wait3A = arith.constant 0 : i32
    %dma_wait3A_325 = arith.constant 0 : i32
    %dma_wait3A_326 = arith.constant 0 : i32
    %dma_wait3A_327 = tpu.memref_slice %arg8[%dma_wait3A, %dma_wait3A_325, %dma_wait3A_326] : memref<16x32x128xf32, #tpu.memory_space<vmem>> -> memref<1x32x128xf32, #tpu.memory_space<vmem>>
    %dma_wait3A_328 = tpu.memref_squeeze %dma_wait3A_327 : memref<1x32x128xf32, #tpu.memory_space<vmem>> -> memref<32x128xf32, #tpu.memory_space<vmem>>
    %dma_wait3A_329 = arith.constant 0 : i32
    %dma_wait3A_330 = arith.constant 0 : i32
    %dma_wait3A_331 = tpu.memref_slice %arg3[%dma_wait3A_329, %dma_wait3A_330] : memref<32x1000000xf32, #tpu.memory_space<hbm>> -> memref<32x128xf32, #tpu.memory_space<hbm>>
    %dma_wait3A_332 = arith.constant 0 : i32
    %dma_wait3A_333 = arith.constant 0 : i32
    %dma_wait3A_334 = tpu.memref_slice %arg8[%dma_wait3A, %dma_wait3A_332, %dma_wait3A_333] : memref<16x32x128xf32, #tpu.memory_space<vmem>> -> memref<1x32x128xf32, #tpu.memory_space<vmem>>
    %dma_wait3A_335 = tpu.memref_squeeze %dma_wait3A_334 : memref<1x32x128xf32, #tpu.memory_space<vmem>> -> memref<32x128xf32, #tpu.memory_space<vmem>>
    %dma_wait3A_336 = arith.constant 0 : i32
    %dma_wait3A_337 = arith.constant 0 : i32
    %dma_wait3A_338 = tpu.memref_slice %arg3[%dma_wait3A_336, %dma_wait3A_337] : memref<32x1000000xf32, #tpu.memory_space<hbm>> -> memref<32x128xf32, #tpu.memory_space<hbm>>
    tpu.wait_dma2 semaphore(%arg12 : memref<!tpu.dma_semaphore, #tpu.memory_space<semaphore_mem>>) src(%dma_wait3A_338 : memref<32x128xf32, #tpu.memory_space<hbm>>) dst(%dma_wait3A_335 : memref<32x128xf32, #tpu.memory_space<vmem>>)
    %slice3A_339 = vector.extract_strided_slice %scan3A_323 {offsets = [0], sizes = [1], strides = [1]} : vector<16xi32> to vector<1xi32>
    %squeeze3A_340 = vector.extract %slice3A_339[0] : i32 from vector<1xi32>
    %and3A = arith.constant 127 : i32
    %and3A_341 = arith.andi %squeeze3A_340, %and3A : i32
    %broadcast_in_dim3A = vector.broadcast %and3A_341 : i32 to vector<16xi32>
    %broadcast_in_dim3A_342 = arith.constant 496 : i32
    %broadcast_in_dim3A_343 = vector.broadcast %broadcast_in_dim3A_342 : i32 to vector<16xi32>
    %add3A_344 = arith.constant 0 : i32
    %add3A_345 = vector.broadcast %add3A_344 : i32 to vector<16xi32>
    %add3A_346 = arith.addi %iota3A, %add3A_345 : vector<16xi32>
    %gather3A = arith.constant 0 : i32
    %gather3A_347 = arith.constant 0 : i32
    %gather3A_348 = arith.constant 0 : i32
    %gather3A_349 = tpu.memref_slice %arg8[%gather3A, %gather3A_347, %gather3A_348] : memref<16x32x128xf32, #tpu.memory_space<vmem>> -> memref<1x32x128xf32, #tpu.memory_space<vmem>>
    %gather3A_350 = tpu.memref_squeeze %gather3A_349 : memref<1x32x128xf32, #tpu.memory_space<vmem>> -> memref<32x128xf32, #tpu.memory_space<vmem>>
    %gather3A_351 = tpu.vector_load_idx %gather3A_350[%add3A_346, %broadcast_in_dim3A] : memref<32x128xf32, #tpu.memory_space<vmem>>[vector<16xi32>, vector<16xi32>], vector<16xf32>,
    %add3A_352 = arith.constant 16 : i32
    %add3A_353 = vector.broadcast %add3A_352 : i32 to vector<16xi32>
    %add3A_354 = arith.addi %iota3A, %add3A_353 : vector<16xi32>
    %gather3A_355 = arith.constant 0 : i32
    %gather3A_356 = arith.constant 0 : i32
    %gather3A_357 = arith.constant 0 : i32
    %gather3A_358 = tpu.memref_slice %arg8[%gather3A_355, %gather3A_356, %gather3A_357] : memref<16x32x128xf32, #tpu.memory_space<vmem>> -> memref<1x32x128xf32, #tpu.memory_space<vmem>>
    %gather3A_359 = tpu.memref_squeeze %gather3A_358 : memref<1x32x128xf32, #tpu.memory_space<vmem>> -> memref<32x128xf32, #tpu.memory_space<vmem>>
    %gather3A_360 = tpu.vector_load_idx %gather3A_359[%add3A_354, %broadcast_in_dim3A] : memref<32x128xf32, #tpu.memory_space<vmem>>[vector<16xi32>, vector<16xi32>], vector<16xf32>,
    %add3A_361 = arith.constant 0 : i32
    %add3A_362 = vector.broadcast %add3A_361 : i32 to vector<16xi32>
    %add3A_363 = arith.addi %iota3A, %add3A_362 : vector<16xi32>
    tpu.vector_store_idx %arg9[%add3A_363, %broadcast_in_dim3A_343], %gather3A_351 : memref<32x512xf32, #tpu.memory_space<vmem>>[vector<16xi32>, vector<16xi32>], vector<16xf32>,
    %add3A_364 = arith.constant 16 : i32
    %add3A_365 = vector.broadcast %add3A_364 : i32 to vector<16xi32>
    %add3A_366 = arith.addi %iota3A, %add3A_365 : vector<16xi32>
    tpu.vector_store_idx %arg9[%add3A_366, %broadcast_in_dim3A_343], %gather3A_360 : memref<32x512xf32, #tpu.memory_space<vmem>>[vector<16xi32>, vector<16xi32>], vector<16xf32>,
    %dma_wait3A_367 = arith.constant 1 : i32
    %dma_wait3A_368 = arith.constant 0 : i32
    %dma_wait3A_369 = arith.constant 0 : i32
    %dma_wait3A_370 = tpu.memref_slice %arg8[%dma_wait3A_367, %dma_wait3A_368, %dma_wait3A_369] : memref<16x32x128xf32, #tpu.memory_space<vmem>> -> memref<1x32x128xf32, #tpu.memory_space<vmem>>
    %dma_wait3A_371 = tpu.memref_squeeze %dma_wait3A_370 : memref<1x32x128xf32, #tpu.memory_space<vmem>> -> memref<32x128xf32, #tpu.memory_space<vmem>>
    %dma_wait3A_372 = arith.constant 0 : i32
    %dma_wait3A_373 = arith.constant 0 : i32
    %dma_wait3A_374 = tpu.memref_slice %arg3[%dma_wait3A_372, %dma_wait3A_373] : memref<32x1000000xf32, #tpu.memory_space<hbm>> -> memref<32x128xf32, #tpu.memory_space<hbm>>
    %dma_wait3A_375 = arith.constant 0 : i32
    %dma_wait3A_376 = arith.constant 0 : i32
    %dma_wait3A_377 = tpu.memref_slice %arg8[%dma_wait3A_367, %dma_wait3A_375, %dma_wait3A_376] : memref<16x32x128xf32, #tpu.memory_space<vmem>> -> memref<1x32x128xf32, #tpu.memory_space<vmem>>
    %dma_wait3A_378 = tpu.memref_squeeze %dma_wait3A_377 : memref<1x32x128xf32, #tpu.memory_space<vmem>> -> memref<32x128xf32, #tpu.memory_space<vmem>>
    %dma_wait3A_379 = arith.constant 0 : i32
    %dma_wait3A_380 = arith.constant 0 : i32
    %dma_wait3A_381 = tpu.memref_slice %arg3[%dma_wait3A_379, %dma_wait3A_380] : memref<32x1000000xf32, #tpu.memory_space<hbm>> -> memref<32x128xf32, #tpu.memory_space<hbm>>
    tpu.wait_dma2 semaphore(%arg13 : memref<!tpu.dma_semaphore, #tpu.memory_space<semaphore_mem>>) src(%dma_wait3A_381 : memref<32x128xf32, #tpu.memory_space<hbm>>) dst(%dma_wait3A_378 : memref<32x128xf32, #tpu.memory_space<vmem>>)
    %slice3A_382 = vector.extract_strided_slice %scan3A_323 {offsets = [1], sizes = [1], strides = [1]} : vector<16xi32> to vector<1xi32>
    %squeeze3A_383 = vector.extract %slice3A_382[0] : i32 from vector<1xi32>
    %and3A_384 = arith.constant 127 : i32
    %and3A_385 = arith.andi %squeeze3A_383, %and3A_384 : i32
    %broadcast_in_dim3A_386 = vector.broadcast %and3A_385 : i32 to vector<16xi32>
    %broadcast_in_dim3A_387 = arith.constant 497 : i32
    %broadcast_in_dim3A_388 = vector.broadcast %broadcast_in_dim3A_387 : i32 to vector<16xi32>
    %add3A_389 = arith.constant 0 : i32
    %add3A_390 = vector.broadcast %add3A_389 : i32 to vector<16xi32>
    %add3A_391 = arith.addi %iota3A, %add3A_390 : vector<16xi32>
    %gather3A_392 = arith.constant 1 : i32
    %gather3A_393 = arith.constant 0 : i32
    %gather3A_394 = arith.constant 0 : i32
    %gather3A_395 = tpu.memref_slice %arg8[%gather3A_392, %gather3A_393, %gather3A_394] : memref<16x32x128xf32, #tpu.memory_space<vmem>> -> memref<1x32x128xf32, #tpu.memory_space<vmem>>
    %gather3A_396 = tpu.memref_squeeze %gather3A_395 : memref<1x32x128xf32, #tpu.memory_space<vmem>> -> memref<32x128xf32, #tpu.memory_space<vmem>>
    %gather3A_397 = tpu.vector_load_idx %gather3A_396[%add3A_391, %broadcast_in_dim3A_386] : memref<32x128xf32, #tpu.memory_space<vmem>>[vector<16xi32>, vector<16xi32>], vector<16xf32>,
    %add3A_398 = arith.constant 16 : i32
    %add3A_399 = vector.broadcast %add3A_398 : i32 to vector<16xi32>
    %add3A_400 = arith.addi %iota3A, %add3A_399 : vector<16xi32>
    %gather3A_401 = arith.constant 1 : i32
    %gather3A_402 = arith.constant 0 : i32
    %gather3A_403 = arith.constant 0 : i32
    %gather3A_404 = tpu.memref_slice %arg8[%gather3A_401, %gather3A_402, %gather3A_403] : memref<16x32x128xf32, #tpu.memory_space<vmem>> -> memref<1x32x128xf32, #tpu.memory_space<vmem>>
    %gather3A_405 = tpu.memref_squeeze %gather3A_404 : memref<1x32x128xf32, #tpu.memory_space<vmem>> -> memref<32x128xf32, #tpu.memory_space<vmem>>
    %gather3A_406 = tpu.vector_load_idx %gather3A_405[%add3A_400, %broadcast_in_dim3A_386] : memref<32x128xf32, #tpu.memory_space<vmem>>[vector<16xi32>, vector<16xi32>], vector<16xf32>,
    %add3A_407 = arith.constant 0 : i32
    %add3A_408 = vector.broadcast %add3A_407 : i32 to vector<16xi32>
    %add3A_409 = arith.addi %iota3A, %add3A_408 : vector<16xi32>
    tpu.vector_store_idx %arg9[%add3A_409, %broadcast_in_dim3A_388], %gather3A_397 : memref<32x512xf32, #tpu.memory_space<vmem>>[vector<16xi32>, vector<16xi32>], vector<16xf32>,
    %add3A_410 = arith.constant 16 : i32
    %add3A_411 = vector.broadcast %add3A_410 : i32 to vector<16xi32>
    %add3A_412 = arith.addi %iota3A, %add3A_411 : vector<16xi32>
    tpu.vector_store_idx %arg9[%add3A_412, %broadcast_in_dim3A_388], %gather3A_406 : memref<32x512xf32, #tpu.memory_space<vmem>>[vector<16xi32>, vector<16xi32>], vector<16xf32>,
    %dma_wait3A_413 = arith.constant 2 : i32
    %dma_wait3A_414 = arith.constant 0 : i32
    %dma_wait3A_415 = arith.constant 0 : i32
    %dma_wait3A_416 = tpu.memref_slice %arg8[%dma_wait3A_413, %dma_wait3A_414, %dma_wait3A_415] : memref<16x32x128xf32, #tpu.memory_space<vmem>> -> memref<1x32x128xf32, #tpu.memory_space<vmem>>
    %dma_wait3A_417 = tpu.memref_squeeze %dma_wait3A_416 : memref<1x32x128xf32, #tpu.memory_space<vmem>> -> memref<32x128xf32, #tpu.memory_space<vmem>>
    %dma_wait3A_418 = arith.constant 0 : i32
    %dma_wait3A_419 = arith.constant 0 : i32
    %dma_wait3A_420 = tpu.memref_slice %arg3[%dma_wait3A_418, %dma_wait3A_419] : memref<32x1000000xf32, #tpu.memory_space<hbm>> -> memref<32x128xf32, #tpu.memory_space<hbm>>
    %dma_wait3A_421 = arith.constant 0 : i32
    %dma_wait3A_422 = arith.constant 0 : i32
    %dma_wait3A_423 = tpu.memref_slice %arg8[%dma_wait3A_413, %dma_wait3A_421, %dma_wait3A_422] : memref<16x32x128xf32, #tpu.memory_space<vmem>> -> memref<1x32x128xf32, #tpu.memory_space<vmem>>
    %dma_wait3A_424 = tpu.memref_squeeze %dma_wait3A_423 : memref<1x32x128xf32, #tpu.memory_space<vmem>> -> memref<32x128xf32, #tpu.memory_space<vmem>>
    %dma_wait3A_425 = arith.constant 0 : i32
    %dma_wait3A_426 = arith.constant 0 : i32
    %dma_wait3A_427 = tpu.memref_slice %arg3[%dma_wait3A_425, %dma_wait3A_426] : memref<32x1000000xf32, #tpu.memory_space<hbm>> -> memref<32x128xf32, #tpu.memory_space<hbm>>
    tpu.wait_dma2 semaphore(%arg14 : memref<!tpu.dma_semaphore, #tpu.memory_space<semaphore_mem>>) src(%dma_wait3A_427 : memref<32x128xf32, #tpu.memory_space<hbm>>) dst(%dma_wait3A_424 : memref<32x128xf32, #tpu.memory_space<vmem>>)
    %slice3A_428 = vector.extract_strided_slice %scan3A_323 {offsets = [2], sizes = [1], strides = [1]} : vector<16xi32> to vector<1xi32>
    %squeeze3A_429 = vector.extract %slice3A_428[0] : i32 from vector<1xi32>
    %and3A_430 = arith.constant 127 : i32
    %and3A_431 = arith.andi %squeeze3A_429, %and3A_430 : i32
    %broadcast_in_dim3A_432 = vector.broadcast %and3A_431 : i32 to vector<16xi32>
    %broadcast_in_dim3A_433 = arith.constant 498 : i32
    %broadcast_in_dim3A_434 = vector.broadcast %broadcast_in_dim3A_433 : i32 to vector<16xi32>
    %add3A_435 = arith.constant 0 : i32
    %add3A_436 = vector.broadcast %add3A_435 : i32 to vector<16xi32>
    %add3A_437 = arith.addi %iota3A, %add3A_436 : vector<16xi32>
    %gather3A_438 = arith.constant 2 : i32
    %gather3A_439 = arith.constant 0 : i32
    %gather3A_440 = arith.constant 0 : i32
    %gather3A_441 = tpu.memref_slice %arg8[%gather3A_438, %gather3A_439, %gather3A_440] : memref<16x32x128xf32, #tpu.memory_space<vmem>> -> memref<1x32x128xf32, #tpu.memory_space<vmem>>
    %gather3A_442 = tpu.memref_squeeze %gather3A_441 : memref<1x32x128xf32, #tpu.memory_space<vmem>> -> memref<32x128xf32, #tpu.memory_space<vmem>>
    %gather3A_443 = tpu.vector_load_idx %gather3A_442[%add3A_437, %broadcast_in_dim3A_432] : memref<32x128xf32, #tpu.memory_space<vmem>>[vector<16xi32>, vector<16xi32>], vector<16xf32>,
    %add3A_444 = arith.constant 16 : i32
    %add3A_445 = vector.broadcast %add3A_444 : i32 to vector<16xi32>
    %add3A_446 = arith.addi %iota3A, %add3A_445 : vector<16xi32>
    %gather3A_447 = arith.constant 2 : i32
    %gather3A_448 = arith.constant 0 : i32
    %gather3A_449 = arith.constant 0 : i32
    %gather3A_450 = tpu.memref_slice %arg8[%gather3A_447, %gather3A_448, %gather3A_449] : memref<16x32x128xf32, #tpu.memory_space<vmem>> -> memref<1x32x128xf32, #tpu.memory_space<vmem>>
    %gather3A_451 = tpu.memref_squeeze %gather3A_450 : memref<1x32x128xf32, #tpu.memory_space<vmem>> -> memref<32x128xf32, #tpu.memory_space<vmem>>
    %gather3A_452 = tpu.vector_load_idx %gather3A_451[%add3A_446, %broadcast_in_dim3A_432] : memref<32x128xf32, #tpu.memory_space<vmem>>[vector<16xi32>, vector<16xi32>], vector<16xf32>,
    %add3A_453 = arith.constant 0 : i32
    %add3A_454 = vector.broadcast %add3A_453 : i32 to vector<16xi32>
    %add3A_455 = arith.addi %iota3A, %add3A_454 : vector<16xi32>
    tpu.vector_store_idx %arg9[%add3A_455, %broadcast_in_dim3A_434], %gather3A_443 : memref<32x512xf32, #tpu.memory_space<vmem>>[vector<16xi32>, vector<16xi32>], vector<16xf32>,
    %add3A_456 = arith.constant 16 : i32
    %add3A_457 = vector.broadcast %add3A_456 : i32 to vector<16xi32>
    %add3A_458 = arith.addi %iota3A, %add3A_457 : vector<16xi32>
    tpu.vector_store_idx %arg9[%add3A_458, %broadcast_in_dim3A_434], %gather3A_452 : memref<32x512xf32, #tpu.memory_space<vmem>>[vector<16xi32>, vector<16xi32>], vector<16xf32>,
    %dma_wait3A_459 = arith.constant 3 : i32
    %dma_wait3A_460 = arith.constant 0 : i32
    %dma_wait3A_461 = arith.constant 0 : i32
    %dma_wait3A_462 = tpu.memref_slice %arg8[%dma_wait3A_459, %dma_wait3A_460, %dma_wait3A_461] : memref<16x32x128xf32, #tpu.memory_space<vmem>> -> memref<1x32x128xf32, #tpu.memory_space<vmem>>
    %dma_wait3A_463 = tpu.memref_squeeze %dma_wait3A_462 : memref<1x32x128xf32, #tpu.memory_space<vmem>> -> memref<32x128xf32, #tpu.memory_space<vmem>>
    %dma_wait3A_464 = arith.constant 0 : i32
    %dma_wait3A_465 = arith.constant 0 : i32
    %dma_wait3A_466 = tpu.memref_slice %arg3[%dma_wait3A_464, %dma_wait3A_465] : memref<32x1000000xf32, #tpu.memory_space<hbm>> -> memref<32x128xf32, #tpu.memory_space<hbm>>
    %dma_wait3A_467 = arith.constant 0 : i32
    %dma_wait3A_468 = arith.constant 0 : i32
    %dma_wait3A_469 = tpu.memref_slice %arg8[%dma_wait3A_459, %dma_wait3A_467, %dma_wait3A_468] : memref<16x32x128xf32, #tpu.memory_space<vmem>> -> memref<1x32x128xf32, #tpu.memory_space<vmem>>
    %dma_wait3A_470 = tpu.memref_squeeze %dma_wait3A_469 : memref<1x32x128xf32, #tpu.memory_space<vmem>> -> memref<32x128xf32, #tpu.memory_space<vmem>>
    %dma_wait3A_471 = arith.constant 0 : i32
    %dma_wait3A_472 = arith.constant 0 : i32
    %dma_wait3A_473 = tpu.memref_slice %arg3[%dma_wait3A_471, %dma_wait3A_472] : memref<32x1000000xf32, #tpu.memory_space<hbm>> -> memref<32x128xf32, #tpu.memory_space<hbm>>
    tpu.wait_dma2 semaphore(%arg15 : memref<!tpu.dma_semaphore, #tpu.memory_space<semaphore_mem>>) src(%dma_wait3A_473 : memref<32x128xf32, #tpu.memory_space<hbm>>) dst(%dma_wait3A_470 : memref<32x128xf32, #tpu.memory_space<vmem>>)
    %slice3A_474 = vector.extract_strided_slice %scan3A_323 {offsets = [3], sizes = [1], strides = [1]} : vector<16xi32> to vector<1xi32>
    %squeeze3A_475 = vector.extract %slice3A_474[0] : i32 from vector<1xi32>
    %and3A_476 = arith.constant 127 : i32
    %and3A_477 = arith.andi %squeeze3A_475, %and3A_476 : i32
    %broadcast_in_dim3A_478 = vector.broadcast %and3A_477 : i32 to vector<16xi32>
    %broadcast_in_dim3A_479 = arith.constant 499 : i32
    %broadcast_in_dim3A_480 = vector.broadcast %broadcast_in_dim3A_479 : i32 to vector<16xi32>
    %add3A_481 = arith.constant 0 : i32
    %add3A_482 = vector.broadcast %add3A_481 : i32 to vector<16xi32>
    %add3A_483 = arith.addi %iota3A, %add3A_482 : vector<16xi32>
    %gather3A_484 = arith.constant 3 : i32
    %gather3A_485 = arith.constant 0 : i32
    %gather3A_486 = arith.constant 0 : i32
    %gather3A_487 = tpu.memref_slice %arg8[%gather3A_484, %gather3A_485, %gather3A_486] : memref<16x32x128xf32, #tpu.memory_space<vmem>> -> memref<1x32x128xf32, #tpu.memory_space<vmem>>
    %gather3A_488 = tpu.memref_squeeze %gather3A_487 : memref<1x32x128xf32, #tpu.memory_space<vmem>> -> memref<32x128xf32, #tpu.memory_space<vmem>>
    %gather3A_489 = tpu.vector_load_idx %gather3A_488[%add3A_483, %broadcast_in_dim3A_478] : memref<32x128xf32, #tpu.memory_space<vmem>>[vector<16xi32>, vector<16xi32>], vector<16xf32>,
    %add3A_490 = arith.constant 16 : i32
    %add3A_491 = vector.broadcast %add3A_490 : i32 to vector<16xi32>
    %add3A_492 = arith.addi %iota3A, %add3A_491 : vector<16xi32>
    %gather3A_493 = arith.constant 3 : i32
    %gather3A_494 = arith.constant 0 : i32
    %gather3A_495 = arith.constant 0 : i32
    %gather3A_496 = tpu.memref_slice %arg8[%gather3A_493, %gather3A_494, %gather3A_495] : memref<16x32x128xf32, #tpu.memory_space<vmem>> -> memref<1x32x128xf32, #tpu.memory_space<vmem>>
    %gather3A_497 = tpu.memref_squeeze %gather3A_496 : memref<1x32x128xf32, #tpu.memory_space<vmem>> -> memref<32x128xf32, #tpu.memory_space<vmem>>
    %gather3A_498 = tpu.vector_load_idx %gather3A_497[%add3A_492, %broadcast_in_dim3A_478] : memref<32x128xf32, #tpu.memory_space<vmem>>[vector<16xi32>, vector<16xi32>], vector<16xf32>,
    %add3A_499 = arith.constant 0 : i32
    %add3A_500 = vector.broadcast %add3A_499 : i32 to vector<16xi32>
    %add3A_501 = arith.addi %iota3A, %add3A_500 : vector<16xi32>
    tpu.vector_store_idx %arg9[%add3A_501, %broadcast_in_dim3A_480], %gather3A_489 : memref<32x512xf32, #tpu.memory_space<vmem>>[vector<16xi32>, vector<16xi32>], vector<16xf32>,
    %add3A_502 = arith.constant 16 : i32
    %add3A_503 = vector.broadcast %add3A_502 : i32 to vector<16xi32>
    %add3A_504 = arith.addi %iota3A, %add3A_503 : vector<16xi32>
    tpu.vector_store_idx %arg9[%add3A_504, %broadcast_in_dim3A_480], %gather3A_498 : memref<32x512xf32, #tpu.memory_space<vmem>>[vector<16xi32>, vector<16xi32>], vector<16xf32>,
    %dma_wait3A_505 = arith.constant 4 : i32
    %dma_wait3A_506 = arith.constant 0 : i32
    %dma_wait3A_507 = arith.constant 0 : i32
    %dma_wait3A_508 = tpu.memref_slice %arg8[%dma_wait3A_505, %dma_wait3A_506, %dma_wait3A_507] : memref<16x32x128xf32, #tpu.memory_space<vmem>> -> memref<1x32x128xf32, #tpu.memory_space<vmem>>
    %dma_wait3A_509 = tpu.memref_squeeze %dma_wait3A_508 : memref<1x32x128xf32, #tpu.memory_space<vmem>> -> memref<32x128xf32, #tpu.memory_space<vmem>>
    %dma_wait3A_510 = arith.constant 0 : i32
    %dma_wait3A_511 = arith.constant 0 : i32
    %dma_wait3A_512 = tpu.memref_slice %arg3[%dma_wait3A_510, %dma_wait3A_511] : memref<32x1000000xf32, #tpu.memory_space<hbm>> -> memref<32x128xf32, #tpu.memory_space<hbm>>
    %dma_wait3A_513 = arith.constant 0 : i32
    %dma_wait3A_514 = arith.constant 0 : i32
    %dma_wait3A_515 = tpu.memref_slice %arg8[%dma_wait3A_505, %dma_wait3A_513, %dma_wait3A_514] : memref<16x32x128xf32, #tpu.memory_space<vmem>> -> memref<1x32x128xf32, #tpu.memory_space<vmem>>
    %dma_wait3A_516 = tpu.memref_squeeze %dma_wait3A_515 : memref<1x32x128xf32, #tpu.memory_space<vmem>> -> memref<32x128xf32, #tpu.memory_space<vmem>>
    %dma_wait3A_517 = arith.constant 0 : i32
    %dma_wait3A_518 = arith.constant 0 : i32
    %dma_wait3A_519 = tpu.memref_slice %arg3[%dma_wait3A_517, %dma_wait3A_518] : memref<32x1000000xf32, #tpu.memory_space<hbm>> -> memref<32x128xf32, #tpu.memory_space<hbm>>
    tpu.wait_dma2 semaphore(%arg16 : memref<!tpu.dma_semaphore, #tpu.memory_space<semaphore_mem>>) src(%dma_wait3A_519 : memref<32x128xf32, #tpu.memory_space<hbm>>) dst(%dma_wait3A_516 : memref<32x128xf32, #tpu.memory_space<vmem>>)
    %slice3A_520 = vector.extract_strided_slice %scan3A_323 {offsets = [4], sizes = [1], strides = [1]} : vector<16xi32> to vector<1xi32>
    %squeeze3A_521 = vector.extract %slice3A_520[0] : i32 from vector<1xi32>
    %and3A_522 = arith.constant 127 : i32
    %and3A_523 = arith.andi %squeeze3A_521, %and3A_522 : i32
    %broadcast_in_dim3A_524 = vector.broadcast %and3A_523 : i32 to vector<16xi32>
    %broadcast_in_dim3A_525 = arith.constant 500 : i32
    %broadcast_in_dim3A_526 = vector.broadcast %broadcast_in_dim3A_525 : i32 to vector<16xi32>
    %add3A_527 = arith.constant 0 : i32
    %add3A_528 = vector.broadcast %add3A_527 : i32 to vector<16xi32>
    %add3A_529 = arith.addi %iota3A, %add3A_528 : vector<16xi32>
    %gather3A_530 = arith.constant 4 : i32
    %gather3A_531 = arith.constant 0 : i32
    %gather3A_532 = arith.constant 0 : i32
    %gather3A_533 = tpu.memref_slice %arg8[%gather3A_530, %gather3A_531, %gather3A_532] : memref<16x32x128xf32, #tpu.memory_space<vmem>> -> memref<1x32x128xf32, #tpu.memory_space<vmem>>
    %gather3A_534 = tpu.memref_squeeze %gather3A_533 : memref<1x32x128xf32, #tpu.memory_space<vmem>> -> memref<32x128xf32, #tpu.memory_space<vmem>>
    %gather3A_535 = tpu.vector_load_idx %gather3A_534[%add3A_529, %broadcast_in_dim3A_524] : memref<32x128xf32, #tpu.memory_space<vmem>>[vector<16xi32>, vector<16xi32>], vector<16xf32>,
    %add3A_536 = arith.constant 16 : i32
    %add3A_537 = vector.broadcast %add3A_536 : i32 to vector<16xi32>
    %add3A_538 = arith.addi %iota3A, %add3A_537 : vector<16xi32>
    %gather3A_539 = arith.constant 4 : i32
    %gather3A_540 = arith.constant 0 : i32
    %gather3A_541 = arith.constant 0 : i32
    %gather3A_542 = tpu.memref_slice %arg8[%gather3A_539, %gather3A_540, %gather3A_541] : memref<16x32x128xf32, #tpu.memory_space<vmem>> -> memref<1x32x128xf32, #tpu.memory_space<vmem>>
    %gather3A_543 = tpu.memref_squeeze %gather3A_542 : memref<1x32x128xf32, #tpu.memory_space<vmem>> -> memref<32x128xf32, #tpu.memory_space<vmem>>
    %gather3A_544 = tpu.vector_load_idx %gather3A_543[%add3A_538, %broadcast_in_dim3A_524] : memref<32x128xf32, #tpu.memory_space<vmem>>[vector<16xi32>, vector<16xi32>], vector<16xf32>,
    %add3A_545 = arith.constant 0 : i32
    %add3A_546 = vector.broadcast %add3A_545 : i32 to vector<16xi32>
    %add3A_547 = arith.addi %iota3A, %add3A_546 : vector<16xi32>
    tpu.vector_store_idx %arg9[%add3A_547, %broadcast_in_dim3A_526], %gather3A_535 : memref<32x512xf32, #tpu.memory_space<vmem>>[vector<16xi32>, vector<16xi32>], vector<16xf32>,
    %add3A_548 = arith.constant 16 : i32
    %add3A_549 = vector.broadcast %add3A_548 : i32 to vector<16xi32>
    %add3A_550 = arith.addi %iota3A, %add3A_549 : vector<16xi32>
    tpu.vector_store_idx %arg9[%add3A_550, %broadcast_in_dim3A_526], %gather3A_544 : memref<32x512xf32, #tpu.memory_space<vmem>>[vector<16xi32>, vector<16xi32>], vector<16xf32>,
    %dma_wait3A_551 = arith.constant 5 : i32
    %dma_wait3A_552 = arith.constant 0 : i32
    %dma_wait3A_553 = arith.constant 0 : i32
    %dma_wait3A_554 = tpu.memref_slice %arg8[%dma_wait3A_551, %dma_wait3A_552, %dma_wait3A_553] : memref<16x32x128xf32, #tpu.memory_space<vmem>> -> memref<1x32x128xf32, #tpu.memory_space<vmem>>
    %dma_wait3A_555 = tpu.memref_squeeze %dma_wait3A_554 : memref<1x32x128xf32, #tpu.memory_space<vmem>> -> memref<32x128xf32, #tpu.memory_space<vmem>>
    %dma_wait3A_556 = arith.constant 0 : i32
    %dma_wait3A_557 = arith.constant 0 : i32
    %dma_wait3A_558 = tpu.memref_slice %arg3[%dma_wait3A_556, %dma_wait3A_557] : memref<32x1000000xf32, #tpu.memory_space<hbm>> -> memref<32x128xf32, #tpu.memory_space<hbm>>
    %dma_wait3A_559 = arith.constant 0 : i32
    %dma_wait3A_560 = arith.constant 0 : i32
    %dma_wait3A_561 = tpu.memref_slice %arg8[%dma_wait3A_551, %dma_wait3A_559, %dma_wait3A_560] : memref<16x32x128xf32, #tpu.memory_space<vmem>> -> memref<1x32x128xf32, #tpu.memory_space<vmem>>
    %dma_wait3A_562 = tpu.memref_squeeze %dma_wait3A_561 : memref<1x32x128xf32, #tpu.memory_space<vmem>> -> memref<32x128xf32, #tpu.memory_space<vmem>>
    %dma_wait3A_563 = arith.constant 0 : i32
    %dma_wait3A_564 = arith.constant 0 : i32
    %dma_wait3A_565 = tpu.memref_slice %arg3[%dma_wait3A_563, %dma_wait3A_564] : memref<32x1000000xf32, #tpu.memory_space<hbm>> -> memref<32x128xf32, #tpu.memory_space<hbm>>
    tpu.wait_dma2 semaphore(%arg17 : memref<!tpu.dma_semaphore, #tpu.memory_space<semaphore_mem>>) src(%dma_wait3A_565 : memref<32x128xf32, #tpu.memory_space<hbm>>) dst(%dma_wait3A_562 : memref<32x128xf32, #tpu.memory_space<vmem>>)
    %slice3A_566 = vector.extract_strided_slice %scan3A_323 {offsets = [5], sizes = [1], strides = [1]} : vector<16xi32> to vector<1xi32>
    %squeeze3A_567 = vector.extract %slice3A_566[0] : i32 from vector<1xi32>
    %and3A_568 = arith.constant 127 : i32
    %and3A_569 = arith.andi %squeeze3A_567, %and3A_568 : i32
    %broadcast_in_dim3A_570 = vector.broadcast %and3A_569 : i32 to vector<16xi32>
    %broadcast_in_dim3A_571 = arith.constant 501 : i32
    %broadcast_in_dim3A_572 = vector.broadcast %broadcast_in_dim3A_571 : i32 to vector<16xi32>
    %add3A_573 = arith.constant 0 : i32
    %add3A_574 = vector.broadcast %add3A_573 : i32 to vector<16xi32>
    %add3A_575 = arith.addi %iota3A, %add3A_574 : vector<16xi32>
    %gather3A_576 = arith.constant 5 : i32
    %gather3A_577 = arith.constant 0 : i32
    %gather3A_578 = arith.constant 0 : i32
    %gather3A_579 = tpu.memref_slice %arg8[%gather3A_576, %gather3A_577, %gather3A_578] : memref<16x32x128xf32, #tpu.memory_space<vmem>> -> memref<1x32x128xf32, #tpu.memory_space<vmem>>
    %gather3A_580 = tpu.memref_squeeze %gather3A_579 : memref<1x32x128xf32, #tpu.memory_space<vmem>> -> memref<32x128xf32, #tpu.memory_space<vmem>>
    %gather3A_581 = tpu.vector_load_idx %gather3A_580[%add3A_575, %broadcast_in_dim3A_570] : memref<32x128xf32, #tpu.memory_space<vmem>>[vector<16xi32>, vector<16xi32>], vector<16xf32>,
    %add3A_582 = arith.constant 16 : i32
    %add3A_583 = vector.broadcast %add3A_582 : i32 to vector<16xi32>
    %add3A_584 = arith.addi %iota3A, %add3A_583 : vector<16xi32>
    %gather3A_585 = arith.constant 5 : i32
    %gather3A_586 = arith.constant 0 : i32
    %gather3A_587 = arith.constant 0 : i32
    %gather3A_588 = tpu.memref_slice %arg8[%gather3A_585, %gather3A_586, %gather3A_587] : memref<16x32x128xf32, #tpu.memory_space<vmem>> -> memref<1x32x128xf32, #tpu.memory_space<vmem>>
    %gather3A_589 = tpu.memref_squeeze %gather3A_588 : memref<1x32x128xf32, #tpu.memory_space<vmem>> -> memref<32x128xf32, #tpu.memory_space<vmem>>
    %gather3A_590 = tpu.vector_load_idx %gather3A_589[%add3A_584, %broadcast_in_dim3A_570] : memref<32x128xf32, #tpu.memory_space<vmem>>[vector<16xi32>, vector<16xi32>], vector<16xf32>,
    %add3A_591 = arith.constant 0 : i32
    %add3A_592 = vector.broadcast %add3A_591 : i32 to vector<16xi32>
    %add3A_593 = arith.addi %iota3A, %add3A_592 : vector<16xi32>
    tpu.vector_store_idx %arg9[%add3A_593, %broadcast_in_dim3A_572], %gather3A_581 : memref<32x512xf32, #tpu.memory_space<vmem>>[vector<16xi32>, vector<16xi32>], vector<16xf32>,
    %add3A_594 = arith.constant 16 : i32
    %add3A_595 = vector.broadcast %add3A_594 : i32 to vector<16xi32>
    %add3A_596 = arith.addi %iota3A, %add3A_595 : vector<16xi32>
    tpu.vector_store_idx %arg9[%add3A_596, %broadcast_in_dim3A_572], %gather3A_590 : memref<32x512xf32, #tpu.memory_space<vmem>>[vector<16xi32>, vector<16xi32>], vector<16xf32>,
    %dma_wait3A_597 = arith.constant 6 : i32
    %dma_wait3A_598 = arith.constant 0 : i32
    %dma_wait3A_599 = arith.constant 0 : i32
    %dma_wait3A_600 = tpu.memref_slice %arg8[%dma_wait3A_597, %dma_wait3A_598, %dma_wait3A_599] : memref<16x32x128xf32, #tpu.memory_space<vmem>> -> memref<1x32x128xf32, #tpu.memory_space<vmem>>
    %dma_wait3A_601 = tpu.memref_squeeze %dma_wait3A_600 : memref<1x32x128xf32, #tpu.memory_space<vmem>> -> memref<32x128xf32, #tpu.memory_space<vmem>>
    %dma_wait3A_602 = arith.constant 0 : i32
    %dma_wait3A_603 = arith.constant 0 : i32
    %dma_wait3A_604 = tpu.memref_slice %arg3[%dma_wait3A_602, %dma_wait3A_603] : memref<32x1000000xf32, #tpu.memory_space<hbm>> -> memref<32x128xf32, #tpu.memory_space<hbm>>
    %dma_wait3A_605 = arith.constant 0 : i32
    %dma_wait3A_606 = arith.constant 0 : i32
    %dma_wait3A_607 = tpu.memref_slice %arg8[%dma_wait3A_597, %dma_wait3A_605, %dma_wait3A_606] : memref<16x32x128xf32, #tpu.memory_space<vmem>> -> memref<1x32x128xf32, #tpu.memory_space<vmem>>
    %dma_wait3A_608 = tpu.memref_squeeze %dma_wait3A_607 : memref<1x32x128xf32, #tpu.memory_space<vmem>> -> memref<32x128xf32, #tpu.memory_space<vmem>>
    %dma_wait3A_609 = arith.constant 0 : i32
    %dma_wait3A_610 = arith.constant 0 : i32
    %dma_wait3A_611 = tpu.memref_slice %arg3[%dma_wait3A_609, %dma_wait3A_610] : memref<32x1000000xf32, #tpu.memory_space<hbm>> -> memref<32x128xf32, #tpu.memory_space<hbm>>
    tpu.wait_dma2 semaphore(%arg18 : memref<!tpu.dma_semaphore, #tpu.memory_space<semaphore_mem>>) src(%dma_wait3A_611 : memref<32x128xf32, #tpu.memory_space<hbm>>) dst(%dma_wait3A_608 : memref<32x128xf32, #tpu.memory_space<vmem>>)
    %slice3A_612 = vector.extract_strided_slice %scan3A_323 {offsets = [6], sizes = [1], strides = [1]} : vector<16xi32> to vector<1xi32>
    %squeeze3A_613 = vector.extract %slice3A_612[0] : i32 from vector<1xi32>
    %and3A_614 = arith.constant 127 : i32
    %and3A_615 = arith.andi %squeeze3A_613, %and3A_614 : i32
    %broadcast_in_dim3A_616 = vector.broadcast %and3A_615 : i32 to vector<16xi32>
    %broadcast_in_dim3A_617 = arith.constant 502 : i32
    %broadcast_in_dim3A_618 = vector.broadcast %broadcast_in_dim3A_617 : i32 to vector<16xi32>
    %add3A_619 = arith.constant 0 : i32
    %add3A_620 = vector.broadcast %add3A_619 : i32 to vector<16xi32>
    %add3A_621 = arith.addi %iota3A, %add3A_620 : vector<16xi32>
    %gather3A_622 = arith.constant 6 : i32
    %gather3A_623 = arith.constant 0 : i32
    %gather3A_624 = arith.constant 0 : i32
    %gather3A_625 = tpu.memref_slice %arg8[%gather3A_622, %gather3A_623, %gather3A_624] : memref<16x32x128xf32, #tpu.memory_space<vmem>> -> memref<1x32x128xf32, #tpu.memory_space<vmem>>
    %gather3A_626 = tpu.memref_squeeze %gather3A_625 : memref<1x32x128xf32, #tpu.memory_space<vmem>> -> memref<32x128xf32, #tpu.memory_space<vmem>>
    %gather3A_627 = tpu.vector_load_idx %gather3A_626[%add3A_621, %broadcast_in_dim3A_616] : memref<32x128xf32, #tpu.memory_space<vmem>>[vector<16xi32>, vector<16xi32>], vector<16xf32>,
    %add3A_628 = arith.constant 16 : i32
    %add3A_629 = vector.broadcast %add3A_628 : i32 to vector<16xi32>
    %add3A_630 = arith.addi %iota3A, %add3A_629 : vector<16xi32>
    %gather3A_631 = arith.constant 6 : i32
    %gather3A_632 = arith.constant 0 : i32
    %gather3A_633 = arith.constant 0 : i32
    %gather3A_634 = tpu.memref_slice %arg8[%gather3A_631, %gather3A_632, %gather3A_633] : memref<16x32x128xf32, #tpu.memory_space<vmem>> -> memref<1x32x128xf32, #tpu.memory_space<vmem>>
    %gather3A_635 = tpu.memref_squeeze %gather3A_634 : memref<1x32x128xf32, #tpu.memory_space<vmem>> -> memref<32x128xf32, #tpu.memory_space<vmem>>
    %gather3A_636 = tpu.vector_load_idx %gather3A_635[%add3A_630, %broadcast_in_dim3A_616] : memref<32x128xf32, #tpu.memory_space<vmem>>[vector<16xi32>, vector<16xi32>], vector<16xf32>,
    %add3A_637 = arith.constant 0 : i32
    %add3A_638 = vector.broadcast %add3A_637 : i32 to vector<16xi32>
    %add3A_639 = arith.addi %iota3A, %add3A_638 : vector<16xi32>
    tpu.vector_store_idx %arg9[%add3A_639, %broadcast_in_dim3A_618], %gather3A_627 : memref<32x512xf32, #tpu.memory_space<vmem>>[vector<16xi32>, vector<16xi32>], vector<16xf32>,
    %add3A_640 = arith.constant 16 : i32
    %add3A_641 = vector.broadcast %add3A_640 : i32 to vector<16xi32>
    %add3A_642 = arith.addi %iota3A, %add3A_641 : vector<16xi32>
    tpu.vector_store_idx %arg9[%add3A_642, %broadcast_in_dim3A_618], %gather3A_636 : memref<32x512xf32, #tpu.memory_space<vmem>>[vector<16xi32>, vector<16xi32>], vector<16xf32>,
    %dma_wait3A_643 = arith.constant 7 : i32
    %dma_wait3A_644 = arith.constant 0 : i32
    %dma_wait3A_645 = arith.constant 0 : i32
    %dma_wait3A_646 = tpu.memref_slice %arg8[%dma_wait3A_643, %dma_wait3A_644, %dma_wait3A_645] : memref<16x32x128xf32, #tpu.memory_space<vmem>> -> memref<1x32x128xf32, #tpu.memory_space<vmem>>
    %dma_wait3A_647 = tpu.memref_squeeze %dma_wait3A_646 : memref<1x32x128xf32, #tpu.memory_space<vmem>> -> memref<32x128xf32, #tpu.memory_space<vmem>>
    %dma_wait3A_648 = arith.constant 0 : i32
    %dma_wait3A_649 = arith.constant 0 : i32
    %dma_wait3A_650 = tpu.memref_slice %arg3[%dma_wait3A_648, %dma_wait3A_649] : memref<32x1000000xf32, #tpu.memory_space<hbm>> -> memref<32x128xf32, #tpu.memory_space<hbm>>
    %dma_wait3A_651 = arith.constant 0 : i32
    %dma_wait3A_652 = arith.constant 0 : i32
    %dma_wait3A_653 = tpu.memref_slice %arg8[%dma_wait3A_643, %dma_wait3A_651, %dma_wait3A_652] : memref<16x32x128xf32, #tpu.memory_space<vmem>> -> memref<1x32x128xf32, #tpu.memory_space<vmem>>
    %dma_wait3A_654 = tpu.memref_squeeze %dma_wait3A_653 : memref<1x32x128xf32, #tpu.memory_space<vmem>> -> memref<32x128xf32, #tpu.memory_space<vmem>>
    %dma_wait3A_655 = arith.constant 0 : i32
    %dma_wait3A_656 = arith.constant 0 : i32
    %dma_wait3A_657 = tpu.memref_slice %arg3[%dma_wait3A_655, %dma_wait3A_656] : memref<32x1000000xf32, #tpu.memory_space<hbm>> -> memref<32x128xf32, #tpu.memory_space<hbm>>
    tpu.wait_dma2 semaphore(%arg19 : memref<!tpu.dma_semaphore, #tpu.memory_space<semaphore_mem>>) src(%dma_wait3A_657 : memref<32x128xf32, #tpu.memory_space<hbm>>) dst(%dma_wait3A_654 : memref<32x128xf32, #tpu.memory_space<vmem>>)
    %slice3A_658 = vector.extract_strided_slice %scan3A_323 {offsets = [7], sizes = [1], strides = [1]} : vector<16xi32> to vector<1xi32>
    %squeeze3A_659 = vector.extract %slice3A_658[0] : i32 from vector<1xi32>
    %and3A_660 = arith.constant 127 : i32
    %and3A_661 = arith.andi %squeeze3A_659, %and3A_660 : i32
    %broadcast_in_dim3A_662 = vector.broadcast %and3A_661 : i32 to vector<16xi32>
    %broadcast_in_dim3A_663 = arith.constant 503 : i32
    %broadcast_in_dim3A_664 = vector.broadcast %broadcast_in_dim3A_663 : i32 to vector<16xi32>
    %add3A_665 = arith.constant 0 : i32
    %add3A_666 = vector.broadcast %add3A_665 : i32 to vector<16xi32>
    %add3A_667 = arith.addi %iota3A, %add3A_666 : vector<16xi32>
    %gather3A_668 = arith.constant 7 : i32
    %gather3A_669 = arith.constant 0 : i32
    %gather3A_670 = arith.constant 0 : i32
    %gather3A_671 = tpu.memref_slice %arg8[%gather3A_668, %gather3A_669, %gather3A_670] : memref<16x32x128xf32, #tpu.memory_space<vmem>> -> memref<1x32x128xf32, #tpu.memory_space<vmem>>
    %gather3A_672 = tpu.memref_squeeze %gather3A_671 : memref<1x32x128xf32, #tpu.memory_space<vmem>> -> memref<32x128xf32, #tpu.memory_space<vmem>>
    %gather3A_673 = tpu.vector_load_idx %gather3A_672[%add3A_667, %broadcast_in_dim3A_662] : memref<32x128xf32, #tpu.memory_space<vmem>>[vector<16xi32>, vector<16xi32>], vector<16xf32>,
    %add3A_674 = arith.constant 16 : i32
    %add3A_675 = vector.broadcast %add3A_674 : i32 to vector<16xi32>
    %add3A_676 = arith.addi %iota3A, %add3A_675 : vector<16xi32>
    %gather3A_677 = arith.constant 7 : i32
    %gather3A_678 = arith.constant 0 : i32
    %gather3A_679 = arith.constant 0 : i32
    %gather3A_680 = tpu.memref_slice %arg8[%gather3A_677, %gather3A_678, %gather3A_679] : memref<16x32x128xf32, #tpu.memory_space<vmem>> -> memref<1x32x128xf32, #tpu.memory_space<vmem>>
    %gather3A_681 = tpu.memref_squeeze %gather3A_680 : memref<1x32x128xf32, #tpu.memory_space<vmem>> -> memref<32x128xf32, #tpu.memory_space<vmem>>
    %gather3A_682 = tpu.vector_load_idx %gather3A_681[%add3A_676, %broadcast_in_dim3A_662] : memref<32x128xf32, #tpu.memory_space<vmem>>[vector<16xi32>, vector<16xi32>], vector<16xf32>,
    %add3A_683 = arith.constant 0 : i32
    %add3A_684 = vector.broadcast %add3A_683 : i32 to vector<16xi32>
    %add3A_685 = arith.addi %iota3A, %add3A_684 : vector<16xi32>
    tpu.vector_store_idx %arg9[%add3A_685, %broadcast_in_dim3A_664], %gather3A_673 : memref<32x512xf32, #tpu.memory_space<vmem>>[vector<16xi32>, vector<16xi32>], vector<16xf32>,
    %add3A_686 = arith.constant 16 : i32
    %add3A_687 = vector.broadcast %add3A_686 : i32 to vector<16xi32>
    %add3A_688 = arith.addi %iota3A, %add3A_687 : vector<16xi32>
    tpu.vector_store_idx %arg9[%add3A_688, %broadcast_in_dim3A_664], %gather3A_682 : memref<32x512xf32, #tpu.memory_space<vmem>>[vector<16xi32>, vector<16xi32>], vector<16xf32>,
    %dma_wait3A_689 = arith.constant 8 : i32
    %dma_wait3A_690 = arith.constant 0 : i32
    %dma_wait3A_691 = arith.constant 0 : i32
    %dma_wait3A_692 = tpu.memref_slice %arg8[%dma_wait3A_689, %dma_wait3A_690, %dma_wait3A_691] : memref<16x32x128xf32, #tpu.memory_space<vmem>> -> memref<1x32x128xf32, #tpu.memory_space<vmem>>
    %dma_wait3A_693 = tpu.memref_squeeze %dma_wait3A_692 : memref<1x32x128xf32, #tpu.memory_space<vmem>> -> memref<32x128xf32, #tpu.memory_space<vmem>>
    %dma_wait3A_694 = arith.constant 0 : i32
    %dma_wait3A_695 = arith.constant 0 : i32
    %dma_wait3A_696 = tpu.memref_slice %arg3[%dma_wait3A_694, %dma_wait3A_695] : memref<32x1000000xf32, #tpu.memory_space<hbm>> -> memref<32x128xf32, #tpu.memory_space<hbm>>
    %dma_wait3A_697 = arith.constant 0 : i32
    %dma_wait3A_698 = arith.constant 0 : i32
    %dma_wait3A_699 = tpu.memref_slice %arg8[%dma_wait3A_689, %dma_wait3A_697, %dma_wait3A_698] : memref<16x32x128xf32, #tpu.memory_space<vmem>> -> memref<1x32x128xf32, #tpu.memory_space<vmem>>
    %dma_wait3A_700 = tpu.memref_squeeze %dma_wait3A_699 : memref<1x32x128xf32, #tpu.memory_space<vmem>> -> memref<32x128xf32, #tpu.memory_space<vmem>>
    %dma_wait3A_701 = arith.constant 0 : i32
    %dma_wait3A_702 = arith.constant 0 : i32
    %dma_wait3A_703 = tpu.memref_slice %arg3[%dma_wait3A_701, %dma_wait3A_702] : memref<32x1000000xf32, #tpu.memory_space<hbm>> -> memref<32x128xf32, #tpu.memory_space<hbm>>
    tpu.wait_dma2 semaphore(%arg20 : memref<!tpu.dma_semaphore, #tpu.memory_space<semaphore_mem>>) src(%dma_wait3A_703 : memref<32x128xf32, #tpu.memory_space<hbm>>) dst(%dma_wait3A_700 : memref<32x128xf32, #tpu.memory_space<vmem>>)
    %slice3A_704 = vector.extract_strided_slice %scan3A_323 {offsets = [8], sizes = [1], strides = [1]} : vector<16xi32> to vector<1xi32>
    %squeeze3A_705 = vector.extract %slice3A_704[0] : i32 from vector<1xi32>
    %and3A_706 = arith.constant 127 : i32
    %and3A_707 = arith.andi %squeeze3A_705, %and3A_706 : i32
    %broadcast_in_dim3A_708 = vector.broadcast %and3A_707 : i32 to vector<16xi32>
    %broadcast_in_dim3A_709 = arith.constant 504 : i32
    %broadcast_in_dim3A_710 = vector.broadcast %broadcast_in_dim3A_709 : i32 to vector<16xi32>
    %add3A_711 = arith.constant 0 : i32
    %add3A_712 = vector.broadcast %add3A_711 : i32 to vector<16xi32>
    %add3A_713 = arith.addi %iota3A, %add3A_712 : vector<16xi32>
    %gather3A_714 = arith.constant 8 : i32
    %gather3A_715 = arith.constant 0 : i32
    %gather3A_716 = arith.constant 0 : i32
    %gather3A_717 = tpu.memref_slice %arg8[%gather3A_714, %gather3A_715, %gather3A_716] : memref<16x32x128xf32, #tpu.memory_space<vmem>> -> memref<1x32x128xf32, #tpu.memory_space<vmem>>
    %gather3A_718 = tpu.memref_squeeze %gather3A_717 : memref<1x32x128xf32, #tpu.memory_space<vmem>> -> memref<32x128xf32, #tpu.memory_space<vmem>>
    %gather3A_719 = tpu.vector_load_idx %gather3A_718[%add3A_713, %broadcast_in_dim3A_708] : memref<32x128xf32, #tpu.memory_space<vmem>>[vector<16xi32>, vector<16xi32>], vector<16xf32>,
    %add3A_720 = arith.constant 16 : i32
    %add3A_721 = vector.broadcast %add3A_720 : i32 to vector<16xi32>
    %add3A_722 = arith.addi %iota3A, %add3A_721 : vector<16xi32>
    %gather3A_723 = arith.constant 8 : i32
    %gather3A_724 = arith.constant 0 : i32
    %gather3A_725 = arith.constant 0 : i32
    %gather3A_726 = tpu.memref_slice %arg8[%gather3A_723, %gather3A_724, %gather3A_725] : memref<16x32x128xf32, #tpu.memory_space<vmem>> -> memref<1x32x128xf32, #tpu.memory_space<vmem>>
    %gather3A_727 = tpu.memref_squeeze %gather3A_726 : memref<1x32x128xf32, #tpu.memory_space<vmem>> -> memref<32x128xf32, #tpu.memory_space<vmem>>
    %gather3A_728 = tpu.vector_load_idx %gather3A_727[%add3A_722, %broadcast_in_dim3A_708] : memref<32x128xf32, #tpu.memory_space<vmem>>[vector<16xi32>, vector<16xi32>], vector<16xf32>,
    %add3A_729 = arith.constant 0 : i32
    %add3A_730 = vector.broadcast %add3A_729 : i32 to vector<16xi32>
    %add3A_731 = arith.addi %iota3A, %add3A_730 : vector<16xi32>
    tpu.vector_store_idx %arg9[%add3A_731, %broadcast_in_dim3A_710], %gather3A_719 : memref<32x512xf32, #tpu.memory_space<vmem>>[vector<16xi32>, vector<16xi32>], vector<16xf32>,
    %add3A_732 = arith.constant 16 : i32
    %add3A_733 = vector.broadcast %add3A_732 : i32 to vector<16xi32>
    %add3A_734 = arith.addi %iota3A, %add3A_733 : vector<16xi32>
    tpu.vector_store_idx %arg9[%add3A_734, %broadcast_in_dim3A_710], %gather3A_728 : memref<32x512xf32, #tpu.memory_space<vmem>>[vector<16xi32>, vector<16xi32>], vector<16xf32>,
    %dma_wait3A_735 = arith.constant 9 : i32
    %dma_wait3A_736 = arith.constant 0 : i32
    %dma_wait3A_737 = arith.constant 0 : i32
    %dma_wait3A_738 = tpu.memref_slice %arg8[%dma_wait3A_735, %dma_wait3A_736, %dma_wait3A_737] : memref<16x32x128xf32, #tpu.memory_space<vmem>> -> memref<1x32x128xf32, #tpu.memory_space<vmem>>
    %dma_wait3A_739 = tpu.memref_squeeze %dma_wait3A_738 : memref<1x32x128xf32, #tpu.memory_space<vmem>> -> memref<32x128xf32, #tpu.memory_space<vmem>>
    %dma_wait3A_740 = arith.constant 0 : i32
    %dma_wait3A_741 = arith.constant 0 : i32
    %dma_wait3A_742 = tpu.memref_slice %arg3[%dma_wait3A_740, %dma_wait3A_741] : memref<32x1000000xf32, #tpu.memory_space<hbm>> -> memref<32x128xf32, #tpu.memory_space<hbm>>
    %dma_wait3A_743 = arith.constant 0 : i32
    %dma_wait3A_744 = arith.constant 0 : i32
    %dma_wait3A_745 = tpu.memref_slice %arg8[%dma_wait3A_735, %dma_wait3A_743, %dma_wait3A_744] : memref<16x32x128xf32, #tpu.memory_space<vmem>> -> memref<1x32x128xf32, #tpu.memory_space<vmem>>
    %dma_wait3A_746 = tpu.memref_squeeze %dma_wait3A_745 : memref<1x32x128xf32, #tpu.memory_space<vmem>> -> memref<32x128xf32, #tpu.memory_space<vmem>>
    %dma_wait3A_747 = arith.constant 0 : i32
    %dma_wait3A_748 = arith.constant 0 : i32
    %dma_wait3A_749 = tpu.memref_slice %arg3[%dma_wait3A_747, %dma_wait3A_748] : memref<32x1000000xf32, #tpu.memory_space<hbm>> -> memref<32x128xf32, #tpu.memory_space<hbm>>
    tpu.wait_dma2 semaphore(%arg21 : memref<!tpu.dma_semaphore, #tpu.memory_space<semaphore_mem>>) src(%dma_wait3A_749 : memref<32x128xf32, #tpu.memory_space<hbm>>) dst(%dma_wait3A_746 : memref<32x128xf32, #tpu.memory_space<vmem>>)
    %slice3A_750 = vector.extract_strided_slice %scan3A_323 {offsets = [9], sizes = [1], strides = [1]} : vector<16xi32> to vector<1xi32>
    %squeeze3A_751 = vector.extract %slice3A_750[0] : i32 from vector<1xi32>
    %and3A_752 = arith.constant 127 : i32
    %and3A_753 = arith.andi %squeeze3A_751, %and3A_752 : i32
    %broadcast_in_dim3A_754 = vector.broadcast %and3A_753 : i32 to vector<16xi32>
    %broadcast_in_dim3A_755 = arith.constant 505 : i32
    %broadcast_in_dim3A_756 = vector.broadcast %broadcast_in_dim3A_755 : i32 to vector<16xi32>
    %add3A_757 = arith.constant 0 : i32
    %add3A_758 = vector.broadcast %add3A_757 : i32 to vector<16xi32>
    %add3A_759 = arith.addi %iota3A, %add3A_758 : vector<16xi32>
    %gather3A_760 = arith.constant 9 : i32
    %gather3A_761 = arith.constant 0 : i32
    %gather3A_762 = arith.constant 0 : i32
    %gather3A_763 = tpu.memref_slice %arg8[%gather3A_760, %gather3A_761, %gather3A_762] : memref<16x32x128xf32, #tpu.memory_space<vmem>> -> memref<1x32x128xf32, #tpu.memory_space<vmem>>
    %gather3A_764 = tpu.memref_squeeze %gather3A_763 : memref<1x32x128xf32, #tpu.memory_space<vmem>> -> memref<32x128xf32, #tpu.memory_space<vmem>>
    %gather3A_765 = tpu.vector_load_idx %gather3A_764[%add3A_759, %broadcast_in_dim3A_754] : memref<32x128xf32, #tpu.memory_space<vmem>>[vector<16xi32>, vector<16xi32>], vector<16xf32>,
    %add3A_766 = arith.constant 16 : i32
    %add3A_767 = vector.broadcast %add3A_766 : i32 to vector<16xi32>
    %add3A_768 = arith.addi %iota3A, %add3A_767 : vector<16xi32>
    %gather3A_769 = arith.constant 9 : i32
    %gather3A_770 = arith.constant 0 : i32
    %gather3A_771 = arith.constant 0 : i32
    %gather3A_772 = tpu.memref_slice %arg8[%gather3A_769, %gather3A_770, %gather3A_771] : memref<16x32x128xf32, #tpu.memory_space<vmem>> -> memref<1x32x128xf32, #tpu.memory_space<vmem>>
    %gather3A_773 = tpu.memref_squeeze %gather3A_772 : memref<1x32x128xf32, #tpu.memory_space<vmem>> -> memref<32x128xf32, #tpu.memory_space<vmem>>
    %gather3A_774 = tpu.vector_load_idx %gather3A_773[%add3A_768, %broadcast_in_dim3A_754] : memref<32x128xf32, #tpu.memory_space<vmem>>[vector<16xi32>, vector<16xi32>], vector<16xf32>,
    %add3A_775 = arith.constant 0 : i32
    %add3A_776 = vector.broadcast %add3A_775 : i32 to vector<16xi32>
    %add3A_777 = arith.addi %iota3A, %add3A_776 : vector<16xi32>
    tpu.vector_store_idx %arg9[%add3A_777, %broadcast_in_dim3A_756], %gather3A_765 : memref<32x512xf32, #tpu.memory_space<vmem>>[vector<16xi32>, vector<16xi32>], vector<16xf32>,
    %add3A_778 = arith.constant 16 : i32
    %add3A_779 = vector.broadcast %add3A_778 : i32 to vector<16xi32>
    %add3A_780 = arith.addi %iota3A, %add3A_779 : vector<16xi32>
    tpu.vector_store_idx %arg9[%add3A_780, %broadcast_in_dim3A_756], %gather3A_774 : memref<32x512xf32, #tpu.memory_space<vmem>>[vector<16xi32>, vector<16xi32>], vector<16xf32>,
    %dma_wait3A_781 = arith.constant 10 : i32
    %dma_wait3A_782 = arith.constant 0 : i32
    %dma_wait3A_783 = arith.constant 0 : i32
    %dma_wait3A_784 = tpu.memref_slice %arg8[%dma_wait3A_781, %dma_wait3A_782, %dma_wait3A_783] : memref<16x32x128xf32, #tpu.memory_space<vmem>> -> memref<1x32x128xf32, #tpu.memory_space<vmem>>
    %dma_wait3A_785 = tpu.memref_squeeze %dma_wait3A_784 : memref<1x32x128xf32, #tpu.memory_space<vmem>> -> memref<32x128xf32, #tpu.memory_space<vmem>>
    %dma_wait3A_786 = arith.constant 0 : i32
    %dma_wait3A_787 = arith.constant 0 : i32
    %dma_wait3A_788 = tpu.memref_slice %arg3[%dma_wait3A_786, %dma_wait3A_787] : memref<32x1000000xf32, #tpu.memory_space<hbm>> -> memref<32x128xf32, #tpu.memory_space<hbm>>
    %dma_wait3A_789 = arith.constant 0 : i32
    %dma_wait3A_790 = arith.constant 0 : i32
    %dma_wait3A_791 = tpu.memref_slice %arg8[%dma_wait3A_781, %dma_wait3A_789, %dma_wait3A_790] : memref<16x32x128xf32, #tpu.memory_space<vmem>> -> memref<1x32x128xf32, #tpu.memory_space<vmem>>
    %dma_wait3A_792 = tpu.memref_squeeze %dma_wait3A_791 : memref<1x32x128xf32, #tpu.memory_space<vmem>> -> memref<32x128xf32, #tpu.memory_space<vmem>>
    %dma_wait3A_793 = arith.constant 0 : i32
    %dma_wait3A_794 = arith.constant 0 : i32
    %dma_wait3A_795 = tpu.memref_slice %arg3[%dma_wait3A_793, %dma_wait3A_794] : memref<32x1000000xf32, #tpu.memory_space<hbm>> -> memref<32x128xf32, #tpu.memory_space<hbm>>
    tpu.wait_dma2 semaphore(%arg22 : memref<!tpu.dma_semaphore, #tpu.memory_space<semaphore_mem>>) src(%dma_wait3A_795 : memref<32x128xf32, #tpu.memory_space<hbm>>) dst(%dma_wait3A_792 : memref<32x128xf32, #tpu.memory_space<vmem>>)
    %slice3A_796 = vector.extract_strided_slice %scan3A_323 {offsets = [10], sizes = [1], strides = [1]} : vector<16xi32> to vector<1xi32>
    %squeeze3A_797 = vector.extract %slice3A_796[0] : i32 from vector<1xi32>
    %and3A_798 = arith.constant 127 : i32
    %and3A_799 = arith.andi %squeeze3A_797, %and3A_798 : i32
    %broadcast_in_dim3A_800 = vector.broadcast %and3A_799 : i32 to vector<16xi32>
    %broadcast_in_dim3A_801 = arith.constant 506 : i32
    %broadcast_in_dim3A_802 = vector.broadcast %broadcast_in_dim3A_801 : i32 to vector<16xi32>
    %add3A_803 = arith.constant 0 : i32
    %add3A_804 = vector.broadcast %add3A_803 : i32 to vector<16xi32>
    %add3A_805 = arith.addi %iota3A, %add3A_804 : vector<16xi32>
    %gather3A_806 = arith.constant 10 : i32
    %gather3A_807 = arith.constant 0 : i32
    %gather3A_808 = arith.constant 0 : i32
    %gather3A_809 = tpu.memref_slice %arg8[%gather3A_806, %gather3A_807, %gather3A_808] : memref<16x32x128xf32, #tpu.memory_space<vmem>> -> memref<1x32x128xf32, #tpu.memory_space<vmem>>
    %gather3A_810 = tpu.memref_squeeze %gather3A_809 : memref<1x32x128xf32, #tpu.memory_space<vmem>> -> memref<32x128xf32, #tpu.memory_space<vmem>>
    %gather3A_811 = tpu.vector_load_idx %gather3A_810[%add3A_805, %broadcast_in_dim3A_800] : memref<32x128xf32, #tpu.memory_space<vmem>>[vector<16xi32>, vector<16xi32>], vector<16xf32>,
    %add3A_812 = arith.constant 16 : i32
    %add3A_813 = vector.broadcast %add3A_812 : i32 to vector<16xi32>
    %add3A_814 = arith.addi %iota3A, %add3A_813 : vector<16xi32>
    %gather3A_815 = arith.constant 10 : i32
    %gather3A_816 = arith.constant 0 : i32
    %gather3A_817 = arith.constant 0 : i32
    %gather3A_818 = tpu.memref_slice %arg8[%gather3A_815, %gather3A_816, %gather3A_817] : memref<16x32x128xf32, #tpu.memory_space<vmem>> -> memref<1x32x128xf32, #tpu.memory_space<vmem>>
    %gather3A_819 = tpu.memref_squeeze %gather3A_818 : memref<1x32x128xf32, #tpu.memory_space<vmem>> -> memref<32x128xf32, #tpu.memory_space<vmem>>
    %gather3A_820 = tpu.vector_load_idx %gather3A_819[%add3A_814, %broadcast_in_dim3A_800] : memref<32x128xf32, #tpu.memory_space<vmem>>[vector<16xi32>, vector<16xi32>], vector<16xf32>,
    %add3A_821 = arith.constant 0 : i32
    %add3A_822 = vector.broadcast %add3A_821 : i32 to vector<16xi32>
    %add3A_823 = arith.addi %iota3A, %add3A_822 : vector<16xi32>
    tpu.vector_store_idx %arg9[%add3A_823, %broadcast_in_dim3A_802], %gather3A_811 : memref<32x512xf32, #tpu.memory_space<vmem>>[vector<16xi32>, vector<16xi32>], vector<16xf32>,
    %add3A_824 = arith.constant 16 : i32
    %add3A_825 = vector.broadcast %add3A_824 : i32 to vector<16xi32>
    %add3A_826 = arith.addi %iota3A, %add3A_825 : vector<16xi32>
    tpu.vector_store_idx %arg9[%add3A_826, %broadcast_in_dim3A_802], %gather3A_820 : memref<32x512xf32, #tpu.memory_space<vmem>>[vector<16xi32>, vector<16xi32>], vector<16xf32>,
    %dma_wait3A_827 = arith.constant 11 : i32
    %dma_wait3A_828 = arith.constant 0 : i32
    %dma_wait3A_829 = arith.constant 0 : i32
    %dma_wait3A_830 = tpu.memref_slice %arg8[%dma_wait3A_827, %dma_wait3A_828, %dma_wait3A_829] : memref<16x32x128xf32, #tpu.memory_space<vmem>> -> memref<1x32x128xf32, #tpu.memory_space<vmem>>
    %dma_wait3A_831 = tpu.memref_squeeze %dma_wait3A_830 : memref<1x32x128xf32, #tpu.memory_space<vmem>> -> memref<32x128xf32, #tpu.memory_space<vmem>>
    %dma_wait3A_832 = arith.constant 0 : i32
    %dma_wait3A_833 = arith.constant 0 : i32
    %dma_wait3A_834 = tpu.memref_slice %arg3[%dma_wait3A_832, %dma_wait3A_833] : memref<32x1000000xf32, #tpu.memory_space<hbm>> -> memref<32x128xf32, #tpu.memory_space<hbm>>
    %dma_wait3A_835 = arith.constant 0 : i32
    %dma_wait3A_836 = arith.constant 0 : i32
    %dma_wait3A_837 = tpu.memref_slice %arg8[%dma_wait3A_827, %dma_wait3A_835, %dma_wait3A_836] : memref<16x32x128xf32, #tpu.memory_space<vmem>> -> memref<1x32x128xf32, #tpu.memory_space<vmem>>
    %dma_wait3A_838 = tpu.memref_squeeze %dma_wait3A_837 : memref<1x32x128xf32, #tpu.memory_space<vmem>> -> memref<32x128xf32, #tpu.memory_space<vmem>>
    %dma_wait3A_839 = arith.constant 0 : i32
    %dma_wait3A_840 = arith.constant 0 : i32
    %dma_wait3A_841 = tpu.memref_slice %arg3[%dma_wait3A_839, %dma_wait3A_840] : memref<32x1000000xf32, #tpu.memory_space<hbm>> -> memref<32x128xf32, #tpu.memory_space<hbm>>
    tpu.wait_dma2 semaphore(%arg23 : memref<!tpu.dma_semaphore, #tpu.memory_space<semaphore_mem>>) src(%dma_wait3A_841 : memref<32x128xf32, #tpu.memory_space<hbm>>) dst(%dma_wait3A_838 : memref<32x128xf32, #tpu.memory_space<vmem>>)
    %slice3A_842 = vector.extract_strided_slice %scan3A_323 {offsets = [11], sizes = [1], strides = [1]} : vector<16xi32> to vector<1xi32>
    %squeeze3A_843 = vector.extract %slice3A_842[0] : i32 from vector<1xi32>
    %and3A_844 = arith.constant 127 : i32
    %and3A_845 = arith.andi %squeeze3A_843, %and3A_844 : i32
    %broadcast_in_dim3A_846 = vector.broadcast %and3A_845 : i32 to vector<16xi32>
    %broadcast_in_dim3A_847 = arith.constant 507 : i32
    %broadcast_in_dim3A_848 = vector.broadcast %broadcast_in_dim3A_847 : i32 to vector<16xi32>
    %add3A_849 = arith.constant 0 : i32
    %add3A_850 = vector.broadcast %add3A_849 : i32 to vector<16xi32>
    %add3A_851 = arith.addi %iota3A, %add3A_850 : vector<16xi32>
    %gather3A_852 = arith.constant 11 : i32
    %gather3A_853 = arith.constant 0 : i32
    %gather3A_854 = arith.constant 0 : i32
    %gather3A_855 = tpu.memref_slice %arg8[%gather3A_852, %gather3A_853, %gather3A_854] : memref<16x32x128xf32, #tpu.memory_space<vmem>> -> memref<1x32x128xf32, #tpu.memory_space<vmem>>
    %gather3A_856 = tpu.memref_squeeze %gather3A_855 : memref<1x32x128xf32, #tpu.memory_space<vmem>> -> memref<32x128xf32, #tpu.memory_space<vmem>>
    %gather3A_857 = tpu.vector_load_idx %gather3A_856[%add3A_851, %broadcast_in_dim3A_846] : memref<32x128xf32, #tpu.memory_space<vmem>>[vector<16xi32>, vector<16xi32>], vector<16xf32>,
    %add3A_858 = arith.constant 16 : i32
    %add3A_859 = vector.broadcast %add3A_858 : i32 to vector<16xi32>
    %add3A_860 = arith.addi %iota3A, %add3A_859 : vector<16xi32>
    %gather3A_861 = arith.constant 11 : i32
    %gather3A_862 = arith.constant 0 : i32
    %gather3A_863 = arith.constant 0 : i32
    %gather3A_864 = tpu.memref_slice %arg8[%gather3A_861, %gather3A_862, %gather3A_863] : memref<16x32x128xf32, #tpu.memory_space<vmem>> -> memref<1x32x128xf32, #tpu.memory_space<vmem>>
    %gather3A_865 = tpu.memref_squeeze %gather3A_864 : memref<1x32x128xf32, #tpu.memory_space<vmem>> -> memref<32x128xf32, #tpu.memory_space<vmem>>
    %gather3A_866 = tpu.vector_load_idx %gather3A_865[%add3A_860, %broadcast_in_dim3A_846] : memref<32x128xf32, #tpu.memory_space<vmem>>[vector<16xi32>, vector<16xi32>], vector<16xf32>,
    %add3A_867 = arith.constant 0 : i32
    %add3A_868 = vector.broadcast %add3A_867 : i32 to vector<16xi32>
    %add3A_869 = arith.addi %iota3A, %add3A_868 : vector<16xi32>
    tpu.vector_store_idx %arg9[%add3A_869, %broadcast_in_dim3A_848], %gather3A_857 : memref<32x512xf32, #tpu.memory_space<vmem>>[vector<16xi32>, vector<16xi32>], vector<16xf32>,
    %add3A_870 = arith.constant 16 : i32
    %add3A_871 = vector.broadcast %add3A_870 : i32 to vector<16xi32>
    %add3A_872 = arith.addi %iota3A, %add3A_871 : vector<16xi32>
    tpu.vector_store_idx %arg9[%add3A_872, %broadcast_in_dim3A_848], %gather3A_866 : memref<32x512xf32, #tpu.memory_space<vmem>>[vector<16xi32>, vector<16xi32>], vector<16xf32>,
    %dma_wait3A_873 = arith.constant 12 : i32
    %dma_wait3A_874 = arith.constant 0 : i32
    %dma_wait3A_875 = arith.constant 0 : i32
    %dma_wait3A_876 = tpu.memref_slice %arg8[%dma_wait3A_873, %dma_wait3A_874, %dma_wait3A_875] : memref<16x32x128xf32, #tpu.memory_space<vmem>> -> memref<1x32x128xf32, #tpu.memory_space<vmem>>
    %dma_wait3A_877 = tpu.memref_squeeze %dma_wait3A_876 : memref<1x32x128xf32, #tpu.memory_space<vmem>> -> memref<32x128xf32, #tpu.memory_space<vmem>>
    %dma_wait3A_878 = arith.constant 0 : i32
    %dma_wait3A_879 = arith.constant 0 : i32
    %dma_wait3A_880 = tpu.memref_slice %arg3[%dma_wait3A_878, %dma_wait3A_879] : memref<32x1000000xf32, #tpu.memory_space<hbm>> -> memref<32x128xf32, #tpu.memory_space<hbm>>
    %dma_wait3A_881 = arith.constant 0 : i32
    %dma_wait3A_882 = arith.constant 0 : i32
    %dma_wait3A_883 = tpu.memref_slice %arg8[%dma_wait3A_873, %dma_wait3A_881, %dma_wait3A_882] : memref<16x32x128xf32, #tpu.memory_space<vmem>> -> memref<1x32x128xf32, #tpu.memory_space<vmem>>
    %dma_wait3A_884 = tpu.memref_squeeze %dma_wait3A_883 : memref<1x32x128xf32, #tpu.memory_space<vmem>> -> memref<32x128xf32, #tpu.memory_space<vmem>>
    %dma_wait3A_885 = arith.constant 0 : i32
    %dma_wait3A_886 = arith.constant 0 : i32
    %dma_wait3A_887 = tpu.memref_slice %arg3[%dma_wait3A_885, %dma_wait3A_886] : memref<32x1000000xf32, #tpu.memory_space<hbm>> -> memref<32x128xf32, #tpu.memory_space<hbm>>
    tpu.wait_dma2 semaphore(%arg24 : memref<!tpu.dma_semaphore, #tpu.memory_space<semaphore_mem>>) src(%dma_wait3A_887 : memref<32x128xf32, #tpu.memory_space<hbm>>) dst(%dma_wait3A_884 : memref<32x128xf32, #tpu.memory_space<vmem>>)
    %slice3A_888 = vector.extract_strided_slice %scan3A_323 {offsets = [12], sizes = [1], strides = [1]} : vector<16xi32> to vector<1xi32>
    %squeeze3A_889 = vector.extract %slice3A_888[0] : i32 from vector<1xi32>
    %and3A_890 = arith.constant 127 : i32
    %and3A_891 = arith.andi %squeeze3A_889, %and3A_890 : i32
    %broadcast_in_dim3A_892 = vector.broadcast %and3A_891 : i32 to vector<16xi32>
    %broadcast_in_dim3A_893 = arith.constant 508 : i32
    %broadcast_in_dim3A_894 = vector.broadcast %broadcast_in_dim3A_893 : i32 to vector<16xi32>
    %add3A_895 = arith.constant 0 : i32
    %add3A_896 = vector.broadcast %add3A_895 : i32 to vector<16xi32>
    %add3A_897 = arith.addi %iota3A, %add3A_896 : vector<16xi32>
    %gather3A_898 = arith.constant 12 : i32
    %gather3A_899 = arith.constant 0 : i32
    %gather3A_900 = arith.constant 0 : i32
    %gather3A_901 = tpu.memref_slice %arg8[%gather3A_898, %gather3A_899, %gather3A_900] : memref<16x32x128xf32, #tpu.memory_space<vmem>> -> memref<1x32x128xf32, #tpu.memory_space<vmem>>
    %gather3A_902 = tpu.memref_squeeze %gather3A_901 : memref<1x32x128xf32, #tpu.memory_space<vmem>> -> memref<32x128xf32, #tpu.memory_space<vmem>>
    %gather3A_903 = tpu.vector_load_idx %gather3A_902[%add3A_897, %broadcast_in_dim3A_892] : memref<32x128xf32, #tpu.memory_space<vmem>>[vector<16xi32>, vector<16xi32>], vector<16xf32>,
    %add3A_904 = arith.constant 16 : i32
    %add3A_905 = vector.broadcast %add3A_904 : i32 to vector<16xi32>
    %add3A_906 = arith.addi %iota3A, %add3A_905 : vector<16xi32>
    %gather3A_907 = arith.constant 12 : i32
    %gather3A_908 = arith.constant 0 : i32
    %gather3A_909 = arith.constant 0 : i32
    %gather3A_910 = tpu.memref_slice %arg8[%gather3A_907, %gather3A_908, %gather3A_909] : memref<16x32x128xf32, #tpu.memory_space<vmem>> -> memref<1x32x128xf32, #tpu.memory_space<vmem>>
    %gather3A_911 = tpu.memref_squeeze %gather3A_910 : memref<1x32x128xf32, #tpu.memory_space<vmem>> -> memref<32x128xf32, #tpu.memory_space<vmem>>
    %gather3A_912 = tpu.vector_load_idx %gather3A_911[%add3A_906, %broadcast_in_dim3A_892] : memref<32x128xf32, #tpu.memory_space<vmem>>[vector<16xi32>, vector<16xi32>], vector<16xf32>,
    %add3A_913 = arith.constant 0 : i32
    %add3A_914 = vector.broadcast %add3A_913 : i32 to vector<16xi32>
    %add3A_915 = arith.addi %iota3A, %add3A_914 : vector<16xi32>
    tpu.vector_store_idx %arg9[%add3A_915, %broadcast_in_dim3A_894], %gather3A_903 : memref<32x512xf32, #tpu.memory_space<vmem>>[vector<16xi32>, vector<16xi32>], vector<16xf32>,
    %add3A_916 = arith.constant 16 : i32
    %add3A_917 = vector.broadcast %add3A_916 : i32 to vector<16xi32>
    %add3A_918 = arith.addi %iota3A, %add3A_917 : vector<16xi32>
    tpu.vector_store_idx %arg9[%add3A_918, %broadcast_in_dim3A_894], %gather3A_912 : memref<32x512xf32, #tpu.memory_space<vmem>>[vector<16xi32>, vector<16xi32>], vector<16xf32>,
    %dma_wait3A_919 = arith.constant 13 : i32
    %dma_wait3A_920 = arith.constant 0 : i32
    %dma_wait3A_921 = arith.constant 0 : i32
    %dma_wait3A_922 = tpu.memref_slice %arg8[%dma_wait3A_919, %dma_wait3A_920, %dma_wait3A_921] : memref<16x32x128xf32, #tpu.memory_space<vmem>> -> memref<1x32x128xf32, #tpu.memory_space<vmem>>
    %dma_wait3A_923 = tpu.memref_squeeze %dma_wait3A_922 : memref<1x32x128xf32, #tpu.memory_space<vmem>> -> memref<32x128xf32, #tpu.memory_space<vmem>>
    %dma_wait3A_924 = arith.constant 0 : i32
    %dma_wait3A_925 = arith.constant 0 : i32
    %dma_wait3A_926 = tpu.memref_slice %arg3[%dma_wait3A_924, %dma_wait3A_925] : memref<32x1000000xf32, #tpu.memory_space<hbm>> -> memref<32x128xf32, #tpu.memory_space<hbm>>
    %dma_wait3A_927 = arith.constant 0 : i32
    %dma_wait3A_928 = arith.constant 0 : i32
    %dma_wait3A_929 = tpu.memref_slice %arg8[%dma_wait3A_919, %dma_wait3A_927, %dma_wait3A_928] : memref<16x32x128xf32, #tpu.memory_space<vmem>> -> memref<1x32x128xf32, #tpu.memory_space<vmem>>
    %dma_wait3A_930 = tpu.memref_squeeze %dma_wait3A_929 : memref<1x32x128xf32, #tpu.memory_space<vmem>> -> memref<32x128xf32, #tpu.memory_space<vmem>>
    %dma_wait3A_931 = arith.constant 0 : i32
    %dma_wait3A_932 = arith.constant 0 : i32
    %dma_wait3A_933 = tpu.memref_slice %arg3[%dma_wait3A_931, %dma_wait3A_932] : memref<32x1000000xf32, #tpu.memory_space<hbm>> -> memref<32x128xf32, #tpu.memory_space<hbm>>
    tpu.wait_dma2 semaphore(%arg25 : memref<!tpu.dma_semaphore, #tpu.memory_space<semaphore_mem>>) src(%dma_wait3A_933 : memref<32x128xf32, #tpu.memory_space<hbm>>) dst(%dma_wait3A_930 : memref<32x128xf32, #tpu.memory_space<vmem>>)
    %slice3A_934 = vector.extract_strided_slice %scan3A_323 {offsets = [13], sizes = [1], strides = [1]} : vector<16xi32> to vector<1xi32>
    %squeeze3A_935 = vector.extract %slice3A_934[0] : i32 from vector<1xi32>
    %and3A_936 = arith.constant 127 : i32
    %and3A_937 = arith.andi %squeeze3A_935, %and3A_936 : i32
    %broadcast_in_dim3A_938 = vector.broadcast %and3A_937 : i32 to vector<16xi32>
    %broadcast_in_dim3A_939 = arith.constant 509 : i32
    %broadcast_in_dim3A_940 = vector.broadcast %broadcast_in_dim3A_939 : i32 to vector<16xi32>
    %add3A_941 = arith.constant 0 : i32
    %add3A_942 = vector.broadcast %add3A_941 : i32 to vector<16xi32>
    %add3A_943 = arith.addi %iota3A, %add3A_942 : vector<16xi32>
    %gather3A_944 = arith.constant 13 : i32
    %gather3A_945 = arith.constant 0 : i32
    %gather3A_946 = arith.constant 0 : i32
    %gather3A_947 = tpu.memref_slice %arg8[%gather3A_944, %gather3A_945, %gather3A_946] : memref<16x32x128xf32, #tpu.memory_space<vmem>> -> memref<1x32x128xf32, #tpu.memory_space<vmem>>
    %gather3A_948 = tpu.memref_squeeze %gather3A_947 : memref<1x32x128xf32, #tpu.memory_space<vmem>> -> memref<32x128xf32, #tpu.memory_space<vmem>>
    %gather3A_949 = tpu.vector_load_idx %gather3A_948[%add3A_943, %broadcast_in_dim3A_938] : memref<32x128xf32, #tpu.memory_space<vmem>>[vector<16xi32>, vector<16xi32>], vector<16xf32>,
    %add3A_950 = arith.constant 16 : i32
    %add3A_951 = vector.broadcast %add3A_950 : i32 to vector<16xi32>
    %add3A_952 = arith.addi %iota3A, %add3A_951 : vector<16xi32>
    %gather3A_953 = arith.constant 13 : i32
    %gather3A_954 = arith.constant 0 : i32
    %gather3A_955 = arith.constant 0 : i32
    %gather3A_956 = tpu.memref_slice %arg8[%gather3A_953, %gather3A_954, %gather3A_955] : memref<16x32x128xf32, #tpu.memory_space<vmem>> -> memref<1x32x128xf32, #tpu.memory_space<vmem>>
    %gather3A_957 = tpu.memref_squeeze %gather3A_956 : memref<1x32x128xf32, #tpu.memory_space<vmem>> -> memref<32x128xf32, #tpu.memory_space<vmem>>
    %gather3A_958 = tpu.vector_load_idx %gather3A_957[%add3A_952, %broadcast_in_dim3A_938] : memref<32x128xf32, #tpu.memory_space<vmem>>[vector<16xi32>, vector<16xi32>], vector<16xf32>,
    %add3A_959 = arith.constant 0 : i32
    %add3A_960 = vector.broadcast %add3A_959 : i32 to vector<16xi32>
    %add3A_961 = arith.addi %iota3A, %add3A_960 : vector<16xi32>
    tpu.vector_store_idx %arg9[%add3A_961, %broadcast_in_dim3A_940], %gather3A_949 : memref<32x512xf32, #tpu.memory_space<vmem>>[vector<16xi32>, vector<16xi32>], vector<16xf32>,
    %add3A_962 = arith.constant 16 : i32
    %add3A_963 = vector.broadcast %add3A_962 : i32 to vector<16xi32>
    %add3A_964 = arith.addi %iota3A, %add3A_963 : vector<16xi32>
    tpu.vector_store_idx %arg9[%add3A_964, %broadcast_in_dim3A_940], %gather3A_958 : memref<32x512xf32, #tpu.memory_space<vmem>>[vector<16xi32>, vector<16xi32>], vector<16xf32>,
    %dma_wait3A_965 = arith.constant 14 : i32
    %dma_wait3A_966 = arith.constant 0 : i32
    %dma_wait3A_967 = arith.constant 0 : i32
    %dma_wait3A_968 = tpu.memref_slice %arg8[%dma_wait3A_965, %dma_wait3A_966, %dma_wait3A_967] : memref<16x32x128xf32, #tpu.memory_space<vmem>> -> memref<1x32x128xf32, #tpu.memory_space<vmem>>
    %dma_wait3A_969 = tpu.memref_squeeze %dma_wait3A_968 : memref<1x32x128xf32, #tpu.memory_space<vmem>> -> memref<32x128xf32, #tpu.memory_space<vmem>>
    %dma_wait3A_970 = arith.constant 0 : i32
    %dma_wait3A_971 = arith.constant 0 : i32
    %dma_wait3A_972 = tpu.memref_slice %arg3[%dma_wait3A_970, %dma_wait3A_971] : memref<32x1000000xf32, #tpu.memory_space<hbm>> -> memref<32x128xf32, #tpu.memory_space<hbm>>
    %dma_wait3A_973 = arith.constant 0 : i32
    %dma_wait3A_974 = arith.constant 0 : i32
    %dma_wait3A_975 = tpu.memref_slice %arg8[%dma_wait3A_965, %dma_wait3A_973, %dma_wait3A_974] : memref<16x32x128xf32, #tpu.memory_space<vmem>> -> memref<1x32x128xf32, #tpu.memory_space<vmem>>
    %dma_wait3A_976 = tpu.memref_squeeze %dma_wait3A_975 : memref<1x32x128xf32, #tpu.memory_space<vmem>> -> memref<32x128xf32, #tpu.memory_space<vmem>>
    %dma_wait3A_977 = arith.constant 0 : i32
    %dma_wait3A_978 = arith.constant 0 : i32
    %dma_wait3A_979 = tpu.memref_slice %arg3[%dma_wait3A_977, %dma_wait3A_978] : memref<32x1000000xf32, #tpu.memory_space<hbm>> -> memref<32x128xf32, #tpu.memory_space<hbm>>
    tpu.wait_dma2 semaphore(%arg26 : memref<!tpu.dma_semaphore, #tpu.memory_space<semaphore_mem>>) src(%dma_wait3A_979 : memref<32x128xf32, #tpu.memory_space<hbm>>) dst(%dma_wait3A_976 : memref<32x128xf32, #tpu.memory_space<vmem>>)
    %slice3A_980 = vector.extract_strided_slice %scan3A_323 {offsets = [14], sizes = [1], strides = [1]} : vector<16xi32> to vector<1xi32>
    %squeeze3A_981 = vector.extract %slice3A_980[0] : i32 from vector<1xi32>
    %and3A_982 = arith.constant 127 : i32
    %and3A_983 = arith.andi %squeeze3A_981, %and3A_982 : i32
    %broadcast_in_dim3A_984 = vector.broadcast %and3A_983 : i32 to vector<16xi32>
    %broadcast_in_dim3A_985 = arith.constant 510 : i32
    %broadcast_in_dim3A_986 = vector.broadcast %broadcast_in_dim3A_985 : i32 to vector<16xi32>
    %add3A_987 = arith.constant 0 : i32
    %add3A_988 = vector.broadcast %add3A_987 : i32 to vector<16xi32>
    %add3A_989 = arith.addi %iota3A, %add3A_988 : vector<16xi32>
    %gather3A_990 = arith.constant 14 : i32
    %gather3A_991 = arith.constant 0 : i32
    %gather3A_992 = arith.constant 0 : i32
    %gather3A_993 = tpu.memref_slice %arg8[%gather3A_990, %gather3A_991, %gather3A_992] : memref<16x32x128xf32, #tpu.memory_space<vmem>> -> memref<1x32x128xf32, #tpu.memory_space<vmem>>
    %gather3A_994 = tpu.memref_squeeze %gather3A_993 : memref<1x32x128xf32, #tpu.memory_space<vmem>> -> memref<32x128xf32, #tpu.memory_space<vmem>>
    %gather3A_995 = tpu.vector_load_idx %gather3A_994[%add3A_989, %broadcast_in_dim3A_984] : memref<32x128xf32, #tpu.memory_space<vmem>>[vector<16xi32>, vector<16xi32>], vector<16xf32>,
    %add3A_996 = arith.constant 16 : i32
    %add3A_997 = vector.broadcast %add3A_996 : i32 to vector<16xi32>
    %add3A_998 = arith.addi %iota3A, %add3A_997 : vector<16xi32>
    %gather3A_999 = arith.constant 14 : i32
    %gather3A_1000 = arith.constant 0 : i32
    %gather3A_1001 = arith.constant 0 : i32
    %gather3A_1002 = tpu.memref_slice %arg8[%gather3A_999, %gather3A_1000, %gather3A_1001] : memref<16x32x128xf32, #tpu.memory_space<vmem>> -> memref<1x32x128xf32, #tpu.memory_space<vmem>>
    %gather3A_1003 = tpu.memref_squeeze %gather3A_1002 : memref<1x32x128xf32, #tpu.memory_space<vmem>> -> memref<32x128xf32, #tpu.memory_space<vmem>>
    %gather3A_1004 = tpu.vector_load_idx %gather3A_1003[%add3A_998, %broadcast_in_dim3A_984] : memref<32x128xf32, #tpu.memory_space<vmem>>[vector<16xi32>, vector<16xi32>], vector<16xf32>,
    %add3A_1005 = arith.constant 0 : i32
    %add3A_1006 = vector.broadcast %add3A_1005 : i32 to vector<16xi32>
    %add3A_1007 = arith.addi %iota3A, %add3A_1006 : vector<16xi32>
    tpu.vector_store_idx %arg9[%add3A_1007, %broadcast_in_dim3A_986], %gather3A_995 : memref<32x512xf32, #tpu.memory_space<vmem>>[vector<16xi32>, vector<16xi32>], vector<16xf32>,
    %add3A_1008 = arith.constant 16 : i32
    %add3A_1009 = vector.broadcast %add3A_1008 : i32 to vector<16xi32>
    %add3A_1010 = arith.addi %iota3A, %add3A_1009 : vector<16xi32>
    tpu.vector_store_idx %arg9[%add3A_1010, %broadcast_in_dim3A_986], %gather3A_1004 : memref<32x512xf32, #tpu.memory_space<vmem>>[vector<16xi32>, vector<16xi32>], vector<16xf32>,
    %dma_wait3A_1011 = arith.constant 15 : i32
    %dma_wait3A_1012 = arith.constant 0 : i32
    %dma_wait3A_1013 = arith.constant 0 : i32
    %dma_wait3A_1014 = tpu.memref_slice %arg8[%dma_wait3A_1011, %dma_wait3A_1012, %dma_wait3A_1013] : memref<16x32x128xf32, #tpu.memory_space<vmem>> -> memref<1x32x128xf32, #tpu.memory_space<vmem>>
    %dma_wait3A_1015 = tpu.memref_squeeze %dma_wait3A_1014 : memref<1x32x128xf32, #tpu.memory_space<vmem>> -> memref<32x128xf32, #tpu.memory_space<vmem>>
    %dma_wait3A_1016 = arith.constant 0 : i32
    %dma_wait3A_1017 = arith.constant 0 : i32
    %dma_wait3A_1018 = tpu.memref_slice %arg3[%dma_wait3A_1016, %dma_wait3A_1017] : memref<32x1000000xf32, #tpu.memory_space<hbm>> -> memref<32x128xf32, #tpu.memory_space<hbm>>
    %dma_wait3A_1019 = arith.constant 0 : i32
    %dma_wait3A_1020 = arith.constant 0 : i32
    %dma_wait3A_1021 = tpu.memref_slice %arg8[%dma_wait3A_1011, %dma_wait3A_1019, %dma_wait3A_1020] : memref<16x32x128xf32, #tpu.memory_space<vmem>> -> memref<1x32x128xf32, #tpu.memory_space<vmem>>
    %dma_wait3A_1022 = tpu.memref_squeeze %dma_wait3A_1021 : memref<1x32x128xf32, #tpu.memory_space<vmem>> -> memref<32x128xf32, #tpu.memory_space<vmem>>
    %dma_wait3A_1023 = arith.constant 0 : i32
    %dma_wait3A_1024 = arith.constant 0 : i32
    %dma_wait3A_1025 = tpu.memref_slice %arg3[%dma_wait3A_1023, %dma_wait3A_1024] : memref<32x1000000xf32, #tpu.memory_space<hbm>> -> memref<32x128xf32, #tpu.memory_space<hbm>>
    tpu.wait_dma2 semaphore(%arg27 : memref<!tpu.dma_semaphore, #tpu.memory_space<semaphore_mem>>) src(%dma_wait3A_1025 : memref<32x128xf32, #tpu.memory_space<hbm>>) dst(%dma_wait3A_1022 : memref<32x128xf32, #tpu.memory_space<vmem>>)
    %slice3A_1026 = vector.extract_strided_slice %scan3A_323 {offsets = [15], sizes = [1], strides = [1]} : vector<16xi32> to vector<1xi32>
    %squeeze3A_1027 = vector.extract %slice3A_1026[0] : i32 from vector<1xi32>
    %and3A_1028 = arith.constant 127 : i32
    %and3A_1029 = arith.andi %squeeze3A_1027, %and3A_1028 : i32
    %broadcast_in_dim3A_1030 = vector.broadcast %and3A_1029 : i32 to vector<16xi32>
    %broadcast_in_dim3A_1031 = arith.constant 511 : i32
    %broadcast_in_dim3A_1032 = vector.broadcast %broadcast_in_dim3A_1031 : i32 to vector<16xi32>
    %add3A_1033 = arith.constant 0 : i32
    %add3A_1034 = vector.broadcast %add3A_1033 : i32 to vector<16xi32>
    %add3A_1035 = arith.addi %iota3A, %add3A_1034 : vector<16xi32>
    %gather3A_1036 = arith.constant 15 : i32
    %gather3A_1037 = arith.constant 0 : i32
    %gather3A_1038 = arith.constant 0 : i32
    %gather3A_1039 = tpu.memref_slice %arg8[%gather3A_1036, %gather3A_1037, %gather3A_1038] : memref<16x32x128xf32, #tpu.memory_space<vmem>> -> memref<1x32x128xf32, #tpu.memory_space<vmem>>
    %gather3A_1040 = tpu.memref_squeeze %gather3A_1039 : memref<1x32x128xf32, #tpu.memory_space<vmem>> -> memref<32x128xf32, #tpu.memory_space<vmem>>
    %gather3A_1041 = tpu.vector_load_idx %gather3A_1040[%add3A_1035, %broadcast_in_dim3A_1030] : memref<32x128xf32, #tpu.memory_space<vmem>>[vector<16xi32>, vector<16xi32>], vector<16xf32>,
    %add3A_1042 = arith.constant 16 : i32
    %add3A_1043 = vector.broadcast %add3A_1042 : i32 to vector<16xi32>
    %add3A_1044 = arith.addi %iota3A, %add3A_1043 : vector<16xi32>
    %gather3A_1045 = arith.constant 15 : i32
    %gather3A_1046 = arith.constant 0 : i32
    %gather3A_1047 = arith.constant 0 : i32
    %gather3A_1048 = tpu.memref_slice %arg8[%gather3A_1045, %gather3A_1046, %gather3A_1047] : memref<16x32x128xf32, #tpu.memory_space<vmem>> -> memref<1x32x128xf32, #tpu.memory_space<vmem>>
    %gather3A_1049 = tpu.memref_squeeze %gather3A_1048 : memref<1x32x128xf32, #tpu.memory_space<vmem>> -> memref<32x128xf32, #tpu.memory_space<vmem>>
    %gather3A_1050 = tpu.vector_load_idx %gather3A_1049[%add3A_1044, %broadcast_in_dim3A_1030] : memref<32x128xf32, #tpu.memory_space<vmem>>[vector<16xi32>, vector<16xi32>], vector<16xf32>,
    %add3A_1051 = arith.constant 0 : i32
    %add3A_1052 = vector.broadcast %add3A_1051 : i32 to vector<16xi32>
    %add3A_1053 = arith.addi %iota3A, %add3A_1052 : vector<16xi32>
    tpu.vector_store_idx %arg9[%add3A_1053, %broadcast_in_dim3A_1032], %gather3A_1041 : memref<32x512xf32, #tpu.memory_space<vmem>>[vector<16xi32>, vector<16xi32>], vector<16xf32>,
    %add3A_1054 = arith.constant 16 : i32
    %add3A_1055 = vector.broadcast %add3A_1054 : i32 to vector<16xi32>
    %add3A_1056 = arith.addi %iota3A, %add3A_1055 : vector<16xi32>
    tpu.vector_store_idx %arg9[%add3A_1056, %broadcast_in_dim3A_1032], %gather3A_1050 : memref<32x512xf32, #tpu.memory_space<vmem>>[vector<16xi32>, vector<16xi32>], vector<16xf32>,
    "tpu.region"() ({
      %run_scoped3A = tpu.sem_alloc : memref<!tpu.dma_semaphore, #tpu.memory_space<semaphore_mem>>
      %dma_start3A_1059 = arith.constant 0 : i32
      %dma_start3A_1060 = tpu.memref_slice %arg5[%dma_start3A_1059, %mul3A_2] : memref<32x16384xf32, #tpu.memory_space<hbm>> -> memref<32x512xf32, #tpu.memory_space<hbm>>
      %dma_start3A_1061 = arith.constant 0 : i32
      %dma_start3A_1062 = tpu.memref_slice %arg5[%dma_start3A_1061, %mul3A_2] : memref<32x16384xf32, #tpu.memory_space<hbm>> -> memref<32x512xf32, #tpu.memory_space<hbm>>
      tpu.enqueue_dma source(%arg9 : memref<32x512xf32, #tpu.memory_space<vmem>>) target(%dma_start3A_1062 : memref<32x512xf32, #tpu.memory_space<hbm>>) target_semaphore(%run_scoped3A : memref<!tpu.dma_semaphore, #tpu.memory_space<semaphore_mem>>)
      %dma_wait3A_1063 = arith.constant 0 : i32
      %dma_wait3A_1064 = tpu.memref_slice %arg5[%dma_wait3A_1063, %mul3A_2] : memref<32x16384xf32, #tpu.memory_space<hbm>> -> memref<32x512xf32, #tpu.memory_space<hbm>>
      %dma_wait3A_1065 = arith.constant 0 : i32
      %dma_wait3A_1066 = tpu.memref_slice %arg5[%dma_wait3A_1065, %mul3A_2] : memref<32x16384xf32, #tpu.memory_space<hbm>> -> memref<32x512xf32, #tpu.memory_space<hbm>>
      tpu.wait_dma2 semaphore(%run_scoped3A : memref<!tpu.dma_semaphore, #tpu.memory_space<semaphore_mem>>) src(%arg9 : memref<32x512xf32, #tpu.memory_space<vmem>>) dst(%dma_wait3A_1066 : memref<32x512xf32, #tpu.memory_space<hbm>>)
      tpu.yield
    }) : () -> ()
    %dma_wait3A_1057 = arith.constant 0 : i32
    %dma_wait3A_1058 = tpu.memref_slice %arg4[%dma_wait3A_1057] : memref<1000000xf32, #tpu.memory_space<hbm>> -> memref<1000000xf32, #tpu.memory_space<hbm>>
    tpu.wait_indirect_dma semaphore(%arg11 : memref<!tpu.dma_semaphore, #tpu.memory_space<semaphore_mem>>) src(%dma_wait3A_1058 : memref<1000000xf32, #tpu.memory_space<hbm>>) dst(%arg10 : memref<512xf32, #tpu.memory_space<vmem>>)
    "tpu.region"() ({
      %run_scoped3A = tpu.sem_alloc : memref<!tpu.dma_semaphore, #tpu.memory_space<semaphore_mem>>
      %dma_start3A_1059 = tpu.memref_slice %arg6[%mul3A_2] : memref<16384xf32, #tpu.memory_space<hbm>> -> memref<512xf32, #tpu.memory_space<hbm>>
      %dma_start3A_1060 = tpu.memref_slice %arg6[%mul3A_2] : memref<16384xf32, #tpu.memory_space<hbm>> -> memref<512xf32, #tpu.memory_space<hbm>>
      tpu.enqueue_dma source(%arg10 : memref<512xf32, #tpu.memory_space<vmem>>) target(%dma_start3A_1060 : memref<512xf32, #tpu.memory_space<hbm>>) target_semaphore(%run_scoped3A : memref<!tpu.dma_semaphore, #tpu.memory_space<semaphore_mem>>)
      %dma_wait3A_1061 = tpu.memref_slice %arg6[%mul3A_2] : memref<16384xf32, #tpu.memory_space<hbm>> -> memref<512xf32, #tpu.memory_space<hbm>>
      %dma_wait3A_1062 = tpu.memref_slice %arg6[%mul3A_2] : memref<16384xf32, #tpu.memory_space<hbm>> -> memref<512xf32, #tpu.memory_space<hbm>>
      tpu.wait_dma2 semaphore(%run_scoped3A : memref<!tpu.dma_semaphore, #tpu.memory_space<semaphore_mem>>) src(%arg10 : memref<512xf32, #tpu.memory_space<vmem>>) dst(%dma_wait3A_1062 : memref<512xf32, #tpu.memory_space<hbm>>)
      tpu.yield
    }) : () -> ()
    return
  }
}

</mosaic_0001>

<sc_bundles>
// kernel: kernel.3.cloned.1.call-start
scs
__scs_entry_jumppad:
0x0: {  	(pc) =	sbr.rel $0x88, $3  }
0x1: {  	(tag) =	ssettag $0x0;
	lr =	simm.s32 $0x1  }
0x2: {  	[smem:$0x3F9E] =	sst lr;
	_ =	strace $0xD0000000  }
0x3: {  	_ = 	snop  }
0x4: {  	_ = 	snop  }
0x5: {  	_ = 	snop  }
0x6: {  	_ = 	snop  }
0x7: {  	_ = 	snop  }
__scs_overlays_trampoline_lowered:
0x8: {  	[smem:$0x3FAD] =	sst s0  }
0x9: {  	[smem:$0x3FAE] =	sst s1  }
0xa: {  	[smem:$0x3FAF] =	sst s2  }
0xb: {  	[smem:$0x3FB0] =	sst s3  }
0xc: {  	[smem:$0x3FB1] =	sst s4  }
0xd: {  	[smem:$0x3FB2] =	sst s5  }
0xe: {  	[smem:$0x3FB3] =	sst s6  }
0xf: {  	[smem:$0x3FB4] =	sst s7  }
0x10: {  	[smem:$0x3FB5] =	sst s8  }
0x11: {  	[smem:$0x3FB6] =	sst s9;
	s0 =	simm.s32 @!p0 $0x0  }
0x12: {  	s1 =	sld [smem:$0x3F9C];
	s0 =	simm.s32 @p0 $0x1  }
0x13: {  	[smem:$0x3FB7] =	sst s0;
	s0 =	simm.s32 @!p1 $0x0  }
0x14: {  	s2 =	sld [smem:$0x3F9B];
	s0 =	simm.s32 @p1 $0x1  }
0x15: {  	[smem:$0x3FB8] =	sst s0;
	s0 =	simm.s32 @!p2 $0x0  }
0x16: {  	s3 =	sld [smem:$0x3FDB];
	s0 =	simm.s32 @p2 $0x1  }
0x17: {  	s4 =	simm.s32 $0x1BF5;
	[smem:$0x3FBA] =	sst s0  }
0x18: {  	s0 =	sld [smem:$0x3F9D];
	_ =	swait.ge [sflag:s4], $0x0  }
0x19: {  	s7 =	sld [smem:$0x3F9E]  }
0x1a: {  	s8 =	sadd.s32 $0xFFFFE003, lr  }
0x1b: {  	s9 =	sadd.s32 $0xFFFFFEF7, lr;
	s5 =	simm.s32 $0xFFFFFFFF;
	p2 =	slt.u32 s8, $0xFFFFF086  }
0x1c: {  	p1 =	slt.u32 s9, $0xF7A;
	s5 =	simm.s32 @!p2 $0x0  }
0x1d: {  	s5 =	simm.s32 @p1 $0x1;
	p0 =	seq.s32 s7, s2  }
0x1e: {  	s7 =	smul.u32 @!p0 $0xF7A, s2;
	p2 =	seq.s32 @!p0 s5, $0x0  }
0x1f: {  	s9 =	smul.u32 $0xF7A, s1;
	s8 =	simm.s32 @!p0 $0x1BF5;
	p2 =	por !p2, p0  }
0x20: {  	[sflag:s8] =	ssyncset.s32 @!p0 $0xFFFFF086;
	s6 =	sadd.s32 @!p0 s3, s7;
	s7 =	simm.s32 @!p0 $0x108  }
0x21: {  	s3 =	sadd.s32 s3, s9;
	s6 =	sadd.s32 @!p0 $0x88, s6;
	s7 =	simm.s32 @p2 $0x1082  }
0x22: {  	[simem:s7], [sflag:s8] =	dma.local @!p0 [hbm:s6], $0xF7A  }
0x23: {  	s9 =	sor.u32 $0xD0000000, s2;
	s6 =	simm.s32 $0x108;
	_ =	swait.ge @!p0 [sflag:s8], $0x0  }
0x24: {  	s3 =	sadd.s32 $0x88, s3;
	s6 =	simm.s32 @!p1 $0x1082;
	[sflag:s4] =	ssyncset.s32 $0xFFFFF086  }
0x25: {  	[simem:s6], [sflag:s4] =	dma.local [hbm:s3], $0xF7A  }
0x26: {  	[smem:$0x3F9E] =	sst s1;
	(tag) =	ssettag s2;
	_ =	strace s9  }
0x27: {  	s1 =	sld [smem:$0x3FAE]  }
0x28: {  	s2 =	sld [smem:$0x3FAF]  }
0x29: {  	s4 =	sld [smem:$0x3FB1]  }
0x2a: {  	p0 =	seq.s32 s5, $0x0;
	s5 =	sld [smem:$0x3FB2]  }
0x2b: {  	s6 =	sld [smem:$0x3FB3]  }
0x2c: {  	s7 =	sld [smem:$0x3FB4]  }
0x2d: {  	s3 =	simm.s32 $0x108;
	s8 =	sld [smem:$0x3FB5]  }
0x2e: {  	s3 =	simm.s32 @!p0 $0x1082;
	s9 =	sld [smem:$0x3FB6]  }
0x2f: {  	lr =	sadd.s32 s0, s3;
	s0 =	sld [smem:$0x3FAD]  }
0x30: {  	s3 =	sld [smem:$0x3FB0]  }
0x31: {  	[smem:$0x3FB9] =	sst s10  }
0x32: {  	s10 =	sld [smem:$0x3FB7];
	_ =	sdelay $0x3  }
0x33: {  	p0 =	seq.s32 s10, $0x1;
	s10 =	sld [smem:$0x3FB9];
	_ =	sdelay $0x3  }
0x34: {  	[smem:$0x3FB9] =	sst s10  }
0x35: {  	s10 =	sld [smem:$0x3FB8];
	_ =	sdelay $0x3  }
0x36: {  	p1 =	seq.s32 s10, $0x1;
	s10 =	sld [smem:$0x3FB9];
	_ =	sdelay $0x3  }
0x37: {  	[smem:$0x3FB9] =	sst s10  }
0x38: {  	s10 =	sld [smem:$0x3FBA]  }
0x39: {  	_ = 	snop;
	(pc) =	sbr.ind lr, $3  }
0x3a: {  	_ = 	snop  }
0x3b: {  	_ = 	snop  }
0x3c: {  	p2 =	seq.s32 s10, $0x1;
	s10 =	sld [smem:$0x3FB9]  }
0x3d: {  	_ =	shalt  }
0x3e: {  	_ =	shalt  }
0x3f: {  	_ =	shalt  }
0x40: {  	_ =	shalt  }
0x41: {  	_ =	shalt  }
0x42: {  	_ =	shalt  }
0x43: {  	_ =	shalt  }
0x44: {  	_ =	shalt  }
0x45: {  	_ =	shalt  }
0x46: {  	_ =	shalt  }
0x47: {  	_ =	shalt  }
0x48: {  	_ =	shalt  }
0x49: {  	_ =	shalt  }
0x4a: {  	_ =	shalt  }
0x4b: {  	_ =	shalt  }
0x4c: {  	_ =	shalt  }
0x4d: {  	_ =	shalt  }
0x4e: {  	_ =	shalt  }
0x4f: {  	_ =	shalt  }
0x50: {  	_ =	shalt  }
0x51: {  	_ =	shalt  }
0x52: {  	_ =	shalt  }
0x53: {  	_ =	shalt  }
0x54: {  	_ =	shalt  }
0x55: {  	_ =	shalt  }
0x56: {  	_ =	shalt  }
0x57: {  	_ =	shalt  }
0x58: {  	_ =	shalt  }
0x59: {  	_ =	shalt  }
0x5a: {  	_ =	shalt  }
0x5b: {  	_ =	shalt  }
0x5c: {  	_ =	shalt  }
0x5d: {  	_ =	shalt  }
0x5e: {  	_ =	shalt  }
0x5f: {  	_ =	shalt  }
0x60: {  	_ =	shalt  }
0x61: {  	_ =	shalt  }
0x62: {  	_ =	shalt  }
0x63: {  	_ =	shalt  }
0x64: {  	_ =	shalt  }
0x65: {  	_ =	shalt  }
0x66: {  	_ =	shalt  }
0x67: {  	_ =	shalt  }
0x68: {  	_ =	shalt  }
0x69: {  	_ =	shalt  }
0x6a: {  	_ =	shalt  }
0x6b: {  	_ =	shalt  }
0x6c: {  	_ =	shalt  }
0x6d: {  	_ =	shalt  }
0x6e: {  	_ =	shalt  }
0x6f: {  	_ =	shalt  }
0x70: {  	_ =	shalt  }
0x71: {  	_ =	shalt  }
0x72: {  	_ =	shalt  }
0x73: {  	_ =	shalt  }
0x74: {  	_ =	shalt  }
0x75: {  	_ =	shalt  }
0x76: {  	_ =	shalt  }
0x77: {  	_ =	shalt  }
0x78: {  	_ =	shalt  }
0x79: {  	_ =	shalt  }
0x7a: {  	_ =	shalt  }
0x7b: {  	_ =	shalt  }
0x7c: {  	_ =	shalt  }
0x7d: {  	_ =	shalt  }
0x7e: {  	_ =	shalt  }
0x7f: {  	_ =	shalt  }
0x80: {  	_ =	shalt  }
0x81: {  	_ =	shalt  }
0x82: {  	_ =	shalt  }
0x83: {  	_ =	shalt  }
0x84: {  	_ =	shalt  }
0x85: {  	_ =	shalt  }
0x86: {  	_ =	shalt  }
0x87: {  	_ =	shalt  }
.Lfunc_end0:
.L_simem_size_0:
called_computation_lowered:
.L_overlay_start_0:
0x88: {  	s2 =	sld [smem:$0x3FD9]  }
0x89: {  	s3 =	sld [smem:$0x3FFE];
	_ =	sdelay $0x1  }
0x8a: {  	s1 =	srdreg.scid  }
0x8b: {  	s0 =	sand.u32 $0x1, s1  }
0x8c: {  	s14 =	sshll.u32 s0, $0xA;
	s2 =	sadd.s32 s3, s2  }
0x8d: {  	s2 =	sadd.s32 s2, s14  }
0x8e: {  	[smem:$0x3FC5] =	sst s2  }
0x8f: {  	_ = 	snop  }
0x90: {  	s2 =	sld [smem:$0x3FD0];
	_ =	sdelay $0x1  }
0x91: {  	s15 =	sld [smem:$0x3FC9]  }
0x92: {  	s5 =	simm.s32 $0xA;
	s6 =	simm.s32 $0x10;
	s4 =	sld [smem:$0x3FC8]  }
0x93: {  	[smem:s6], [sflag:s5] =	dma.local [hbm:s2], $0x1  }
0x94: {  	_ =	swait.eq [sflag:s5], $0x1  }
0x95: {  	[sflag:s5] =	ssyncset.done $0x0  }
0x96: {  	s16 =	sld [smem:$0x10];
	[sflag:s5] =	ssyncadd.s32 $0xFFFFFFFF  }
0x97: {  	s17 =	sld [smem:$0x11];
	(tm) =	ssettm $0x1  }
0x98: {  	s18 =	sld [smem:$0x3FFB];
	_ =	sdelay $0x3  }
0x99: {  	_ =	strace s18  }
0x9a: {  	s6 =	sld [smem:$0x3FFC];
	_ =	sdelay $0x3  }
0x9b: {  	_ =	strace s6  }
0x9c: {  	s6 =	sld [smem:$0x3FFD];
	_ =	sdelay $0x3  }
0x9d: {  	_ =	strace s6  }
0x9e: {  	_ =	strace $0x8FFFFFFF  }
0x9f: {  	s19 =	sld [smem:$0x3FDB];
	_ =	sdelay $0x1  }
0xa0: {  	s7 =	simm.s32 $_scs_section_size  }
0xa1: {  	s8 =	simm.s32 $_size__tile_overlayer_lowered;
	s9 =	simm.s32 $_tile_overlayer_lowered  }
0xa2: {  	s22 =	simm.s32 $0x1BFF;
	s21 =	sshll.u32 s9, $0x1;
	s6 =	sadd.s32 s7, s19  }
0xa3: {  	s10 =	simm.s32 $0x0;
	s20 =	sshll.u32 s8, $0x1;
	s8 =	sadd.s32 s21, s6  }
0xa4: {  	[timem:s10], [sflag:s22] =	dma.local [hbm:s8], s20  }
0xa5: {  	_ =	swait.ge [sflag:s22], s20  }
0xa6: {  	s7 =	ssub.s32 $0x0, s20;
	[sflag:s22] =	ssyncset.done $0x0  }
0xa7: {  	[sflag:s22] =	ssyncadd.s32 s7;
	_ =	sdelay $0x1  }
0xa8: {  	s23 =	simm.s32 $0x1B8B  }
0xa9: {  	_ =	swait.ge [sflag:s23], $0x1  }
0xaa: {  	[sflag:s23] =	ssyncset.done $0x0  }
0xab: {  	s25 =	simm.s32 $0x1B8E;
	s24 =	sld [smem:$0x3FFE];
	[sflag:s23] =	ssyncadd.s32 $0xFFFFFFFF  }
0xac: {  	s26 =	simm.s32 $execute0_lowered;
	[smem:$0x3FD2] =	sst s25  }
0xad: {  	s8 =	sshll.u32 s26, $0x1;
	_ =	strace $0x80000046;
	[dreg:$0x1] =	wrdreg $0xFFFFFFFF  }
0xae: {  	s28 =	simm.s32 $_size_execute0_lowered;
	s6 =	sadd.s32 s6, s8;
	[dreg:$0x0] =	wrdreg $0x0  }
0xaf: {  	s8 =	sshll.u32 s28, $0x1;
	[dreg:$0x2] =	wrdreg s6  }
0xb0: {  	[dreg:$0x3] =	wrdreg s8  }
0xb1: {  	[dreg:$0x4] =	wrdreg $0xC0  }
0xb2: {  	_ =	task [dreg:s10], $0x5FFFF  }
0xb3: {  	[dreg:$0x1] =	wrdreg $0xFFFFFFFF  }
0xb4: {  	[dreg:$0x0] =	wrdreg $0x60  }
0xb5: {  	[dreg:$0x2] =	wrdreg s15  }
0xb6: {  	[dreg:$0x3] =	wrdreg s4  }
0xb7: {  	[dreg:$0x4] =	wrdreg s24  }
0xb8: {  	[dreg:$0x5] =	wrdreg s16  }
0xb9: {  	[dreg:$0x6] =	wrdreg s17  }
0xba: {  	[dreg:$0x7] =	wrdreg $0x9  }
0xbb: {  	_ =	task.clear_ibuf [dreg:s10], $0x8FFFF;
	_ =	strace $0x90000046  }
0xbc: {  	s29 =	simm.s32 $0x9;
	_ =	strace $0x80000048  }
0xbd: {  	_ =	swait.ge [sflag:s29], $0x1  }
0xbe: {  	[sflag:s29] =	ssyncadd.s32 $0xFFFFFFFF  }
0xbf: {  	_ =	strace $0x90000048  }
0xc0: {  	_ =	sfence  }
0xc1: {  	s30 =	sld [smem:$0x0];
	_ =	sdelay $0x2  }
0xc2: {  	s31 =	sshll.u32 s1, $0xD;
	s1 =	sshrl.u32 s1, $0x2  }
0xc3: {  	s3 =	sand.u32 $0x4000, s31;
	s1 =	sadd.s32 s1, s30  }
0xc4: {  	s0 =	sor.u32 s3, s0;
	s1 =	sshll.u32 s1, $0x11  }
0xc5: {  	s0 =	sor.u32 s1, s0  }
0xc6: {  	s0 =	sadd.s32 $0x8F2B, s0  }
0xc7: {  	[sflag:s0] =	ssyncadd.remote.s32 $0x1  }
0xc8: {  	_ =	sfence.sel $0xFFFF  }
0xc9: {  	[dreg:$0x0] =	wrdreg $0xFFFFFFFF;
	(pc) =	sbr.abs _section_cstart, $3  }
0xca: {  	[dreg:$0x1] =	wrdreg $0xFFFFFFFF  }
0xcb: {  	_ =	task.clear_ibuf [dreg:s10], $0x2FFFF;
	_ =	strace $0x9FFFFFFF  }
0xcc: {  	(tm) =	ssettm $0x7FFFFFFF  }
0xcd: {  	_ =	shalt  }
tec
execute0_lowered:
.L_overlay_start_1:
0x0: {  	(tag) =	ssettag $0x1  }
0x1: {  	v0 =	vimm.s32 $0x1380  }
0x2: {  	vm14 =	vcmask $0x300;
	vm13 =	vcmask $0x704;
	vm12 =	vcmask $0xB08  }
0x3: {  	vm11 =	vcmask $0xF0C;
	vm10 =	vcmask $0x1310;
	vm9 =	vcmask $0x1714  }
0x4: {  	vm8 =	vcmask $0x1B18;
	vm7 =	vcmask $0x1F1C;
	vm6 =	vcmask $0x2320  }
0x5: {  	vm5 =	vcmask $0x2724;
	vm4 =	vcmask $0x2B28;
	vm3 =	vcmask $0x2F2C  }
0x6: {  	v1 =	vlaneseq.u32;
	vm2 =	vcmask $0x3330;
	vm1 =	vcmask $0x3734  }
0x7: {  	vm0 =	vcmask $0x3B38;
	v3 =	vimm.s32 $0x3380;
	v4 =	vimm.s32 $0x1FF0  }
0x8: {  	v5 =	vimm.s32 $0x3FF0;
	v6 =	vimm.s32 $0x1FF1;
	v7 =	vimm.s32 $0x3FF1  }
0x9: {  	v8 =	vimm.s32 $0x1FF2;
	v9 =	vimm.s32 $0x3FF2;
	v10 =	vimm.s32 $0x1FF3  }
0xa: {  	v11 =	vimm.s32 $0x3FF3;
	v12 =	vimm.s32 $0x1FF4;
	v13 =	vimm.s32 $0x3FF4  }
0xb: {  	v14 =	vimm.s32 $0x1FF5;
	v15 =	vimm.s32 $0x3FF5;
	v16 =	vimm.s32 $0x1FF6  }
0xc: {  	v17 =	vimm.s32 $0x3FF6;
	v18 =	vimm.s32 $0x1FF7;
	v19 =	vimm.s32 $0x3FF7  }
0xd: {  	v20 =	vimm.s32 $0x1FF8;
	v21 =	vimm.s32 $0x3FF8;
	v22 =	vimm.s32 $0x1FF9  }
0xe: {  	v23 =	vimm.s32 $0x3FF9;
	v24 =	vimm.s32 $0x1FFA;
	v25 =	vimm.s32 $0x3FFA  }
0xf: {  	v26 =	vimm.s32 $0x1FFB;
	v27 =	vimm.s32 $0x3FFB;
	v28 =	vimm.s32 $0x1FFC  }
0x10: {  	v29 =	vimm.s32 $0x3FFC;
	v30 =	vimm.s32 $0x1FFD;
	v31 =	vimm.s32 $0x3FFD  }
0x11: {  	v32 =	vimm.s32 $0x1FFE;
	v33 =	vimm.s32 $0x3FFE;
	v34 =	vimm.s32 $0x1FFF  }
0x12: {  	v35 =	vimm.s32 $0x3FFF;
	v0 =	vsel vm14, $0x0, v0;
	v3 =	vsel vm14, $0x2000, v3  }
0x13: {  	v4 =	vsel vm14, $0xC70, v4;
	v5 =	vsel vm14, $0x2C70, v5;
	v6 =	vsel vm14, $0xC71, v6  }
0x14: {  	v7 =	vsel vm14, $0x2C71, v7;
	v8 =	vsel vm14, $0xC72, v8;
	v9 =	vsel vm14, $0x2C72, v9  }
0x15: {  	v10 =	vsel vm14, $0xC73, v10;
	v11 =	vsel vm14, $0x2C73, v11;
	v12 =	vsel vm14, $0xC74, v12  }
0x16: {  	v13 =	vsel vm14, $0x2C74, v13;
	v14 =	vsel vm14, $0xC75, v14;
	v15 =	vsel vm14, $0x2C75, v15  }
0x17: {  	v16 =	vsel vm14, $0xC76, v16;
	v17 =	vsel vm14, $0x2C76, v17;
	v18 =	vsel vm14, $0xC77, v18  }
0x18: {  	v19 =	vsel vm14, $0x2C77, v19;
	v20 =	vsel vm14, $0xC78, v20;
	v21 =	vsel vm14, $0x2C78, v21  }
0x19: {  	v22 =	vsel vm14, $0xC79, v22;
	v23 =	vsel vm14, $0x2C79, v23;
	v24 =	vsel vm14, $0xC7A, v24  }
0x1a: {  	v25 =	vsel vm14, $0x2C7A, v25;
	v26 =	vsel vm14, $0xC7B, v26;
	v27 =	vsel vm14, $0x2C7B, v27  }
0x1b: {  	v28 =	vsel vm14, $0xC7C, v28;
	v29 =	vsel vm14, $0x2C7C, v29;
	v30 =	vsel vm14, $0xC7D, v30  }
0x1c: {  	v31 =	vsel vm14, $0x2C7D, v31;
	v32 =	vsel vm14, $0xC7E, v32;
	v33 =	vsel vm14, $0x2C7E, v33  }
0x1d: {  	v34 =	vsel vm14, $0xC7F, v34;
	v35 =	vsel vm14, $0x2C7F, v35;
	v0 =	vsel vm13, $0x80, v0  }
0x1e: {  	v3 =	vsel vm13, $0x2080, v3;
	v4 =	vsel vm13, $0xCF0, v4;
	v5 =	vsel vm13, $0x2CF0, v5  }
0x1f: {  	v6 =	vsel vm13, $0xCF1, v6;
	v7 =	vsel vm13, $0x2CF1, v7;
	v8 =	vsel vm13, $0xCF2, v8  }
0x20: {  	v9 =	vsel vm13, $0x2CF2, v9;
	v10 =	vsel vm13, $0xCF3, v10;
	v11 =	vsel vm13, $0x2CF3, v11  }
0x21: {  	v12 =	vsel vm13, $0xCF4, v12;
	v13 =	vsel vm13, $0x2CF4, v13;
	v14 =	vsel vm13, $0xCF5, v14  }
0x22: {  	v15 =	vsel vm13, $0x2CF5, v15;
	v16 =	vsel vm13, $0xCF6, v16;
	v17 =	vsel vm13, $0x2CF6, v17  }
0x23: {  	v18 =	vsel vm13, $0xCF7, v18;
	v19 =	vsel vm13, $0x2CF7, v19;
	v20 =	vsel vm13, $0xCF8, v20  }
0x24: {  	v21 =	vsel vm13, $0x2CF8, v21;
	v22 =	vsel vm13, $0xCF9, v22;
	v23 =	vsel vm13, $0x2CF9, v23  }
0x25: {  	v24 =	vsel vm13, $0xCFA, v24;
	v25 =	vsel vm13, $0x2CFA, v25;
	v26 =	vsel vm13, $0xCFB, v26  }
0x26: {  	v27 =	vsel vm13, $0x2CFB, v27;
	v28 =	vsel vm13, $0xCFC, v28;
	v29 =	vsel vm13, $0x2CFC, v29  }
0x27: {  	v30 =	vsel vm13, $0xCFD, v30;
	v31 =	vsel vm13, $0x2CFD, v31;
	v32 =	vsel vm13, $0xCFE, v32  }
0x28: {  	v33 =	vsel vm13, $0x2CFE, v33;
	v34 =	vsel vm13, $0xCFF, v34;
	v35 =	vsel vm13, $0x2CFF, v35  }
0x29: {  	v0 =	vsel vm12, $0x100, v0;
	v3 =	vsel vm12, $0x2100, v3;
	v4 =	vsel vm12, $0xD70, v4  }
0x2a: {  	v5 =	vsel vm12, $0x2D70, v5;
	v6 =	vsel vm12, $0xD71, v6;
	v7 =	vsel vm12, $0x2D71, v7  }
0x2b: {  	v8 =	vsel vm12, $0xD72, v8;
	v9 =	vsel vm12, $0x2D72, v9;
	v10 =	vsel vm12, $0xD73, v10  }
0x2c: {  	v11 =	vsel vm12, $0x2D73, v11;
	v12 =	vsel vm12, $0xD74, v12;
	v13 =	vsel vm12, $0x2D74, v13  }
0x2d: {  	v14 =	vsel vm12, $0xD75, v14;
	v15 =	vsel vm12, $0x2D75, v15;
	v16 =	vsel vm12, $0xD76, v16  }
0x2e: {  	v17 =	vsel vm12, $0x2D76, v17;
	v18 =	vsel vm12, $0xD77, v18;
	v19 =	vsel vm12, $0x2D77, v19  }
0x2f: {  	v20 =	vsel vm12, $0xD78, v20;
	v21 =	vsel vm12, $0x2D78, v21;
	v22 =	vsel vm12, $0xD79, v22  }
0x30: {  	v23 =	vsel vm12, $0x2D79, v23;
	v24 =	vsel vm12, $0xD7A, v24;
	v25 =	vsel vm12, $0x2D7A, v25  }
0x31: {  	v26 =	vsel vm12, $0xD7B, v26;
	v27 =	vsel vm12, $0x2D7B, v27;
	v28 =	vsel vm12, $0xD7C, v28  }
0x32: {  	v29 =	vsel vm12, $0x2D7C, v29;
	v30 =	vsel vm12, $0xD7D, v30;
	v31 =	vsel vm12, $0x2D7D, v31  }
0x33: {  	v32 =	vsel vm12, $0xD7E, v32;
	v33 =	vsel vm12, $0x2D7E, v33;
	v34 =	vsel vm12, $0xD7F, v34  }
0x34: {  	v35 =	vsel vm12, $0x2D7F, v35;
	v0 =	vsel vm11, $0x180, v0;
	v3 =	vsel vm11, $0x2180, v3  }
0x35: {  	v4 =	vsel vm11, $0xDF0, v4;
	v5 =	vsel vm11, $0x2DF0, v5;
	v6 =	vsel vm11, $0xDF1, v6  }
0x36: {  	v7 =	vsel vm11, $0x2DF1, v7;
	v8 =	vsel vm11, $0xDF2, v8;
	v9 =	vsel vm11, $0x2DF2, v9  }
0x37: {  	v10 =	vsel vm11, $0xDF3, v10;
	v11 =	vsel vm11, $0x2DF3, v11;
	v12 =	vsel vm11, $0xDF4, v12  }
0x38: {  	v13 =	vsel vm11, $0x2DF4, v13;
	v14 =	vsel vm11, $0xDF5, v14;
	v15 =	vsel vm11, $0x2DF5, v15  }
0x39: {  	v16 =	vsel vm11, $0xDF6, v16;
	v17 =	vsel vm11, $0x2DF6, v17;
	v18 =	vsel vm11, $0xDF7, v18  }
0x3a: {  	v19 =	vsel vm11, $0x2DF7, v19;
	v20 =	vsel vm11, $0xDF8, v20;
	v21 =	vsel vm11, $0x2DF8, v21  }
0x3b: {  	v22 =	vsel vm11, $0xDF9, v22;
	v23 =	vsel vm11, $0x2DF9, v23;
	v24 =	vsel vm11, $0xDFA, v24  }
0x3c: {  	v25 =	vsel vm11, $0x2DFA, v25;
	v26 =	vsel vm11, $0xDFB, v26;
	v27 =	vsel vm11, $0x2DFB, v27  }
0x3d: {  	v28 =	vsel vm11, $0xDFC, v28;
	v29 =	vsel vm11, $0x2DFC, v29;
	v30 =	vsel vm11, $0xDFD, v30  }
0x3e: {  	v31 =	vsel vm11, $0x2DFD, v31;
	v32 =	vsel vm11, $0xDFE, v32;
	v33 =	vsel vm11, $0x2DFE, v33  }
0x3f: {  	v34 =	vsel vm11, $0xDFF, v34;
	v35 =	vsel vm11, $0x2DFF, v35;
	v0 =	vsel vm10, $0x200, v0  }
0x40: {  	v3 =	vsel vm10, $0x2200, v3;
	v4 =	vsel vm10, $0xE70, v4;
	v5 =	vsel vm10, $0x2E70, v5  }
0x41: {  	v6 =	vsel vm10, $0xE71, v6;
	v7 =	vsel vm10, $0x2E71, v7;
	v8 =	vsel vm10, $0xE72, v8  }
0x42: {  	v9 =	vsel vm10, $0x2E72, v9;
	v10 =	vsel vm10, $0xE73, v10;
	v11 =	vsel vm10, $0x2E73, v11  }
0x43: {  	v12 =	vsel vm10, $0xE74, v12;
	v13 =	vsel vm10, $0x2E74, v13;
	v14 =	vsel vm10, $0xE75, v14  }
0x44: {  	v15 =	vsel vm10, $0x2E75, v15;
	v16 =	vsel vm10, $0xE76, v16;
	v17 =	vsel vm10, $0x2E76, v17  }
0x45: {  	v18 =	vsel vm10, $0xE77, v18;
	v19 =	vsel vm10, $0x2E77, v19;
	v20 =	vsel vm10, $0xE78, v20  }
0x46: {  	v21 =	vsel vm10, $0x2E78, v21;
	v22 =	vsel vm10, $0xE79, v22;
	v23 =	vsel vm10, $0x2E79, v23  }
0x47: {  	v24 =	vsel vm10, $0xE7A, v24;
	v25 =	vsel vm10, $0x2E7A, v25;
	v26 =	vsel vm10, $0xE7B, v26  }
0x48: {  	v27 =	vsel vm10, $0x2E7B, v27;
	v28 =	vsel vm10, $0xE7C, v28;
	v29 =	vsel vm10, $0x2E7C, v29  }
0x49: {  	v30 =	vsel vm10, $0xE7D, v30;
	v31 =	vsel vm10, $0x2E7D, v31;
	v32 =	vsel vm10, $0xE7E, v32  }
0x4a: {  	v33 =	vsel vm10, $0x2E7E, v33;
	v34 =	vsel vm10, $0xE7F, v34;
	v35 =	vsel vm10, $0x2E7F, v35  }
0x4b: {  	v0 =	vsel vm9, $0x280, v0;
	v3 =	vsel vm9, $0x2280, v3;
	v4 =	vsel vm9, $0xEF0, v4  }
0x4c: {  	v5 =	vsel vm9, $0x2EF0, v5;
	v6 =	vsel vm9, $0xEF1, v6;
	v7 =	vsel vm9, $0x2EF1, v7  }
0x4d: {  	v8 =	vsel vm9, $0xEF2, v8;
	v9 =	vsel vm9, $0x2EF2, v9;
	v10 =	vsel vm9, $0xEF3, v10  }
0x4e: {  	v11 =	vsel vm9, $0x2EF3, v11;
	v12 =	vsel vm9, $0xEF4, v12;
	v13 =	vsel vm9, $0x2EF4, v13  }
0x4f: {  	v14 =	vsel vm9, $0xEF5, v14;
	v15 =	vsel vm9, $0x2EF5, v15;
	v16 =	vsel vm9, $0xEF6, v16  }
0x50: {  	v17 =	vsel vm9, $0x2EF6, v17;
	v18 =	vsel vm9, $0xEF7, v18;
	v19 =	vsel vm9, $0x2EF7, v19  }
0x51: {  	v20 =	vsel vm9, $0xEF8, v20;
	v21 =	vsel vm9, $0x2EF8, v21;
	v22 =	vsel vm9, $0xEF9, v22  }
0x52: {  	v23 =	vsel vm9, $0x2EF9, v23;
	v24 =	vsel vm9, $0xEFA, v24;
	v25 =	vsel vm9, $0x2EFA, v25  }
0x53: {  	v26 =	vsel vm9, $0xEFB, v26;
	v27 =	vsel vm9, $0x2EFB, v27;
	v28 =	vsel vm9, $0xEFC, v28  }
0x54: {  	v29 =	vsel vm9, $0x2EFC, v29;
	v30 =	vsel vm9, $0xEFD, v30;
	v31 =	vsel vm9, $0x2EFD, v31  }
0x55: {  	v32 =	vsel vm9, $0xEFE, v32;
	v33 =	vsel vm9, $0x2EFE, v33;
	v34 =	vsel vm9, $0xEFF, v34  }
0x56: {  	v35 =	vsel vm9, $0x2EFF, v35;
	v0 =	vsel vm8, $0x300, v0;
	v3 =	vsel vm8, $0x2300, v3  }
0x57: {  	v4 =	vsel vm8, $0xF70, v4;
	v5 =	vsel vm8, $0x2F70, v5;
	v6 =	vsel vm8, $0xF71, v6  }
0x58: {  	v7 =	vsel vm8, $0x2F71, v7;
	v8 =	vsel vm8, $0xF72, v8;
	v9 =	vsel vm8, $0x2F72, v9  }
0x59: {  	v10 =	vsel vm8, $0xF73, v10;
	v11 =	vsel vm8, $0x2F73, v11;
	v12 =	vsel vm8, $0xF74, v12  }
0x5a: {  	v13 =	vsel vm8, $0x2F74, v13;
	v14 =	vsel vm8, $0xF75, v14;
	v15 =	vsel vm8, $0x2F75, v15  }
0x5b: {  	v16 =	vsel vm8, $0xF76, v16;
	v17 =	vsel vm8, $0x2F76, v17;
	v18 =	vsel vm8, $0xF77, v18  }
0x5c: {  	v19 =	vsel vm8, $0x2F77, v19;
	v20 =	vsel vm8, $0xF78, v20;
	v21 =	vsel vm8, $0x2F78, v21  }
0x5d: {  	v22 =	vsel vm8, $0xF79, v22;
	v23 =	vsel vm8, $0x2F79, v23;
	v24 =	vsel vm8, $0xF7A, v24  }
0x5e: {  	v25 =	vsel vm8, $0x2F7A, v25;
	v26 =	vsel vm8, $0xF7B, v26;
	v27 =	vsel vm8, $0x2F7B, v27  }
0x5f: {  	v28 =	vsel vm8, $0xF7C, v28;
	v29 =	vsel vm8, $0x2F7C, v29;
	v30 =	vsel vm8, $0xF7D, v30  }
0x60: {  	v31 =	vsel vm8, $0x2F7D, v31;
	v32 =	vsel vm8, $0xF7E, v32;
	v33 =	vsel vm8, $0x2F7E, v33  }
0x61: {  	v34 =	vsel vm8, $0xF7F, v34;
	v35 =	vsel vm8, $0x2F7F, v35;
	v0 =	vsel vm7, $0x380, v0  }
0x62: {  	v3 =	vsel vm7, $0x2380, v3;
	v4 =	vsel vm7, $0xFF0, v4;
	v5 =	vsel vm7, $0x2FF0, v5  }
0x63: {  	v6 =	vsel vm7, $0xFF1, v6;
	v7 =	vsel vm7, $0x2FF1, v7;
	v8 =	vsel vm7, $0xFF2, v8  }
0x64: {  	v9 =	vsel vm7, $0x2FF2, v9;
	v10 =	vsel vm7, $0xFF3, v10;
	v11 =	vsel vm7, $0x2FF3, v11  }
0x65: {  	v12 =	vsel vm7, $0xFF4, v12;
	v13 =	vsel vm7, $0x2FF4, v13;
	v14 =	vsel vm7, $0xFF5, v14  }
0x66: {  	v15 =	vsel vm7, $0x2FF5, v15;
	v16 =	vsel vm7, $0xFF6, v16;
	v17 =	vsel vm7, $0x2FF6, v17  }
0x67: {  	v18 =	vsel vm7, $0xFF7, v18;
	v19 =	vsel vm7, $0x2FF7, v19;
	v20 =	vsel vm7, $0xFF8, v20  }
0x68: {  	v21 =	vsel vm7, $0x2FF8, v21;
	v22 =	vsel vm7, $0xFF9, v22;
	v23 =	vsel vm7, $0x2FF9, v23  }
0x69: {  	v24 =	vsel vm7, $0xFFA, v24;
	v25 =	vsel vm7, $0x2FFA, v25;
	v26 =	vsel vm7, $0xFFB, v26  }
0x6a: {  	v27 =	vsel vm7, $0x2FFB, v27;
	v28 =	vsel vm7, $0xFFC, v28;
	v29 =	vsel vm7, $0x2FFC, v29  }
0x6b: {  	v30 =	vsel vm7, $0xFFD, v30;
	v31 =	vsel vm7, $0x2FFD, v31;
	v32 =	vsel vm7, $0xFFE, v32  }
0x6c: {  	v33 =	vsel vm7, $0x2FFE, v33;
	v34 =	vsel vm7, $0xFFF, v34;
	v35 =	vsel vm7, $0x2FFF, v35  }
0x6d: {  	v0 =	vsel vm6, $0x1000, v0;
	v3 =	vsel vm6, $0x3000, v3;
	v4 =	vsel vm6, $0x1C70, v4  }
0x6e: {  	v5 =	vsel vm6, $0x3C70, v5;
	v6 =	vsel vm6, $0x1C71, v6;
	v7 =	vsel vm6, $0x3C71, v7  }
0x6f: {  	v8 =	vsel vm6, $0x1C72, v8;
	v9 =	vsel vm6, $0x3C72, v9;
	v10 =	vsel vm6, $0x1C73, v10  }
0x70: {  	v11 =	vsel vm6, $0x3C73, v11;
	v12 =	vsel vm6, $0x1C74, v12;
	v13 =	vsel vm6, $0x3C74, v13  }
0x71: {  	v14 =	vsel vm6, $0x1C75, v14;
	v15 =	vsel vm6, $0x3C75, v15;
	v16 =	vsel vm6, $0x1C76, v16  }
0x72: {  	v17 =	vsel vm6, $0x3C76, v17;
	v18 =	vsel vm6, $0x1C77, v18;
	v19 =	vsel vm6, $0x3C77, v19  }
0x73: {  	v20 =	vsel vm6, $0x1C78, v20;
	v21 =	vsel vm6, $0x3C78, v21;
	v22 =	vsel vm6, $0x1C79, v22  }
0x74: {  	v23 =	vsel vm6, $0x3C79, v23;
	v24 =	vsel vm6, $0x1C7A, v24;
	v25 =	vsel vm6, $0x3C7A, v25  }
0x75: {  	v26 =	vsel vm6, $0x1C7B, v26;
	v27 =	vsel vm6, $0x3C7B, v27;
	v28 =	vsel vm6, $0x1C7C, v28  }
0x76: {  	v29 =	vsel vm6, $0x3C7C, v29;
	v30 =	vsel vm6, $0x1C7D, v30;
	v31 =	vsel vm6, $0x3C7D, v31  }
0x77: {  	v32 =	vsel vm6, $0x1C7E, v32;
	v33 =	vsel vm6, $0x3C7E, v33;
	v34 =	vsel vm6, $0x1C7F, v34  }
0x78: {  	v35 =	vsel vm6, $0x3C7F, v35;
	v0 =	vsel vm5, $0x1080, v0;
	v3 =	vsel vm5, $0x3080, v3  }
0x79: {  	v4 =	vsel vm5, $0x1CF0, v4;
	v5 =	vsel vm5, $0x3CF0, v5;
	v6 =	vsel vm5, $0x1CF1, v6  }
0x7a: {  	v7 =	vsel vm5, $0x3CF1, v7;
	v8 =	vsel vm5, $0x1CF2, v8;
	v9 =	vsel vm5, $0x3CF2, v9  }
0x7b: {  	v10 =	vsel vm5, $0x1CF3, v10;
	v11 =	vsel vm5, $0x3CF3, v11;
	v12 =	vsel vm5, $0x1CF4, v12  }
0x7c: {  	v13 =	vsel vm5, $0x3CF4, v13;
	v14 =	vsel vm5, $0x1CF5, v14;
	v15 =	vsel vm5, $0x3CF5, v15  }
0x7d: {  	v16 =	vsel vm5, $0x1CF6, v16;
	v17 =	vsel vm5, $0x3CF6, v17;
	v18 =	vsel vm5, $0x1CF7, v18  }
0x7e: {  	v19 =	vsel vm5, $0x3CF7, v19;
	v20 =	vsel vm5, $0x1CF8, v20;
	v21 =	vsel vm5, $0x3CF8, v21  }
0x7f: {  	v22 =	vsel vm5, $0x1CF9, v22;
	v23 =	vsel vm5, $0x3CF9, v23;
	v24 =	vsel vm5, $0x1CFA, v24  }
0x80: {  	v25 =	vsel vm5, $0x3CFA, v25;
	v26 =	vsel vm5, $0x1CFB, v26;
	v27 =	vsel vm5, $0x3CFB, v27  }
0x81: {  	v28 =	vsel vm5, $0x1CFC, v28;
	v29 =	vsel vm5, $0x3CFC, v29;
	v30 =	vsel vm5, $0x1CFD, v30  }
0x82: {  	v31 =	vsel vm5, $0x3CFD, v31;
	v32 =	vsel vm5, $0x1CFE, v32;
	v33 =	vsel vm5, $0x3CFE, v33  }
0x83: {  	v34 =	vsel vm5, $0x1CFF, v34;
	v35 =	vsel vm5, $0x3CFF, v35;
	v0 =	vsel vm4, $0x1100, v0  }
0x84: {  	v3 =	vsel vm4, $0x3100, v3;
	v4 =	vsel vm4, $0x1D70, v4;
	v5 =	vsel vm4, $0x3D70, v5  }
0x85: {  	v6 =	vsel vm4, $0x1D71, v6;
	v7 =	vsel vm4, $0x3D71, v7;
	v8 =	vsel vm4, $0x1D72, v8  }
0x86: {  	v9 =	vsel vm4, $0x3D72, v9;
	v10 =	vsel vm4, $0x1D73, v10;
	v11 =	vsel vm4, $0x3D73, v11  }
0x87: {  	v12 =	vsel vm4, $0x1D74, v12;
	v13 =	vsel vm4, $0x3D74, v13;
	v14 =	vsel vm4, $0x1D75, v14  }
0x88: {  	v15 =	vsel vm4, $0x3D75, v15;
	v16 =	vsel vm4, $0x1D76, v16;
	v17 =	vsel vm4, $0x3D76, v17  }
0x89: {  	v18 =	vsel vm4, $0x1D77, v18;
	v19 =	vsel vm4, $0x3D77, v19;
	v20 =	vsel vm4, $0x1D78, v20  }
0x8a: {  	v21 =	vsel vm4, $0x3D78, v21;
	v22 =	vsel vm4, $0x1D79, v22;
	v23 =	vsel vm4, $0x3D79, v23  }
0x8b: {  	v24 =	vsel vm4, $0x1D7A, v24;
	v25 =	vsel vm4, $0x3D7A, v25;
	v26 =	vsel vm4, $0x1D7B, v26  }
0x8c: {  	v27 =	vsel vm4, $0x3D7B, v27;
	v28 =	vsel vm4, $0x1D7C, v28;
	v29 =	vsel vm4, $0x3D7C, v29  }
0x8d: {  	v30 =	vsel vm4, $0x1D7D, v30;
	v31 =	vsel vm4, $0x3D7D, v31;
	v32 =	vsel vm4, $0x1D7E, v32  }
0x8e: {  	v33 =	vsel vm4, $0x3D7E, v33;
	v34 =	vsel vm4, $0x1D7F, v34;
	v35 =	vsel vm4, $0x3D7F, v35  }
0x8f: {  	v2 =	vsel vm3, $0x1180, v0;
	v0 =	vmul.u32 $0x80, v1;
	v3 =	vsel vm3, $0x3180, v3  }
0x90: {  	v4 =	vsel vm3, $0x1DF0, v4;
	v5 =	vsel vm3, $0x3DF0, v5;
	v6 =	vsel vm3, $0x1DF1, v6  }
0x91: {  	v7 =	vsel vm3, $0x3DF1, v7;
	v8 =	vsel vm3, $0x1DF2, v8;
	v9 =	vsel vm3, $0x3DF2, v9  }
0x92: {  	v10 =	vsel vm3, $0x1DF3, v10;
	v11 =	vsel vm3, $0x3DF3, v11;
	v12 =	vsel vm3, $0x1DF4, v12  }
0x93: {  	v13 =	vsel vm3, $0x3DF4, v13;
	v14 =	vsel vm3, $0x1DF5, v14;
	v15 =	vsel vm3, $0x3DF5, v15  }
0x94: {  	v16 =	vsel vm3, $0x1DF6, v16;
	v17 =	vsel vm3, $0x3DF6, v17;
	v18 =	vsel vm3, $0x1DF7, v18  }
0x95: {  	v19 =	vsel vm3, $0x3DF7, v19;
	v20 =	vsel vm3, $0x1DF8, v20;
	v21 =	vsel vm3, $0x3DF8, v21  }
0x96: {  	v22 =	vsel vm3, $0x1DF9, v22;
	v23 =	vsel vm3, $0x3DF9, v23;
	v24 =	vsel vm3, $0x1DFA, v24  }
0x97: {  	v25 =	vsel vm3, $0x3DFA, v25;
	v26 =	vsel vm3, $0x1DFB, v26;
	v27 =	vsel vm3, $0x3DFB, v27  }
0x98: {  	v28 =	vsel vm3, $0x1DFC, v28;
	v29 =	vsel vm3, $0x3DFC, v29;
	v30 =	vsel vm3, $0x1DFD, v30  }
0x99: {  	v31 =	vsel vm3, $0x3DFD, v31;
	v32 =	vsel vm3, $0x1DFE, v32;
	v33 =	vsel vm3, $0x3DFE, v33  }
0x9a: {  	v34 =	vsel vm3, $0x1DFF, v34;
	v35 =	vsel vm3, $0x3DFF, v35;
	v1 =	vsel vm2, $0x1200, v2  }
0x9b: {  	v3 =	vsel vm2, $0x3200, v3;
	v4 =	vsel vm2, $0x1E70, v4;
	v5 =	vsel vm2, $0x3E70, v5  }
0x9c: {  	v6 =	vsel vm2, $0x1E71, v6;
	v7 =	vsel vm2, $0x3E71, v7;
	v8 =	vsel vm2, $0x1E72, v8  }
0x9d: {  	v9 =	vsel vm2, $0x3E72, v9;
	v10 =	vsel vm2, $0x1E73, v10;
	v11 =	vsel vm2, $0x3E73, v11  }
0x9e: {  	v12 =	vsel vm2, $0x1E74, v12;
	v13 =	vsel vm2, $0x3E74, v13;
	v14 =	vsel vm2, $0x1E75, v14  }
0x9f: {  	v15 =	vsel vm2, $0x3E75, v15;
	v16 =	vsel vm2, $0x1E76, v16;
	v17 =	vsel vm2, $0x3E76, v17  }
0xa0: {  	v18 =	vsel vm2, $0x1E77, v18;
	v19 =	vsel vm2, $0x3E77, v19;
	v20 =	vsel vm2, $0x1E78, v20  }
0xa1: {  	v21 =	vsel vm2, $0x3E78, v21;
	v22 =	vsel vm2, $0x1E79, v22;
	v23 =	vsel vm2, $0x3E79, v23  }
0xa2: {  	v24 =	vsel vm2, $0x1E7A, v24;
	v25 =	vsel vm2, $0x3E7A, v25;
	v26 =	vsel vm2, $0x1E7B, v26  }
0xa3: {  	v27 =	vsel vm2, $0x3E7B, v27;
	v28 =	vsel vm2, $0x1E7C, v28;
	v29 =	vsel vm2, $0x3E7C, v29  }
0xa4: {  	v30 =	vsel vm2, $0x1E7D, v30;
	v31 =	vsel vm2, $0x3E7D, v31;
	v32 =	vsel vm2, $0x1E7E, v32  }
0xa5: {  	v33 =	vsel vm2, $0x3E7E, v33;
	v34 =	vsel vm2, $0x1E7F, v34;
	v35 =	vsel vm2, $0x3E7F, v35  }
0xa6: {  	v2 =	vsel vm1, $0x1280, v1;
	v1 =	vor.u32 $0x800, v0;
	v3 =	vsel vm1, $0x3280, v3  }
0xa7: {  	v4 =	vsel vm1, $0x1EF0, v4;
	v5 =	vsel vm1, $0x3EF0, v5;
	v6 =	vsel vm1, $0x1EF1, v6  }
0xa8: {  	v7 =	vsel vm1, $0x3EF1, v7;
	v8 =	vsel vm1, $0x1EF2, v8;
	v9 =	vsel vm1, $0x3EF2, v9  }
0xa9: {  	v10 =	vsel vm1, $0x1EF3, v10;
	v11 =	vsel vm1, $0x3EF3, v11;
	v12 =	vsel vm1, $0x1EF4, v12  }
0xaa: {  	v13 =	vsel vm1, $0x3EF4, v13;
	v14 =	vsel vm1, $0x1EF5, v14;
	v15 =	vsel vm1, $0x3EF5, v15  }
0xab: {  	v16 =	vsel vm1, $0x1EF6, v16;
	v17 =	vsel vm1, $0x3EF6, v17;
	v18 =	vsel vm1, $0x1EF7, v18  }
0xac: {  	v19 =	vsel vm1, $0x3EF7, v19;
	v20 =	vsel vm1, $0x1EF8, v20;
	v21 =	vsel vm1, $0x3EF8, v21  }
0xad: {  	v22 =	vsel vm1, $0x1EF9, v22;
	v23 =	vsel vm1, $0x3EF9, v23;
	v24 =	vsel vm1, $0x1EFA, v24  }
0xae: {  	v25 =	vsel vm1, $0x3EFA, v25;
	v26 =	vsel vm1, $0x1EFB, v26;
	v27 =	vsel vm1, $0x3EFB, v27  }
0xaf: {  	v28 =	vsel vm1, $0x1EFC, v28;
	v29 =	vsel vm1, $0x3EFC, v29;
	v30 =	vsel vm1, $0x1EFD, v30  }
0xb0: {  	s0 =	rddreg [dreg:$0x0];
	v31 =	vsel vm1, $0x3EFD, v31;
	v32 =	vsel vm1, $0x1EFE, v32;
	v33 =	vsel vm1, $0x3EFE, v33  }
0xb1: {  	s1 =	rddreg [dreg:$0x2];
	v34 =	vsel vm1, $0x1EFF, v34;
	v35 =	vsel vm1, $0x3EFF, v35;
	v2 =	vsel vm0, $0x1300, v2  }
0xb2: {  	s2 =	rddreg [dreg:$0x3];
	v3 =	vsel vm0, $0x3300, v3;
	v4 =	vsel vm0, $0x1F70, v4;
	v5 =	vsel vm0, $0x3F70, v5  }
0xb3: {  	s3 =	rddreg [dreg:$0x4];
	v6 =	vsel vm0, $0x1F71, v6;
	v7 =	vsel vm0, $0x3F71, v7;
	v8 =	vsel vm0, $0x1F72, v8  }
0xb4: {  	s8 =	simm.s32 $0x0;
	s4 =	srdreg.scid;
	s6 =	stileid.u32;
	v9 =	vsel vm0, $0x3F72, v9;
	v10 =	vsel vm0, $0x1F73, v10;
	v11 =	vsel vm0, $0x3F73, v11  }
0xb5: {  	s31 =	simm.s32 $0x10200;
	[smem:$0x7FF] =	sst s8;
	s4 =	sand.u32 $0x1, s4;
	v12 =	vsel vm0, $0x1F74, v12;
	v13 =	vsel vm0, $0x3F74, v13;
	v14 =	vsel vm0, $0x1F75, v14  }
0xb6: {  	s6 =	sshll.u32 s6, $0xA;
	s5 =	ssub.s32 $0x2, s4;
	s4 =	sshll.u32 s4, $0x9;
	v15 =	vsel vm0, $0x3F75, v15;
	v16 =	vsel vm0, $0x1F76, v16;
	v17 =	vsel vm0, $0x3F76, v17  }
0xb7: {  	s1 =	sadd.s32 $0x400, s1;
	_ =	strace $0x80000047;
	s4 =	sor.u32 s4, s6;
	v18 =	vsel vm0, $0x1F77, v18;
	v19 =	vsel vm0, $0x3F77, v19;
	v20 =	vsel vm0, $0x1F78, v20  }
0xb8: {  	[dreg:$0x18] =	wrdreg s1;
	s26 =	sshrl.u32 s4, $0x3;
	s28 =	sadd.s32 s2, s4;
	v21 =	vsel vm0, $0x3F78, v21;
	v22 =	vsel vm0, $0x1F79, v22;
	v23 =	vsel vm0, $0x3F79, v23  }
0xb9: {  	s7 =	sshrl.u32 s5, $0x1;
	s0 =	sadd.s32 s0, s26;
	[dreg:$0x1a] =	wrdreg s28;
	v24 =	vsel vm0, $0x1F7A, v24;
	v25 =	vsel vm0, $0x3F7A, v25;
	v26 =	vsel vm0, $0x1F7B, v26  }
0xba: {  	s25 =	ssub.s32 s5, s7;
	s29 =	sadd.s32 s3, s26;
	[dreg:$0x19] =	wrdreg s0;
	v27 =	vsel vm0, $0x3F7B, v27;
	v28 =	vsel vm0, $0x1F7C, v28;
	v29 =	vsel vm0, $0x3F7C, v29  }
0xbb: {  	s1 =	simm.s32 $0x0;
	s30 =	smax.u32 s25, $0x1;
	[dreg:$0x1b] =	wrdreg s29;
	v30 =	vsel vm0, $0x1F7D, v30;
	v31 =	vsel vm0, $0x3F7D, v31;
	v32 =	vsel vm0, $0x1F7E, v32  }
0xbc: {  	s2 =	simm.s32 $0x12;
	s4 =	simm.s32 $0x14200;
	[dreg:$0x1c] =	wrdreg s30;
	v33 =	vsel vm0, $0x3F7E, v33;
	v34 =	vsel vm0, $0x1F7F, v34;
	v35 =	vsel vm0, $0x3F7F, v35  }
.LBB2_1:
0xbd: {  	[dreg:$0x1d] =	wrdreg s1  }
0xbe: {  	s0 =	rddreg [dreg:$0x19]  }
0xbf: {  	[tilespmem:s8], [sflag:$0x12] =	stream.linear.gather [hbm4b:s0+s8], $0x200, $0x38;
	[tilespmem:$0x14400] =	vst v63  }
0xc0: {  	_ =	swait.ge [sflag:s2], $0x200  }
0xc1: {  	[sflag:s2] =	ssyncset.done $0x0  }
0xc2: {  	s3 =	simm.s32 $0x200;
	s28 =	rddreg [dreg:$0x18];
	[sflag:s2] =	ssyncadd.s32 $0xFFFFFE00  }
0xc3: {  	[tilespmem:s4], [sflag:$0x1] =	stream.indirect.gather [hbm4b:s28+s3], $0x1, s8, s3, $0xb8;
	[tilespmem:$0x14400] =	vst v63  }
0xc4: {  	v36 =	vld [tilespmem:$0x0];
	_ =	sdelay $0x4  }
0xc5: {  	(v2sf) =	vpush v36, $0x0;
	_ =	sdelay $0x1  }
0xc6: {  	(v2sf) =	vpush v36, $0x1;
	_ =	sdelay $0x2  }
0xc7: {  	(v2sf) =	vpush v36, $0x2;
	_ =	sdelay $0x2  }
0xc8: {  	(v2sf) =	vpush v36, $0x3;
	_ =	sdelay $0x2  }
0xc9: {  	(v2sf) =	vpush v36, $0x4;
	_ =	sdelay $0x2  }
0xca: {  	(v2sf) =	vpush v36, $0x5  }
0xcb: {  	s1 =	spop (v2sf)  }
0xcc: {  	s26 =	simm.s32 $0x400;
	s9 =	rddreg [dreg:$0x1];
	s0 =	sand.u32 $0xFFFFF80, s1  }
0xcd: {  	s11 =	simm.s32 $0x7A1400;
	(v2sf) =	vpush v36, $0x6;
	s2 =	spop (v2sf);
	s0 =	sadd.s32 s9, s0  }
0xce: {  	[tilespmem:s3], [sflag:$0x2] =	stream.strided.gather [hbm4b:s0+s26], $0x1000, s11, s26, $0x38;
	[tilespmem:$0x14400] =	vst v63  }
0xcf: {  	s0 =	sand.u32 $0xFFFFF80, s2  }
0xd0: {  	s17 =	simm.s32 $0x1200;
	(v2sf) =	vpush v36, $0x7;
	s4 =	spop (v2sf);
	s0 =	sadd.s32 s9, s0  }
0xd1: {  	[tilespmem:s17], [sflag:$0x3] =	stream.strided.gather [hbm4b:s0+s26], $0x1000, s11, s26, $0x38;
	[tilespmem:$0x14400] =	vst v63  }
0xd2: {  	s0 =	sand.u32 $0xFFFFF80, s4  }
0xd3: {  	s19 =	simm.s32 $0x2200;
	(v2sf) =	vpush v36, $0x8;
	s5 =	spop (v2sf);
	s0 =	sadd.s32 s9, s0  }
0xd4: {  	[tilespmem:s19], [sflag:$0x4] =	stream.strided.gather [hbm4b:s0+s26], $0x1000, s11, s26, $0x38;
	[tilespmem:$0x14400] =	vst v63  }
0xd5: {  	s0 =	sand.u32 $0xFFFFF80, s5  }
0xd6: {  	s21 =	simm.s32 $0x3200;
	(v2sf) =	vpush v36, $0x9;
	s6 =	spop (v2sf);
	s0 =	sadd.s32 s9, s0  }
0xd7: {  	[tilespmem:s21], [sflag:$0x5] =	stream.strided.gather [hbm4b:s0+s26], $0x1000, s11, s26, $0x38;
	[tilespmem:$0x14400] =	vst v63  }
0xd8: {  	s0 =	sand.u32 $0xFFFFF80, s6  }
0xd9: {  	s15 =	simm.s32 $0x4200;
	(v2sf) =	vpush v36, $0xA;
	s7 =	spop (v2sf);
	s0 =	sadd.s32 s9, s0  }
0xda: {  	[tilespmem:s15], [sflag:$0x6] =	stream.strided.gather [hbm4b:s0+s26], $0x1000, s11, s26, $0x38;
	[tilespmem:$0x14400] =	vst v63  }
0xdb: {  	s0 =	sand.u32 $0xFFFFF80, s7  }
0xdc: {  	s20 =	simm.s32 $0x5200;
	(v2sf) =	vpush v36, $0xB;
	s8 =	spop (v2sf);
	s0 =	sadd.s32 s9, s0  }
0xdd: {  	[tilespmem:s20], [sflag:$0x7] =	stream.strided.gather [hbm4b:s0+s26], $0x1000, s11, s26, $0x38;
	[tilespmem:$0x14400] =	vst v63  }
0xde: {  	s0 =	sand.u32 $0xFFFFF80, s8  }
0xdf: {  	s22 =	simm.s32 $0x6200;
	(v2sf) =	vpush v36, $0xC;
	s10 =	spop (v2sf);
	s0 =	sadd.s32 s9, s0  }
0xe0: {  	[tilespmem:s22], [sflag:$0x8] =	stream.strided.gather [hbm4b:s0+s26], $0x1000, s11, s26, $0x38;
	[tilespmem:$0x14400] =	vst v63  }
0xe1: {  	s0 =	sand.u32 $0xFFFFF80, s10  }
0xe2: {  	s23 =	simm.s32 $0x7200;
	(v2sf) =	vpush v36, $0xD;
	s12 =	spop (v2sf);
	s0 =	sadd.s32 s9, s0  }
0xe3: {  	[tilespmem:s23], [sflag:$0x9] =	stream.strided.gather [hbm4b:s0+s26], $0x1000, s11, s26, $0x38;
	[tilespmem:$0x14400] =	vst v63  }
0xe4: {  	s0 =	sand.u32 $0xFFFFF80, s12  }
0xe5: {  	s24 =	simm.s32 $0x8200;
	(v2sf) =	vpush v36, $0xE;
	s13 =	spop (v2sf);
	s0 =	sadd.s32 s9, s0  }
0xe6: {  	[tilespmem:s24], [sflag:$0xA] =	stream.strided.gather [hbm4b:s0+s26], $0x1000, s11, s26, $0x38;
	[tilespmem:$0x14400] =	vst v63  }
0xe7: {  	s0 =	sand.u32 $0xFFFFF80, s13  }
0xe8: {  	s14 =	simm.s32 $0x9200;
	(v2sf) =	vpush v36, $0xF;
	s16 =	spop (v2sf);
	s0 =	sadd.s32 s9, s0  }
0xe9: {  	[tilespmem:s14], [sflag:$0xB] =	stream.strided.gather [hbm4b:s0+s26], $0x1000, s11, s26, $0x38;
	[tilespmem:$0x14400] =	vst v63  }
0xea: {  	s0 =	sand.u32 $0xFFFFF80, s16  }
0xeb: {  	s18 =	simm.s32 $0xA200;
	s25 =	spop (v2sf);
	s0 =	sadd.s32 s9, s0  }
0xec: {  	[tilespmem:s18], [sflag:$0xC] =	stream.strided.gather [hbm4b:s0+s26], $0x1000, s11, s26, $0x38;
	[tilespmem:$0x14400] =	vst v63  }
0xed: {  	(v2sf) =	vpush v36, $0x1;
	s0 =	sand.u32 $0xFFFFF80, s25  }
0xee: {  	s28 =	simm.s32 $0xB200;
	(v2sf) =	vpush v36, $0x2;
	s1 =	spop (v2sf);
	s0 =	sadd.s32 s9, s0  }
0xef: {  	(v2sf) =	vpush v36, $0x3;
	[tilespmem:s28], [sflag:$0xD] =	stream.strided.gather [hbm4b:s0+s26], $0x1000, s11, s26, $0x38;
	[tilespmem:$0x14400] =	vst v63  }
0xf0: {  	(v2sf) =	vpush v36, $0x4;
	s0 =	sand.u32 $0xFFFFF80, s1  }
0xf1: {  	s2 =	simm.s32 $0xC200;
	(v2sf) =	vpush v36, $0x5;
	s4 =	spop (v2sf);
	s0 =	sadd.s32 s9, s0  }
0xf2: {  	(v2sf) =	vpush v36, $0x6;
	[tilespmem:s2], [sflag:$0xE] =	stream.strided.gather [hbm4b:s0+s26], $0x1000, s11, s26, $0x38;
	[tilespmem:$0x14400] =	vst v63  }
0xf3: {  	(v2sf) =	vpush v36, $0x7;
	s0 =	sand.u32 $0xFFFFF80, s4  }
0xf4: {  	s5 =	simm.s32 $0xD200;
	(v2sf) =	vpush v36, $0x8;
	s6 =	spop (v2sf);
	s0 =	sadd.s32 s9, s0  }
0xf5: {  	(v2sf) =	vpush v36, $0x9;
	[tilespmem:s5], [sflag:$0xF] =	stream.strided.gather [hbm4b:s0+s26], $0x1000, s11, s26, $0x38;
	[tilespmem:$0x14400] =	vst v63  }
0xf6: {  	(v2sf) =	vpush v36, $0xA;
	s0 =	sand.u32 $0xFFFFF80, s6  }
0xf7: {  	s7 =	simm.s32 $0xE200;
	(v2sf) =	vpush v36, $0xB;
	s8 =	spop (v2sf);
	s0 =	sadd.s32 s9, s0  }
0xf8: {  	(v2sf) =	vpush v36, $0xC;
	[tilespmem:s7], [sflag:$0x10] =	stream.strided.gather [hbm4b:s0+s26], $0x1000, s11, s26, $0x38;
	[tilespmem:$0x14400] =	vst v63  }
0xf9: {  	(v2sf) =	vpush v36, $0xD;
	s0 =	sand.u32 $0xFFFFF80, s8  }
0xfa: {  	s10 =	simm.s32 $0xF200;
	(v2sf) =	vpush v36, $0xE;
	s0 =	sadd.s32 s9, s0  }
0xfb: {  	(v2sf) =	vpush v36, $0xF;
	[tilespmem:s10], [sflag:$0x11] =	stream.strided.gather [hbm4b:s0+s26], $0x1000, s11, s26, $0x38;
	[tilespmem:$0x14400] =	vst v63  }
0xfc: {  	s0 =	spop (v2sf);
	(v2sf) =	vpush v36, $0x0  }
0xfd: {  	s10 =	spop (v2sf)  }
0xfe: {  	s12 =	simm.s32 $0x10;
	s7 =	spop (v2sf)  }
0xff: {  	v36 =	vld [tilespmem:s12+$0x0];
	s6 =	spop (v2sf)  }
0x100: {  	s14 =	spop (v2sf)  }
0x101: {  	s18 =	spop (v2sf)  }
0x102: {  	s29 =	spop (v2sf)  }
0x103: {  	s12 =	spop (v2sf)  }
0x104: {  	(v2sf) =	vpush v36, $0x0;
	s25 =	spop (v2sf)  }
0x105: {  	(v2sf) =	vpush v36, $0x1;
	s13 =	spop (v2sf)  }
0x106: {  	(v2sf) =	vpush v36, $0x2;
	[smem:$0x7EF] =	sst s13;
	s16 =	spop (v2sf)  }
0x107: {  	[smem:$0x7F0] =	sst s16;
	s28 =	spop (v2sf);
	(v2sf) =	vpush v36, $0x3  }
0x108: {  	[smem:$0x7F1] =	sst s28;
	s2 =	spop (v2sf);
	(v2sf) =	vpush v36, $0x4  }
0x109: {  	[smem:$0x7F2] =	sst s2;
	s4 =	spop (v2sf);
	(v2sf) =	vpush v36, $0x5  }
0x10a: {  	[dreg:$0x1f] =	wrdreg s4;
	s5 =	spop (v2sf);
	(v2sf) =	vpush v36, $0x6  }
0x10b: {  	s13 =	simm.s32 $0x2;
	[dreg:$0x1e] =	wrdreg s5;
	s8 =	spop (v2sf);
	(v2sf) =	vpush v36, $0x7  }
0x10c: {  	s1 =	sand.u32 $0x7F, s8;
	_ =	swait.ge [sflag:s13], $0x1000  }
0x10d: {  	s16 =	simm.s32 $0x0;
	v37 =	vor.u32 s1, v0;
	(v2sf) =	vpush v36, $0x8  }
0x10e: {  	v39 =	vmov s16;
	v38 =	vor.u32 s1, v1;
	(v2sf) =	vpush v36, $0x9  }
0x10f: {  	v40 =	vshll.u32 v39, $0x3;
	(v2sf) =	vpush v36, $0xA  }
0x110: {  	v39 =	vand.u32 $0x70, v39;
	v40 =	vand.u32 $0xFFFFFC00, v40;
	[sflag:s13] =	ssyncset.done $0x0;
	(v2sf) =	vpush v36, $0x1  }
0x111: {  	v39 =	vor.u32 v39, v40;
	[sflag:s13] =	ssyncadd.s32 $0xFFFFF000;
	(v2sf) =	vpush v36, $0xB  }
0x112: {  	v40 =	vadd.s32 v2, v39;
	v37 =	vld.idx.msk [tilespmem:v37+s3+$0x0], $0xffff;
	(v2sf) =	vpush v36, $0xC  }
0x113: {  	v39 =	vadd.s32 v3, v39;
	s28 =	spop (v2sf);
	v38 =	vld.idx.msk [tilespmem:v38+s3+$0x0], $0xffff;
	(v2sf) =	vpush v36, $0xD  }
0x114: {  	s1 =	sand.u32 $0xFFFFF80, s28;
	s5 =	spop (v2sf);
	(v2sf) =	vpush v36, $0xE  }
0x115: {  	s2 =	sand.u32 $0x7F, s0;
	s1 =	sadd.s32 s9, s1;
	s16 =	spop (v2sf);
	(v2sf) =	vpush v36, $0xF  }
0x116: {  	[tilespmem:s3], [sflag:$0x2] =	stream.strided.gather [hbm4b:s1+s26], $0x1000, s11, s26, $0x38;
	(v2sf) =	vpush v36, $0x2;
	[tilespmem:$0x14400] =	vst v63  }
0x117: {  	v55 =	vor.u32 s2, v0;
	s0 =	spop (v2sf);
	[tilespmem:v40+s31+$0x0] =	vst.idx.msk $0xffff, v37;
	(v2sf) =	vpush v36, $0x3  }
0x118: {  	v56 =	vor.u32 s2, v1;
	s8 =	simm.s32 $0x3;
	s3 =	spop (v2sf);
	[tilespmem:v39+s31+$0x0] =	vst.idx.msk $0xffff, v38;
	(v2sf) =	vpush v36, $0x4  }
0x119: {  	s4 =	simm.s32 $0x1;
	_ =	swait.ge [sflag:s8], $0x1000  }
0x11a: {  	v57 =	vmov s4;
	s1 =	spop (v2sf);
	[sflag:s8] =	ssyncset.done $0x0  }
0x11b: {  	v58 =	vshll.u32 v57, $0x3;
	s13 =	sand.u32 $0xFFFFF80, s5;
	(v2sf) =	vpush v36, $0x5;
	s2 =	spop (v2sf);
	[sflag:s8] =	ssyncadd.s32 $0xFFFFF000  }
0x11c: {  	s13 =	sadd.s32 s9, s13;
	v40 =	vand.u32 $0xFFFFFC00, v58;
	v39 =	vand.u32 $0x71, v57;
	s4 =	spop (v2sf);
	(v2sf) =	vpush v36, $0x6;
	v37 =	vld.idx.msk [tilespmem:v55+s17+$0x0], $0xffff  }
0x11d: {  	v39 =	vor.u32 v39, v40;
	v38 =	vld.idx.msk [tilespmem:v56+s17+$0x0], $0xffff;
	[tilespmem:s17], [sflag:$0x3] =	stream.strided.gather [hbm4b:s13+s26], $0x1000, s11, s26, $0x38;
	(v2sf) =	vpush v36, $0x7  }
0x11e: {  	v40 =	vadd.s32 v2, v39;
	s5 =	spop (v2sf);
	(v2sf) =	vpush v36, $0x8  }
0x11f: {  	v39 =	vadd.s32 v3, v39;
	s8 =	spop (v2sf);
	(v2sf) =	vpush v36, $0x9  }
0x120: {  	s30 =	spop (v2sf);
	(v2sf) =	vpush v36, $0xA  }
0x121: {  	s28 =	spop (v2sf);
	(v2sf) =	vpush v36, $0xB  }
0x122: {  	s10 =	sand.u32 $0x7F, s10;
	[smem:$0x7F3] =	sst s28;
	s28 =	spop (v2sf);
	(v2sf) =	vpush v36, $0xC  }
0x123: {  	v59 =	vor.u32 s10, v0;
	[tilespmem:v40+s31+$0x0] =	vst.idx.msk $0xffff, v37;
	s13 =	spop (v2sf);
	(v2sf) =	vpush v36, $0xD  }
0x124: {  	v60 =	vor.u32 s10, v1;
	s10 =	simm.s32 $0x4;
	[tilespmem:v39+s31+$0x0] =	vst.idx.msk $0xffff, v38;
	s17 =	spop (v2sf);
	(v2sf) =	vpush v36, $0xE  }
0x125: {  	_ =	swait.ge [sflag:s10], $0x1000  }
0x126: {  	[sflag:s10] =	ssyncset.done $0x0  }
0x127: {  	s16 =	sand.u32 $0xFFFFF80, s16;
	[sflag:s10] =	ssyncadd.s32 $0xFFFFF000  }
0x128: {  	s10 =	sadd.s32 s9, s16;
	v37 =	vld.idx.msk [tilespmem:v59+s19+$0x0], $0xffff  }
0x129: {  	v38 =	vld.idx.msk [tilespmem:v60+s19+$0x0], $0xffff;
	[tilespmem:s19], [sflag:$0x4] =	stream.strided.gather [hbm4b:s10+s26], $0x1000, s11, s26, $0x38  }
0x12a: {  	s16 =	simm.s32 $0x2;
	s10 =	spop (v2sf)  }
0x12b: {  	v61 =	vmov s16;
	s19 =	spop (v2sf)  }
0x12c: {  	v62 =	vshll.u32 v61, $0x3;
	[smem:$0x7F4] =	sst s19;
	s19 =	spop (v2sf)  }
0x12d: {  	v39 =	vand.u32 $0x72, v61;
	v40 =	vand.u32 $0xFFFFFC00, v62;
	[smem:$0x7F5] =	sst s19;
	s19 =	spop (v2sf)  }
0x12e: {  	v39 =	vor.u32 v39, v40;
	[smem:$0x7F6] =	sst s19;
	s19 =	spop (v2sf)  }
0x12f: {  	v40 =	vadd.s32 v2, v39;
	[smem:$0x7F7] =	sst s19;
	s19 =	spop (v2sf)  }
0x130: {  	(v2sf) =	vpush v36, $0xF;
	v39 =	vadd.s32 v3, v39;
	[smem:$0x7F8] =	sst s19;
	s19 =	spop (v2sf)  }
0x131: {  	[smem:$0x7F9] =	sst s19;
	s19 =	spop (v2sf)  }
0x132: {  	[smem:$0x7FA] =	sst s19;
	s19 =	spop (v2sf)  }
0x133: {  	s7 =	sand.u32 $0x7F, s7;
	[smem:$0x7FB] =	sst s19;
	s19 =	spop (v2sf)  }
0x134: {  	v63 =	vor.u32 s7, v0;
	v44 =	vor.u32 s7, v1;
	s7 =	simm.s32 $0x3;
	[tilespmem:v40+s31+$0x0] =	vst.idx.msk $0xffff, v37;
	[smem:$0x7FC] =	sst s19;
	s19 =	spop (v2sf)  }
0x135: {  	v45 =	vmov s7;
	[tilespmem:v39+s31+$0x0] =	vst.idx.msk $0xffff, v38;
	[smem:$0x7FD] =	sst s19;
	s19 =	simm.s32 $0x5  }
0x136: {  	v46 =	vshll.u32 v45, $0x3;
	_ =	swait.ge [sflag:s19], $0x1000  }
0x137: {  	v38 =	vand.u32 $0x73, v45;
	v39 =	vand.u32 $0xFFFFFC00, v46;
	[sflag:s19] =	ssyncset.done $0x0  }
0x138: {  	v38 =	vor.u32 v38, v39;
	[sflag:s19] =	ssyncadd.s32 $0xFFFFF000  }
0x139: {  	s0 =	sand.u32 $0xFFFFF80, s0;
	v39 =	vadd.s32 v2, v38;
	v37 =	vld.idx.msk [tilespmem:v63+s21+$0x0], $0xffff  }
0x13a: {  	s7 =	sadd.s32 s9, s0;
	v38 =	vadd.s32 v3, v38;
	s19 =	spop (v2sf);
	v40 =	vld.idx.msk [tilespmem:v44+s21+$0x0], $0xffff  }
0x13b: {  	[tilespmem:s21], [sflag:$0x5] =	stream.strided.gather [hbm4b:s7+s26], $0x1000, s11, s26, $0x38;
	[tilespmem:$0x14400] =	vst v63  }
0x13c: {  	s21 =	spop (v2sf)  }
0x13d: {  	s6 =	sand.u32 $0x7F, s6;
	s16 =	spop (v2sf)  }
0x13e: {  	v47 =	vor.u32 s6, v0;
	s0 =	simm.s32 $0x4;
	s7 =	spop (v2sf);
	[tilespmem:v39+s31+$0x0] =	vst.idx.msk $0xffff, v37  }
0x13f: {  	v48 =	vor.u32 s6, v1;
	v41 =	vmov s0;
	s0 =	simm.s32 $0x6;
	s6 =	spop (v2sf);
	[tilespmem:v38+s31+$0x0] =	vst.idx.msk $0xffff, v40  }
0x140: {  	v49 =	vshll.u32 v41, $0x3;
	_ =	swait.ge [sflag:s0], $0x1000  }
0x141: {  	v50 =	vand.u32 $0x74, v41;
	v38 =	vand.u32 $0xFFFFFC00, v49;
	[sflag:s0] =	ssyncset.done $0x0  }
0x142: {  	v38 =	vor.u32 v50, v38;
	[sflag:s0] =	ssyncadd.s32 $0xFFFFF000  }
0x143: {  	v40 =	vadd.s32 v2, v38;
	v37 =	vld.idx.msk [tilespmem:v47+s15+$0x0], $0xffff  }
0x144: {  	v38 =	vadd.s32 v3, v38;
	v39 =	vld.idx.msk [tilespmem:v48+s15+$0x0], $0xffff  }
0x145: {  	s3 =	sand.u32 $0xFFFFF80, s3  }
0x146: {  	s14 =	sand.u32 $0x7F, s14;
	s0 =	sadd.s32 s9, s3  }
0x147: {  	[tilespmem:s15], [sflag:$0x6] =	stream.strided.gather [hbm4b:s0+s26], $0x1000, s11, s26, $0x38;
	[tilespmem:$0x14400] =	vst v63  }
0x148: {  	v51 =	vor.u32 s14, v0;
	s15 =	simm.s32 $0x5;
	[tilespmem:v40+s31+$0x0] =	vst.idx.msk $0xffff, v37  }
0x149: {  	v52 =	vor.u32 s14, v1;
	s14 =	simm.s32 $0x7;
	v53 =	vmov s15;
	[tilespmem:v38+s31+$0x0] =	vst.idx.msk $0xffff, v39  }
0x14a: {  	v54 =	vshll.u32 v53, $0x3;
	_ =	swait.ge [sflag:s14], $0x1000  }
0x14b: {  	v55 =	vand.u32 $0x75, v53;
	v38 =	vand.u32 $0xFFFFFC00, v54;
	[sflag:s14] =	ssyncset.done $0x0  }
0x14c: {  	v38 =	vor.u32 v55, v38;
	[sflag:s14] =	ssyncadd.s32 $0xFFFFF000  }
0x14d: {  	v39 =	vadd.s32 v2, v38;
	v37 =	vld.idx.msk [tilespmem:v51+s20+$0x0], $0xffff  }
0x14e: {  	v38 =	vadd.s32 v3, v38;
	v40 =	vld.idx.msk [tilespmem:v52+s20+$0x0], $0xffff  }
0x14f: {  	s15 =	sand.u32 $0xFFFFF80, s1  }
0x150: {  	s18 =	sand.u32 $0x7F, s18;
	s0 =	sadd.s32 s9, s15  }
0x151: {  	[tilespmem:s20], [sflag:$0x7] =	stream.strided.gather [hbm4b:s0+s26], $0x1000, s11, s26, $0x38;
	[tilespmem:$0x14400] =	vst v63  }
0x152: {  	v56 =	vor.u32 s18, v0;
	s20 =	simm.s32 $0x6;
	[tilespmem:v39+s31+$0x0] =	vst.idx.msk $0xffff, v37  }
0x153: {  	v57 =	vor.u32 s18, v1;
	s1 =	simm.s32 $0x8;
	v58 =	vmov s20;
	[tilespmem:v38+s31+$0x0] =	vst.idx.msk $0xffff, v40  }
0x154: {  	v59 =	vshll.u32 v58, $0x3;
	_ =	swait.ge [sflag:s1], $0x1000  }
0x155: {  	v60 =	vand.u32 $0x76, v58;
	v38 =	vand.u32 $0xFFFFFC00, v59;
	[sflag:s1] =	ssyncset.done $0x0  }
0x156: {  	v38 =	vor.u32 v60, v38;
	[sflag:s1] =	ssyncadd.s32 $0xFFFFF000  }
0x157: {  	v40 =	vadd.s32 v2, v38;
	v37 =	vld.idx.msk [tilespmem:v56+s22+$0x0], $0xffff  }
0x158: {  	v38 =	vadd.s32 v3, v38;
	v39 =	vld.idx.msk [tilespmem:v57+s22+$0x0], $0xffff  }
0x159: {  	s2 =	sand.u32 $0xFFFFF80, s2  }
0x15a: {  	s3 =	sand.u32 $0x7F, s29;
	s0 =	sadd.s32 s9, s2  }
0x15b: {  	[tilespmem:s22], [sflag:$0x8] =	stream.strided.gather [hbm4b:s0+s26], $0x1000, s11, s26, $0x38;
	[tilespmem:$0x14400] =	vst v63  }
0x15c: {  	v61 =	vor.u32 s3, v0;
	s14 =	simm.s32 $0x7;
	[tilespmem:v40+s31+$0x0] =	vst.idx.msk $0xffff, v37  }
0x15d: {  	v62 =	vor.u32 s3, v1;
	s15 =	simm.s32 $0x9;
	v63 =	vmov s14;
	[tilespmem:v38+s31+$0x0] =	vst.idx.msk $0xffff, v39  }
0x15e: {  	v44 =	vshll.u32 v63, $0x3;
	_ =	swait.ge [sflag:s15], $0x1000  }
0x15f: {  	v45 =	vand.u32 $0x77, v63;
	v38 =	vand.u32 $0xFFFFFC00, v44;
	[sflag:s15] =	ssyncset.done $0x0  }
0x160: {  	v38 =	vor.u32 v45, v38;
	[sflag:s15] =	ssyncadd.s32 $0xFFFFF000  }
0x161: {  	v39 =	vadd.s32 v2, v38;
	v37 =	vld.idx.msk [tilespmem:v61+s23+$0x0], $0xffff  }
0x162: {  	v38 =	vadd.s32 v3, v38;
	v40 =	vld.idx.msk [tilespmem:v62+s23+$0x0], $0xffff  }
0x163: {  	s18 =	sand.u32 $0xFFFFF80, s4  }
0x164: {  	s20 =	sand.u32 $0x7F, s12;
	s0 =	sadd.s32 s9, s18  }
0x165: {  	[tilespmem:s23], [sflag:$0x9] =	stream.strided.gather [hbm4b:s0+s26], $0x1000, s11, s26, $0x38;
	[tilespmem:$0x14400] =	vst v63  }
0x166: {  	v46 =	vor.u32 s20, v0;
	s22 =	simm.s32 $0x8;
	[tilespmem:v39+s31+$0x0] =	vst.idx.msk $0xffff, v37  }
0x167: {  	v47 =	vor.u32 s20, v1;
	v48 =	vmov s22;
	s23 =	simm.s32 $0xA;
	[tilespmem:v38+s31+$0x0] =	vst.idx.msk $0xffff, v40  }
0x168: {  	v49 =	vshll.u32 v48, $0x3;
	_ =	swait.ge [sflag:s23], $0x1000  }
0x169: {  	v50 =	vand.u32 $0x78, v48;
	v38 =	vand.u32 $0xFFFFFC00, v49;
	[sflag:s23] =	ssyncset.done $0x0  }
0x16a: {  	v38 =	vor.u32 v50, v38;
	[sflag:s23] =	ssyncadd.s32 $0xFFFFF000  }
0x16b: {  	v40 =	vadd.s32 v2, v38;
	v37 =	vld.idx.msk [tilespmem:v46+s24+$0x0], $0xffff  }
0x16c: {  	v38 =	vadd.s32 v3, v38;
	v39 =	vld.idx.msk [tilespmem:v47+s24+$0x0], $0xffff  }
0x16d: {  	s1 =	sand.u32 $0xFFFFF80, s5  }
0x16e: {  	s2 =	sand.u32 $0x7F, s25;
	s0 =	sadd.s32 s9, s1  }
0x16f: {  	[tilespmem:s24], [sflag:$0xA] =	stream.strided.gather [hbm4b:s0+s26], $0x1000, s11, s26, $0x38;
	[tilespmem:$0x14400] =	vst v63  }
0x170: {  	s3 =	simm.s32 $0x9;
	v51 =	vor.u32 s2, v0;
	[tilespmem:v40+s31+$0x0] =	vst.idx.msk $0xffff, v37  }
0x171: {  	s4 =	simm.s32 $0xB;
	v53 =	vmov s3;
	v52 =	vor.u32 s2, v1;
	[tilespmem:v38+s31+$0x0] =	vst.idx.msk $0xffff, v39  }
0x172: {  	v54 =	vshll.u32 v53, $0x3;
	_ =	swait.ge [sflag:s4], $0x1000  }
0x173: {  	v55 =	vand.u32 $0x79, v53;
	v38 =	vand.u32 $0xFFFFFC00, v54;
	[sflag:s4] =	ssyncset.done $0x0  }
0x174: {  	s5 =	simm.s32 $0x9200;
	v38 =	vor.u32 v55, v38;
	[sflag:s4] =	ssyncadd.s32 $0xFFFFF000  }
0x175: {  	v39 =	vadd.s32 v2, v38;
	v37 =	vld.idx.msk [tilespmem:v51+s5+$0x0], $0xffff  }
0x176: {  	s12 =	sand.u32 $0xFFFFF80, s8;
	v38 =	vadd.s32 v3, v38;
	s15 =	sld [smem:$0x7EF];
	v40 =	vld.idx.msk [tilespmem:v52+s5+$0x0], $0xffff  }
0x177: {  	s14 =	simm.s32 $0x9200;
	s0 =	sadd.s32 s9, s12  }
0x178: {  	[tilespmem:s14], [sflag:$0xB] =	stream.strided.gather [hbm4b:s0+s26], $0x1000, s11, s26, $0x38;
	[tilespmem:$0x14400] =	vst v63  }
0x179: {  	s0 =	sand.u32 $0x7F, s15  }
0x17a: {  	s18 =	simm.s32 $0xA;
	v56 =	vor.u32 s0, v0;
	[tilespmem:v39+s31+$0x0] =	vst.idx.msk $0xffff, v37  }
0x17b: {  	s20 =	simm.s32 $0xC;
	v58 =	vmov s18;
	v57 =	vor.u32 s0, v1;
	[tilespmem:v38+s31+$0x0] =	vst.idx.msk $0xffff, v40  }
0x17c: {  	v59 =	vshll.u32 v58, $0x3;
	_ =	swait.ge [sflag:s20], $0x1000  }
0x17d: {  	v60 =	vand.u32 $0x7A, v58;
	v38 =	vand.u32 $0xFFFFFC00, v59;
	[sflag:s20] =	ssyncset.done $0x0  }
0x17e: {  	s22 =	simm.s32 $0xA200;
	v38 =	vor.u32 v60, v38;
	[sflag:s20] =	ssyncadd.s32 $0xFFFFF000  }
0x17f: {  	v40 =	vadd.s32 v2, v38;
	v37 =	vld.idx.msk [tilespmem:v56+s22+$0x0], $0xffff  }
0x180: {  	s24 =	sand.u32 $0xFFFFF80, s30;
	v38 =	vadd.s32 v3, v38;
	s25 =	sld [smem:$0x7F0];
	v39 =	vld.idx.msk [tilespmem:v57+s22+$0x0], $0xffff  }
0x181: {  	s23 =	simm.s32 $0xA200;
	s0 =	sadd.s32 s9, s24  }
0x182: {  	[tilespmem:s23], [sflag:$0xC] =	stream.strided.gather [hbm4b:s0+s26], $0x1000, s11, s26, $0x38;
	[tilespmem:$0x14400] =	vst v63  }
0x183: {  	s1 =	sand.u32 $0x7F, s25  }
0x184: {  	s2 =	simm.s32 $0xB;
	v61 =	vor.u32 s1, v0;
	[tilespmem:v40+s31+$0x0] =	vst.idx.msk $0xffff, v37  }
0x185: {  	s3 =	simm.s32 $0xD;
	v63 =	vmov s2;
	v62 =	vor.u32 s1, v1;
	[tilespmem:v38+s31+$0x0] =	vst.idx.msk $0xffff, v39  }
0x186: {  	v42 =	vshll.u32 v63, $0x3;
	_ =	swait.ge [sflag:s3], $0x1000  }
0x187: {  	v43 =	vand.u32 $0x7B, v63;
	v38 =	vand.u32 $0xFFFFFC00, v42;
	[sflag:s3] =	ssyncset.done $0x0  }
0x188: {  	s4 =	simm.s32 $0xB200;
	v38 =	vor.u32 v43, v38;
	[sflag:s3] =	ssyncadd.s32 $0xFFFFF000  }
0x189: {  	v39 =	vadd.s32 v2, v38;
	v37 =	vld.idx.msk [tilespmem:v61+s4+$0x0], $0xffff  }
0x18a: {  	s8 =	sand.u32 $0xFFFFF80, s28;
	v38 =	vadd.s32 v3, v38;
	s12 =	sld [smem:$0x7F1];
	v40 =	vld.idx.msk [tilespmem:v62+s4+$0x0], $0xffff  }
0x18b: {  	s5 =	simm.s32 $0xB200;
	s0 =	sadd.s32 s9, s8  }
0x18c: {  	[tilespmem:s5], [sflag:$0xD] =	stream.strided.gather [hbm4b:s0+s26], $0x1000, s11, s26, $0x38;
	[tilespmem:$0x14400] =	vst v63  }
0x18d: {  	s1 =	sand.u32 $0x7F, s12  }
0x18e: {  	s14 =	simm.s32 $0xC;
	v44 =	vor.u32 s1, v0;
	[tilespmem:v39+s31+$0x0] =	vst.idx.msk $0xffff, v37  }
0x18f: {  	v46 =	vmov s14;
	s15 =	simm.s32 $0xE;
	v45 =	vor.u32 s1, v1;
	[tilespmem:v38+s31+$0x0] =	vst.idx.msk $0xffff, v40  }
0x190: {  	v47 =	vshll.u32 v46, $0x3;
	_ =	swait.ge [sflag:s15], $0x1000  }
0x191: {  	v48 =	vand.u32 $0x7C, v46;
	v38 =	vand.u32 $0xFFFFFC00, v47;
	[sflag:s15] =	ssyncset.done $0x0  }
0x192: {  	s18 =	simm.s32 $0xC200;
	v38 =	vor.u32 v48, v38;
	[sflag:s15] =	ssyncadd.s32 $0xFFFFF000  }
0x193: {  	v40 =	vadd.s32 v2, v38;
	v37 =	vld.idx.msk [tilespmem:v44+s18+$0x0], $0xffff  }
0x194: {  	s22 =	sand.u32 $0xFFFFF80, s13;
	v38 =	vadd.s32 v3, v38;
	s23 =	sld [smem:$0x7F2];
	v39 =	vld.idx.msk [tilespmem:v45+s18+$0x0], $0xffff  }
0x195: {  	s20 =	simm.s32 $0xC200;
	s0 =	sadd.s32 s9, s22  }
0x196: {  	[tilespmem:s20], [sflag:$0xE] =	stream.strided.gather [hbm4b:s0+s26], $0x1000, s11, s26, $0x38;
	[tilespmem:$0x14400] =	vst v63  }
0x197: {  	s1 =	sand.u32 $0x7F, s23  }
0x198: {  	s24 =	simm.s32 $0xD;
	v49 =	vor.u32 s1, v0;
	[tilespmem:v40+s31+$0x0] =	vst.idx.msk $0xffff, v37  }
0x199: {  	s2 =	simm.s32 $0xF;
	v51 =	vmov s24;
	v50 =	vor.u32 s1, v1;
	[tilespmem:v38+s31+$0x0] =	vst.idx.msk $0xffff, v39  }
0x19a: {  	v52 =	vshll.u32 v51, $0x3;
	_ =	swait.ge [sflag:s2], $0x1000  }
0x19b: {  	v53 =	vand.u32 $0x7D, v51;
	v38 =	vand.u32 $0xFFFFFC00, v52;
	[sflag:s2] =	ssyncset.done $0x0  }
0x19c: {  	s25 =	simm.s32 $0xD200;
	v38 =	vor.u32 v53, v38;
	[sflag:s2] =	ssyncadd.s32 $0xFFFFF000  }
0x19d: {  	v39 =	vadd.s32 v2, v38;
	v37 =	vld.idx.msk [tilespmem:v49+s25+$0x0], $0xffff  }
0x19e: {  	v38 =	vadd.s32 v3, v38;
	v40 =	vld.idx.msk [tilespmem:v50+s25+$0x0], $0xffff  }
0x19f: {  	s4 =	sand.u32 $0xFFFFF80, s17;
	s5 =	rddreg [dreg:$0x1f]  }
0x1a0: {  	s28 =	simm.s32 $0xD200;
	s0 =	sadd.s32 s9, s4;
	s1 =	sand.u32 $0x7F, s5  }
0x1a1: {  	[tilespmem:s28], [sflag:$0xF] =	stream.strided.gather [hbm4b:s0+s26], $0x1000, s11, s26, $0x38;
	[tilespmem:$0x14400] =	vst v63  }
0x1a2: {  	s8 =	simm.s32 $0xE;
	v54 =	vor.u32 s1, v0;
	[tilespmem:v39+s31+$0x0] =	vst.idx.msk $0xffff, v37  }
0x1a3: {  	v56 =	vmov s8;
	s12 =	simm.s32 $0x10;
	v55 =	vor.u32 s1, v1;
	[tilespmem:v38+s31+$0x0] =	vst.idx.msk $0xffff, v40  }
0x1a4: {  	v57 =	vshll.u32 v56, $0x3;
	_ =	swait.ge [sflag:s12], $0x1000  }
0x1a5: {  	s13 =	simm.s32 $0x10;
	v58 =	vand.u32 $0x7E, v56;
	v38 =	vand.u32 $0xFFFFFC00, v57;
	[sflag:s12] =	ssyncset.done $0x0  }
0x1a6: {  	s14 =	simm.s32 $0xE200;
	v38 =	vor.u32 v58, v38;
	[sflag:s13] =	ssyncadd.s32 $0xFFFFF000  }
0x1a7: {  	v40 =	vadd.s32 v2, v38;
	v37 =	vld.idx.msk [tilespmem:v54+s14+$0x0], $0xffff  }
0x1a8: {  	v38 =	vadd.s32 v3, v38;
	v39 =	vld.idx.msk [tilespmem:v55+s14+$0x0], $0xffff  }
0x1a9: {  	s17 =	sand.u32 $0xFFFFF80, s10  }
0x1aa: {  	s15 =	simm.s32 $0xE200;
	s0 =	sadd.s32 s9, s17;
	s22 =	sld [smem:$0x7F4]  }
0x1ab: {  	[tilespmem:s15], [sflag:$0x10] =	stream.strided.gather [hbm4b:s0+s26], $0x1000, s11, s26, $0x38;
	[tilespmem:$0x14400] =	vst v63  }
0x1ac: {  	s23 =	simm.s32 $0x11;
	s18 =	rddreg [dreg:$0x1e];
	[tilespmem:v40+s31+$0x0] =	vst.idx.msk $0xffff, v37  }
0x1ad: {  	s20 =	sld [smem:$0x7F3];
	s0 =	sand.u32 $0xFFFFF80, s22;
	s22 =	sand.u32 $0x7F, s19;
	[tilespmem:v38+s31+$0x0] =	vst.idx.msk $0xffff, v39  }
0x1ae: {  	_ =	swait.ge [sflag:s23], $0x1000;
	[dreg:$0x9] =	wrdreg s22  }
0x1af: {  	s24 =	sld [smem:$0x7F5]  }
0x1b0: {  	s25 =	sld [smem:$0x7F6]  }
0x1b1: {  	s1 =	sand.u32 $0x7F, s18;
	s28 =	sld [smem:$0x7F7]  }
0x1b2: {  	v59 =	vor.u32 s1, v0;
	s3 =	sld [smem:$0x7F8]  }
0x1b3: {  	s5 =	simm.s32 $0x2F;
	s18 =	simm.s32 $0x1F;
	v60 =	vor.u32 s1, v1;
	s8 =	sld [smem:$0x7F9]  }
0x1b4: {  	s14 =	simm.s32 $0xF200;
	s4 =	sand.u32 $0x7F, s20;
	s10 =	sld [smem:$0x7FA]  }
0x1b5: {  	s20 =	simm.s32 $0xF200;
	[sflag:s23] =	ssyncset.done $0x0;
	s13 =	sld [smem:$0x7FB]  }
0x1b6: {  	s0 =	sadd.s32 s9, s0;
	s15 =	sld [smem:$0x7FC];
	[sflag:s23] =	ssyncadd.s32 $0xFFFFF000  }
0x1b7: {  	s9 =	sand.u32 $0x7F, s16;
	s17 =	sld [smem:$0x7FD];
	s23 =	sand.u32 $0x7F, s21;
	v37 =	vld.idx.msk [tilespmem:v59+s14+$0x0], $0xffff  }
0x1b8: {  	v38 =	vld.idx.msk [tilespmem:v60+s14+$0x0], $0xffff;
	[tilespmem:s20], [sflag:$0x11] =	stream.strided.gather [hbm4b:s0+s26], $0x1000, s11, s26, $0x38  }
0x1b9: {  	[dreg:$0x8] =	wrdreg s23;
	s26 =	sand.u32 $0x7F, s7;
	s12 =	sand.u32 $0x7F, s24  }
0x1ba: {  	v61 =	vmov s2;
	s30 =	sand.u32 $0x7F, s25;
	s1 =	sand.u32 $0x7F, s28;
	[dreg:$0x7] =	wrdreg s26  }
0x1bb: {  	v62 =	vshll.u32 v61, $0x3;
	s24 =	sand.u32 $0x7F, s8;
	s28 =	sand.u32 $0x7F, s6;
	[dreg:$0xc] =	wrdreg s1  }
0x1bc: {  	v63 =	vand.u32 $0xFFFFFC00, v62;
	v39 =	vand.u32 $0x7F, v61;
	s25 =	sand.u32 $0x7F, s10;
	s1 =	sand.u32 $0x7F, s3;
	[dreg:$0x6] =	wrdreg s28  }
0x1bd: {  	v39 =	vor.u32 v39, v63;
	s29 =	sand.u32 $0x7F, s15;
	[dreg:$0xb] =	wrdreg s1;
	s1 =	sand.u32 $0x7F, s13  }
0x1be: {  	v40 =	vadd.s32 v2, v39;
	v39 =	vadd.s32 v3, v39;
	(v2sf) =	vpush v36, $0x0;
	s8 =	sand.u32 $0x7F, s17;
	s6 =	simm.s32 $0x10;
	[dreg:$0xa] =	wrdreg s1  }
.LBB2_2:
0x1bf: {  	_ =	sdelay $0x3  }
0x1c0: {  	[tilespmem:v40+s31+$0x0] =	vst.idx.msk $0xffff, v37  }
0x1c1: {  	s6 =	sadd.s32 $0x10, s6;
	[tilespmem:v39+s31+$0x0] =	vst.idx.msk $0xffff, v38  }
0x1c2: {  	v36 =	vld [tilespmem:s6+$0x0];
	_ =	sdelay $0x4  }
0x1c3: {  	(v2sf) =	vpush v36, $0x0  }
0x1c4: {  	(v2sf) =	vpush v36, $0x1  }
0x1c5: {  	(v2sf) =	vpush v36, $0x2;
	_ =	sdelay $0x1  }
0x1c6: {  	(v2sf) =	vpush v36, $0x3  }
0x1c7: {  	s17 =	spop (v2sf);
	(v2sf) =	vpush v36, $0x4  }
0x1c8: {  	(v2sf) =	vpush v36, $0x5  }
0x1c9: {  	[dreg:$0xf] =	wrdreg s9;
	s0 =	smov.u32 s5;
	(v2sf) =	vpush v36, $0x6  }
0x1ca: {  	s2 =	simm.s32 $0x2;
	[dreg:$0xd] =	wrdreg s0;
	(v2sf) =	vpush v36, $0x7  }
0x1cb: {  	s0 =	sand.u32 $0x7F, s17;
	_ =	swait.ge [sflag:s2], $0x1000  }
0x1cc: {  	s19 =	sadd.s32 $0xFFFFFFF1, s18;
	v60 =	vor.u32 s0, v0;
	(v2sf) =	vpush v36, $0x8  }
0x1cd: {  	v62 =	vmov s19;
	v61 =	vor.u32 s0, v1;
	(v2sf) =	vpush v36, $0x9  }
0x1ce: {  	v63 =	vshll.u32 v62, $0x3;
	(v2sf) =	vpush v36, $0xA  }
0x1cf: {  	v40 =	vand.u32 $0xFFFFFC00, v63;
	v39 =	vand.u32 $0x70, v62;
	[sflag:s2] =	ssyncset.done $0x0;
	(v2sf) =	vpush v36, $0x1  }
0x1d0: {  	s20 =	simm.s32 $0x200;
	v39 =	vor.u32 v39, v40;
	[sflag:s2] =	ssyncadd.s32 $0xFFFFF000;
	(v2sf) =	vpush v36, $0xB  }
0x1d1: {  	v40 =	vadd.s32 v2, v39;
	v37 =	vld.idx.msk [tilespmem:v60+s20+$0x0], $0xffff;
	s21 =	spop (v2sf);
	(v2sf) =	vpush v36, $0xC  }
0x1d2: {  	v39 =	vadd.s32 v3, v39;
	v38 =	vld.idx.msk [tilespmem:v61+s20+$0x0], $0xffff;
	s22 =	spop (v2sf);
	(v2sf) =	vpush v36, $0xD  }
0x1d3: {  	s26 =	rddreg [dreg:$0x1];
	s0 =	sand.u32 $0xFFFFF80, s21;
	s7 =	spop (v2sf);
	(v2sf) =	vpush v36, $0xE  }
0x1d4: {  	s28 =	simm.s32 $0x7A1400;
	s17 =	simm.s32 $0x400;
	s0 =	sadd.s32 s26, s0;
	(v2sf) =	vpush v36, $0xF  }
0x1d5: {  	[tilespmem:s20], [sflag:$0x2] =	stream.strided.gather [hbm4b:s0+s17], $0x1000, s28, s17, $0x38;
	(v2sf) =	vpush v36, $0x2;
	[tilespmem:$0x14400] =	vst v63  }
0x1d6: {  	s1 =	smov.u32 s8;
	v44 =	vor.u32 s4, v0;
	s3 =	spop (v2sf);
	[tilespmem:v40+s31+$0x0] =	vst.idx.msk $0xffff, v37;
	(v2sf) =	vpush v36, $0x3  }
0x1d7: {  	v45 =	vor.u32 s4, v1;
	s8 =	simm.s32 $0x3;
	s0 =	sand.u32 $0xFFFFF80, s7;
	s7 =	spop (v2sf);
	[tilespmem:v39+s31+$0x0] =	vst.idx.msk $0xffff, v38;
	(v2sf) =	vpush v36, $0x4  }
0x1d8: {  	s23 =	sadd.s32 $0xFFFFFFF2, s18;
	_ =	swait.ge [sflag:s8], $0x1000  }
0x1d9: {  	s14 =	simm.s32 $0x1200;
	s10 =	spop (v2sf);
	[sflag:s8] =	ssyncset.done $0x0  }
0x1da: {  	v46 =	vmov s23;
	s2 =	sand.u32 $0xFFFFF80, s22;
	s11 =	spop (v2sf);
	[sflag:s8] =	ssyncadd.s32 $0xFFFFF000  }
0x1db: {  	v47 =	vshll.u32 v46, $0x3;
	s2 =	sadd.s32 s26, s2;
	(v2sf) =	vpush v36, $0x5;
	s13 =	spop (v2sf);
	v37 =	vld.idx.msk [tilespmem:v44+s14+$0x0], $0xffff  }
0x1dc: {  	v40 =	vand.u32 $0xFFFFFC00, v47;
	v39 =	vand.u32 $0x71, v46;
	(v2sf) =	vpush v36, $0x6;
	v38 =	vld.idx.msk [tilespmem:v45+s14+$0x0], $0xffff;
	[tilespmem:s14], [sflag:$0x3] =	stream.strided.gather [hbm4b:s2+s17], $0x1000, s28, s17, $0x38  }
0x1dd: {  	v39 =	vor.u32 v39, v40;
	s15 =	spop (v2sf);
	(v2sf) =	vpush v36, $0x7  }
0x1de: {  	v40 =	vadd.s32 v2, v39;
	s20 =	spop (v2sf);
	(v2sf) =	vpush v36, $0x8  }
0x1df: {  	s16 =	sand.u32 $0xFFFFF80, s3;
	v39 =	vadd.s32 v3, v39;
	s9 =	sand.u32 $0xFFFFF80, s10;
	(v2sf) =	vpush v36, $0x9;
	s21 =	spop (v2sf)  }
0x1e0: {  	s8 =	sand.u32 $0xFFFFF80, s11;
	s4 =	sand.u32 $0xFFFFF80, s15;
	s23 =	spop (v2sf);
	(v2sf) =	vpush v36, $0xA  }
0x1e1: {  	[dreg:$0x17] =	wrdreg s4;
	s2 =	sand.u32 $0xFFFFF80, s21;
	(v2sf) =	vpush v36, $0xB;
	s3 =	spop (v2sf)  }
0x1e2: {  	[dreg:$0x15] =	wrdreg s2;
	(v2sf) =	vpush v36, $0xC;
	s2 =	sand.u32 $0xFFFFF80, s3;
	s10 =	spop (v2sf)  }
0x1e3: {  	v48 =	vor.u32 s12, v0;
	s11 =	sadd.s32 $0xFFFFFFF3, s18;
	[tilespmem:v40+s31+$0x0] =	vst.idx.msk $0xffff, v37;
	[dreg:$0x14] =	wrdreg s2;
	(v2sf) =	vpush v36, $0xD;
	s2 =	sand.u32 $0xFFFFF80, s10  }
0x1e4: {  	v49 =	vor.u32 s12, v1;
	s12 =	simm.s32 $0x4;
	v50 =	vmov s11;
	[tilespmem:v39+s31+$0x0] =	vst.idx.msk $0xffff, v38;
	s11 =	spop (v2sf);
	[dreg:$0x12] =	wrdreg s2;
	(v2sf) =	vpush v36, $0xE  }
0x1e5: {  	_ =	swait.ge [sflag:s12], $0x1000  }
0x1e6: {  	s19 =	sand.u32 $0xFFFFF80, s13;
	s2 =	sand.u32 $0xFFFFF80, s11;
	s13 =	spop (v2sf)  }
0x1e7: {  	[dreg:$0x11] =	wrdreg s2;
	[sflag:s12] =	ssyncset.done $0x0;
	s2 =	sand.u32 $0xFFFFF80, s13  }
0x1e8: {  	s14 =	spop (v2sf);
	[sflag:s12] =	ssyncadd.s32 $0xFFFFF000;
	s13 =	simm.s32 $0x2200  }
0x1e9: {  	s0 =	sadd.s32 s26, s0;
	v51 =	vshll.u32 v50, $0x3;
	s10 =	spop (v2sf);
	v37 =	vld.idx.msk [tilespmem:v48+s13+$0x0], $0xffff  }
0x1ea: {  	v40 =	vand.u32 $0xFFFFFC00, v51;
	v39 =	vand.u32 $0x72, v50;
	v38 =	vld.idx.msk [tilespmem:v49+s13+$0x0], $0xffff;
	[tilespmem:s13], [sflag:$0x4] =	stream.strided.gather [hbm4b:s0+s17], $0x1000, s28, s17, $0x38  }
0x1eb: {  	v39 =	vor.u32 v39, v40;
	s15 =	spop (v2sf)  }
0x1ec: {  	s22 =	sand.u32 $0xFFFFF80, s7;
	s7 =	sand.u32 $0xFFFFF80, s20;
	v40 =	vadd.s32 v2, v39;
	(v2sf) =	vpush v36, $0xF;
	s20 =	spop (v2sf)  }
0x1ed: {  	v39 =	vadd.s32 v3, v39;
	[dreg:$0x10] =	wrdreg s2;
	s2 =	sand.u32 $0xFFFFF80, s14;
	s21 =	spop (v2sf)  }
0x1ee: {  	s4 =	sand.u32 $0x7F, s23;
	[dreg:$0xe] =	wrdreg s2;
	s23 =	spop (v2sf)  }
0x1ef: {  	s12 =	sand.u32 $0x7F, s10;
	s10 =	smov.u32 s24;
	s3 =	spop (v2sf)  }
0x1f0: {  	s2 =	sand.u32 $0x7F, s15;
	s24 =	sand.u32 $0x7F, s20;
	s11 =	spop (v2sf)  }
0x1f1: {  	s15 =	sand.u32 $0x7F, s21;
	[tilespmem:v40+s31+$0x0] =	vst.idx.msk $0xffff, v37;
	s14 =	sand.u32 $0x7F, s3;
	s20 =	spop (v2sf)  }
0x1f2: {  	[tilespmem:v39+s31+$0x0] =	vst.idx.msk $0xffff, v38;
	s21 =	sand.u32 $0x7F, s11;
	s11 =	simm.s32 $0x5;
	s3 =	spop (v2sf)  }
0x1f3: {  	v52 =	vor.u32 s30, v0;
	s13 =	sadd.s32 $0xFFFFFFF4, s18;
	_ =	swait.ge [sflag:s11], $0x1000  }
0x1f4: {  	v53 =	vor.u32 s30, v1;
	v54 =	vmov s13;
	s30 =	smov.u32 s2;
	s13 =	spop (v2sf)  }
0x1f5: {  	s2 =	sand.u32 $0x7F, s3;
	[sflag:s11] =	ssyncset.done $0x0;
	s3 =	spop (v2sf)  }
0x1f6: {  	v55 =	vshll.u32 v54, $0x3;
	[sflag:s11] =	ssyncadd.s32 $0xFFFFF000;
	s11 =	sand.u32 $0x7F, s3  }
0x1f7: {  	v40 =	vand.u32 $0xFFFFFC00, v55;
	v39 =	vand.u32 $0x73, v54;
	s0 =	spop (v2sf);
	s3 =	smov.u32 s29;
	s29 =	simm.s32 $0x3200  }
0x1f8: {  	s16 =	sadd.s32 s26, s16;
	v39 =	vor.u32 v39, v40;
	v37 =	vld.idx.msk [tilespmem:v52+s29+$0x0], $0xffff;
	s0 =	sand.u32 $0x7F, s0  }
0x1f9: {  	v40 =	vadd.s32 v2, v39;
	v38 =	vld.idx.msk [tilespmem:v53+s29+$0x0], $0xffff;
	[tilespmem:s29], [sflag:$0x5] =	stream.strided.gather [hbm4b:s16+s17], $0x1000, s28, s17, $0x38  }
0x1fa: {  	v39 =	vadd.s32 v3, v39;
	[dreg:$0x16] =	wrdreg s0;
	s0 =	smov.u32 s25;
	s25 =	spop (v2sf)  }
0x1fb: {  	s16 =	sand.u32 $0x7F, s25;
	s25 =	spop (v2sf)  }
0x1fc: {  	s29 =	rddreg [dreg:$0xc];
	s25 =	sand.u32 $0x7F, s25  }
0x1fd: {  	[dreg:$0x13] =	wrdreg s25;
	s25 =	sadd.s32 $0xFFFFFFF5, s18  }
0x1fe: {  	v56 =	vor.u32 s29, v0;
	[tilespmem:v40+s31+$0x0] =	vst.idx.msk $0xffff, v37;
	v58 =	vmov s25;
	s25 =	smov.u32 s24  }
0x1ff: {  	v57 =	vor.u32 s29, v1;
	[tilespmem:v39+s31+$0x0] =	vst.idx.msk $0xffff, v38;
	[dreg:$0xc] =	wrdreg s25;
	s25 =	simm.s32 $0x6  }
0x200: {  	v59 =	vshll.u32 v58, $0x3;
	_ =	swait.ge [sflag:s25], $0x1000  }
0x201: {  	v39 =	vand.u32 $0x74, v58;
	v40 =	vand.u32 $0xFFFFFC00, v59;
	[sflag:s25] =	ssyncset.done $0x0  }
0x202: {  	v39 =	vor.u32 v39, v40;
	[sflag:s25] =	ssyncadd.s32 $0xFFFFF000;
	s25 =	simm.s32 $0x4200  }
0x203: {  	v40 =	vadd.s32 v2, v39;
	v37 =	vld.idx.msk [tilespmem:v56+s25+$0x0], $0xffff  }
0x204: {  	v39 =	vadd.s32 v3, v39;
	v38 =	vld.idx.msk [tilespmem:v57+s25+$0x0], $0xffff  }
0x205: {  	s22 =	sadd.s32 s26, s22  }
0x206: {  	[tilespmem:s25], [sflag:$0x6] =	stream.strided.gather [hbm4b:s22+s17], $0x1000, s28, s17, $0x38;
	[tilespmem:$0x14400] =	vst v63  }
0x207: {  	s22 =	rddreg [dreg:$0xb];
	s25 =	sadd.s32 $0xFFFFFFF6, s18  }
0x208: {  	v60 =	vor.u32 s22, v0;
	v62 =	vmov s25;
	s25 =	smov.u32 s15;
	[tilespmem:v40+s31+$0x0] =	vst.idx.msk $0xffff, v37  }
0x209: {  	s24 =	simm.s32 $0x7;
	v61 =	vor.u32 s22, v1;
	[dreg:$0xb] =	wrdreg s25;
	[tilespmem:v39+s31+$0x0] =	vst.idx.msk $0xffff, v38  }
0x20a: {  	v63 =	vshll.u32 v62, $0x3;
	_ =	swait.ge [sflag:s24], $0x1000  }
0x20b: {  	v40 =	vand.u32 $0xFFFFFC00, v63;
	v39 =	vand.u32 $0x75, v62;
	[sflag:s24] =	ssyncset.done $0x0  }
0x20c: {  	s25 =	simm.s32 $0x5200;
	v39 =	vor.u32 v39, v40;
	[sflag:s24] =	ssyncadd.s32 $0xFFFFF000  }
0x20d: {  	v40 =	vadd.s32 v2, v39;
	v37 =	vld.idx.msk [tilespmem:v60+s25+$0x0], $0xffff  }
0x20e: {  	v39 =	vadd.s32 v3, v39;
	v38 =	vld.idx.msk [tilespmem:v61+s25+$0x0], $0xffff;
	_ =	sdelay $0x1  }
0x20f: {  	s9 =	sadd.s32 s26, s9  }
0x210: {  	[tilespmem:s25], [sflag:$0x7] =	stream.strided.gather [hbm4b:s9+s17], $0x1000, s28, s17, $0x38;
	[tilespmem:$0x14400] =	vst v63  }
0x211: {  	v44 =	vor.u32 s10, v0;
	s23 =	sand.u32 $0x7F, s23;
	s22 =	sadd.s32 $0xFFFFFFF7, s18;
	[tilespmem:v40+s31+$0x0] =	vst.idx.msk $0xffff, v37  }
0x212: {  	v45 =	vor.u32 s10, v1;
	v46 =	vmov s22;
	s24 =	smov.u32 s23;
	s23 =	simm.s32 $0x8;
	[tilespmem:v39+s31+$0x0] =	vst.idx.msk $0xffff, v38  }
0x213: {  	v47 =	vshll.u32 v46, $0x3;
	_ =	swait.ge [sflag:s23], $0x1000  }
0x214: {  	v40 =	vand.u32 $0xFFFFFC00, v47;
	v39 =	vand.u32 $0x76, v46;
	[sflag:s23] =	ssyncset.done $0x0  }
0x215: {  	s25 =	simm.s32 $0x6200;
	v39 =	vor.u32 v39, v40;
	[sflag:s23] =	ssyncadd.s32 $0xFFFFF000  }
0x216: {  	v40 =	vadd.s32 v2, v39;
	v37 =	vld.idx.msk [tilespmem:v44+s25+$0x0], $0xffff  }
0x217: {  	v39 =	vadd.s32 v3, v39;
	v38 =	vld.idx.msk [tilespmem:v45+s25+$0x0], $0xffff;
	_ =	sdelay $0x1  }
0x218: {  	s8 =	sadd.s32 s26, s8  }
0x219: {  	[tilespmem:s25], [sflag:$0x8] =	stream.strided.gather [hbm4b:s8+s17], $0x1000, s28, s17, $0x38;
	[tilespmem:$0x14400] =	vst v63  }
0x21a: {  	s10 =	sadd.s32 $0xFFFFFFF8, s18;
	v48 =	vor.u32 s0, v0;
	[tilespmem:v40+s31+$0x0] =	vst.idx.msk $0xffff, v37  }
0x21b: {  	v50 =	vmov s10;
	v49 =	vor.u32 s0, v1;
	s25 =	smov.u32 s14;
	s14 =	simm.s32 $0x9;
	[tilespmem:v39+s31+$0x0] =	vst.idx.msk $0xffff, v38  }
0x21c: {  	v51 =	vshll.u32 v50, $0x3;
	_ =	swait.ge [sflag:s14], $0x1000  }
0x21d: {  	v40 =	vand.u32 $0xFFFFFC00, v51;
	v39 =	vand.u32 $0x77, v50;
	[sflag:s14] =	ssyncset.done $0x0  }
0x21e: {  	s15 =	simm.s32 $0x7200;
	v39 =	vor.u32 v39, v40;
	[sflag:s14] =	ssyncadd.s32 $0xFFFFF000  }
0x21f: {  	v40 =	vadd.s32 v2, v39;
	v37 =	vld.idx.msk [tilespmem:v48+s15+$0x0], $0xffff  }
0x220: {  	v39 =	vadd.s32 v3, v39;
	v38 =	vld.idx.msk [tilespmem:v49+s15+$0x0], $0xffff;
	_ =	sdelay $0x1  }
0x221: {  	s22 =	sadd.s32 s26, s19;
	s23 =	rddreg [dreg:$0xa]  }
0x222: {  	[tilespmem:s15], [sflag:$0x9] =	stream.strided.gather [hbm4b:s22+s17], $0x1000, s28, s17, $0x38;
	[tilespmem:$0x14400] =	vst v63  }
0x223: {  	s10 =	smov.u32 s21;
	s0 =	sadd.s32 $0xFFFFFFF9, s18;
	v52 =	vor.u32 s23, v0;
	[tilespmem:v40+s31+$0x0] =	vst.idx.msk $0xffff, v37  }
0x224: {  	v54 =	vmov s0;
	[dreg:$0xa] =	wrdreg s10;
	v53 =	vor.u32 s23, v1;
	s14 =	simm.s32 $0xA;
	[tilespmem:v39+s31+$0x0] =	vst.idx.msk $0xffff, v38  }
0x225: {  	v55 =	vshll.u32 v54, $0x3;
	_ =	swait.ge [sflag:s14], $0x1000  }
0x226: {  	v40 =	vand.u32 $0xFFFFFC00, v55;
	v39 =	vand.u32 $0x78, v54;
	[sflag:s14] =	ssyncset.done $0x0  }
0x227: {  	s15 =	simm.s32 $0x8200;
	v39 =	vor.u32 v39, v40;
	[sflag:s14] =	ssyncadd.s32 $0xFFFFF000  }
0x228: {  	v40 =	vadd.s32 v2, v39;
	v37 =	vld.idx.msk [tilespmem:v52+s15+$0x0], $0xffff  }
0x229: {  	v39 =	vadd.s32 v3, v39;
	v38 =	vld.idx.msk [tilespmem:v53+s15+$0x0], $0xffff  }
0x22a: {  	s19 =	rddreg [dreg:$0x17]  }
0x22b: {  	s21 =	sadd.s32 s26, s19  }
0x22c: {  	[tilespmem:s15], [sflag:$0xA] =	stream.strided.gather [hbm4b:s21+s17], $0x1000, s28, s17, $0x38;
	[tilespmem:$0x14400] =	vst v63  }
0x22d: {  	v56 =	vor.u32 s3, v0;
	s22 =	sadd.s32 $0xFFFFFFFA, s18;
	[tilespmem:v40+s31+$0x0] =	vst.idx.msk $0xffff, v37  }
0x22e: {  	v57 =	vor.u32 s3, v1;
	s23 =	simm.s32 $0xB;
	v58 =	vmov s22;
	[tilespmem:v39+s31+$0x0] =	vst.idx.msk $0xffff, v38  }
0x22f: {  	v59 =	vshll.u32 v58, $0x3;
	_ =	swait.ge [sflag:s23], $0x1000  }
0x230: {  	v40 =	vand.u32 $0xFFFFFC00, v59;
	v39 =	vand.u32 $0x79, v58;
	[sflag:s23] =	ssyncset.done $0x0  }
0x231: {  	s0 =	simm.s32 $0x9200;
	v39 =	vor.u32 v39, v40;
	[sflag:s23] =	ssyncadd.s32 $0xFFFFF000  }
0x232: {  	v40 =	vadd.s32 v2, v39;
	v37 =	vld.idx.msk [tilespmem:v56+s0+$0x0], $0xffff  }
0x233: {  	v39 =	vadd.s32 v3, v39;
	v38 =	vld.idx.msk [tilespmem:v57+s0+$0x0], $0xffff;
	_ =	sdelay $0x1  }
0x234: {  	s7 =	sadd.s32 s26, s7  }
0x235: {  	[tilespmem:s0], [sflag:$0xB] =	stream.strided.gather [hbm4b:s7+s17], $0x1000, s28, s17, $0x38;
	[tilespmem:$0x14400] =	vst v63  }
0x236: {  	s3 =	sadd.s32 $0xFFFFFFFB, s18;
	v60 =	vor.u32 s1, v0;
	[tilespmem:v40+s31+$0x0] =	vst.idx.msk $0xffff, v37  }
0x237: {  	v62 =	vmov s3;
	v61 =	vor.u32 s1, v1;
	s7 =	simm.s32 $0xC;
	[tilespmem:v39+s31+$0x0] =	vst.idx.msk $0xffff, v38  }
0x238: {  	v63 =	vshll.u32 v62, $0x3;
	_ =	swait.ge [sflag:s7], $0x1000  }
0x239: {  	v40 =	vand.u32 $0xFFFFFC00, v63;
	v39 =	vand.u32 $0x7A, v62;
	[sflag:s7] =	ssyncset.done $0x0  }
0x23a: {  	s9 =	simm.s32 $0xA200;
	v39 =	vor.u32 v39, v40;
	[sflag:s7] =	ssyncadd.s32 $0xFFFFF000  }
0x23b: {  	v40 =	vadd.s32 v2, v39;
	v37 =	vld.idx.msk [tilespmem:v60+s9+$0x0], $0xffff  }
0x23c: {  	v39 =	vadd.s32 v3, v39;
	v38 =	vld.idx.msk [tilespmem:v61+s9+$0x0], $0xffff  }
0x23d: {  	s20 =	sand.u32 $0x7F, s20;
	s10 =	rddreg [dreg:$0x15]  }
0x23e: {  	s13 =	sand.u32 $0x7F, s13;
	s15 =	rddreg [dreg:$0x9];
	s14 =	sadd.s32 s26, s10  }
0x23f: {  	[tilespmem:s9], [sflag:$0xC] =	stream.strided.gather [hbm4b:s14+s17], $0x1000, s28, s17, $0x38;
	[tilespmem:$0x14400] =	vst v63  }
0x240: {  	s29 =	smov.u32 s20;
	s20 =	smov.u32 s13;
	s19 =	sadd.s32 $0xFFFFFFFC, s18;
	v44 =	vor.u32 s15, v0;
	[tilespmem:v40+s31+$0x0] =	vst.idx.msk $0xffff, v37  }
0x241: {  	v46 =	vmov s19;
	s21 =	simm.s32 $0xD;
	[dreg:$0x9] =	wrdreg s20;
	v45 =	vor.u32 s15, v1;
	[tilespmem:v39+s31+$0x0] =	vst.idx.msk $0xffff, v38  }
0x242: {  	v47 =	vshll.u32 v46, $0x3;
	_ =	swait.ge [sflag:s21], $0x1000  }
0x243: {  	v40 =	vand.u32 $0xFFFFFC00, v47;
	v39 =	vand.u32 $0x7B, v46;
	[sflag:s21] =	ssyncset.done $0x0  }
0x244: {  	s22 =	simm.s32 $0xB200;
	v39 =	vor.u32 v39, v40;
	[sflag:s21] =	ssyncadd.s32 $0xFFFFF000  }
0x245: {  	v40 =	vadd.s32 v2, v39;
	v37 =	vld.idx.msk [tilespmem:v44+s22+$0x0], $0xffff  }
0x246: {  	v39 =	vadd.s32 v3, v39;
	v38 =	vld.idx.msk [tilespmem:v45+s22+$0x0], $0xffff  }
0x247: {  	s23 =	rddreg [dreg:$0x14]  }
0x248: {  	s3 =	rddreg [dreg:$0x8];
	s1 =	sadd.s32 s26, s23  }
0x249: {  	[tilespmem:s22], [sflag:$0xD] =	stream.strided.gather [hbm4b:s1+s17], $0x1000, s28, s17, $0x38;
	[tilespmem:$0x14400] =	vst v63  }
0x24a: {  	s10 =	smov.u32 s11;
	s9 =	sadd.s32 $0xFFFFFFFD, s18;
	v48 =	vor.u32 s3, v0;
	[tilespmem:v40+s31+$0x0] =	vst.idx.msk $0xffff, v37  }
0x24b: {  	s11 =	simm.s32 $0xE;
	v50 =	vmov s9;
	[dreg:$0x8] =	wrdreg s10;
	v49 =	vor.u32 s3, v1;
	[tilespmem:v39+s31+$0x0] =	vst.idx.msk $0xffff, v38  }
0x24c: {  	v51 =	vshll.u32 v50, $0x3;
	_ =	swait.ge [sflag:s11], $0x1000  }
0x24d: {  	v40 =	vand.u32 $0xFFFFFC00, v51;
	v39 =	vand.u32 $0x7C, v50;
	[sflag:s11] =	ssyncset.done $0x0  }
0x24e: {  	s13 =	simm.s32 $0xC200;
	v39 =	vor.u32 v39, v40;
	[sflag:s11] =	ssyncadd.s32 $0xFFFFF000  }
0x24f: {  	v40 =	vadd.s32 v2, v39;
	v37 =	vld.idx.msk [tilespmem:v48+s13+$0x0], $0xffff  }
0x250: {  	v39 =	vadd.s32 v3, v39;
	v38 =	vld.idx.msk [tilespmem:v49+s13+$0x0], $0xffff  }
0x251: {  	s14 =	rddreg [dreg:$0x12]  }
0x252: {  	s19 =	rddreg [dreg:$0xf];
	s15 =	sadd.s32 s26, s14  }
0x253: {  	[tilespmem:s13], [sflag:$0xE] =	stream.strided.gather [hbm4b:s15+s17], $0x1000, s28, s17, $0x38;
	[tilespmem:$0x14400] =	vst v63  }
0x254: {  	s20 =	sadd.s32 $0xFFFFFFFE, s18;
	v52 =	vor.u32 s19, v0;
	[tilespmem:v40+s31+$0x0] =	vst.idx.msk $0xffff, v37  }
0x255: {  	v54 =	vmov s20;
	s22 =	simm.s32 $0xF;
	v53 =	vor.u32 s19, v1;
	[tilespmem:v39+s31+$0x0] =	vst.idx.msk $0xffff, v38  }
0x256: {  	v55 =	vshll.u32 v54, $0x3;
	s21 =	rddreg [dreg:$0x16];
	_ =	swait.ge [sflag:s22], $0x1000  }
0x257: {  	v40 =	vand.u32 $0xFFFFFC00, v55;
	v39 =	vand.u32 $0x7D, v54;
	[sflag:s22] =	ssyncset.done $0x0  }
0x258: {  	s23 =	simm.s32 $0xD200;
	v39 =	vor.u32 v39, v40;
	[sflag:s22] =	ssyncadd.s32 $0xFFFFF000  }
0x259: {  	v40 =	vadd.s32 v2, v39;
	v37 =	vld.idx.msk [tilespmem:v52+s23+$0x0], $0xffff  }
0x25a: {  	v39 =	vadd.s32 v3, v39;
	v38 =	vld.idx.msk [tilespmem:v53+s23+$0x0], $0xffff  }
0x25b: {  	s1 =	rddreg [dreg:$0x11]  }
0x25c: {  	s3 =	rddreg [dreg:$0x7];
	s0 =	sadd.s32 s26, s1  }
0x25d: {  	[tilespmem:s23], [sflag:$0xF] =	stream.strided.gather [hbm4b:s0+s17], $0x1000, s28, s17, $0x38;
	[tilespmem:$0x14400] =	vst v63  }
0x25e: {  	s7 =	sadd.s32 $0xFFFFFFFF, s18;
	s10 =	smov.u32 s16;
	v56 =	vor.u32 s3, v0;
	[tilespmem:v40+s31+$0x0] =	vst.idx.msk $0xffff, v37  }
0x25f: {  	v58 =	vmov s7;
	s11 =	simm.s32 $0x10;
	[dreg:$0x7] =	wrdreg s10;
	v57 =	vor.u32 s3, v1;
	[tilespmem:v39+s31+$0x0] =	vst.idx.msk $0xffff, v38  }
0x260: {  	v59 =	vshll.u32 v58, $0x3;
	_ =	swait.ge [sflag:s11], $0x1000  }
0x261: {  	v40 =	vand.u32 $0xFFFFFC00, v59;
	v39 =	vand.u32 $0x7E, v58;
	[sflag:s11] =	ssyncset.done $0x0  }
0x262: {  	s13 =	simm.s32 $0xE200;
	v39 =	vor.u32 v39, v40;
	[sflag:s11] =	ssyncadd.s32 $0xFFFFF000  }
0x263: {  	v40 =	vadd.s32 v2, v39;
	v37 =	vld.idx.msk [tilespmem:v56+s13+$0x0], $0xffff  }
0x264: {  	s14 =	rddreg [dreg:$0x10];
	v39 =	vadd.s32 v3, v39;
	v38 =	vld.idx.msk [tilespmem:v57+s13+$0x0], $0xffff  }
0x265: {  	s15 =	rddreg [dreg:$0x6]  }
0x266: {  	s19 =	rddreg [dreg:$0x13];
	s0 =	sadd.s32 s26, s14  }
0x267: {  	[tilespmem:s13], [sflag:$0x10] =	stream.strided.gather [hbm4b:s0+s17], $0x1000, s28, s17, $0x38;
	[tilespmem:$0x14400] =	vst v63  }
0x268: {  	p0 =	sne.s32 s5, $0x1EF;
	v60 =	vor.u32 s15, v0;
	s20 =	smov.u32 s19;
	[tilespmem:v40+s31+$0x0] =	vst.idx.msk $0xffff, v37  }
0x269: {  	s9 =	smov.u32 s21;
	s21 =	simm.s32 $0x11;
	v61 =	vor.u32 s15, v1;
	[dreg:$0x6] =	wrdreg s20;
	[tilespmem:v39+s31+$0x0] =	vst.idx.msk $0xffff, v38  }
.Ltmp0:
0x26a: {  	v62 =	vmov s18;
	s16 =	rddreg [dreg:$0xd];
	_ =	swait.ge [sflag:s21], $0x1000;
	(pc) =	sbr.rel @p0 .LBB2_2-.Ltmp0, $4  }
0x26b: {  	s5 =	sadd.s32 $0x10, s5;
	v63 =	vshll.u32 v62, $0x3;
	[sflag:s21] =	ssyncset.done $0x0  }
0x26c: {  	s22 =	simm.s32 $0xF200;
	v40 =	vand.u32 $0xFFFFFC00, v63;
	v39 =	vand.u32 $0x7F, v62;
	s23 =	rddreg [dreg:$0xe];
	[sflag:s21] =	ssyncadd.s32 $0xFFFFF000  }
0x26d: {  	s8 =	smov.u32 s2;
	s18 =	smov.u32 s16;
	v39 =	vor.u32 v39, v40;
	s0 =	sadd.s32 s26, s23;
	v37 =	vld.idx.msk [tilespmem:v60+s22+$0x0], $0xffff  }
0x26e: {  	v40 =	vadd.s32 v2, v39;
	v39 =	vadd.s32 v3, v39;
	(v2sf) =	vpush v36, $0x0;
	v38 =	vld.idx.msk [tilespmem:v61+s22+$0x0], $0xffff;
	[tilespmem:s22], [sflag:$0x11] =	stream.strided.gather [hbm4b:s0+s17], $0x1000, s28, s17, $0x38  }
0x26f: {  	_ =	sdelay $0x3  }
0x270: {  	[tilespmem:v40+s31+$0x0] =	vst.idx.msk $0xffff, v37  }
0x271: {  	s0 =	sadd.s32 $0x10, s6;
	[tilespmem:v39+s31+$0x0] =	vst.idx.msk $0xffff, v38  }
0x272: {  	v36 =	vld [tilespmem:s0+$0x0];
	_ =	sdelay $0x4  }
0x273: {  	(v2sf) =	vpush v36, $0x0  }
0x274: {  	(v2sf) =	vpush v36, $0x1  }
0x275: {  	(v2sf) =	vpush v36, $0x2;
	_ =	sdelay $0x1  }
0x276: {  	(v2sf) =	vpush v36, $0x3  }
0x277: {  	(v2sf) =	vpush v36, $0x4;
	_ =	sdelay $0x2  }
0x278: {  	s2 =	spop (v2sf);
	(v2sf) =	vpush v36, $0x5  }
0x279: {  	s0 =	sand.u32 $0x7F, s2;
	(v2sf) =	vpush v36, $0x6  }
0x27a: {  	s1 =	simm.s32 $0x2;
	s2 =	sadd.s32 $0xFFFFFFF1, s18;
	v60 =	vor.u32 s0, v0;
	(v2sf) =	vpush v36, $0x7  }
0x27b: {  	v61 =	vor.u32 s0, v1;
	v62 =	vmov s2;
	_ =	swait.ge [sflag:s1], $0x1000  }
0x27c: {  	v63 =	vshll.u32 v62, $0x3;
	(v2sf) =	vpush v36, $0x8  }
0x27d: {  	s3 =	simm.s32 $0x200;
	v39 =	vand.u32 $0x70, v62;
	v40 =	vand.u32 $0xFFFFFC00, v63;
	[sflag:s1] =	ssyncset.done $0x0;
	(v2sf) =	vpush v36, $0x9  }
0x27e: {  	s5 =	simm.s32 $0x200;
	s17 =	simm.s32 $0x400;
	v39 =	vor.u32 v39, v40;
	[sflag:s1] =	ssyncadd.s32 $0xFFFFF000;
	(v2sf) =	vpush v36, $0xA  }
0x27f: {  	s19 =	simm.s32 $0x7A1400;
	v40 =	vadd.s32 v2, v39;
	v37 =	vld.idx.msk [tilespmem:v60+s3+$0x0], $0xffff;
	s14 =	rddreg [dreg:$0x1];
	(v2sf) =	vpush v36, $0xB;
	s6 =	spop (v2sf)  }
0x280: {  	v39 =	vadd.s32 v3, v39;
	v38 =	vld.idx.msk [tilespmem:v61+s3+$0x0], $0xffff;
	(v2sf) =	vpush v36, $0xC;
	[smem:$0x7E2] =	sst s6;
	s0 =	sand.u32 $0xFFFFF80, s6;
	s7 =	spop (v2sf)  }
0x281: {  	(v2sf) =	vpush v36, $0xD;
	[smem:$0x7E3] =	sst s7;
	s0 =	sadd.s32 s14, s0;
	s10 =	spop (v2sf)  }
0x282: {  	[tilespmem:s5], [sflag:$0x2] =	stream.strided.gather [hbm4b:s0+s17], $0x1000, s19, s17, $0x38;
	[tilespmem:$0x14400] =	vst v63  }
0x283: {  	[smem:$0x7E4] =	sst s10;
	s1 =	spop (v2sf)  }
0x284: {  	v42 =	vor.u32 s4, v0;
	(v2sf) =	vpush v36, $0xE;
	[tilespmem:v40+s31+$0x0] =	vst.idx.msk $0xffff, v37;
	[smem:$0x7E5] =	sst s1;
	s20 =	spop (v2sf)  }
0x285: {  	s11 =	sadd.s32 $0xFFFFFFF2, s18;
	v43 =	vor.u32 s4, v1;
	s13 =	simm.s32 $0x3;
	(v2sf) =	vpush v36, $0xF;
	[tilespmem:v39+s31+$0x0] =	vst.idx.msk $0xffff, v38;
	[smem:$0x7E6] =	sst s20  }
0x286: {  	s22 =	simm.s32 $0x1200;
	v44 =	vmov s11;
	_ =	swait.ge [sflag:s13], $0x1000  }
0x287: {  	v45 =	vshll.u32 v44, $0x3;
	s21 =	sand.u32 $0xFFFFF80, s7;
	s16 =	spop (v2sf);
	[sflag:s13] =	ssyncset.done $0x0  }
0x288: {  	v38 =	vand.u32 $0x71, v44;
	v39 =	vand.u32 $0xFFFFFC00, v45;
	[smem:$0x7E7] =	sst s16;
	s15 =	spop (v2sf);
	[sflag:s13] =	ssyncadd.s32 $0xFFFFF000  }
0x289: {  	s0 =	sadd.s32 s14, s21;
	v38 =	vor.u32 v38, v39;
	[smem:$0x7E8] =	sst s15;
	s11 =	spop (v2sf);
	v36 =	vld.idx.msk [tilespmem:v42+s22+$0x0], $0xffff  }
0x28a: {  	v39 =	vadd.s32 v2, v38;
	v37 =	vld.idx.msk [tilespmem:v43+s22+$0x0], $0xffff;
	[tilespmem:s22], [sflag:$0x3] =	stream.strided.gather [hbm4b:s0+s17], $0x1000, s19, s17, $0x38  }
0x28b: {  	v38 =	vadd.s32 v3, v38;
	[smem:$0x7E9] =	sst s11;
	s7 =	spop (v2sf)  }
0x28c: {  	[smem:$0x7EA] =	sst s7;
	s6 =	spop (v2sf)  }
0x28d: {  	[smem:$0x7EB] =	sst s6;
	s2 =	spop (v2sf)  }
0x28e: {  	[smem:$0x7EC] =	sst s2;
	s5 =	spop (v2sf)  }
0x28f: {  	v46 =	vor.u32 s12, v0;
	s13 =	sadd.s32 $0xFFFFFFF3, s18;
	[smem:$0x7ED] =	sst s5;
	[tilespmem:v39+s31+$0x0] =	vst.idx.msk $0xffff, v36;
	s4 =	spop (v2sf)  }
0x290: {  	v47 =	vor.u32 s12, v1;
	s23 =	simm.s32 $0x4;
	v48 =	vmov s13;
	[tilespmem:v38+s31+$0x0] =	vst.idx.msk $0xffff, v37;
	[smem:$0x7EE] =	sst s4;
	s22 =	spop (v2sf)  }
0x291: {  	v49 =	vshll.u32 v48, $0x3;
	_ =	swait.ge [sflag:s23], $0x1000  }
0x292: {  	v50 =	vand.u32 $0x72, v48;
	v37 =	vand.u32 $0xFFFFFC00, v49;
	[sflag:s23] =	ssyncset.done $0x0  }
0x293: {  	s26 =	simm.s32 $0x2200;
	v37 =	vor.u32 v50, v37;
	[sflag:s23] =	ssyncadd.s32 $0xFFFFF000  }
0x294: {  	v38 =	vadd.s32 v2, v37;
	v36 =	vld.idx.msk [tilespmem:v46+s26+$0x0], $0xffff  }
0x295: {  	v37 =	vadd.s32 v3, v37;
	v39 =	vld.idx.msk [tilespmem:v47+s26+$0x0], $0xffff  }
0x296: {  	s10 =	sand.u32 $0xFFFFF80, s10  }
0x297: {  	s10 =	sadd.s32 s14, s10;
	s28 =	spop (v2sf)  }
0x298: {  	[tilespmem:s26], [sflag:$0x4] =	stream.strided.gather [hbm4b:s10+s17], $0x1000, s19, s17, $0x38;
	[tilespmem:$0x14400] =	vst v63  }
0x299: {  	v51 =	vor.u32 s30, v0;
	s3 =	sadd.s32 $0xFFFFFFF4, s18;
	[smem:$0x7E0] =	sst s28;
	s10 =	spop (v2sf);
	[tilespmem:v38+s31+$0x0] =	vst.idx.msk $0xffff, v36  }
0x29a: {  	v52 =	vor.u32 s30, v1;
	v53 =	vmov s3;
	s23 =	simm.s32 $0x5;
	[smem:$0x7E1] =	sst s10;
	[tilespmem:v37+s31+$0x0] =	vst.idx.msk $0xffff, v39  }
0x29b: {  	v54 =	vshll.u32 v53, $0x3;
	_ =	swait.ge [sflag:s23], $0x1000  }
0x29c: {  	v55 =	vand.u32 $0x73, v53;
	v37 =	vand.u32 $0xFFFFFC00, v54;
	[sflag:s23] =	ssyncset.done $0x0  }
0x29d: {  	s12 =	simm.s32 $0x3200;
	v37 =	vor.u32 v55, v37;
	[sflag:s23] =	ssyncadd.s32 $0xFFFFF000  }
0x29e: {  	v39 =	vadd.s32 v2, v37;
	v36 =	vld.idx.msk [tilespmem:v51+s12+$0x0], $0xffff  }
0x29f: {  	v37 =	vadd.s32 v3, v37;
	v38 =	vld.idx.msk [tilespmem:v52+s12+$0x0], $0xffff  }
0x2a0: {  	s21 =	sand.u32 $0xFFFFF80, s1  }
0x2a1: {  	s13 =	sadd.s32 s14, s21;
	s26 =	rddreg [dreg:$0xc]  }
0x2a2: {  	[tilespmem:s12], [sflag:$0x5] =	stream.strided.gather [hbm4b:s13+s17], $0x1000, s19, s17, $0x38;
	[tilespmem:$0x14400] =	vst v63  }
0x2a3: {  	s28 =	sadd.s32 $0xFFFFFFF5, s18;
	v56 =	vor.u32 s26, v0;
	[tilespmem:v39+s31+$0x0] =	vst.idx.msk $0xffff, v36  }
0x2a4: {  	s21 =	simm.s32 $0x6;
	v58 =	vmov s28;
	v57 =	vor.u32 s26, v1;
	[tilespmem:v37+s31+$0x0] =	vst.idx.msk $0xffff, v38  }
0x2a5: {  	v59 =	vshll.u32 v58, $0x3;
	_ =	swait.ge [sflag:s21], $0x1000  }
0x2a6: {  	v60 =	vand.u32 $0x74, v58;
	v37 =	vand.u32 $0xFFFFFC00, v59;
	[sflag:s21] =	ssyncset.done $0x0  }
0x2a7: {  	s30 =	simm.s32 $0x4200;
	v37 =	vor.u32 v60, v37;
	[sflag:s21] =	ssyncadd.s32 $0xFFFFF000  }
0x2a8: {  	v38 =	vadd.s32 v2, v37;
	v36 =	vld.idx.msk [tilespmem:v56+s30+$0x0], $0xffff  }
0x2a9: {  	v37 =	vadd.s32 v3, v37;
	v39 =	vld.idx.msk [tilespmem:v57+s30+$0x0], $0xffff  }
0x2aa: {  	s3 =	sand.u32 $0xFFFFF80, s20  }
0x2ab: {  	s1 =	sadd.s32 s14, s3;
	s10 =	rddreg [dreg:$0xb]  }
0x2ac: {  	[tilespmem:s30], [sflag:$0x6] =	stream.strided.gather [hbm4b:s1+s17], $0x1000, s19, s17, $0x38;
	[tilespmem:$0x14400] =	vst v63  }
0x2ad: {  	s12 =	sadd.s32 $0xFFFFFFF6, s18;
	v61 =	vor.u32 s10, v0;
	[tilespmem:v38+s31+$0x0] =	vst.idx.msk $0xffff, v36  }
0x2ae: {  	s20 =	simm.s32 $0x7;
	v63 =	vmov s12;
	v62 =	vor.u32 s10, v1;
	[tilespmem:v37+s31+$0x0] =	vst.idx.msk $0xffff, v39  }
0x2af: {  	v43 =	vshll.u32 v63, $0x3;
	_ =	swait.ge [sflag:s20], $0x1000  }
0x2b0: {  	v44 =	vand.u32 $0x75, v63;
	v37 =	vand.u32 $0xFFFFFC00, v43;
	[sflag:s20] =	ssyncset.done $0x0  }
0x2b1: {  	s13 =	simm.s32 $0x5200;
	v37 =	vor.u32 v44, v37;
	[sflag:s20] =	ssyncadd.s32 $0xFFFFF000  }
0x2b2: {  	v39 =	vadd.s32 v2, v37;
	v36 =	vld.idx.msk [tilespmem:v61+s13+$0x0], $0xffff  }
0x2b3: {  	v37 =	vadd.s32 v3, v37;
	v38 =	vld.idx.msk [tilespmem:v62+s13+$0x0], $0xffff  }
0x2b4: {  	s26 =	sand.u32 $0xFFFFF80, s16  }
0x2b5: {  	s1 =	sadd.s32 s14, s26  }
0x2b6: {  	[tilespmem:s13], [sflag:$0x7] =	stream.strided.gather [hbm4b:s1+s17], $0x1000, s19, s17, $0x38;
	[tilespmem:$0x14400] =	vst v63  }
0x2b7: {  	v45 =	vor.u32 s24, v0;
	s28 =	sadd.s32 $0xFFFFFFF7, s18;
	[tilespmem:v39+s31+$0x0] =	vst.idx.msk $0xffff, v36  }
0x2b8: {  	v46 =	vor.u32 s24, v1;
	v47 =	vmov s28;
	s16 =	simm.s32 $0x8;
	[tilespmem:v37+s31+$0x0] =	vst.idx.msk $0xffff, v38  }
0x2b9: {  	v48 =	vshll.u32 v47, $0x3;
	_ =	swait.ge [sflag:s16], $0x1000  }
0x2ba: {  	v49 =	vand.u32 $0x76, v47;
	v37 =	vand.u32 $0xFFFFFC00, v48;
	[sflag:s16] =	ssyncset.done $0x0  }
0x2bb: {  	s24 =	simm.s32 $0x6200;
	v37 =	vor.u32 v49, v37;
	[sflag:s16] =	ssyncadd.s32 $0xFFFFF000  }
0x2bc: {  	v38 =	vadd.s32 v2, v37;
	v36 =	vld.idx.msk [tilespmem:v45+s24+$0x0], $0xffff  }
0x2bd: {  	v37 =	vadd.s32 v3, v37;
	v39 =	vld.idx.msk [tilespmem:v46+s24+$0x0], $0xffff  }
0x2be: {  	s30 =	sand.u32 $0xFFFFF80, s15  }
0x2bf: {  	s1 =	sadd.s32 s14, s30  }
0x2c0: {  	[tilespmem:s24], [sflag:$0x8] =	stream.strided.gather [hbm4b:s1+s17], $0x1000, s19, s17, $0x38;
	[tilespmem:$0x14400] =	vst v63  }
0x2c1: {  	s0 =	sadd.s32 $0xFFFFFFF8, s18;
	v50 =	vor.u32 s25, v0;
	[tilespmem:v38+s31+$0x0] =	vst.idx.msk $0xffff, v36  }
0x2c2: {  	v51 =	vor.u32 s25, v1;
	v52 =	vmov s0;
	s15 =	simm.s32 $0x9;
	[tilespmem:v37+s31+$0x0] =	vst.idx.msk $0xffff, v39  }
0x2c3: {  	v53 =	vshll.u32 v52, $0x3;
	_ =	swait.ge [sflag:s15], $0x1000  }
0x2c4: {  	v37 =	vand.u32 $0x77, v52;
	v39 =	vand.u32 $0xFFFFFC00, v53;
	[sflag:s15] =	ssyncset.done $0x0  }
0x2c5: {  	s25 =	simm.s32 $0x7200;
	v37 =	vor.u32 v37, v39;
	[sflag:s15] =	ssyncadd.s32 $0xFFFFF000  }
0x2c6: {  	v39 =	vadd.s32 v2, v37;
	v36 =	vld.idx.msk [tilespmem:v50+s25+$0x0], $0xffff  }
0x2c7: {  	v37 =	vadd.s32 v3, v37;
	v38 =	vld.idx.msk [tilespmem:v51+s25+$0x0], $0xffff  }
0x2c8: {  	s3 =	sand.u32 $0xFFFFF80, s11  }
0x2c9: {  	s1 =	sadd.s32 s14, s3;
	s10 =	rddreg [dreg:$0xa]  }
0x2ca: {  	[tilespmem:s25], [sflag:$0x9] =	stream.strided.gather [hbm4b:s1+s17], $0x1000, s19, s17, $0x38;
	[tilespmem:$0x14400] =	vst v63  }
0x2cb: {  	s11 =	sadd.s32 $0xFFFFFFF9, s18;
	v54 =	vor.u32 s10, v0;
	[tilespmem:v39+s31+$0x0] =	vst.idx.msk $0xffff, v36  }
0x2cc: {  	v56 =	vmov s11;
	s13 =	simm.s32 $0xA;
	v55 =	vor.u32 s10, v1;
	[tilespmem:v37+s31+$0x0] =	vst.idx.msk $0xffff, v38  }
0x2cd: {  	v57 =	vshll.u32 v56, $0x3;
	_ =	swait.ge [sflag:s13], $0x1000  }
0x2ce: {  	v37 =	vand.u32 $0x78, v56;
	v38 =	vand.u32 $0xFFFFFC00, v57;
	[sflag:s13] =	ssyncset.done $0x0  }
0x2cf: {  	s26 =	simm.s32 $0x8200;
	v37 =	vor.u32 v37, v38;
	[sflag:s13] =	ssyncadd.s32 $0xFFFFF000  }
0x2d0: {  	v38 =	vadd.s32 v2, v37;
	v36 =	vld.idx.msk [tilespmem:v54+s26+$0x0], $0xffff  }
0x2d1: {  	v37 =	vadd.s32 v3, v37;
	v39 =	vld.idx.msk [tilespmem:v55+s26+$0x0], $0xffff  }
0x2d2: {  	s12 =	sand.u32 $0xFFFFF80, s7  }
0x2d3: {  	s1 =	sadd.s32 s14, s12  }
0x2d4: {  	[tilespmem:s26], [sflag:$0xA] =	stream.strided.gather [hbm4b:s1+s17], $0x1000, s19, s17, $0x38;
	[tilespmem:$0x14400] =	vst v63  }
0x2d5: {  	v58 =	vor.u32 s29, v0;
	s28 =	sadd.s32 $0xFFFFFFFA, s18;
	[tilespmem:v38+s31+$0x0] =	vst.idx.msk $0xffff, v36  }
0x2d6: {  	s0 =	simm.s32 $0xB;
	v59 =	vor.u32 s29, v1;
	v60 =	vmov s28;
	[tilespmem:v37+s31+$0x0] =	vst.idx.msk $0xffff, v39  }
0x2d7: {  	v61 =	vshll.u32 v60, $0x3;
	_ =	swait.ge [sflag:s0], $0x1000  }
0x2d8: {  	v37 =	vand.u32 $0x79, v60;
	v39 =	vand.u32 $0xFFFFFC00, v61;
	[sflag:s0] =	ssyncset.done $0x0  }
0x2d9: {  	s28 =	simm.s32 $0x9200;
	v37 =	vor.u32 v37, v39;
	[sflag:s0] =	ssyncadd.s32 $0xFFFFF000  }
0x2da: {  	v39 =	vadd.s32 v2, v37;
	v36 =	vld.idx.msk [tilespmem:v58+s28+$0x0], $0xffff  }
0x2db: {  	v37 =	vadd.s32 v3, v37;
	v38 =	vld.idx.msk [tilespmem:v59+s28+$0x0], $0xffff  }
0x2dc: {  	s29 =	sand.u32 $0xFFFFF80, s6  }
0x2dd: {  	s1 =	sadd.s32 s14, s29  }
0x2de: {  	[tilespmem:s28], [sflag:$0xB] =	stream.strided.gather [hbm4b:s1+s17], $0x1000, s19, s17, $0x38;
	[tilespmem:$0x14400] =	vst v63  }
0x2df: {  	v62 =	vor.u32 s8, v0;
	s30 =	sadd.s32 $0xFFFFFFFB, s18;
	[tilespmem:v39+s31+$0x0] =	vst.idx.msk $0xffff, v36  }
0x2e0: {  	v63 =	vor.u32 s8, v1;
	s11 =	simm.s32 $0xC;
	v40 =	vmov s30;
	[tilespmem:v37+s31+$0x0] =	vst.idx.msk $0xffff, v38  }
0x2e1: {  	v41 =	vshll.u32 v40, $0x3;
	_ =	swait.ge [sflag:s11], $0x1000  }
0x2e2: {  	v37 =	vand.u32 $0x7A, v40;
	v38 =	vand.u32 $0xFFFFFC00, v41;
	[sflag:s11] =	ssyncset.done $0x0  }
0x2e3: {  	s29 =	simm.s32 $0xA200;
	v37 =	vor.u32 v37, v38;
	[sflag:s11] =	ssyncadd.s32 $0xFFFFF000  }
0x2e4: {  	v38 =	vadd.s32 v2, v37;
	v36 =	vld.idx.msk [tilespmem:v62+s29+$0x0], $0xffff  }
0x2e5: {  	v37 =	vadd.s32 v3, v37;
	v39 =	vld.idx.msk [tilespmem:v63+s29+$0x0], $0xffff  }
0x2e6: {  	s2 =	sand.u32 $0xFFFFF80, s2  }
0x2e7: {  	s1 =	sadd.s32 s14, s2;
	s3 =	rddreg [dreg:$0x9]  }
0x2e8: {  	[tilespmem:s29], [sflag:$0xC] =	stream.strided.gather [hbm4b:s1+s17], $0x1000, s19, s17, $0x38;
	[tilespmem:$0x14400] =	vst v63  }
0x2e9: {  	s6 =	sadd.s32 $0xFFFFFFFC, s18;
	v42 =	vor.u32 s3, v0;
	[tilespmem:v38+s31+$0x0] =	vst.idx.msk $0xffff, v36  }
0x2ea: {  	v44 =	vmov s6;
	s10 =	simm.s32 $0xD;
	v43 =	vor.u32 s3, v1;
	[tilespmem:v37+s31+$0x0] =	vst.idx.msk $0xffff, v39  }
0x2eb: {  	v45 =	vshll.u32 v44, $0x3;
	_ =	swait.ge [sflag:s10], $0x1000  }
0x2ec: {  	v37 =	vand.u32 $0x7B, v44;
	v39 =	vand.u32 $0xFFFFFC00, v45;
	[sflag:s10] =	ssyncset.done $0x0  }
0x2ed: {  	s30 =	simm.s32 $0xB200;
	v37 =	vor.u32 v37, v39;
	[sflag:s10] =	ssyncadd.s32 $0xFFFFF000  }
0x2ee: {  	v39 =	vadd.s32 v2, v37;
	v36 =	vld.idx.msk [tilespmem:v42+s30+$0x0], $0xffff  }
0x2ef: {  	v37 =	vadd.s32 v3, v37;
	v38 =	vld.idx.msk [tilespmem:v43+s30+$0x0], $0xffff  }
0x2f0: {  	s7 =	sand.u32 $0xFFFFF80, s5  }
0x2f1: {  	s1 =	sadd.s32 s14, s7;
	s8 =	rddreg [dreg:$0x8]  }
0x2f2: {  	[tilespmem:s30], [sflag:$0xD] =	stream.strided.gather [hbm4b:s1+s17], $0x1000, s19, s17, $0x38;
	[tilespmem:$0x14400] =	vst v63  }
0x2f3: {  	s12 =	sadd.s32 $0xFFFFFFFD, s18;
	v46 =	vor.u32 s8, v0;
	[tilespmem:v39+s31+$0x0] =	vst.idx.msk $0xffff, v36  }
0x2f4: {  	v48 =	vmov s12;
	s7 =	simm.s32 $0xE;
	v47 =	vor.u32 s8, v1;
	[tilespmem:v37+s31+$0x0] =	vst.idx.msk $0xffff, v38  }
0x2f5: {  	v49 =	vshll.u32 v48, $0x3;
	_ =	swait.ge [sflag:s7], $0x1000  }
0x2f6: {  	v37 =	vand.u32 $0x7C, v48;
	v38 =	vand.u32 $0xFFFFFC00, v49;
	[sflag:s7] =	ssyncset.done $0x0  }
0x2f7: {  	s12 =	simm.s32 $0xC200;
	v37 =	vor.u32 v37, v38;
	[sflag:s7] =	ssyncadd.s32 $0xFFFFF000  }
0x2f8: {  	v38 =	vadd.s32 v2, v37;
	v36 =	vld.idx.msk [tilespmem:v46+s12+$0x0], $0xffff  }
0x2f9: {  	v37 =	vadd.s32 v3, v37;
	v39 =	vld.idx.msk [tilespmem:v47+s12+$0x0], $0xffff  }
0x2fa: {  	s2 =	sand.u32 $0xFFFFF80, s4  }
0x2fb: {  	s1 =	sadd.s32 s14, s2  }
0x2fc: {  	[tilespmem:s12], [sflag:$0xE] =	stream.strided.gather [hbm4b:s1+s17], $0x1000, s19, s17, $0x38;
	[tilespmem:$0x14400] =	vst v63  }
0x2fd: {  	v50 =	vor.u32 s9, v0;
	s3 =	sadd.s32 $0xFFFFFFFE, s18;
	[tilespmem:v38+s31+$0x0] =	vst.idx.msk $0xffff, v36  }
0x2fe: {  	s5 =	simm.s32 $0xF;
	v51 =	vor.u32 s9, v1;
	v52 =	vmov s3;
	[tilespmem:v37+s31+$0x0] =	vst.idx.msk $0xffff, v39  }
0x2ff: {  	v53 =	vshll.u32 v52, $0x3;
	_ =	swait.ge [sflag:s5], $0x1000  }
0x300: {  	v37 =	vand.u32 $0x7D, v52;
	v39 =	vand.u32 $0xFFFFFC00, v53;
	[sflag:s5] =	ssyncset.done $0x0  }
0x301: {  	s9 =	simm.s32 $0xD200;
	v37 =	vor.u32 v37, v39;
	[sflag:s5] =	ssyncadd.s32 $0xFFFFF000  }
0x302: {  	v39 =	vadd.s32 v2, v37;
	v36 =	vld.idx.msk [tilespmem:v50+s9+$0x0], $0xffff  }
0x303: {  	v37 =	vadd.s32 v3, v37;
	v38 =	vld.idx.msk [tilespmem:v51+s9+$0x0], $0xffff  }
0x304: {  	s4 =	sand.u32 $0xFFFFF80, s22  }
0x305: {  	s1 =	sadd.s32 s14, s4;
	s6 =	rddreg [dreg:$0x7]  }
0x306: {  	[tilespmem:s9], [sflag:$0xF] =	stream.strided.gather [hbm4b:s1+s17], $0x1000, s19, s17, $0x38;
	[tilespmem:$0x14400] =	vst v63  }
0x307: {  	s8 =	sadd.s32 $0xFFFFFFFF, s18;
	v54 =	vor.u32 s6, v0;
	[tilespmem:v39+s31+$0x0] =	vst.idx.msk $0xffff, v36  }
0x308: {  	s3 =	simm.s32 $0x10;
	v56 =	vmov s8;
	v55 =	vor.u32 s6, v1;
	[tilespmem:v37+s31+$0x0] =	vst.idx.msk $0xffff, v38  }
0x309: {  	v57 =	vshll.u32 v56, $0x3;
	_ =	swait.ge [sflag:s3], $0x1000  }
0x30a: {  	v37 =	vand.u32 $0x7E, v56;
	v38 =	vand.u32 $0xFFFFFC00, v57;
	[sflag:s3] =	ssyncset.done $0x0  }
0x30b: {  	s8 =	simm.s32 $0xE200;
	v37 =	vor.u32 v37, v38;
	s6 =	sld [smem:$0x7E0];
	[sflag:s3] =	ssyncadd.s32 $0xFFFFF000  }
0x30c: {  	v38 =	vadd.s32 v2, v37;
	v36 =	vld.idx.msk [tilespmem:v54+s8+$0x0], $0xffff  }
0x30d: {  	v37 =	vadd.s32 v3, v37;
	v39 =	vld.idx.msk [tilespmem:v55+s8+$0x0], $0xffff  }
0x30e: {  	s2 =	sand.u32 $0xFFFFF80, s6  }
0x30f: {  	s1 =	sadd.s32 s14, s2  }
0x310: {  	[tilespmem:s8], [sflag:$0x10] =	stream.strided.gather [hbm4b:s1+s17], $0x1000, s19, s17, $0x38;
	[tilespmem:$0x14400] =	vst v63  }
0x311: {  	[tilespmem:v38+s31+$0x0] =	vst.idx.msk $0xffff, v36  }
0x312: {  	s4 =	rddreg [dreg:$0x6];
	s2 =	simm.s32 $0x11;
	[tilespmem:v37+s31+$0x0] =	vst.idx.msk $0xffff, v39  }
0x313: {  	v58 =	vor.u32 s4, v0;
	_ =	swait.ge [sflag:s2], $0x1000  }
0x314: {  	v59 =	vor.u32 s4, v1;
	s4 =	sld [smem:$0x7E1]  }
0x315: {  	v60 =	vmov s18  }
0x316: {  	v61 =	vshll.u32 v60, $0x3;
	[sflag:s2] =	ssyncset.done $0x0  }
0x317: {  	s18 =	simm.s32 $0xF200;
	v37 =	vand.u32 $0x7F, v60;
	v39 =	vand.u32 $0xFFFFFC00, v61;
	[sflag:s2] =	ssyncadd.s32 $0xFFFFF000;
	s1 =	sand.u32 $0xFFFFF80, s4  }
0x318: {  	v37 =	vor.u32 v37, v39;
	v36 =	vld.idx.msk [tilespmem:v58+s18+$0x0], $0xffff;
	s1 =	sadd.s32 s14, s1  }
0x319: {  	v39 =	vadd.s32 v2, v37;
	v38 =	vld.idx.msk [tilespmem:v59+s18+$0x0], $0xffff;
	[tilespmem:s18], [sflag:$0x11] =	stream.strided.gather [hbm4b:s1+s17], $0x1000, s19, s17, $0x38  }
0x31a: {  	v37 =	vadd.s32 v3, v37;
	s19 =	sld [smem:$0x7E2];
	_ =	sdelay $0x2  }
0x31b: {  	s1 =	sand.u32 $0x7F, s19  }
0x31c: {  	[tilespmem:v39+s31+$0x0] =	vst.idx.msk $0xffff, v36;
	v62 =	vor.u32 s1, v0  }
0x31d: {  	s14 =	simm.s32 $0x2;
	[tilespmem:v37+s31+$0x0] =	vst.idx.msk $0xffff, v38;
	v63 =	vor.u32 s1, v1  }
0x31e: {  	_ =	swait.ge [sflag:s14], $0x1000  }
0x31f: {  	[sflag:s14] =	ssyncset.done $0x0  }
0x320: {  	s17 =	simm.s32 $0x200;
	[sflag:s14] =	ssyncadd.s32 $0xFFFFF000  }
0x321: {  	v36 =	vld.idx.msk [tilespmem:v62+s17+$0x0], $0xffff  }
0x322: {  	s19 =	sld [smem:$0x7E3];
	v42 =	vld.idx.msk [tilespmem:v63+s17+$0x0], $0xffff;
	_ =	sdelay $0x2  }
0x323: {  	s1 =	sand.u32 $0x7F, s19  }
0x324: {  	v43 =	vor.u32 s1, v0;
	[tilespmem:v4+s31+$0x0] =	vst.idx.msk $0xffff, v36  }
0x325: {  	s14 =	simm.s32 $0x3;
	v44 =	vor.u32 s1, v1;
	[tilespmem:v5+s31+$0x0] =	vst.idx.msk $0xffff, v42  }
0x326: {  	_ =	swait.ge [sflag:s14], $0x1000  }
0x327: {  	[sflag:s14] =	ssyncset.done $0x0  }
0x328: {  	s17 =	simm.s32 $0x1200;
	[sflag:s14] =	ssyncadd.s32 $0xFFFFF000  }
0x329: {  	v36 =	vld.idx.msk [tilespmem:v43+s17+$0x0], $0xffff  }
0x32a: {  	s19 =	sld [smem:$0x7E4];
	v45 =	vld.idx.msk [tilespmem:v44+s17+$0x0], $0xffff;
	_ =	sdelay $0x2  }
0x32b: {  	s1 =	sand.u32 $0x7F, s19  }
0x32c: {  	v46 =	vor.u32 s1, v0;
	[tilespmem:v6+s31+$0x0] =	vst.idx.msk $0xffff, v36  }
0x32d: {  	s14 =	simm.s32 $0x4;
	v47 =	vor.u32 s1, v1;
	[tilespmem:v7+s31+$0x0] =	vst.idx.msk $0xffff, v45  }
0x32e: {  	_ =	swait.ge [sflag:s14], $0x1000  }
0x32f: {  	[sflag:s14] =	ssyncset.done $0x0  }
0x330: {  	s17 =	simm.s32 $0x2200;
	[sflag:s14] =	ssyncadd.s32 $0xFFFFF000  }
0x331: {  	v36 =	vld.idx.msk [tilespmem:v46+s17+$0x0], $0xffff  }
0x332: {  	s19 =	sld [smem:$0x7E5];
	v48 =	vld.idx.msk [tilespmem:v47+s17+$0x0], $0xffff;
	_ =	sdelay $0x2  }
0x333: {  	s1 =	sand.u32 $0x7F, s19  }
0x334: {  	v49 =	vor.u32 s1, v0;
	[tilespmem:v8+s31+$0x0] =	vst.idx.msk $0xffff, v36  }
0x335: {  	v50 =	vor.u32 s1, v1;
	[tilespmem:v9+s31+$0x0] =	vst.idx.msk $0xffff, v48  }
0x336: {  	_ =	swait.ge [sflag:s23], $0x1000  }
0x337: {  	[sflag:s23] =	ssyncset.done $0x0  }
0x338: {  	[sflag:s23] =	ssyncadd.s32 $0xFFFFF000;
	s23 =	simm.s32 $0x3200  }
0x339: {  	v36 =	vld.idx.msk [tilespmem:v49+s23+$0x0], $0xffff  }
0x33a: {  	s14 =	sld [smem:$0x7E6];
	v51 =	vld.idx.msk [tilespmem:v50+s23+$0x0], $0xffff;
	_ =	sdelay $0x2  }
0x33b: {  	s1 =	sand.u32 $0x7F, s14  }
0x33c: {  	v52 =	vor.u32 s1, v0;
	[tilespmem:v10+s31+$0x0] =	vst.idx.msk $0xffff, v36  }
0x33d: {  	v53 =	vor.u32 s1, v1;
	[tilespmem:v11+s31+$0x0] =	vst.idx.msk $0xffff, v51  }
0x33e: {  	_ =	swait.ge [sflag:s21], $0x1000  }
0x33f: {  	[sflag:s21] =	ssyncset.done $0x0  }
0x340: {  	s17 =	simm.s32 $0x4200;
	[sflag:s21] =	ssyncadd.s32 $0xFFFFF000  }
0x341: {  	v36 =	vld.idx.msk [tilespmem:v52+s17+$0x0], $0xffff  }
0x342: {  	s19 =	sld [smem:$0x7E7];
	v54 =	vld.idx.msk [tilespmem:v53+s17+$0x0], $0xffff;
	_ =	sdelay $0x2  }
0x343: {  	s1 =	sand.u32 $0x7F, s19  }
0x344: {  	v55 =	vor.u32 s1, v0;
	[tilespmem:v12+s31+$0x0] =	vst.idx.msk $0xffff, v36  }
0x345: {  	v56 =	vor.u32 s1, v1;
	[tilespmem:v13+s31+$0x0] =	vst.idx.msk $0xffff, v54  }
0x346: {  	_ =	swait.ge [sflag:s20], $0x1000  }
0x347: {  	[sflag:s20] =	ssyncset.done $0x0  }
0x348: {  	s21 =	simm.s32 $0x5200;
	[sflag:s20] =	ssyncadd.s32 $0xFFFFF000  }
0x349: {  	v36 =	vld.idx.msk [tilespmem:v55+s21+$0x0], $0xffff  }
0x34a: {  	s23 =	sld [smem:$0x7E8];
	v57 =	vld.idx.msk [tilespmem:v56+s21+$0x0], $0xffff;
	_ =	sdelay $0x2  }
0x34b: {  	s1 =	sand.u32 $0x7F, s23  }
0x34c: {  	v58 =	vor.u32 s1, v0;
	[tilespmem:v14+s31+$0x0] =	vst.idx.msk $0xffff, v36  }
0x34d: {  	v59 =	vor.u32 s1, v1;
	[tilespmem:v15+s31+$0x0] =	vst.idx.msk $0xffff, v57  }
0x34e: {  	_ =	swait.ge [sflag:s16], $0x1000  }
0x34f: {  	[sflag:s16] =	ssyncset.done $0x0  }
0x350: {  	[sflag:s16] =	ssyncadd.s32 $0xFFFFF000  }
0x351: {  	v36 =	vld.idx.msk [tilespmem:v58+s24+$0x0], $0xffff  }
0x352: {  	v60 =	vld.idx.msk [tilespmem:v59+s24+$0x0], $0xffff;
	s24 =	sld [smem:$0x7E9];
	_ =	sdelay $0x2  }
0x353: {  	s1 =	sand.u32 $0x7F, s24  }
0x354: {  	v61 =	vor.u32 s1, v0;
	[tilespmem:v16+s31+$0x0] =	vst.idx.msk $0xffff, v36  }
0x355: {  	v62 =	vor.u32 s1, v1;
	[tilespmem:v17+s31+$0x0] =	vst.idx.msk $0xffff, v60  }
0x356: {  	_ =	swait.ge [sflag:s15], $0x1000  }
0x357: {  	[sflag:s15] =	ssyncset.done $0x0  }
0x358: {  	[sflag:s15] =	ssyncadd.s32 $0xFFFFF000  }
0x359: {  	v36 =	vld.idx.msk [tilespmem:v61+s25+$0x0], $0xffff  }
0x35a: {  	s14 =	sld [smem:$0x7EA];
	v63 =	vld.idx.msk [tilespmem:v62+s25+$0x0], $0xffff;
	_ =	sdelay $0x2  }
0x35b: {  	s1 =	sand.u32 $0x7F, s14  }
0x35c: {  	v40 =	vor.u32 s1, v0;
	[tilespmem:v18+s31+$0x0] =	vst.idx.msk $0xffff, v36  }
0x35d: {  	v41 =	vor.u32 s1, v1;
	[tilespmem:v19+s31+$0x0] =	vst.idx.msk $0xffff, v63  }
0x35e: {  	_ =	swait.ge [sflag:s13], $0x1000  }
0x35f: {  	[sflag:s13] =	ssyncset.done $0x0  }
0x360: {  	[sflag:s13] =	ssyncadd.s32 $0xFFFFF000  }
0x361: {  	v36 =	vld.idx.msk [tilespmem:v40+s26+$0x0], $0xffff  }
0x362: {  	s15 =	sld [smem:$0x7EB];
	v42 =	vld.idx.msk [tilespmem:v41+s26+$0x0], $0xffff;
	_ =	sdelay $0x2  }
0x363: {  	s1 =	sand.u32 $0x7F, s15  }
0x364: {  	v43 =	vor.u32 s1, v0;
	[tilespmem:v20+s31+$0x0] =	vst.idx.msk $0xffff, v36  }
0x365: {  	v44 =	vor.u32 s1, v1;
	[tilespmem:v21+s31+$0x0] =	vst.idx.msk $0xffff, v42  }
0x366: {  	_ =	swait.ge [sflag:s0], $0x1000  }
0x367: {  	[sflag:s0] =	ssyncset.done $0x0  }
0x368: {  	[sflag:s0] =	ssyncadd.s32 $0xFFFFF000  }
0x369: {  	v36 =	vld.idx.msk [tilespmem:v43+s28+$0x0], $0xffff  }
0x36a: {  	s16 =	sld [smem:$0x7EC];
	v45 =	vld.idx.msk [tilespmem:v44+s28+$0x0], $0xffff;
	_ =	sdelay $0x2  }
0x36b: {  	s0 =	sand.u32 $0x7F, s16  }
0x36c: {  	v46 =	vor.u32 s0, v0;
	[tilespmem:v22+s31+$0x0] =	vst.idx.msk $0xffff, v36  }
0x36d: {  	v47 =	vor.u32 s0, v1;
	[tilespmem:v23+s31+$0x0] =	vst.idx.msk $0xffff, v45  }
0x36e: {  	_ =	swait.ge [sflag:s11], $0x1000  }
0x36f: {  	[sflag:s11] =	ssyncset.done $0x0  }
0x370: {  	[sflag:s11] =	ssyncadd.s32 $0xFFFFF000  }
0x371: {  	v36 =	vld.idx.msk [tilespmem:v46+s29+$0x0], $0xffff  }
0x372: {  	s17 =	sld [smem:$0x7ED];
	v48 =	vld.idx.msk [tilespmem:v47+s29+$0x0], $0xffff;
	_ =	sdelay $0x2  }
0x373: {  	s0 =	sand.u32 $0x7F, s17  }
0x374: {  	v49 =	vor.u32 s0, v0;
	[tilespmem:v24+s31+$0x0] =	vst.idx.msk $0xffff, v36  }
0x375: {  	v50 =	vor.u32 s0, v1;
	[tilespmem:v25+s31+$0x0] =	vst.idx.msk $0xffff, v48  }
0x376: {  	_ =	swait.ge [sflag:s10], $0x1000  }
0x377: {  	[sflag:s10] =	ssyncset.done $0x0  }
0x378: {  	[sflag:s10] =	ssyncadd.s32 $0xFFFFF000  }
0x379: {  	v36 =	vld.idx.msk [tilespmem:v49+s30+$0x0], $0xffff  }
0x37a: {  	s19 =	sld [smem:$0x7EE];
	v51 =	vld.idx.msk [tilespmem:v50+s30+$0x0], $0xffff;
	_ =	sdelay $0x2  }
0x37b: {  	s0 =	sand.u32 $0x7F, s19  }
0x37c: {  	v52 =	vor.u32 s0, v0;
	[tilespmem:v26+s31+$0x0] =	vst.idx.msk $0xffff, v36  }
0x37d: {  	v53 =	vor.u32 s0, v1;
	[tilespmem:v27+s31+$0x0] =	vst.idx.msk $0xffff, v51  }
0x37e: {  	_ =	swait.ge [sflag:s7], $0x1000  }
0x37f: {  	[sflag:s7] =	ssyncset.done $0x0  }
0x380: {  	[sflag:s7] =	ssyncadd.s32 $0xFFFFF000  }
0x381: {  	v36 =	vld.idx.msk [tilespmem:v52+s12+$0x0], $0xffff  }
0x382: {  	v54 =	vld.idx.msk [tilespmem:v53+s12+$0x0], $0xffff;
	_ =	sdelay $0x2  }
0x383: {  	s20 =	sand.u32 $0x7F, s22  }
0x384: {  	v55 =	vor.u32 s20, v0;
	[tilespmem:v28+s31+$0x0] =	vst.idx.msk $0xffff, v36  }
0x385: {  	v56 =	vor.u32 s20, v1;
	[tilespmem:v29+s31+$0x0] =	vst.idx.msk $0xffff, v54  }
0x386: {  	_ =	swait.ge [sflag:s5], $0x1000  }
0x387: {  	[sflag:s5] =	ssyncset.done $0x0  }
0x388: {  	[sflag:s5] =	ssyncadd.s32 $0xFFFFF000  }
0x389: {  	v36 =	vld.idx.msk [tilespmem:v55+s9+$0x0], $0xffff  }
0x38a: {  	v57 =	vld.idx.msk [tilespmem:v56+s9+$0x0], $0xffff;
	_ =	sdelay $0x2  }
0x38b: {  	s21 =	sand.u32 $0x7F, s6  }
0x38c: {  	v58 =	vor.u32 s21, v0;
	[tilespmem:v30+s31+$0x0] =	vst.idx.msk $0xffff, v36  }
0x38d: {  	v59 =	vor.u32 s21, v1;
	[tilespmem:v31+s31+$0x0] =	vst.idx.msk $0xffff, v57  }
0x38e: {  	_ =	swait.ge [sflag:s3], $0x1000  }
0x38f: {  	[sflag:s3] =	ssyncset.done $0x0  }
0x390: {  	[sflag:s3] =	ssyncadd.s32 $0xFFFFF000  }
0x391: {  	v36 =	vld.idx.msk [tilespmem:v58+s8+$0x0], $0xffff  }
0x392: {  	v60 =	vld.idx.msk [tilespmem:v59+s8+$0x0], $0xffff;
	_ =	sdelay $0x2  }
0x393: {  	s22 =	sand.u32 $0x7F, s4  }
0x394: {  	v61 =	vor.u32 s22, v0;
	[tilespmem:v32+s31+$0x0] =	vst.idx.msk $0xffff, v36  }
0x395: {  	v62 =	vor.u32 s22, v1;
	[tilespmem:v33+s31+$0x0] =	vst.idx.msk $0xffff, v60  }
0x396: {  	_ =	swait.ge [sflag:s2], $0x1000  }
0x397: {  	[sflag:s2] =	ssyncset.done $0x0  }
0x398: {  	[sflag:s2] =	ssyncadd.s32 $0xFFFFF000  }
0x399: {  	v36 =	vld.idx.msk [tilespmem:v61+s18+$0x0], $0xffff  }
0x39a: {  	v63 =	vld.idx.msk [tilespmem:v62+s18+$0x0], $0xffff;
	_ =	sdelay $0x3  }
0x39b: {  	s24 =	simm.s32 $0x1000;
	[tilespmem:v34+s31+$0x0] =	vst.idx.msk $0xffff, v36  }
0x39c: {  	s25 =	simm.s32 $0x20000;
	s23 =	rddreg [dreg:$0x1a];
	s2 =	simm.s32 $0x12;
	[tilespmem:v35+s31+$0x0] =	vst.idx.msk $0xffff, v63  }
0x39d: {  	[hbm4b:s23+s24] =	stream.strided.scatter [tilespmem:s31], [sflag:$0x12], $0x4000, s25, s24, $0x38;
	[tilespmem:$0x14400] =	vst v63  }
0x39e: {  	_ =	swait.ge [sflag:s2], $0x4000  }
0x39f: {  	[sflag:s2] =	ssyncset.done $0x0  }
0x3a0: {  	s26 =	simm.s32 $0x1;
	[sflag:s2] =	ssyncadd.s32 $0xFFFFC000  }
0x3a1: {  	_ =	swait.ge [sflag:s26], $0x200  }
0x3a2: {  	s4 =	simm.s32 $0x14200;
	[sflag:s26] =	ssyncset.done $0x0  }
0x3a3: {  	s8 =	simm.s32 $0x0;
	s28 =	rddreg [dreg:$0x1b];
	[sflag:s26] =	ssyncadd.s32 $0xFFFFFE00  }
0x3a4: {  	[hbm4b:s28+s8] =	stream.linear.scatter [tilespmem:s4], [sflag:$0x12], $0x200, $0x38;
	[tilespmem:$0x14400] =	vst v63  }
0x3a5: {  	_ =	swait.ge [sflag:s2], $0x200  }
0x3a6: {  	s29 =	rddreg [dreg:$0x1d]  }
0x3a7: {  	s30 =	rddreg [dreg:$0x1c];
	s1 =	sadd.s32 $0x1, s29  }
0x3a8: {  	p0 =	sne.s32 s1, s30  }
.Ltmp1:
0x3a9: {  	_ = 	snop;
	(pc) =	sbr.rel @p0 .LBB2_1-.Ltmp1, $3  }
0x3aa: {  	_ =	sdelay $0x1  }
0x3ab: {  	[sflag:s2] =	ssyncset.done $0x0  }
0x3ac: {  	[sflag:s2] =	ssyncadd.s32 $0xFFFFFE00  }
0x3ad: {  	_ =	sfence.sel $0x180000  }
0x3ae: {  	[bflag:$0x0] =	sbarrier.arrive $0xFFFF  }
0x3af: {  	_ =	strace $0x90000047  }
0x3b0: {  	s0 =	stileid.u32;
	[bflag:$0x2] =	sbarrier.arrive $0xFFFF  }
0x3b1: {  	p0 =	sne.s32 s0, $0x0;
	s0 =	rddreg [dreg:$0x5]  }
0x3b2: {  	s0 =	sadd.s32 @!p0 $0x100000, s0  }
0x3b3: {  	[sflag:s0] =	ssyncadd.tile.s32 @!p0 $0x1;
	_ =	shalt  }
.Lfunc_end2:
_tile_overlayer_lowered:
.L_overlay_start_2:
0x3b4: {  	(tag) =	ssettag $0x2  }
0x3b5: {  	s0 =	rddreg [dreg:$0x0];
	s2 =	stileid.u32  }
0x3b6: {  	s1 =	rddreg [dreg:$0x1];
	p0 =	sne.s32 s2, $0x0  }
0x3b7: {  	s3 =	rddreg [dreg:$0x2];
	[bflag:$0x3] =	sbarrier.arrive $0xFFFF;
	s2 =	simm.s32 @!p0 $0x1C12  }
0x3b8: {  	[timem:s3], [sflag:s2] =	dma.local @!p0 [hbm:s0], s1  }
0x3b9: {  	s0 =	simm.s32 @!p0 $0x12  }
0x3ba: {  	_ =	swait.ge @!p0 [sflag:s0], s1  }
0x3bb: {  	s1 =	ssub.s32 @!p0 $0x0, s1;
	[sflag:s0] =	ssyncset.done @!p0 $0x0  }
0x3bc: {  	[sflag:s0] =	ssyncadd.s32 @!p0 s1  }
0x3bd: {  	[bflag:$0x3] =	sbarrier.arrive $0xFFFF  }
0x3be: {  	_ =	shalt  }

</sc_bundles>
